<compile_context>
chip_gen: v7x
topology: tpu7x:2x2x1
jax: 0.10.2.dev20260603
libtpu: 0.0.44.dev20260713+nightly
codegen_flags: <defaults>
</compile_context>

<pallas_src>
import functools

import numpy as np
import jax
import jax.numpy as jnp
from jax import lax
from jax.experimental import pallas as pl
from jax.experimental.pallas import tpu as pltpu
from jax.experimental.pallas import tpu_sc as plsc

NROW, NCOL = 128, 32768
NTOT = NROW * NCOL
_POS = np.float32(0.96) * np.float32(NTOT - 1)
K_RANK = int(np.floor(_POS))
FRAC = np.float32(_POS - np.floor(_POS))

NC, NS = 2, 16
NW = NC * NS
ROWS_PER_W = NROW // NW
CH = 16384
CVECS = CH // 16
NB12 = 4096
NB3 = 256
HR12 = NB12 // 128
HR3 = NB3 // 128
INTMAX = np.int32(2**31 - 1)
SIGNBIT = np.int32(-2**31)

_SC_PARAMS = pltpu.CompilerParams(needs_layout_passes=False)


def _mesh():
    return plsc.VectorSubcoreMesh(core_axis_name="c", subcore_axis_name="s")


def _keyu16(x):
    u = lax.bitcast_convert_type(x, jnp.int32)
    m = lax.shift_right_arithmetic(u, 31) | SIGNBIT
    return u ^ m


def _chunk_plan(wid):
    return [(wid * ROWS_PER_W + rr, off)
            for rr in range(ROWS_PER_W)
            for off in range(0, NCOL, CH)]


def _pipelined_rows(x_hbm, wid, bufs, sems, process):
    plan = _chunk_plan(wid)
    desc = [None, None]
    desc[0] = pltpu.async_copy(
        x_hbm.at[plan[0][0], pl.ds(plan[0][1], CH)], bufs[0], sems[0])
    for ci in range(len(plan)):
        nxt = ci + 1
        if nxt < len(plan):
            desc[nxt % 2] = pltpu.async_copy(
                x_hbm.at[plan[nxt][0], pl.ds(plan[nxt][1], CH)],
                bufs[nxt % 2], sems[nxt % 2])
        desc[ci % 2].wait()
        process(bufs[ci % 2])



def _sc_pass1(tensor, zeros12):
    @functools.partial(
        pl.kernel, mesh=_mesh(), compiler_params=_SC_PARAMS,
        out_type=jax.ShapeDtypeStruct((NW * 16, HR12, 128), jnp.int32),
        scratch_types=[pltpu.VMEM((CH,), jnp.float32),
                       pltpu.VMEM((CH,), jnp.float32),
                       pltpu.VMEM((16, HR12, 128), jnp.int32),
                       pltpu.SemaphoreType.DMA,
                       pltpu.SemaphoreType.DMA])
    def k(x_hbm, z_hbm, h_hbm, buf0, buf1, hist, sem0, sem1):
        wid = lax.axis_index("s") * NC + lax.axis_index("c")
        lane = lax.iota(jnp.int32, 16)
        ones = jnp.ones((16,), jnp.int32)
        pltpu.sync_copy(z_hbm, hist)

        def process(buf):
            def body(i):
                keyu = _keyu16(buf[pl.ds(i * 16, 16)])
                b = lax.shift_right_logical(keyu, 20)
                row = lax.shift_right_logical(b, 7)
                col = b & 127
                plsc.addupdate_scatter(hist, [lane, row, col], ones)
            plsc.parallel_loop(0, CVECS, unroll=8)(body)

        _pipelined_rows(x_hbm, wid, (buf0, buf1), (sem0, sem1), process)
        pltpu.sync_copy(hist, h_hbm.at[pl.ds(wid * 16, 16)])

    return k(tensor, zeros12)



def _sc_pass2(tensor, zeros12, sel1):
    @functools.partial(
        pl.kernel, mesh=_mesh(), compiler_params=_SC_PARAMS,
        out_type=jax.ShapeDtypeStruct((NW * 16, HR12, 128), jnp.int32),
        scratch_types=[pltpu.VMEM((CH,), jnp.float32),
                       pltpu.VMEM((CH,), jnp.float32),
                       pltpu.VMEM((16, HR12, 128), jnp.int32),
                       pltpu.VMEM((128,), jnp.int32),
                       pltpu.SemaphoreType.DMA,
                       pltpu.SemaphoreType.DMA])
    def k(x_hbm, z_hbm, sel_hbm, h_hbm, buf0, buf1, hist, selbuf,
          sem0, sem1):
        wid = lax.axis_index("s") * NC + lax.axis_index("c")
        lane = lax.iota(jnp.int32, 16)
        ones = jnp.ones((16,), jnp.int32)
        pltpu.sync_copy(sel_hbm.at[0], selbuf)
        b1t = selbuf[pl.ds(0, 16)]
        pltpu.sync_copy(z_hbm, hist)

        def process(buf):
            def body(i):
                keyu = _keyu16(buf[pl.ds(i * 16, 16)])
                b1 = lax.shift_right_logical(keyu, 20)
                row = lax.shift_right_logical(keyu, 15) & 31
                col = lax.shift_right_logical(keyu, 8) & 127
                plsc.addupdate_scatter(hist, [lane, row, col], ones,
                                       mask=b1 == b1t)
            plsc.parallel_loop(0, CVECS, unroll=8)(body)

        _pipelined_rows(x_hbm, wid, (buf0, buf1), (sem0, sem1), process)
        pltpu.sync_copy(hist, h_hbm.at[pl.ds(wid * 16, 16)])

    return k(tensor, zeros12, sel1)



def _sc_pass3(tensor, zeros3, sel2):
    @functools.partial(
        pl.kernel, mesh=_mesh(), compiler_params=_SC_PARAMS,
        out_type=(jax.ShapeDtypeStruct((NW * 16, HR3, 128), jnp.int32),
                  jax.ShapeDtypeStruct((NW, 16), jnp.int32)),
        scratch_types=[pltpu.VMEM((CH,), jnp.float32),
                       pltpu.VMEM((CH,), jnp.float32),
                       pltpu.VMEM((16, HR3, 128), jnp.int32),
                       pltpu.VMEM((128,), jnp.int32),
                       pltpu.VMEM((128,), jnp.int32),
                       pltpu.VMEM((16,), jnp.int32),
                       pltpu.SemaphoreType.DMA,
                       pltpu.SemaphoreType.DMA])
    def k(x_hbm, z_hbm, sel_hbm, h_hbm, mn_hbm, buf0, buf1, hist, selb1,
          selb2, mnbuf, sem0, sem1):
        wid = lax.axis_index("s") * NC + lax.axis_index("c")
        lane = lax.iota(jnp.int32, 16)
        ones = jnp.ones((16,), jnp.int32)
        pltpu.sync_copy(sel_hbm.at[0], selb1)
        pltpu.sync_copy(sel_hbm.at[1], selb2)
        b1t = selb1[pl.ds(0, 16)]
        b2t = selb2[pl.ds(0, 16)]
        hi24t = lax.shift_left(b1t, 12) | b2t
        t1s = (lax.shift_left(hi24t, 8) | 255) ^ SIGNBIT
        pltpu.sync_copy(z_hbm, hist)

        minv_box = [jnp.full((16,), INTMAX, jnp.int32)]

        def process(buf):
            def body(i, minv):
                keyu = _keyu16(buf[pl.ds(i * 16, 16)])
                hi24 = lax.shift_right_logical(keyu, 8)
                row = lax.shift_right_logical(keyu, 7) & 1
                col = keyu & 127
                plsc.addupdate_scatter(hist, [lane, row, col], ones,
                                       mask=hi24 == hi24t)
                ikey = keyu ^ SIGNBIT
                return jnp.minimum(
                    minv, jnp.where(ikey > t1s, ikey, INTMAX))
            minv_box[0] = plsc.parallel_loop(
                0, CVECS, unroll=8, carry=minv_box[0])(body)

        _pipelined_rows(x_hbm, wid, (buf0, buf1), (sem0, sem1), process)
        mnbuf[...] = minv_box[0]
        pltpu.sync_copy(hist, h_hbm.at[pl.ds(wid * 16, 16)])
        pltpu.sync_copy(mnbuf, mn_hbm.at[wid])

    return k(tensor, zeros3, sel2)



def _select_math(h, R, kt):
    f32 = jnp.float32
    hp = lax.Precision.HIGHEST
    rows = lax.broadcasted_iota(jnp.int32, (R, 128), 0)
    cols = lax.broadcasted_iota(jnp.int32, (R, 128), 1)
    bucket = (rows * 128 + cols).astype(f32)
    ci = lax.broadcasted_iota(jnp.int32, (128, 128), 0)
    cj = lax.broadcasted_iota(jnp.int32, (128, 128), 1)
    before = (ci < cj).astype(f32)
    win = jnp.dot(h, before, preferred_element_type=f32, precision=hp)
    ri = lax.broadcasted_iota(jnp.int32, (R, R), 0)
    rj = lax.broadcasted_iota(jnp.int32, (R, R), 1)
    lower = (ri > rj).astype(f32)
    rs = jnp.broadcast_to(jnp.sum(h, axis=1, keepdims=True), (R, 128))
    rex = jnp.dot(lower, rs, preferred_element_type=f32, precision=hp)
    cb = rex + win
    cond = (cb <= kt) & (kt < cb + h)
    neg = jnp.float32(-1.0)
    return (jnp.max(jnp.where(cond, bucket, neg)),
            jnp.max(jnp.where(cond, cb, neg)),
            jnp.max(jnp.where(cond, h, neg)))


def _rows_to_out(vals):
    r = lax.broadcasted_iota(jnp.int32, (8, 128), 0)
    out = jnp.zeros((8, 128), jnp.float32)
    for i, v in enumerate(vals):
        out = out + jnp.where(r == i, v, 0.0)
    return out.astype(jnp.int32)


def _tc_select1(h1v):
    def body(h_ref, o_ref):
        h = jnp.sum(h_ref[...].astype(jnp.float32), axis=0)
        b, rex, cnt = _select_math(h, HR12, jnp.float32(K_RANK))
        o_ref[...] = _rows_to_out([b, rex, cnt])

    return pl.pallas_call(
        body, out_shape=jax.ShapeDtypeStruct((8, 128), jnp.int32))(h1v)


def _tc_select2(h2v, sel1):
    def body(h_ref, s_ref, o_ref):
        h = jnp.sum(h_ref[...].astype(jnp.float32), axis=0)
        b1 = s_ref[0, 0]
        r0 = s_ref[1, 0]
        kt = (K_RANK - r0).astype(jnp.float32)
        b2, rex, cnt = _select_math(h, HR12, kt)
        r01 = r0.astype(jnp.float32) + rex
        o_ref[...] = _rows_to_out([b1.astype(jnp.float32), b2, r01, cnt])

    return pl.pallas_call(
        body, out_shape=jax.ShapeDtypeStruct((8, 128), jnp.int32))(h2v, sel1)



def _tofloat(ik):
    bits = jnp.where(ik >= 0, ik, (~ik) | SIGNBIT)
    return lax.bitcast_convert_type(bits, jnp.float32)


def _tc_finalize(tensor, h3v, sel2, mina):
    grid = 16
    rows_blk = NROW // grid

    def body(x_ref, h_ref, s_ref, m_ref, o_ref):
        h = jnp.sum(h_ref[...].astype(jnp.float32), axis=0)
        b1 = s_ref[0, 0]
        b2 = s_ref[1, 0]
        r01 = s_ref[2, 0]
        cnt12 = s_ref[3, 0]
        jt = (K_RANK - r01).astype(jnp.float32)
        b3a, _, _ = _select_math(h, HR3, jt)
        b3b, _, _ = _select_math(h, HR3, jt + 1.0)
        prefix = (b1 - 2048) * 1048576 + b2 * 256
        ikey_k = prefix + b3a.astype(jnp.int32)
        ikey_k1_in = prefix + b3b.astype(jnp.int32)
        mmin = jnp.min(m_ref[...])
        have_b = (jt + 1.0) < cnt12.astype(jnp.float32)
        ikey_k1 = jnp.where(have_b, ikey_k1_in, mmin)
        vk = _tofloat(ikey_k)
        vk1 = _tofloat(ikey_k1)
        t = vk * (np.float32(1.0) - FRAC) + vk1 * FRAC
        clip = jnp.where(vk1 <= t, vk1, vk)
        o_ref[...] = jnp.minimum(x_ref[...], clip)

    return pl.pallas_call(
        body,
        grid=(grid,),
        in_specs=[
            pl.BlockSpec((rows_blk, NCOL), lambda i: (i, 0)),
            pl.BlockSpec((NW * 16, HR3, 128), lambda i: (0, 0, 0)),
            pl.BlockSpec((8, 128), lambda i: (0, 0)),
            pl.BlockSpec((4, 128), lambda i: (0, 0)),
        ],
        out_specs=pl.BlockSpec((rows_blk, NCOL), lambda i: (i, 0)),
        out_shape=jax.ShapeDtypeStruct((NROW, NCOL), jnp.float32),
    )(tensor, h3v, sel2, mina)



def kernel(tensor):
    zeros12 = jnp.zeros((16, HR12, 128), jnp.int32)
    zeros3 = jnp.zeros((16, HR3, 128), jnp.int32)
    h1 = _sc_pass1(tensor, zeros12)
    sel1 = _tc_select1(h1)
    h2 = _sc_pass2(tensor, zeros12, sel1)
    sel2 = _tc_select2(h2, sel1)
    h3, mina3 = _sc_pass3(tensor, zeros3, sel2)
    mina = mina3.reshape(4, 128)
    return _tc_finalize(tensor, h3, sel2, mina)

# --- scband reference (transcript-rebuilt; emitter-appended) ---
"""Pipeline reference for scband-pre-quantile-percent-8796093022308 (READ-ONLY COPY).

The authoritative reference and input builder live on the scoring server;
editing this copy changes nothing except your own understanding.
"""

import jax, jax.numpy as jnp
import numpy as np

PERCENT = 0.96


def setup_inputs(seed: int = 0) -> dict:
    key = jax.random.key(seed)
    tensor = jax.random.normal(key, (128, 32768), dtype=jnp.float32)
    return {"tensor": tensor}


def reference(tensor):
    # tresh computed on the original tensor (global quantile, linear interpolation,
    # matching torch.quantile default)
    tresh = jnp.quantile(tensor, PERCENT)
    idx = tensor > tresh
    # torch code: tensor[idx] = tensor.min()  (min of ORIGINAL tensor, RHS evaluated first)
    t1 = jnp.where(idx, jnp.min(tensor), tensor)
    # torch code: tensor[idx] = tensor.max()  (max of the MODIFIED tensor, i.e. max of
    # non-outlier values, since outliers were just overwritten with the min)
    out = jnp.where(idx, jnp.max(t1), t1)
    return out

if __name__ == "__main__":
    import jax
    _d = setup_inputs()
    print(jax.jit(kernel)(*tuple(_d.values())))

</pallas_src>

<mosaic_0001>
#map = affine_map<(d0, d1) -> (0, 0)>
#map1 = affine_map<(d0, d1) -> (0, 0, 0)>
module attributes {stable_mosaic.version = 14 : i64} {
  func.func @k(%arg0: i32, %arg1: i32, %arg2: memref<128x32768xf32, #tpu.memory_space<hbm>>, %arg3: memref<16x32x128xi32, #tpu.memory_space<hbm>>, %arg4: memref<512x32x128xi32, #tpu.memory_space<hbm>>, %arg5: memref<16384xf32, #tpu.memory_space<vmem>>, %arg6: memref<16384xf32, #tpu.memory_space<vmem>>, %arg7: memref<16x32x128xi32, #tpu.memory_space<vmem>>, %arg8: memref<!tpu.dma_semaphore, #tpu.memory_space<semaphore_mem>>, %arg9: memref<!tpu.dma_semaphore, #tpu.memory_space<semaphore_mem>>) attributes {dimension_semantics = [#tpu.dimension_semantics<core_parallel>, #tpu.dimension_semantics<subcore_parallel>], iteration_bounds = array<i64: 2, 16>, scalar_prefetch = 0 : i64, scratch_operands = 5 : i64, tpu.core_type = #tpu.core_type<sc_vector_subcore>, window_params = [{transform_indices = #map}, {transform_indices = #map1}, {transform_indices = #map1}]} {
    %mul3A = arith.constant 2 : i32
    %mul3A_0 = arith.muli %arg1, %mul3A : i32
    %add3A = arith.addi %mul3A_0, %arg0 : i32
    %iota3A = tpu.iota {dimensions = array<i32: 0>} : vector<16xi32>
    %broadcast_in_dim3A = arith.constant 1 : i32
    %broadcast_in_dim3A_1 = vector.broadcast %broadcast_in_dim3A : i32 to vector<16xi32>
    "tpu.region"() ({
      %run_scoped3A = tpu.sem_alloc : memref<!tpu.dma_semaphore, #tpu.memory_space<semaphore_mem>>
      tpu.enqueue_dma source(%arg3 : memref<16x32x128xi32, #tpu.memory_space<hbm>>) target(%arg7 : memref<16x32x128xi32, #tpu.memory_space<vmem>>) target_semaphore(%run_scoped3A : memref<!tpu.dma_semaphore, #tpu.memory_space<semaphore_mem>>)
      tpu.wait_dma2 semaphore(%run_scoped3A : memref<!tpu.dma_semaphore, #tpu.memory_space<semaphore_mem>>) src(%arg3 : memref<16x32x128xi32, #tpu.memory_space<hbm>>) dst(%arg7 : memref<16x32x128xi32, #tpu.memory_space<vmem>>)
      tpu.yield
    }) : () -> ()
    %mul3A_2 = arith.constant 4 : i32
    %mul3A_3 = arith.muli %add3A, %mul3A_2 : i32
    %add3A_4 = arith.constant 0 : i32
    %add3A_5 = arith.addi %mul3A_3, %add3A_4 : i32
    %mul3A_6 = arith.constant 4 : i32
    %mul3A_7 = arith.muli %add3A, %mul3A_6 : i32
    %add3A_8 = arith.constant 0 : i32
    %add3A_9 = arith.addi %mul3A_7, %add3A_8 : i32
    %mul3A_10 = arith.constant 4 : i32
    %mul3A_11 = arith.muli %add3A, %mul3A_10 : i32
    %add3A_12 = arith.constant 1 : i32
    %add3A_13 = arith.addi %mul3A_11, %add3A_12 : i32
    %mul3A_14 = arith.constant 4 : i32
    %mul3A_15 = arith.muli %add3A, %mul3A_14 : i32
    %add3A_16 = arith.constant 1 : i32
    %add3A_17 = arith.addi %mul3A_15, %add3A_16 : i32
    %mul3A_18 = arith.constant 4 : i32
    %mul3A_19 = arith.muli %add3A, %mul3A_18 : i32
    %add3A_20 = arith.constant 2 : i32
    %add3A_21 = arith.addi %mul3A_19, %add3A_20 : i32
    %mul3A_22 = arith.constant 4 : i32
    %mul3A_23 = arith.muli %add3A, %mul3A_22 : i32
    %add3A_24 = arith.constant 2 : i32
    %add3A_25 = arith.addi %mul3A_23, %add3A_24 : i32
    %mul3A_26 = arith.constant 4 : i32
    %mul3A_27 = arith.muli %add3A, %mul3A_26 : i32
    %add3A_28 = arith.constant 3 : i32
    %add3A_29 = arith.addi %mul3A_27, %add3A_28 : i32
    %mul3A_30 = arith.constant 4 : i32
    %mul3A_31 = arith.muli %add3A, %mul3A_30 : i32
    %add3A_32 = arith.constant 3 : i32
    %add3A_33 = arith.addi %mul3A_31, %add3A_32 : i32
    %dma_start3A = arith.constant 0 : i32
    %dma_start3A_34 = tpu.memref_slice %arg2[%add3A_5, %dma_start3A] : memref<128x32768xf32, #tpu.memory_space<hbm>> -> memref<1x16384xf32, #tpu.memory_space<hbm>>
    %dma_start3A_35 = tpu.memref_squeeze %dma_start3A_34 : memref<1x16384xf32, #tpu.memory_space<hbm>> -> memref<16384xf32, #tpu.memory_space<hbm>>
    %dma_start3A_36 = arith.constant 0 : i32
    %dma_start3A_37 = tpu.memref_slice %arg2[%add3A_5, %dma_start3A_36] : memref<128x32768xf32, #tpu.memory_space<hbm>> -> memref<1x16384xf32, #tpu.memory_space<hbm>>
    %dma_start3A_38 = tpu.memref_squeeze %dma_start3A_37 : memref<1x16384xf32, #tpu.memory_space<hbm>> -> memref<16384xf32, #tpu.memory_space<hbm>>
    tpu.enqueue_dma source(%dma_start3A_38 : memref<16384xf32, #tpu.memory_space<hbm>>) target(%arg5 : memref<16384xf32, #tpu.memory_space<vmem>>) target_semaphore(%arg8 : memref<!tpu.dma_semaphore, #tpu.memory_space<semaphore_mem>>)
    %dma_start3A_39 = arith.constant 16384 : i32
    %dma_start3A_40 = tpu.memref_slice %arg2[%add3A_9, %dma_start3A_39] : memref<128x32768xf32, #tpu.memory_space<hbm>> -> memref<1x16384xf32, #tpu.memory_space<hbm>>
    %dma_start3A_41 = tpu.memref_squeeze %dma_start3A_40 : memref<1x16384xf32, #tpu.memory_space<hbm>> -> memref<16384xf32, #tpu.memory_space<hbm>>
    %dma_start3A_42 = arith.constant 16384 : i32
    %dma_start3A_43 = tpu.memref_slice %arg2[%add3A_9, %dma_start3A_42] : memref<128x32768xf32, #tpu.memory_space<hbm>> -> memref<1x16384xf32, #tpu.memory_space<hbm>>
    %dma_start3A_44 = tpu.memref_squeeze %dma_start3A_43 : memref<1x16384xf32, #tpu.memory_space<hbm>> -> memref<16384xf32, #tpu.memory_space<hbm>>
    tpu.enqueue_dma source(%dma_start3A_44 : memref<16384xf32, #tpu.memory_space<hbm>>) target(%arg6 : memref<16384xf32, #tpu.memory_space<vmem>>) target_semaphore(%arg9 : memref<!tpu.dma_semaphore, #tpu.memory_space<semaphore_mem>>)
    %dma_wait3A = arith.constant 0 : i32
    %dma_wait3A_45 = tpu.memref_slice %arg2[%add3A_5, %dma_wait3A] : memref<128x32768xf32, #tpu.memory_space<hbm>> -> memref<1x16384xf32, #tpu.memory_space<hbm>>
    %dma_wait3A_46 = tpu.memref_squeeze %dma_wait3A_45 : memref<1x16384xf32, #tpu.memory_space<hbm>> -> memref<16384xf32, #tpu.memory_space<hbm>>
    %dma_wait3A_47 = arith.constant 0 : i32
    %dma_wait3A_48 = tpu.memref_slice %arg2[%add3A_5, %dma_wait3A_47] : memref<128x32768xf32, #tpu.memory_space<hbm>> -> memref<1x16384xf32, #tpu.memory_space<hbm>>
    %dma_wait3A_49 = tpu.memref_squeeze %dma_wait3A_48 : memref<1x16384xf32, #tpu.memory_space<hbm>> -> memref<16384xf32, #tpu.memory_space<hbm>>
    tpu.wait_dma2 semaphore(%arg8 : memref<!tpu.dma_semaphore, #tpu.memory_space<semaphore_mem>>) src(%dma_wait3A_49 : memref<16384xf32, #tpu.memory_space<hbm>>) dst(%arg5 : memref<16384xf32, #tpu.memory_space<vmem>>)
    %parallel_loop3A = arith.constant 0 : i32
    %parallel_loop3A_50 = arith.constant 1024 : i32
    %parallel_loop3A_51 = arith.constant 1 : i32
    scf.for %parallel_loop3A_153 = %parallel_loop3A to %parallel_loop3A_50 step %parallel_loop3A_51  : i32 {
      %parallel_loop3A_154 = arith.constant 16 : i32
      %parallel_loop3A_155 = arith.muli %parallel_loop3A_153, %parallel_loop3A_154 : i32
      %parallel_loop3A_156 = arith.index_cast %parallel_loop3A_155 : i32 to index
      %parallel_loop3A_157 = tpu.vector_load %arg5[%parallel_loop3A_156] {strides = array<i32>} : memref<16384xf32, #tpu.memory_space<vmem>>, vector<16xf32>,
      %parallel_loop3A_158 = tpu.bitcast %parallel_loop3A_157 : vector<16xf32> -> vector<16xi32>
      %parallel_loop3A_159 = arith.constant 31 : i32
      %parallel_loop3A_160 = vector.broadcast %parallel_loop3A_159 : i32 to vector<16xi32>
      %parallel_loop3A_161 = arith.shrsi %parallel_loop3A_158, %parallel_loop3A_160 : vector<16xi32>
      %parallel_loop3A_162 = arith.constant -2147483648 : i32
      %parallel_loop3A_163 = vector.broadcast %parallel_loop3A_162 : i32 to vector<16xi32>
      %parallel_loop3A_164 = arith.ori %parallel_loop3A_161, %parallel_loop3A_163 : vector<16xi32>
      %parallel_loop3A_165 = arith.xori %parallel_loop3A_158, %parallel_loop3A_164 : vector<16xi32>
      %parallel_loop3A_166 = arith.constant 20 : i32
      %parallel_loop3A_167 = vector.broadcast %parallel_loop3A_166 : i32 to vector<16xi32>
      %parallel_loop3A_168 = arith.shrui %parallel_loop3A_165, %parallel_loop3A_167 : vector<16xi32>
      %parallel_loop3A_169 = arith.constant 7 : i32
      %parallel_loop3A_170 = vector.broadcast %parallel_loop3A_169 : i32 to vector<16xi32>
      %parallel_loop3A_171 = arith.shrui %parallel_loop3A_168, %parallel_loop3A_170 : vector<16xi32>
      %parallel_loop3A_172 = arith.constant 127 : i32
      %parallel_loop3A_173 = vector.broadcast %parallel_loop3A_172 : i32 to vector<16xi32>
      %parallel_loop3A_174 = arith.andi %parallel_loop3A_168, %parallel_loop3A_173 : vector<16xi32>
      tpu.vector_store_idx %arg7[%iota3A, %parallel_loop3A_171, %parallel_loop3A_174], %broadcast_in_dim3A_1 {add = true} : memref<16x32x128xi32, #tpu.memory_space<vmem>>[vector<16xi32>, vector<16xi32>, vector<16xi32>], vector<16xi32>,
    } {sc.loop_unroll_factor = 8 : i64, sc.parallel_access}
    %dma_start3A_52 = arith.constant 0 : i32
    %dma_start3A_53 = tpu.memref_slice %arg2[%add3A_13, %dma_start3A_52] : memref<128x32768xf32, #tpu.memory_space<hbm>> -> memref<1x16384xf32, #tpu.memory_space<hbm>>
    %dma_start3A_54 = tpu.memref_squeeze %dma_start3A_53 : memref<1x16384xf32, #tpu.memory_space<hbm>> -> memref<16384xf32, #tpu.memory_space<hbm>>
    %dma_start3A_55 = arith.constant 0 : i32
    %dma_start3A_56 = tpu.memref_slice %arg2[%add3A_13, %dma_start3A_55] : memref<128x32768xf32, #tpu.memory_space<hbm>> -> memref<1x16384xf32, #tpu.memory_space<hbm>>
    %dma_start3A_57 = tpu.memref_squeeze %dma_start3A_56 : memref<1x16384xf32, #tpu.memory_space<hbm>> -> memref<16384xf32, #tpu.memory_space<hbm>>
    tpu.enqueue_dma source(%dma_start3A_57 : memref<16384xf32, #tpu.memory_space<hbm>>) target(%arg5 : memref<16384xf32, #tpu.memory_space<vmem>>) target_semaphore(%arg8 : memref<!tpu.dma_semaphore, #tpu.memory_space<semaphore_mem>>)
    %dma_wait3A_58 = arith.constant 16384 : i32
    %dma_wait3A_59 = tpu.memref_slice %arg2[%add3A_9, %dma_wait3A_58] : memref<128x32768xf32, #tpu.memory_space<hbm>> -> memref<1x16384xf32, #tpu.memory_space<hbm>>
    %dma_wait3A_60 = tpu.memref_squeeze %dma_wait3A_59 : memref<1x16384xf32, #tpu.memory_space<hbm>> -> memref<16384xf32, #tpu.memory_space<hbm>>
    %dma_wait3A_61 = arith.constant 16384 : i32
    %dma_wait3A_62 = tpu.memref_slice %arg2[%add3A_9, %dma_wait3A_61] : memref<128x32768xf32, #tpu.memory_space<hbm>> -> memref<1x16384xf32, #tpu.memory_space<hbm>>
    %dma_wait3A_63 = tpu.memref_squeeze %dma_wait3A_62 : memref<1x16384xf32, #tpu.memory_space<hbm>> -> memref<16384xf32, #tpu.memory_space<hbm>>
    tpu.wait_dma2 semaphore(%arg9 : memref<!tpu.dma_semaphore, #tpu.memory_space<semaphore_mem>>) src(%dma_wait3A_63 : memref<16384xf32, #tpu.memory_space<hbm>>) dst(%arg6 : memref<16384xf32, #tpu.memory_space<vmem>>)
    %parallel_loop3A_64 = arith.constant 0 : i32
    %parallel_loop3A_65 = arith.constant 1024 : i32
    %parallel_loop3A_66 = arith.constant 1 : i32
    scf.for %parallel_loop3A_153 = %parallel_loop3A_64 to %parallel_loop3A_65 step %parallel_loop3A_66  : i32 {
      %parallel_loop3A_154 = arith.constant 16 : i32
      %parallel_loop3A_155 = arith.muli %parallel_loop3A_153, %parallel_loop3A_154 : i32
      %parallel_loop3A_156 = arith.index_cast %parallel_loop3A_155 : i32 to index
      %parallel_loop3A_157 = tpu.vector_load %arg6[%parallel_loop3A_156] {strides = array<i32>} : memref<16384xf32, #tpu.memory_space<vmem>>, vector<16xf32>,
      %parallel_loop3A_158 = tpu.bitcast %parallel_loop3A_157 : vector<16xf32> -> vector<16xi32>
      %parallel_loop3A_159 = arith.constant 31 : i32
      %parallel_loop3A_160 = vector.broadcast %parallel_loop3A_159 : i32 to vector<16xi32>
      %parallel_loop3A_161 = arith.shrsi %parallel_loop3A_158, %parallel_loop3A_160 : vector<16xi32>
      %parallel_loop3A_162 = arith.constant -2147483648 : i32
      %parallel_loop3A_163 = vector.broadcast %parallel_loop3A_162 : i32 to vector<16xi32>
      %parallel_loop3A_164 = arith.ori %parallel_loop3A_161, %parallel_loop3A_163 : vector<16xi32>
      %parallel_loop3A_165 = arith.xori %parallel_loop3A_158, %parallel_loop3A_164 : vector<16xi32>
      %parallel_loop3A_166 = arith.constant 20 : i32
      %parallel_loop3A_167 = vector.broadcast %parallel_loop3A_166 : i32 to vector<16xi32>
      %parallel_loop3A_168 = arith.shrui %parallel_loop3A_165, %parallel_loop3A_167 : vector<16xi32>
      %parallel_loop3A_169 = arith.constant 7 : i32
      %parallel_loop3A_170 = vector.broadcast %parallel_loop3A_169 : i32 to vector<16xi32>
      %parallel_loop3A_171 = arith.shrui %parallel_loop3A_168, %parallel_loop3A_170 : vector<16xi32>
      %parallel_loop3A_172 = arith.constant 127 : i32
      %parallel_loop3A_173 = vector.broadcast %parallel_loop3A_172 : i32 to vector<16xi32>
      %parallel_loop3A_174 = arith.andi %parallel_loop3A_168, %parallel_loop3A_173 : vector<16xi32>
      tpu.vector_store_idx %arg7[%iota3A, %parallel_loop3A_171, %parallel_loop3A_174], %broadcast_in_dim3A_1 {add = true} : memref<16x32x128xi32, #tpu.memory_space<vmem>>[vector<16xi32>, vector<16xi32>, vector<16xi32>], vector<16xi32>,
    } {sc.loop_unroll_factor = 8 : i64, sc.parallel_access}
    %dma_start3A_67 = arith.constant 16384 : i32
    %dma_start3A_68 = tpu.memref_slice %arg2[%add3A_17, %dma_start3A_67] : memref<128x32768xf32, #tpu.memory_space<hbm>> -> memref<1x16384xf32, #tpu.memory_space<hbm>>
    %dma_start3A_69 = tpu.memref_squeeze %dma_start3A_68 : memref<1x16384xf32, #tpu.memory_space<hbm>> -> memref<16384xf32, #tpu.memory_space<hbm>>
    %dma_start3A_70 = arith.constant 16384 : i32
    %dma_start3A_71 = tpu.memref_slice %arg2[%add3A_17, %dma_start3A_70] : memref<128x32768xf32, #tpu.memory_space<hbm>> -> memref<1x16384xf32, #tpu.memory_space<hbm>>
    %dma_start3A_72 = tpu.memref_squeeze %dma_start3A_71 : memref<1x16384xf32, #tpu.memory_space<hbm>> -> memref<16384xf32, #tpu.memory_space<hbm>>
    tpu.enqueue_dma source(%dma_start3A_72 : memref<16384xf32, #tpu.memory_space<hbm>>) target(%arg6 : memref<16384xf32, #tpu.memory_space<vmem>>) target_semaphore(%arg9 : memref<!tpu.dma_semaphore, #tpu.memory_space<semaphore_mem>>)
    %dma_wait3A_73 = arith.constant 0 : i32
    %dma_wait3A_74 = tpu.memref_slice %arg2[%add3A_13, %dma_wait3A_73] : memref<128x32768xf32, #tpu.memory_space<hbm>> -> memref<1x16384xf32, #tpu.memory_space<hbm>>
    %dma_wait3A_75 = tpu.memref_squeeze %dma_wait3A_74 : memref<1x16384xf32, #tpu.memory_space<hbm>> -> memref<16384xf32, #tpu.memory_space<hbm>>
    %dma_wait3A_76 = arith.constant 0 : i32
    %dma_wait3A_77 = tpu.memref_slice %arg2[%add3A_13, %dma_wait3A_76] : memref<128x32768xf32, #tpu.memory_space<hbm>> -> memref<1x16384xf32, #tpu.memory_space<hbm>>
    %dma_wait3A_78 = tpu.memref_squeeze %dma_wait3A_77 : memref<1x16384xf32, #tpu.memory_space<hbm>> -> memref<16384xf32, #tpu.memory_space<hbm>>
    tpu.wait_dma2 semaphore(%arg8 : memref<!tpu.dma_semaphore, #tpu.memory_space<semaphore_mem>>) src(%dma_wait3A_78 : memref<16384xf32, #tpu.memory_space<hbm>>) dst(%arg5 : memref<16384xf32, #tpu.memory_space<vmem>>)
    %parallel_loop3A_79 = arith.constant 0 : i32
    %parallel_loop3A_80 = arith.constant 1024 : i32
    %parallel_loop3A_81 = arith.constant 1 : i32
    scf.for %parallel_loop3A_153 = %parallel_loop3A_79 to %parallel_loop3A_80 step %parallel_loop3A_81  : i32 {
      %parallel_loop3A_154 = arith.constant 16 : i32
      %parallel_loop3A_155 = arith.muli %parallel_loop3A_153, %parallel_loop3A_154 : i32
      %parallel_loop3A_156 = arith.index_cast %parallel_loop3A_155 : i32 to index
      %parallel_loop3A_157 = tpu.vector_load %arg5[%parallel_loop3A_156] {strides = array<i32>} : memref<16384xf32, #tpu.memory_space<vmem>>, vector<16xf32>,
      %parallel_loop3A_158 = tpu.bitcast %parallel_loop3A_157 : vector<16xf32> -> vector<16xi32>
      %parallel_loop3A_159 = arith.constant 31 : i32
      %parallel_loop3A_160 = vector.broadcast %parallel_loop3A_159 : i32 to vector<16xi32>
      %parallel_loop3A_161 = arith.shrsi %parallel_loop3A_158, %parallel_loop3A_160 : vector<16xi32>
      %parallel_loop3A_162 = arith.constant -2147483648 : i32
      %parallel_loop3A_163 = vector.broadcast %parallel_loop3A_162 : i32 to vector<16xi32>
      %parallel_loop3A_164 = arith.ori %parallel_loop3A_161, %parallel_loop3A_163 : vector<16xi32>
      %parallel_loop3A_165 = arith.xori %parallel_loop3A_158, %parallel_loop3A_164 : vector<16xi32>
      %parallel_loop3A_166 = arith.constant 20 : i32
      %parallel_loop3A_167 = vector.broadcast %parallel_loop3A_166 : i32 to vector<16xi32>
      %parallel_loop3A_168 = arith.shrui %parallel_loop3A_165, %parallel_loop3A_167 : vector<16xi32>
      %parallel_loop3A_169 = arith.constant 7 : i32
      %parallel_loop3A_170 = vector.broadcast %parallel_loop3A_169 : i32 to vector<16xi32>
      %parallel_loop3A_171 = arith.shrui %parallel_loop3A_168, %parallel_loop3A_170 : vector<16xi32>
      %parallel_loop3A_172 = arith.constant 127 : i32
      %parallel_loop3A_173 = vector.broadcast %parallel_loop3A_172 : i32 to vector<16xi32>
      %parallel_loop3A_174 = arith.andi %parallel_loop3A_168, %parallel_loop3A_173 : vector<16xi32>
      tpu.vector_store_idx %arg7[%iota3A, %parallel_loop3A_171, %parallel_loop3A_174], %broadcast_in_dim3A_1 {add = true} : memref<16x32x128xi32, #tpu.memory_space<vmem>>[vector<16xi32>, vector<16xi32>, vector<16xi32>], vector<16xi32>,
    } {sc.loop_unroll_factor = 8 : i64, sc.parallel_access}
    %dma_start3A_82 = arith.constant 0 : i32
    %dma_start3A_83 = tpu.memref_slice %arg2[%add3A_21, %dma_start3A_82] : memref<128x32768xf32, #tpu.memory_space<hbm>> -> memref<1x16384xf32, #tpu.memory_space<hbm>>
    %dma_start3A_84 = tpu.memref_squeeze %dma_start3A_83 : memref<1x16384xf32, #tpu.memory_space<hbm>> -> memref<16384xf32, #tpu.memory_space<hbm>>
    %dma_start3A_85 = arith.constant 0 : i32
    %dma_start3A_86 = tpu.memref_slice %arg2[%add3A_21, %dma_start3A_85] : memref<128x32768xf32, #tpu.memory_space<hbm>> -> memref<1x16384xf32, #tpu.memory_space<hbm>>
    %dma_start3A_87 = tpu.memref_squeeze %dma_start3A_86 : memref<1x16384xf32, #tpu.memory_space<hbm>> -> memref<16384xf32, #tpu.memory_space<hbm>>
    tpu.enqueue_dma source(%dma_start3A_87 : memref<16384xf32, #tpu.memory_space<hbm>>) target(%arg5 : memref<16384xf32, #tpu.memory_space<vmem>>) target_semaphore(%arg8 : memref<!tpu.dma_semaphore, #tpu.memory_space<semaphore_mem>>)
    %dma_wait3A_88 = arith.constant 16384 : i32
    %dma_wait3A_89 = tpu.memref_slice %arg2[%add3A_17, %dma_wait3A_88] : memref<128x32768xf32, #tpu.memory_space<hbm>> -> memref<1x16384xf32, #tpu.memory_space<hbm>>
    %dma_wait3A_90 = tpu.memref_squeeze %dma_wait3A_89 : memref<1x16384xf32, #tpu.memory_space<hbm>> -> memref<16384xf32, #tpu.memory_space<hbm>>
    %dma_wait3A_91 = arith.constant 16384 : i32
    %dma_wait3A_92 = tpu.memref_slice %arg2[%add3A_17, %dma_wait3A_91] : memref<128x32768xf32, #tpu.memory_space<hbm>> -> memref<1x16384xf32, #tpu.memory_space<hbm>>
    %dma_wait3A_93 = tpu.memref_squeeze %dma_wait3A_92 : memref<1x16384xf32, #tpu.memory_space<hbm>> -> memref<16384xf32, #tpu.memory_space<hbm>>
    tpu.wait_dma2 semaphore(%arg9 : memref<!tpu.dma_semaphore, #tpu.memory_space<semaphore_mem>>) src(%dma_wait3A_93 : memref<16384xf32, #tpu.memory_space<hbm>>) dst(%arg6 : memref<16384xf32, #tpu.memory_space<vmem>>)
    %parallel_loop3A_94 = arith.constant 0 : i32
    %parallel_loop3A_95 = arith.constant 1024 : i32
    %parallel_loop3A_96 = arith.constant 1 : i32
    scf.for %parallel_loop3A_153 = %parallel_loop3A_94 to %parallel_loop3A_95 step %parallel_loop3A_96  : i32 {
      %parallel_loop3A_154 = arith.constant 16 : i32
      %parallel_loop3A_155 = arith.muli %parallel_loop3A_153, %parallel_loop3A_154 : i32
      %parallel_loop3A_156 = arith.index_cast %parallel_loop3A_155 : i32 to index
      %parallel_loop3A_157 = tpu.vector_load %arg6[%parallel_loop3A_156] {strides = array<i32>} : memref<16384xf32, #tpu.memory_space<vmem>>, vector<16xf32>,
      %parallel_loop3A_158 = tpu.bitcast %parallel_loop3A_157 : vector<16xf32> -> vector<16xi32>
      %parallel_loop3A_159 = arith.constant 31 : i32
      %parallel_loop3A_160 = vector.broadcast %parallel_loop3A_159 : i32 to vector<16xi32>
      %parallel_loop3A_161 = arith.shrsi %parallel_loop3A_158, %parallel_loop3A_160 : vector<16xi32>
      %parallel_loop3A_162 = arith.constant -2147483648 : i32
      %parallel_loop3A_163 = vector.broadcast %parallel_loop3A_162 : i32 to vector<16xi32>
      %parallel_loop3A_164 = arith.ori %parallel_loop3A_161, %parallel_loop3A_163 : vector<16xi32>
      %parallel_loop3A_165 = arith.xori %parallel_loop3A_158, %parallel_loop3A_164 : vector<16xi32>
      %parallel_loop3A_166 = arith.constant 20 : i32
      %parallel_loop3A_167 = vector.broadcast %parallel_loop3A_166 : i32 to vector<16xi32>
      %parallel_loop3A_168 = arith.shrui %parallel_loop3A_165, %parallel_loop3A_167 : vector<16xi32>
      %parallel_loop3A_169 = arith.constant 7 : i32
      %parallel_loop3A_170 = vector.broadcast %parallel_loop3A_169 : i32 to vector<16xi32>
      %parallel_loop3A_171 = arith.shrui %parallel_loop3A_168, %parallel_loop3A_170 : vector<16xi32>
      %parallel_loop3A_172 = arith.constant 127 : i32
      %parallel_loop3A_173 = vector.broadcast %parallel_loop3A_172 : i32 to vector<16xi32>
      %parallel_loop3A_174 = arith.andi %parallel_loop3A_168, %parallel_loop3A_173 : vector<16xi32>
      tpu.vector_store_idx %arg7[%iota3A, %parallel_loop3A_171, %parallel_loop3A_174], %broadcast_in_dim3A_1 {add = true} : memref<16x32x128xi32, #tpu.memory_space<vmem>>[vector<16xi32>, vector<16xi32>, vector<16xi32>], vector<16xi32>,
    } {sc.loop_unroll_factor = 8 : i64, sc.parallel_access}
    %dma_start3A_97 = arith.constant 16384 : i32
    %dma_start3A_98 = tpu.memref_slice %arg2[%add3A_25, %dma_start3A_97] : memref<128x32768xf32, #tpu.memory_space<hbm>> -> memref<1x16384xf32, #tpu.memory_space<hbm>>
    %dma_start3A_99 = tpu.memref_squeeze %dma_start3A_98 : memref<1x16384xf32, #tpu.memory_space<hbm>> -> memref<16384xf32, #tpu.memory_space<hbm>>
    %dma_start3A_100 = arith.constant 16384 : i32
    %dma_start3A_101 = tpu.memref_slice %arg2[%add3A_25, %dma_start3A_100] : memref<128x32768xf32, #tpu.memory_space<hbm>> -> memref<1x16384xf32, #tpu.memory_space<hbm>>
    %dma_start3A_102 = tpu.memref_squeeze %dma_start3A_101 : memref<1x16384xf32, #tpu.memory_space<hbm>> -> memref<16384xf32, #tpu.memory_space<hbm>>
    tpu.enqueue_dma source(%dma_start3A_102 : memref<16384xf32, #tpu.memory_space<hbm>>) target(%arg6 : memref<16384xf32, #tpu.memory_space<vmem>>) target_semaphore(%arg9 : memref<!tpu.dma_semaphore, #tpu.memory_space<semaphore_mem>>)
    %dma_wait3A_103 = arith.constant 0 : i32
    %dma_wait3A_104 = tpu.memref_slice %arg2[%add3A_21, %dma_wait3A_103] : memref<128x32768xf32, #tpu.memory_space<hbm>> -> memref<1x16384xf32, #tpu.memory_space<hbm>>
    %dma_wait3A_105 = tpu.memref_squeeze %dma_wait3A_104 : memref<1x16384xf32, #tpu.memory_space<hbm>> -> memref<16384xf32, #tpu.memory_space<hbm>>
    %dma_wait3A_106 = arith.constant 0 : i32
    %dma_wait3A_107 = tpu.memref_slice %arg2[%add3A_21, %dma_wait3A_106] : memref<128x32768xf32, #tpu.memory_space<hbm>> -> memref<1x16384xf32, #tpu.memory_space<hbm>>
    %dma_wait3A_108 = tpu.memref_squeeze %dma_wait3A_107 : memref<1x16384xf32, #tpu.memory_space<hbm>> -> memref<16384xf32, #tpu.memory_space<hbm>>
    tpu.wait_dma2 semaphore(%arg8 : memref<!tpu.dma_semaphore, #tpu.memory_space<semaphore_mem>>) src(%dma_wait3A_108 : memref<16384xf32, #tpu.memory_space<hbm>>) dst(%arg5 : memref<16384xf32, #tpu.memory_space<vmem>>)
    %parallel_loop3A_109 = arith.constant 0 : i32
    %parallel_loop3A_110 = arith.constant 1024 : i32
    %parallel_loop3A_111 = arith.constant 1 : i32
    scf.for %parallel_loop3A_153 = %parallel_loop3A_109 to %parallel_loop3A_110 step %parallel_loop3A_111  : i32 {
      %parallel_loop3A_154 = arith.constant 16 : i32
      %parallel_loop3A_155 = arith.muli %parallel_loop3A_153, %parallel_loop3A_154 : i32
      %parallel_loop3A_156 = arith.index_cast %parallel_loop3A_155 : i32 to index
      %parallel_loop3A_157 = tpu.vector_load %arg5[%parallel_loop3A_156] {strides = array<i32>} : memref<16384xf32, #tpu.memory_space<vmem>>, vector<16xf32>,
      %parallel_loop3A_158 = tpu.bitcast %parallel_loop3A_157 : vector<16xf32> -> vector<16xi32>
      %parallel_loop3A_159 = arith.constant 31 : i32
      %parallel_loop3A_160 = vector.broadcast %parallel_loop3A_159 : i32 to vector<16xi32>
      %parallel_loop3A_161 = arith.shrsi %parallel_loop3A_158, %parallel_loop3A_160 : vector<16xi32>
      %parallel_loop3A_162 = arith.constant -2147483648 : i32
      %parallel_loop3A_163 = vector.broadcast %parallel_loop3A_162 : i32 to vector<16xi32>
      %parallel_loop3A_164 = arith.ori %parallel_loop3A_161, %parallel_loop3A_163 : vector<16xi32>
      %parallel_loop3A_165 = arith.xori %parallel_loop3A_158, %parallel_loop3A_164 : vector<16xi32>
      %parallel_loop3A_166 = arith.constant 20 : i32
      %parallel_loop3A_167 = vector.broadcast %parallel_loop3A_166 : i32 to vector<16xi32>
      %parallel_loop3A_168 = arith.shrui %parallel_loop3A_165, %parallel_loop3A_167 : vector<16xi32>
      %parallel_loop3A_169 = arith.constant 7 : i32
      %parallel_loop3A_170 = vector.broadcast %parallel_loop3A_169 : i32 to vector<16xi32>
      %parallel_loop3A_171 = arith.shrui %parallel_loop3A_168, %parallel_loop3A_170 : vector<16xi32>
      %parallel_loop3A_172 = arith.constant 127 : i32
      %parallel_loop3A_173 = vector.broadcast %parallel_loop3A_172 : i32 to vector<16xi32>
      %parallel_loop3A_174 = arith.andi %parallel_loop3A_168, %parallel_loop3A_173 : vector<16xi32>
      tpu.vector_store_idx %arg7[%iota3A, %parallel_loop3A_171, %parallel_loop3A_174], %broadcast_in_dim3A_1 {add = true} : memref<16x32x128xi32, #tpu.memory_space<vmem>>[vector<16xi32>, vector<16xi32>, vector<16xi32>], vector<16xi32>,
    } {sc.loop_unroll_factor = 8 : i64, sc.parallel_access}
    %dma_start3A_112 = arith.constant 0 : i32
    %dma_start3A_113 = tpu.memref_slice %arg2[%add3A_29, %dma_start3A_112] : memref<128x32768xf32, #tpu.memory_space<hbm>> -> memref<1x16384xf32, #tpu.memory_space<hbm>>
    %dma_start3A_114 = tpu.memref_squeeze %dma_start3A_113 : memref<1x16384xf32, #tpu.memory_space<hbm>> -> memref<16384xf32, #tpu.memory_space<hbm>>
    %dma_start3A_115 = arith.constant 0 : i32
    %dma_start3A_116 = tpu.memref_slice %arg2[%add3A_29, %dma_start3A_115] : memref<128x32768xf32, #tpu.memory_space<hbm>> -> memref<1x16384xf32, #tpu.memory_space<hbm>>
    %dma_start3A_117 = tpu.memref_squeeze %dma_start3A_116 : memref<1x16384xf32, #tpu.memory_space<hbm>> -> memref<16384xf32, #tpu.memory_space<hbm>>
    tpu.enqueue_dma source(%dma_start3A_117 : memref<16384xf32, #tpu.memory_space<hbm>>) target(%arg5 : memref<16384xf32, #tpu.memory_space<vmem>>) target_semaphore(%arg8 : memref<!tpu.dma_semaphore, #tpu.memory_space<semaphore_mem>>)
    %dma_wait3A_118 = arith.constant 16384 : i32
    %dma_wait3A_119 = tpu.memref_slice %arg2[%add3A_25, %dma_wait3A_118] : memref<128x32768xf32, #tpu.memory_space<hbm>> -> memref<1x16384xf32, #tpu.memory_space<hbm>>
    %dma_wait3A_120 = tpu.memref_squeeze %dma_wait3A_119 : memref<1x16384xf32, #tpu.memory_space<hbm>> -> memref<16384xf32, #tpu.memory_space<hbm>>
    %dma_wait3A_121 = arith.constant 16384 : i32
    %dma_wait3A_122 = tpu.memref_slice %arg2[%add3A_25, %dma_wait3A_121] : memref<128x32768xf32, #tpu.memory_space<hbm>> -> memref<1x16384xf32, #tpu.memory_space<hbm>>
    %dma_wait3A_123 = tpu.memref_squeeze %dma_wait3A_122 : memref<1x16384xf32, #tpu.memory_space<hbm>> -> memref<16384xf32, #tpu.memory_space<hbm>>
    tpu.wait_dma2 semaphore(%arg9 : memref<!tpu.dma_semaphore, #tpu.memory_space<semaphore_mem>>) src(%dma_wait3A_123 : memref<16384xf32, #tpu.memory_space<hbm>>) dst(%arg6 : memref<16384xf32, #tpu.memory_space<vmem>>)
    %parallel_loop3A_124 = arith.constant 0 : i32
    %parallel_loop3A_125 = arith.constant 1024 : i32
    %parallel_loop3A_126 = arith.constant 1 : i32
    scf.for %parallel_loop3A_153 = %parallel_loop3A_124 to %parallel_loop3A_125 step %parallel_loop3A_126  : i32 {
      %parallel_loop3A_154 = arith.constant 16 : i32
      %parallel_loop3A_155 = arith.muli %parallel_loop3A_153, %parallel_loop3A_154 : i32
      %parallel_loop3A_156 = arith.index_cast %parallel_loop3A_155 : i32 to index
      %parallel_loop3A_157 = tpu.vector_load %arg6[%parallel_loop3A_156] {strides = array<i32>} : memref<16384xf32, #tpu.memory_space<vmem>>, vector<16xf32>,
      %parallel_loop3A_158 = tpu.bitcast %parallel_loop3A_157 : vector<16xf32> -> vector<16xi32>
      %parallel_loop3A_159 = arith.constant 31 : i32
      %parallel_loop3A_160 = vector.broadcast %parallel_loop3A_159 : i32 to vector<16xi32>
      %parallel_loop3A_161 = arith.shrsi %parallel_loop3A_158, %parallel_loop3A_160 : vector<16xi32>
      %parallel_loop3A_162 = arith.constant -2147483648 : i32
      %parallel_loop3A_163 = vector.broadcast %parallel_loop3A_162 : i32 to vector<16xi32>
      %parallel_loop3A_164 = arith.ori %parallel_loop3A_161, %parallel_loop3A_163 : vector<16xi32>
      %parallel_loop3A_165 = arith.xori %parallel_loop3A_158, %parallel_loop3A_164 : vector<16xi32>
      %parallel_loop3A_166 = arith.constant 20 : i32
      %parallel_loop3A_167 = vector.broadcast %parallel_loop3A_166 : i32 to vector<16xi32>
      %parallel_loop3A_168 = arith.shrui %parallel_loop3A_165, %parallel_loop3A_167 : vector<16xi32>
      %parallel_loop3A_169 = arith.constant 7 : i32
      %parallel_loop3A_170 = vector.broadcast %parallel_loop3A_169 : i32 to vector<16xi32>
      %parallel_loop3A_171 = arith.shrui %parallel_loop3A_168, %parallel_loop3A_170 : vector<16xi32>
      %parallel_loop3A_172 = arith.constant 127 : i32
      %parallel_loop3A_173 = vector.broadcast %parallel_loop3A_172 : i32 to vector<16xi32>
      %parallel_loop3A_174 = arith.andi %parallel_loop3A_168, %parallel_loop3A_173 : vector<16xi32>
      tpu.vector_store_idx %arg7[%iota3A, %parallel_loop3A_171, %parallel_loop3A_174], %broadcast_in_dim3A_1 {add = true} : memref<16x32x128xi32, #tpu.memory_space<vmem>>[vector<16xi32>, vector<16xi32>, vector<16xi32>], vector<16xi32>,
    } {sc.loop_unroll_factor = 8 : i64, sc.parallel_access}
    %dma_start3A_127 = arith.constant 16384 : i32
    %dma_start3A_128 = tpu.memref_slice %arg2[%add3A_33, %dma_start3A_127] : memref<128x32768xf32, #tpu.memory_space<hbm>> -> memref<1x16384xf32, #tpu.memory_space<hbm>>
    %dma_start3A_129 = tpu.memref_squeeze %dma_start3A_128 : memref<1x16384xf32, #tpu.memory_space<hbm>> -> memref<16384xf32, #tpu.memory_space<hbm>>
    %dma_start3A_130 = arith.constant 16384 : i32
    %dma_start3A_131 = tpu.memref_slice %arg2[%add3A_33, %dma_start3A_130] : memref<128x32768xf32, #tpu.memory_space<hbm>> -> memref<1x16384xf32, #tpu.memory_space<hbm>>
    %dma_start3A_132 = tpu.memref_squeeze %dma_start3A_131 : memref<1x16384xf32, #tpu.memory_space<hbm>> -> memref<16384xf32, #tpu.memory_space<hbm>>
    tpu.enqueue_dma source(%dma_start3A_132 : memref<16384xf32, #tpu.memory_space<hbm>>) target(%arg6 : memref<16384xf32, #tpu.memory_space<vmem>>) target_semaphore(%arg9 : memref<!tpu.dma_semaphore, #tpu.memory_space<semaphore_mem>>)
    %dma_wait3A_133 = arith.constant 0 : i32
    %dma_wait3A_134 = tpu.memref_slice %arg2[%add3A_29, %dma_wait3A_133] : memref<128x32768xf32, #tpu.memory_space<hbm>> -> memref<1x16384xf32, #tpu.memory_space<hbm>>
    %dma_wait3A_135 = tpu.memref_squeeze %dma_wait3A_134 : memref<1x16384xf32, #tpu.memory_space<hbm>> -> memref<16384xf32, #tpu.memory_space<hbm>>
    %dma_wait3A_136 = arith.constant 0 : i32
    %dma_wait3A_137 = tpu.memref_slice %arg2[%add3A_29, %dma_wait3A_136] : memref<128x32768xf32, #tpu.memory_space<hbm>> -> memref<1x16384xf32, #tpu.memory_space<hbm>>
    %dma_wait3A_138 = tpu.memref_squeeze %dma_wait3A_137 : memref<1x16384xf32, #tpu.memory_space<hbm>> -> memref<16384xf32, #tpu.memory_space<hbm>>
    tpu.wait_dma2 semaphore(%arg8 : memref<!tpu.dma_semaphore, #tpu.memory_space<semaphore_mem>>) src(%dma_wait3A_138 : memref<16384xf32, #tpu.memory_space<hbm>>) dst(%arg5 : memref<16384xf32, #tpu.memory_space<vmem>>)
    %parallel_loop3A_139 = arith.constant 0 : i32
    %parallel_loop3A_140 = arith.constant 1024 : i32
    %parallel_loop3A_141 = arith.constant 1 : i32
    scf.for %parallel_loop3A_153 = %parallel_loop3A_139 to %parallel_loop3A_140 step %parallel_loop3A_141  : i32 {
      %parallel_loop3A_154 = arith.constant 16 : i32
      %parallel_loop3A_155 = arith.muli %parallel_loop3A_153, %parallel_loop3A_154 : i32
      %parallel_loop3A_156 = arith.index_cast %parallel_loop3A_155 : i32 to index
      %parallel_loop3A_157 = tpu.vector_load %arg5[%parallel_loop3A_156] {strides = array<i32>} : memref<16384xf32, #tpu.memory_space<vmem>>, vector<16xf32>,
      %parallel_loop3A_158 = tpu.bitcast %parallel_loop3A_157 : vector<16xf32> -> vector<16xi32>
      %parallel_loop3A_159 = arith.constant 31 : i32
      %parallel_loop3A_160 = vector.broadcast %parallel_loop3A_159 : i32 to vector<16xi32>
      %parallel_loop3A_161 = arith.shrsi %parallel_loop3A_158, %parallel_loop3A_160 : vector<16xi32>
      %parallel_loop3A_162 = arith.constant -2147483648 : i32
      %parallel_loop3A_163 = vector.broadcast %parallel_loop3A_162 : i32 to vector<16xi32>
      %parallel_loop3A_164 = arith.ori %parallel_loop3A_161, %parallel_loop3A_163 : vector<16xi32>
      %parallel_loop3A_165 = arith.xori %parallel_loop3A_158, %parallel_loop3A_164 : vector<16xi32>
      %parallel_loop3A_166 = arith.constant 20 : i32
      %parallel_loop3A_167 = vector.broadcast %parallel_loop3A_166 : i32 to vector<16xi32>
      %parallel_loop3A_168 = arith.shrui %parallel_loop3A_165, %parallel_loop3A_167 : vector<16xi32>
      %parallel_loop3A_169 = arith.constant 7 : i32
      %parallel_loop3A_170 = vector.broadcast %parallel_loop3A_169 : i32 to vector<16xi32>
      %parallel_loop3A_171 = arith.shrui %parallel_loop3A_168, %parallel_loop3A_170 : vector<16xi32>
      %parallel_loop3A_172 = arith.constant 127 : i32
      %parallel_loop3A_173 = vector.broadcast %parallel_loop3A_172 : i32 to vector<16xi32>
      %parallel_loop3A_174 = arith.andi %parallel_loop3A_168, %parallel_loop3A_173 : vector<16xi32>
      tpu.vector_store_idx %arg7[%iota3A, %parallel_loop3A_171, %parallel_loop3A_174], %broadcast_in_dim3A_1 {add = true} : memref<16x32x128xi32, #tpu.memory_space<vmem>>[vector<16xi32>, vector<16xi32>, vector<16xi32>], vector<16xi32>,
    } {sc.loop_unroll_factor = 8 : i64, sc.parallel_access}
    %dma_wait3A_142 = arith.constant 16384 : i32
    %dma_wait3A_143 = tpu.memref_slice %arg2[%add3A_33, %dma_wait3A_142] : memref<128x32768xf32, #tpu.memory_space<hbm>> -> memref<1x16384xf32, #tpu.memory_space<hbm>>
    %dma_wait3A_144 = tpu.memref_squeeze %dma_wait3A_143 : memref<1x16384xf32, #tpu.memory_space<hbm>> -> memref<16384xf32, #tpu.memory_space<hbm>>
    %dma_wait3A_145 = arith.constant 16384 : i32
    %dma_wait3A_146 = tpu.memref_slice %arg2[%add3A_33, %dma_wait3A_145] : memref<128x32768xf32, #tpu.memory_space<hbm>> -> memref<1x16384xf32, #tpu.memory_space<hbm>>
    %dma_wait3A_147 = tpu.memref_squeeze %dma_wait3A_146 : memref<1x16384xf32, #tpu.memory_space<hbm>> -> memref<16384xf32, #tpu.memory_space<hbm>>
    tpu.wait_dma2 semaphore(%arg9 : memref<!tpu.dma_semaphore, #tpu.memory_space<semaphore_mem>>) src(%dma_wait3A_147 : memref<16384xf32, #tpu.memory_space<hbm>>) dst(%arg6 : memref<16384xf32, #tpu.memory_space<vmem>>)
    %parallel_loop3A_148 = arith.constant 0 : i32
    %parallel_loop3A_149 = arith.constant 1024 : i32
    %parallel_loop3A_150 = arith.constant 1 : i32
    scf.for %parallel_loop3A_153 = %parallel_loop3A_148 to %parallel_loop3A_149 step %parallel_loop3A_150  : i32 {
      %parallel_loop3A_154 = arith.constant 16 : i32
      %parallel_loop3A_155 = arith.muli %parallel_loop3A_153, %parallel_loop3A_154 : i32
      %parallel_loop3A_156 = arith.index_cast %parallel_loop3A_155 : i32 to index
      %parallel_loop3A_157 = tpu.vector_load %arg6[%parallel_loop3A_156] {strides = array<i32>} : memref<16384xf32, #tpu.memory_space<vmem>>, vector<16xf32>,
      %parallel_loop3A_158 = tpu.bitcast %parallel_loop3A_157 : vector<16xf32> -> vector<16xi32>
      %parallel_loop3A_159 = arith.constant 31 : i32
      %parallel_loop3A_160 = vector.broadcast %parallel_loop3A_159 : i32 to vector<16xi32>
      %parallel_loop3A_161 = arith.shrsi %parallel_loop3A_158, %parallel_loop3A_160 : vector<16xi32>
      %parallel_loop3A_162 = arith.constant -2147483648 : i32
      %parallel_loop3A_163 = vector.broadcast %parallel_loop3A_162 : i32 to vector<16xi32>
      %parallel_loop3A_164 = arith.ori %parallel_loop3A_161, %parallel_loop3A_163 : vector<16xi32>
      %parallel_loop3A_165 = arith.xori %parallel_loop3A_158, %parallel_loop3A_164 : vector<16xi32>
      %parallel_loop3A_166 = arith.constant 20 : i32
      %parallel_loop3A_167 = vector.broadcast %parallel_loop3A_166 : i32 to vector<16xi32>
      %parallel_loop3A_168 = arith.shrui %parallel_loop3A_165, %parallel_loop3A_167 : vector<16xi32>
      %parallel_loop3A_169 = arith.constant 7 : i32
      %parallel_loop3A_170 = vector.broadcast %parallel_loop3A_169 : i32 to vector<16xi32>
      %parallel_loop3A_171 = arith.shrui %parallel_loop3A_168, %parallel_loop3A_170 : vector<16xi32>
      %parallel_loop3A_172 = arith.constant 127 : i32
      %parallel_loop3A_173 = vector.broadcast %parallel_loop3A_172 : i32 to vector<16xi32>
      %parallel_loop3A_174 = arith.andi %parallel_loop3A_168, %parallel_loop3A_173 : vector<16xi32>
      tpu.vector_store_idx %arg7[%iota3A, %parallel_loop3A_171, %parallel_loop3A_174], %broadcast_in_dim3A_1 {add = true} : memref<16x32x128xi32, #tpu.memory_space<vmem>>[vector<16xi32>, vector<16xi32>, vector<16xi32>], vector<16xi32>,
    } {sc.loop_unroll_factor = 8 : i64, sc.parallel_access}
    %mul3A_151 = arith.constant 16 : i32
    %mul3A_152 = arith.muli %add3A, %mul3A_151 : i32
    "tpu.region"() ({
      %run_scoped3A = tpu.sem_alloc : memref<!tpu.dma_semaphore, #tpu.memory_space<semaphore_mem>>
      %dma_start3A_153 = arith.constant 0 : i32
      %dma_start3A_154 = arith.constant 0 : i32
      %dma_start3A_155 = tpu.memref_slice %arg4[%mul3A_152, %dma_start3A_153, %dma_start3A_154] : memref<512x32x128xi32, #tpu.memory_space<hbm>> -> memref<16x32x128xi32, #tpu.memory_space<hbm>>
      %dma_start3A_156 = arith.constant 0 : i32
      %dma_start3A_157 = arith.constant 0 : i32
      %dma_start3A_158 = tpu.memref_slice %arg4[%mul3A_152, %dma_start3A_156, %dma_start3A_157] : memref<512x32x128xi32, #tpu.memory_space<hbm>> -> memref<16x32x128xi32, #tpu.memory_space<hbm>>
      tpu.enqueue_dma source(%arg7 : memref<16x32x128xi32, #tpu.memory_space<vmem>>) target(%dma_start3A_158 : memref<16x32x128xi32, #tpu.memory_space<hbm>>) target_semaphore(%run_scoped3A : memref<!tpu.dma_semaphore, #tpu.memory_space<semaphore_mem>>)
      %dma_wait3A_159 = arith.constant 0 : i32
      %dma_wait3A_160 = arith.constant 0 : i32
      %dma_wait3A_161 = tpu.memref_slice %arg4[%mul3A_152, %dma_wait3A_159, %dma_wait3A_160] : memref<512x32x128xi32, #tpu.memory_space<hbm>> -> memref<16x32x128xi32, #tpu.memory_space<hbm>>
      %dma_wait3A_162 = arith.constant 0 : i32
      %dma_wait3A_163 = arith.constant 0 : i32
      %dma_wait3A_164 = tpu.memref_slice %arg4[%mul3A_152, %dma_wait3A_162, %dma_wait3A_163] : memref<512x32x128xi32, #tpu.memory_space<hbm>> -> memref<16x32x128xi32, #tpu.memory_space<hbm>>
      tpu.wait_dma2 semaphore(%run_scoped3A : memref<!tpu.dma_semaphore, #tpu.memory_space<semaphore_mem>>) src(%arg7 : memref<16x32x128xi32, #tpu.memory_space<vmem>>) dst(%dma_wait3A_164 : memref<16x32x128xi32, #tpu.memory_space<hbm>>)
      tpu.yield
    }) : () -> ()
    return
  }
}

#map = affine_map<(d0, d1) -> (0, 0)>
#map1 = affine_map<(d0, d1) -> (0, 0, 0)>
module attributes {stable_mosaic.version = 14 : i64} {
  func.func @k(%arg0: i32, %arg1: i32, %arg2: memref<128x32768xf32, #tpu.memory_space<hbm>>, %arg3: memref<16x2x128xi32, #tpu.memory_space<hbm>>, %arg4: memref<8x128xi32, #tpu.memory_space<hbm>>, %arg5: memref<512x2x128xi32, #tpu.memory_space<hbm>>, %arg6: memref<32x16xi32, #tpu.memory_space<hbm>>, %arg7: memref<16384xf32, #tpu.memory_space<vmem>>, %arg8: memref<16384xf32, #tpu.memory_space<vmem>>, %arg9: memref<16x2x128xi32, #tpu.memory_space<vmem>>, %arg10: memref<128xi32, #tpu.memory_space<vmem>>, %arg11: memref<128xi32, #tpu.memory_space<vmem>>, %arg12: memref<16xi32, #tpu.memory_space<vmem>>, %arg13: memref<!tpu.dma_semaphore, #tpu.memory_space<semaphore_mem>>, %arg14: memref<!tpu.dma_semaphore, #tpu.memory_space<semaphore_mem>>) attributes {dimension_semantics = [#tpu.dimension_semantics<core_parallel>, #tpu.dimension_semantics<subcore_parallel>], iteration_bounds = array<i64: 2, 16>, scalar_prefetch = 0 : i64, scratch_operands = 8 : i64, tpu.core_type = #tpu.core_type<sc_vector_subcore>, window_params = [{transform_indices = #map}, {transform_indices = #map1}, {transform_indices = #map}, {transform_indices = #map1}, {transform_indices = #map}]} {
    %mul3A = arith.constant 2 : i32
    %mul3A_0 = arith.muli %arg1, %mul3A : i32
    %add3A = arith.addi %mul3A_0, %arg0 : i32
    %iota3A = tpu.iota {dimensions = array<i32: 0>} : vector<16xi32>
    %broadcast_in_dim3A = arith.constant 1 : i32
    %broadcast_in_dim3A_1 = vector.broadcast %broadcast_in_dim3A : i32 to vector<16xi32>
    %run_scoped3A = arith.constant 0 : i32
    "tpu.region"() ({
      %run_scoped3A_178 = tpu.sem_alloc : memref<!tpu.dma_semaphore, #tpu.memory_space<semaphore_mem>>
      %dma_start3A_179 = arith.constant 0 : i32
      %dma_start3A_180 = tpu.memref_slice %arg4[%run_scoped3A, %dma_start3A_179] : memref<8x128xi32, #tpu.memory_space<hbm>> -> memref<1x128xi32, #tpu.memory_space<hbm>>
      %dma_start3A_181 = tpu.memref_squeeze %dma_start3A_180 : memref<1x128xi32, #tpu.memory_space<hbm>> -> memref<128xi32, #tpu.memory_space<hbm>>
      %dma_start3A_182 = arith.constant 0 : i32
      %dma_start3A_183 = tpu.memref_slice %arg4[%run_scoped3A, %dma_start3A_182] : memref<8x128xi32, #tpu.memory_space<hbm>> -> memref<1x128xi32, #tpu.memory_space<hbm>>
      %dma_start3A_184 = tpu.memref_squeeze %dma_start3A_183 : memref<1x128xi32, #tpu.memory_space<hbm>> -> memref<128xi32, #tpu.memory_space<hbm>>
      tpu.enqueue_dma source(%dma_start3A_184 : memref<128xi32, #tpu.memory_space<hbm>>) target(%arg10 : memref<128xi32, #tpu.memory_space<vmem>>) target_semaphore(%run_scoped3A_178 : memref<!tpu.dma_semaphore, #tpu.memory_space<semaphore_mem>>)
      %dma_wait3A_185 = arith.constant 0 : i32
      %dma_wait3A_186 = tpu.memref_slice %arg4[%run_scoped3A, %dma_wait3A_185] : memref<8x128xi32, #tpu.memory_space<hbm>> -> memref<1x128xi32, #tpu.memory_space<hbm>>
      %dma_wait3A_187 = tpu.memref_squeeze %dma_wait3A_186 : memref<1x128xi32, #tpu.memory_space<hbm>> -> memref<128xi32, #tpu.memory_space<hbm>>
      %dma_wait3A_188 = arith.constant 0 : i32
      %dma_wait3A_189 = tpu.memref_slice %arg4[%run_scoped3A, %dma_wait3A_188] : memref<8x128xi32, #tpu.memory_space<hbm>> -> memref<1x128xi32, #tpu.memory_space<hbm>>
      %dma_wait3A_190 = tpu.memref_squeeze %dma_wait3A_189 : memref<1x128xi32, #tpu.memory_space<hbm>> -> memref<128xi32, #tpu.memory_space<hbm>>
      tpu.wait_dma2 semaphore(%run_scoped3A_178 : memref<!tpu.dma_semaphore, #tpu.memory_space<semaphore_mem>>) src(%dma_wait3A_190 : memref<128xi32, #tpu.memory_space<hbm>>) dst(%arg10 : memref<128xi32, #tpu.memory_space<vmem>>)
      tpu.yield
    }) : () -> ()
    %run_scoped3A_2 = arith.constant 1 : i32
    "tpu.region"() ({
      %run_scoped3A_178 = tpu.sem_alloc : memref<!tpu.dma_semaphore, #tpu.memory_space<semaphore_mem>>
      %dma_start3A_179 = arith.constant 0 : i32
      %dma_start3A_180 = tpu.memref_slice %arg4[%run_scoped3A_2, %dma_start3A_179] : memref<8x128xi32, #tpu.memory_space<hbm>> -> memref<1x128xi32, #tpu.memory_space<hbm>>
      %dma_start3A_181 = tpu.memref_squeeze %dma_start3A_180 : memref<1x128xi32, #tpu.memory_space<hbm>> -> memref<128xi32, #tpu.memory_space<hbm>>
      %dma_start3A_182 = arith.constant 0 : i32
      %dma_start3A_183 = tpu.memref_slice %arg4[%run_scoped3A_2, %dma_start3A_182] : memref<8x128xi32, #tpu.memory_space<hbm>> -> memref<1x128xi32, #tpu.memory_space<hbm>>
      %dma_start3A_184 = tpu.memref_squeeze %dma_start3A_183 : memref<1x128xi32, #tpu.memory_space<hbm>> -> memref<128xi32, #tpu.memory_space<hbm>>
      tpu.enqueue_dma source(%dma_start3A_184 : memref<128xi32, #tpu.memory_space<hbm>>) target(%arg11 : memref<128xi32, #tpu.memory_space<vmem>>) target_semaphore(%run_scoped3A_178 : memref<!tpu.dma_semaphore, #tpu.memory_space<semaphore_mem>>)
      %dma_wait3A_185 = arith.constant 0 : i32
      %dma_wait3A_186 = tpu.memref_slice %arg4[%run_scoped3A_2, %dma_wait3A_185] : memref<8x128xi32, #tpu.memory_space<hbm>> -> memref<1x128xi32, #tpu.memory_space<hbm>>
      %dma_wait3A_187 = tpu.memref_squeeze %dma_wait3A_186 : memref<1x128xi32, #tpu.memory_space<hbm>> -> memref<128xi32, #tpu.memory_space<hbm>>
      %dma_wait3A_188 = arith.constant 0 : i32
      %dma_wait3A_189 = tpu.memref_slice %arg4[%run_scoped3A_2, %dma_wait3A_188] : memref<8x128xi32, #tpu.memory_space<hbm>> -> memref<1x128xi32, #tpu.memory_space<hbm>>
      %dma_wait3A_190 = tpu.memref_squeeze %dma_wait3A_189 : memref<1x128xi32, #tpu.memory_space<hbm>> -> memref<128xi32, #tpu.memory_space<hbm>>
      tpu.wait_dma2 semaphore(%run_scoped3A_178 : memref<!tpu.dma_semaphore, #tpu.memory_space<semaphore_mem>>) src(%dma_wait3A_190 : memref<128xi32, #tpu.memory_space<hbm>>) dst(%arg11 : memref<128xi32, #tpu.memory_space<vmem>>)
      tpu.yield
    }) : () -> ()
    %get3A = arith.constant 0 : index
    %get3A_3 = tpu.vector_load %arg10[%get3A] {strides = array<i32>} : memref<128xi32, #tpu.memory_space<vmem>>, vector<16xi32>,
    %get3A_4 = arith.constant 0 : index
    %get3A_5 = tpu.vector_load %arg11[%get3A_4] {strides = array<i32>} : memref<128xi32, #tpu.memory_space<vmem>>, vector<16xi32>,
    %shift_left3A = arith.constant 12 : i32
    %shift_left3A_6 = vector.broadcast %shift_left3A : i32 to vector<16xi32>
    %shift_left3A_7 = arith.shli %get3A_3, %shift_left3A_6 : vector<16xi32>
    %or3A = arith.ori %shift_left3A_7, %get3A_5 : vector<16xi32>
    %shift_left3A_8 = arith.constant 8 : i32
    %shift_left3A_9 = vector.broadcast %shift_left3A_8 : i32 to vector<16xi32>
    %shift_left3A_10 = arith.shli %or3A, %shift_left3A_9 : vector<16xi32>
    %or3A_11 = arith.constant 255 : i32
    %or3A_12 = vector.broadcast %or3A_11 : i32 to vector<16xi32>
    %or3A_13 = arith.ori %shift_left3A_10, %or3A_12 : vector<16xi32>
    %xor3A = arith.constant -2147483648 : i32
    %xor3A_14 = vector.broadcast %xor3A : i32 to vector<16xi32>
    %xor3A_15 = arith.xori %or3A_13, %xor3A_14 : vector<16xi32>
    "tpu.region"() ({
      %run_scoped3A_178 = tpu.sem_alloc : memref<!tpu.dma_semaphore, #tpu.memory_space<semaphore_mem>>
      tpu.enqueue_dma source(%arg3 : memref<16x2x128xi32, #tpu.memory_space<hbm>>) target(%arg9 : memref<16x2x128xi32, #tpu.memory_space<vmem>>) target_semaphore(%run_scoped3A_178 : memref<!tpu.dma_semaphore, #tpu.memory_space<semaphore_mem>>)
      tpu.wait_dma2 semaphore(%run_scoped3A_178 : memref<!tpu.dma_semaphore, #tpu.memory_space<semaphore_mem>>) src(%arg3 : memref<16x2x128xi32, #tpu.memory_space<hbm>>) dst(%arg9 : memref<16x2x128xi32, #tpu.memory_space<vmem>>)
      tpu.yield
    }) : () -> ()
    %broadcast_in_dim3A_16 = arith.constant 2147483647 : i32
    %broadcast_in_dim3A_17 = vector.broadcast %broadcast_in_dim3A_16 : i32 to vector<16xi32>
    %mul3A_18 = arith.constant 4 : i32
    %mul3A_19 = arith.muli %add3A, %mul3A_18 : i32
    %add3A_20 = arith.constant 0 : i32
    %add3A_21 = arith.addi %mul3A_19, %add3A_20 : i32
    %mul3A_22 = arith.constant 4 : i32
    %mul3A_23 = arith.muli %add3A, %mul3A_22 : i32
    %add3A_24 = arith.constant 0 : i32
    %add3A_25 = arith.addi %mul3A_23, %add3A_24 : i32
    %mul3A_26 = arith.constant 4 : i32
    %mul3A_27 = arith.muli %add3A, %mul3A_26 : i32
    %add3A_28 = arith.constant 1 : i32
    %add3A_29 = arith.addi %mul3A_27, %add3A_28 : i32
    %mul3A_30 = arith.constant 4 : i32
    %mul3A_31 = arith.muli %add3A, %mul3A_30 : i32
    %add3A_32 = arith.constant 1 : i32
    %add3A_33 = arith.addi %mul3A_31, %add3A_32 : i32
    %mul3A_34 = arith.constant 4 : i32
    %mul3A_35 = arith.muli %add3A, %mul3A_34 : i32
    %add3A_36 = arith.constant 2 : i32
    %add3A_37 = arith.addi %mul3A_35, %add3A_36 : i32
    %mul3A_38 = arith.constant 4 : i32
    %mul3A_39 = arith.muli %add3A, %mul3A_38 : i32
    %add3A_40 = arith.constant 2 : i32
    %add3A_41 = arith.addi %mul3A_39, %add3A_40 : i32
    %mul3A_42 = arith.constant 4 : i32
    %mul3A_43 = arith.muli %add3A, %mul3A_42 : i32
    %add3A_44 = arith.constant 3 : i32
    %add3A_45 = arith.addi %mul3A_43, %add3A_44 : i32
    %mul3A_46 = arith.constant 4 : i32
    %mul3A_47 = arith.muli %add3A, %mul3A_46 : i32
    %add3A_48 = arith.constant 3 : i32
    %add3A_49 = arith.addi %mul3A_47, %add3A_48 : i32
    %dma_start3A = arith.constant 0 : i32
    %dma_start3A_50 = tpu.memref_slice %arg2[%add3A_21, %dma_start3A] : memref<128x32768xf32, #tpu.memory_space<hbm>> -> memref<1x16384xf32, #tpu.memory_space<hbm>>
    %dma_start3A_51 = tpu.memref_squeeze %dma_start3A_50 : memref<1x16384xf32, #tpu.memory_space<hbm>> -> memref<16384xf32, #tpu.memory_space<hbm>>
    %dma_start3A_52 = arith.constant 0 : i32
    %dma_start3A_53 = tpu.memref_slice %arg2[%add3A_21, %dma_start3A_52] : memref<128x32768xf32, #tpu.memory_space<hbm>> -> memref<1x16384xf32, #tpu.memory_space<hbm>>
    %dma_start3A_54 = tpu.memref_squeeze %dma_start3A_53 : memref<1x16384xf32, #tpu.memory_space<hbm>> -> memref<16384xf32, #tpu.memory_space<hbm>>
    tpu.enqueue_dma source(%dma_start3A_54 : memref<16384xf32, #tpu.memory_space<hbm>>) target(%arg7 : memref<16384xf32, #tpu.memory_space<vmem>>) target_semaphore(%arg13 : memref<!tpu.dma_semaphore, #tpu.memory_space<semaphore_mem>>)
    %dma_start3A_55 = arith.constant 16384 : i32
    %dma_start3A_56 = tpu.memref_slice %arg2[%add3A_25, %dma_start3A_55] : memref<128x32768xf32, #tpu.memory_space<hbm>> -> memref<1x16384xf32, #tpu.memory_space<hbm>>
    %dma_start3A_57 = tpu.memref_squeeze %dma_start3A_56 : memref<1x16384xf32, #tpu.memory_space<hbm>> -> memref<16384xf32, #tpu.memory_space<hbm>>
    %dma_start3A_58 = arith.constant 16384 : i32
    %dma_start3A_59 = tpu.memref_slice %arg2[%add3A_25, %dma_start3A_58] : memref<128x32768xf32, #tpu.memory_space<hbm>> -> memref<1x16384xf32, #tpu.memory_space<hbm>>
    %dma_start3A_60 = tpu.memref_squeeze %dma_start3A_59 : memref<1x16384xf32, #tpu.memory_space<hbm>> -> memref<16384xf32, #tpu.memory_space<hbm>>
    tpu.enqueue_dma source(%dma_start3A_60 : memref<16384xf32, #tpu.memory_space<hbm>>) target(%arg8 : memref<16384xf32, #tpu.memory_space<vmem>>) target_semaphore(%arg14 : memref<!tpu.dma_semaphore, #tpu.memory_space<semaphore_mem>>)
    %dma_wait3A = arith.constant 0 : i32
    %dma_wait3A_61 = tpu.memref_slice %arg2[%add3A_21, %dma_wait3A] : memref<128x32768xf32, #tpu.memory_space<hbm>> -> memref<1x16384xf32, #tpu.memory_space<hbm>>
    %dma_wait3A_62 = tpu.memref_squeeze %dma_wait3A_61 : memref<1x16384xf32, #tpu.memory_space<hbm>> -> memref<16384xf32, #tpu.memory_space<hbm>>
    %dma_wait3A_63 = arith.constant 0 : i32
    %dma_wait3A_64 = tpu.memref_slice %arg2[%add3A_21, %dma_wait3A_63] : memref<128x32768xf32, #tpu.memory_space<hbm>> -> memref<1x16384xf32, #tpu.memory_space<hbm>>
    %dma_wait3A_65 = tpu.memref_squeeze %dma_wait3A_64 : memref<1x16384xf32, #tpu.memory_space<hbm>> -> memref<16384xf32, #tpu.memory_space<hbm>>
    tpu.wait_dma2 semaphore(%arg13 : memref<!tpu.dma_semaphore, #tpu.memory_space<semaphore_mem>>) src(%dma_wait3A_65 : memref<16384xf32, #tpu.memory_space<hbm>>) dst(%arg7 : memref<16384xf32, #tpu.memory_space<vmem>>)
    %parallel_loop3A = arith.constant 0 : i32
    %parallel_loop3A_66 = arith.constant 1024 : i32
    %parallel_loop3A_67 = arith.constant 1 : i32
    %parallel_loop3A_68 = scf.for %parallel_loop3A_178 = %parallel_loop3A to %parallel_loop3A_66 step %parallel_loop3A_67 iter_args(%parallel_loop3A_179 = %broadcast_in_dim3A_17) -> (vector<16xi32>)  : i32 {
      %parallel_loop3A_180 = arith.constant 16 : i32
      %parallel_loop3A_181 = arith.muli %parallel_loop3A_178, %parallel_loop3A_180 : i32
      %parallel_loop3A_182 = arith.index_cast %parallel_loop3A_181 : i32 to index
      %parallel_loop3A_183 = tpu.vector_load %arg7[%parallel_loop3A_182] {strides = array<i32>} : memref<16384xf32, #tpu.memory_space<vmem>>, vector<16xf32>,
      %parallel_loop3A_184 = tpu.bitcast %parallel_loop3A_183 : vector<16xf32> -> vector<16xi32>
      %parallel_loop3A_185 = arith.constant 31 : i32
      %parallel_loop3A_186 = vector.broadcast %parallel_loop3A_185 : i32 to vector<16xi32>
      %parallel_loop3A_187 = arith.shrsi %parallel_loop3A_184, %parallel_loop3A_186 : vector<16xi32>
      %parallel_loop3A_188 = arith.constant -2147483648 : i32
      %parallel_loop3A_189 = vector.broadcast %parallel_loop3A_188 : i32 to vector<16xi32>
      %parallel_loop3A_190 = arith.ori %parallel_loop3A_187, %parallel_loop3A_189 : vector<16xi32>
      %parallel_loop3A_191 = arith.xori %parallel_loop3A_184, %parallel_loop3A_190 : vector<16xi32>
      %parallel_loop3A_192 = arith.constant 8 : i32
      %parallel_loop3A_193 = vector.broadcast %parallel_loop3A_192 : i32 to vector<16xi32>
      %parallel_loop3A_194 = arith.shrui %parallel_loop3A_191, %parallel_loop3A_193 : vector<16xi32>
      %parallel_loop3A_195 = arith.constant 7 : i32
      %parallel_loop3A_196 = vector.broadcast %parallel_loop3A_195 : i32 to vector<16xi32>
      %parallel_loop3A_197 = arith.shrui %parallel_loop3A_191, %parallel_loop3A_196 : vector<16xi32>
      %parallel_loop3A_198 = arith.constant 1 : i32
      %parallel_loop3A_199 = vector.broadcast %parallel_loop3A_198 : i32 to vector<16xi32>
      %parallel_loop3A_200 = arith.andi %parallel_loop3A_197, %parallel_loop3A_199 : vector<16xi32>
      %parallel_loop3A_201 = arith.constant 127 : i32
      %parallel_loop3A_202 = vector.broadcast %parallel_loop3A_201 : i32 to vector<16xi32>
      %parallel_loop3A_203 = arith.andi %parallel_loop3A_191, %parallel_loop3A_202 : vector<16xi32>
      %parallel_loop3A_204 = arith.cmpi eq, %parallel_loop3A_194, %or3A : vector<16xi32>
      tpu.vector_store_idx %arg9[%iota3A, %parallel_loop3A_200, %parallel_loop3A_203], %broadcast_in_dim3A_1 masked %parallel_loop3A_204 {add = true} : memref<16x2x128xi32, #tpu.memory_space<vmem>>[vector<16xi32>, vector<16xi32>, vector<16xi32>], vector<16xi32>, vector<16xi1>
      %parallel_loop3A_205 = arith.constant -2147483648 : i32
      %parallel_loop3A_206 = vector.broadcast %parallel_loop3A_205 : i32 to vector<16xi32>
      %parallel_loop3A_207 = arith.xori %parallel_loop3A_191, %parallel_loop3A_206 : vector<16xi32>
      %parallel_loop3A_208 = arith.cmpi sgt, %parallel_loop3A_207, %xor3A_15 : vector<16xi32>
      %parallel_loop3A_209 = arith.constant 2147483647 : i32
      %parallel_loop3A_210 = vector.broadcast %parallel_loop3A_209 : i32 to vector<16xi32>
      %parallel_loop3A_211 = arith.select %parallel_loop3A_208, %parallel_loop3A_207, %parallel_loop3A_210 : vector<16xi1>, vector<16xi32>
      %parallel_loop3A_212 = arith.minsi %parallel_loop3A_179, %parallel_loop3A_211 : vector<16xi32>
      scf.yield %parallel_loop3A_212 : vector<16xi32>
    } {sc.loop_unroll_factor = 8 : i64, sc.parallel_access}
    %dma_start3A_69 = arith.constant 0 : i32
    %dma_start3A_70 = tpu.memref_slice %arg2[%add3A_29, %dma_start3A_69] : memref<128x32768xf32, #tpu.memory_space<hbm>> -> memref<1x16384xf32, #tpu.memory_space<hbm>>
    %dma_start3A_71 = tpu.memref_squeeze %dma_start3A_70 : memref<1x16384xf32, #tpu.memory_space<hbm>> -> memref<16384xf32, #tpu.memory_space<hbm>>
    %dma_start3A_72 = arith.constant 0 : i32
    %dma_start3A_73 = tpu.memref_slice %arg2[%add3A_29, %dma_start3A_72] : memref<128x32768xf32, #tpu.memory_space<hbm>> -> memref<1x16384xf32, #tpu.memory_space<hbm>>
    %dma_start3A_74 = tpu.memref_squeeze %dma_start3A_73 : memref<1x16384xf32, #tpu.memory_space<hbm>> -> memref<16384xf32, #tpu.memory_space<hbm>>
    tpu.enqueue_dma source(%dma_start3A_74 : memref<16384xf32, #tpu.memory_space<hbm>>) target(%arg7 : memref<16384xf32, #tpu.memory_space<vmem>>) target_semaphore(%arg13 : memref<!tpu.dma_semaphore, #tpu.memory_space<semaphore_mem>>)
    %dma_wait3A_75 = arith.constant 16384 : i32
    %dma_wait3A_76 = tpu.memref_slice %arg2[%add3A_25, %dma_wait3A_75] : memref<128x32768xf32, #tpu.memory_space<hbm>> -> memref<1x16384xf32, #tpu.memory_space<hbm>>
    %dma_wait3A_77 = tpu.memref_squeeze %dma_wait3A_76 : memref<1x16384xf32, #tpu.memory_space<hbm>> -> memref<16384xf32, #tpu.memory_space<hbm>>
    %dma_wait3A_78 = arith.constant 16384 : i32
    %dma_wait3A_79 = tpu.memref_slice %arg2[%add3A_25, %dma_wait3A_78] : memref<128x32768xf32, #tpu.memory_space<hbm>> -> memref<1x16384xf32, #tpu.memory_space<hbm>>
    %dma_wait3A_80 = tpu.memref_squeeze %dma_wait3A_79 : memref<1x16384xf32, #tpu.memory_space<hbm>> -> memref<16384xf32, #tpu.memory_space<hbm>>
    tpu.wait_dma2 semaphore(%arg14 : memref<!tpu.dma_semaphore, #tpu.memory_space<semaphore_mem>>) src(%dma_wait3A_80 : memref<16384xf32, #tpu.memory_space<hbm>>) dst(%arg8 : memref<16384xf32, #tpu.memory_space<vmem>>)
    %parallel_loop3A_81 = arith.constant 0 : i32
    %parallel_loop3A_82 = arith.constant 1024 : i32
    %parallel_loop3A_83 = arith.constant 1 : i32
    %parallel_loop3A_84 = scf.for %parallel_loop3A_178 = %parallel_loop3A_81 to %parallel_loop3A_82 step %parallel_loop3A_83 iter_args(%parallel_loop3A_179 = %parallel_loop3A_68) -> (vector<16xi32>)  : i32 {
      %parallel_loop3A_180 = arith.constant 16 : i32
      %parallel_loop3A_181 = arith.muli %parallel_loop3A_178, %parallel_loop3A_180 : i32
      %parallel_loop3A_182 = arith.index_cast %parallel_loop3A_181 : i32 to index
      %parallel_loop3A_183 = tpu.vector_load %arg8[%parallel_loop3A_182] {strides = array<i32>} : memref<16384xf32, #tpu.memory_space<vmem>>, vector<16xf32>,
      %parallel_loop3A_184 = tpu.bitcast %parallel_loop3A_183 : vector<16xf32> -> vector<16xi32>
      %parallel_loop3A_185 = arith.constant 31 : i32
      %parallel_loop3A_186 = vector.broadcast %parallel_loop3A_185 : i32 to vector<16xi32>
      %parallel_loop3A_187 = arith.shrsi %parallel_loop3A_184, %parallel_loop3A_186 : vector<16xi32>
      %parallel_loop3A_188 = arith.constant -2147483648 : i32
      %parallel_loop3A_189 = vector.broadcast %parallel_loop3A_188 : i32 to vector<16xi32>
      %parallel_loop3A_190 = arith.ori %parallel_loop3A_187, %parallel_loop3A_189 : vector<16xi32>
      %parallel_loop3A_191 = arith.xori %parallel_loop3A_184, %parallel_loop3A_190 : vector<16xi32>
      %parallel_loop3A_192 = arith.constant 8 : i32
      %parallel_loop3A_193 = vector.broadcast %parallel_loop3A_192 : i32 to vector<16xi32>
      %parallel_loop3A_194 = arith.shrui %parallel_loop3A_191, %parallel_loop3A_193 : vector<16xi32>
      %parallel_loop3A_195 = arith.constant 7 : i32
      %parallel_loop3A_196 = vector.broadcast %parallel_loop3A_195 : i32 to vector<16xi32>
      %parallel_loop3A_197 = arith.shrui %parallel_loop3A_191, %parallel_loop3A_196 : vector<16xi32>
      %parallel_loop3A_198 = arith.constant 1 : i32
      %parallel_loop3A_199 = vector.broadcast %parallel_loop3A_198 : i32 to vector<16xi32>
      %parallel_loop3A_200 = arith.andi %parallel_loop3A_197, %parallel_loop3A_199 : vector<16xi32>
      %parallel_loop3A_201 = arith.constant 127 : i32
      %parallel_loop3A_202 = vector.broadcast %parallel_loop3A_201 : i32 to vector<16xi32>
      %parallel_loop3A_203 = arith.andi %parallel_loop3A_191, %parallel_loop3A_202 : vector<16xi32>
      %parallel_loop3A_204 = arith.cmpi eq, %parallel_loop3A_194, %or3A : vector<16xi32>
      tpu.vector_store_idx %arg9[%iota3A, %parallel_loop3A_200, %parallel_loop3A_203], %broadcast_in_dim3A_1 masked %parallel_loop3A_204 {add = true} : memref<16x2x128xi32, #tpu.memory_space<vmem>>[vector<16xi32>, vector<16xi32>, vector<16xi32>], vector<16xi32>, vector<16xi1>
      %parallel_loop3A_205 = arith.constant -2147483648 : i32
      %parallel_loop3A_206 = vector.broadcast %parallel_loop3A_205 : i32 to vector<16xi32>
      %parallel_loop3A_207 = arith.xori %parallel_loop3A_191, %parallel_loop3A_206 : vector<16xi32>
      %parallel_loop3A_208 = arith.cmpi sgt, %parallel_loop3A_207, %xor3A_15 : vector<16xi32>
      %parallel_loop3A_209 = arith.constant 2147483647 : i32
      %parallel_loop3A_210 = vector.broadcast %parallel_loop3A_209 : i32 to vector<16xi32>
      %parallel_loop3A_211 = arith.select %parallel_loop3A_208, %parallel_loop3A_207, %parallel_loop3A_210 : vector<16xi1>, vector<16xi32>
      %parallel_loop3A_212 = arith.minsi %parallel_loop3A_179, %parallel_loop3A_211 : vector<16xi32>
      scf.yield %parallel_loop3A_212 : vector<16xi32>
    } {sc.loop_unroll_factor = 8 : i64, sc.parallel_access}
    %dma_start3A_85 = arith.constant 16384 : i32
    %dma_start3A_86 = tpu.memref_slice %arg2[%add3A_33, %dma_start3A_85] : memref<128x32768xf32, #tpu.memory_space<hbm>> -> memref<1x16384xf32, #tpu.memory_space<hbm>>
    %dma_start3A_87 = tpu.memref_squeeze %dma_start3A_86 : memref<1x16384xf32, #tpu.memory_space<hbm>> -> memref<16384xf32, #tpu.memory_space<hbm>>
    %dma_start3A_88 = arith.constant 16384 : i32
    %dma_start3A_89 = tpu.memref_slice %arg2[%add3A_33, %dma_start3A_88] : memref<128x32768xf32, #tpu.memory_space<hbm>> -> memref<1x16384xf32, #tpu.memory_space<hbm>>
    %dma_start3A_90 = tpu.memref_squeeze %dma_start3A_89 : memref<1x16384xf32, #tpu.memory_space<hbm>> -> memref<16384xf32, #tpu.memory_space<hbm>>
    tpu.enqueue_dma source(%dma_start3A_90 : memref<16384xf32, #tpu.memory_space<hbm>>) target(%arg8 : memref<16384xf32, #tpu.memory_space<vmem>>) target_semaphore(%arg14 : memref<!tpu.dma_semaphore, #tpu.memory_space<semaphore_mem>>)
    %dma_wait3A_91 = arith.constant 0 : i32
    %dma_wait3A_92 = tpu.memref_slice %arg2[%add3A_29, %dma_wait3A_91] : memref<128x32768xf32, #tpu.memory_space<hbm>> -> memref<1x16384xf32, #tpu.memory_space<hbm>>
    %dma_wait3A_93 = tpu.memref_squeeze %dma_wait3A_92 : memref<1x16384xf32, #tpu.memory_space<hbm>> -> memref<16384xf32, #tpu.memory_space<hbm>>
    %dma_wait3A_94 = arith.constant 0 : i32
    %dma_wait3A_95 = tpu.memref_slice %arg2[%add3A_29, %dma_wait3A_94] : memref<128x32768xf32, #tpu.memory_space<hbm>> -> memref<1x16384xf32, #tpu.memory_space<hbm>>
    %dma_wait3A_96 = tpu.memref_squeeze %dma_wait3A_95 : memref<1x16384xf32, #tpu.memory_space<hbm>> -> memref<16384xf32, #tpu.memory_space<hbm>>
    tpu.wait_dma2 semaphore(%arg13 : memref<!tpu.dma_semaphore, #tpu.memory_space<semaphore_mem>>) src(%dma_wait3A_96 : memref<16384xf32, #tpu.memory_space<hbm>>) dst(%arg7 : memref<16384xf32, #tpu.memory_space<vmem>>)
    %parallel_loop3A_97 = arith.constant 0 : i32
    %parallel_loop3A_98 = arith.constant 1024 : i32
    %parallel_loop3A_99 = arith.constant 1 : i32
    %parallel_loop3A_100 = scf.for %parallel_loop3A_178 = %parallel_loop3A_97 to %parallel_loop3A_98 step %parallel_loop3A_99 iter_args(%parallel_loop3A_179 = %parallel_loop3A_84) -> (vector<16xi32>)  : i32 {
      %parallel_loop3A_180 = arith.constant 16 : i32
      %parallel_loop3A_181 = arith.muli %parallel_loop3A_178, %parallel_loop3A_180 : i32
      %parallel_loop3A_182 = arith.index_cast %parallel_loop3A_181 : i32 to index
      %parallel_loop3A_183 = tpu.vector_load %arg7[%parallel_loop3A_182] {strides = array<i32>} : memref<16384xf32, #tpu.memory_space<vmem>>, vector<16xf32>,
      %parallel_loop3A_184 = tpu.bitcast %parallel_loop3A_183 : vector<16xf32> -> vector<16xi32>
      %parallel_loop3A_185 = arith.constant 31 : i32
      %parallel_loop3A_186 = vector.broadcast %parallel_loop3A_185 : i32 to vector<16xi32>
      %parallel_loop3A_187 = arith.shrsi %parallel_loop3A_184, %parallel_loop3A_186 : vector<16xi32>
      %parallel_loop3A_188 = arith.constant -2147483648 : i32
      %parallel_loop3A_189 = vector.broadcast %parallel_loop3A_188 : i32 to vector<16xi32>
      %parallel_loop3A_190 = arith.ori %parallel_loop3A_187, %parallel_loop3A_189 : vector<16xi32>
      %parallel_loop3A_191 = arith.xori %parallel_loop3A_184, %parallel_loop3A_190 : vector<16xi32>
      %parallel_loop3A_192 = arith.constant 8 : i32
      %parallel_loop3A_193 = vector.broadcast %parallel_loop3A_192 : i32 to vector<16xi32>
      %parallel_loop3A_194 = arith.shrui %parallel_loop3A_191, %parallel_loop3A_193 : vector<16xi32>
      %parallel_loop3A_195 = arith.constant 7 : i32
      %parallel_loop3A_196 = vector.broadcast %parallel_loop3A_195 : i32 to vector<16xi32>
      %parallel_loop3A_197 = arith.shrui %parallel_loop3A_191, %parallel_loop3A_196 : vector<16xi32>
      %parallel_loop3A_198 = arith.constant 1 : i32
      %parallel_loop3A_199 = vector.broadcast %parallel_loop3A_198 : i32 to vector<16xi32>
      %parallel_loop3A_200 = arith.andi %parallel_loop3A_197, %parallel_loop3A_199 : vector<16xi32>
      %parallel_loop3A_201 = arith.constant 127 : i32
      %parallel_loop3A_202 = vector.broadcast %parallel_loop3A_201 : i32 to vector<16xi32>
      %parallel_loop3A_203 = arith.andi %parallel_loop3A_191, %parallel_loop3A_202 : vector<16xi32>
      %parallel_loop3A_204 = arith.cmpi eq, %parallel_loop3A_194, %or3A : vector<16xi32>
      tpu.vector_store_idx %arg9[%iota3A, %parallel_loop3A_200, %parallel_loop3A_203], %broadcast_in_dim3A_1 masked %parallel_loop3A_204 {add = true} : memref<16x2x128xi32, #tpu.memory_space<vmem>>[vector<16xi32>, vector<16xi32>, vector<16xi32>], vector<16xi32>, vector<16xi1>
      %parallel_loop3A_205 = arith.constant -2147483648 : i32
      %parallel_loop3A_206 = vector.broadcast %parallel_loop3A_205 : i32 to vector<16xi32>
      %parallel_loop3A_207 = arith.xori %parallel_loop3A_191, %parallel_loop3A_206 : vector<16xi32>
      %parallel_loop3A_208 = arith.cmpi sgt, %parallel_loop3A_207, %xor3A_15 : vector<16xi32>
      %parallel_loop3A_209 = arith.constant 2147483647 : i32
      %parallel_loop3A_210 = vector.broadcast %parallel_loop3A_209 : i32 to vector<16xi32>
      %parallel_loop3A_211 = arith.select %parallel_loop3A_208, %parallel_loop3A_207, %parallel_loop3A_210 : vector<16xi1>, vector<16xi32>
      %parallel_loop3A_212 = arith.minsi %parallel_loop3A_179, %parallel_loop3A_211 : vector<16xi32>
      scf.yield %parallel_loop3A_212 : vector<16xi32>
    } {sc.loop_unroll_factor = 8 : i64, sc.parallel_access}
    %dma_start3A_101 = arith.constant 0 : i32
    %dma_start3A_102 = tpu.memref_slice %arg2[%add3A_37, %dma_start3A_101] : memref<128x32768xf32, #tpu.memory_space<hbm>> -> memref<1x16384xf32, #tpu.memory_space<hbm>>
    %dma_start3A_103 = tpu.memref_squeeze %dma_start3A_102 : memref<1x16384xf32, #tpu.memory_space<hbm>> -> memref<16384xf32, #tpu.memory_space<hbm>>
    %dma_start3A_104 = arith.constant 0 : i32
    %dma_start3A_105 = tpu.memref_slice %arg2[%add3A_37, %dma_start3A_104] : memref<128x32768xf32, #tpu.memory_space<hbm>> -> memref<1x16384xf32, #tpu.memory_space<hbm>>
    %dma_start3A_106 = tpu.memref_squeeze %dma_start3A_105 : memref<1x16384xf32, #tpu.memory_space<hbm>> -> memref<16384xf32, #tpu.memory_space<hbm>>
    tpu.enqueue_dma source(%dma_start3A_106 : memref<16384xf32, #tpu.memory_space<hbm>>) target(%arg7 : memref<16384xf32, #tpu.memory_space<vmem>>) target_semaphore(%arg13 : memref<!tpu.dma_semaphore, #tpu.memory_space<semaphore_mem>>)
    %dma_wait3A_107 = arith.constant 16384 : i32
    %dma_wait3A_108 = tpu.memref_slice %arg2[%add3A_33, %dma_wait3A_107] : memref<128x32768xf32, #tpu.memory_space<hbm>> -> memref<1x16384xf32, #tpu.memory_space<hbm>>
    %dma_wait3A_109 = tpu.memref_squeeze %dma_wait3A_108 : memref<1x16384xf32, #tpu.memory_space<hbm>> -> memref<16384xf32, #tpu.memory_space<hbm>>
    %dma_wait3A_110 = arith.constant 16384 : i32
    %dma_wait3A_111 = tpu.memref_slice %arg2[%add3A_33, %dma_wait3A_110] : memref<128x32768xf32, #tpu.memory_space<hbm>> -> memref<1x16384xf32, #tpu.memory_space<hbm>>
    %dma_wait3A_112 = tpu.memref_squeeze %dma_wait3A_111 : memref<1x16384xf32, #tpu.memory_space<hbm>> -> memref<16384xf32, #tpu.memory_space<hbm>>
    tpu.wait_dma2 semaphore(%arg14 : memref<!tpu.dma_semaphore, #tpu.memory_space<semaphore_mem>>) src(%dma_wait3A_112 : memref<16384xf32, #tpu.memory_space<hbm>>) dst(%arg8 : memref<16384xf32, #tpu.memory_space<vmem>>)
    %parallel_loop3A_113 = arith.constant 0 : i32
    %parallel_loop3A_114 = arith.constant 1024 : i32
    %parallel_loop3A_115 = arith.constant 1 : i32
    %parallel_loop3A_116 = scf.for %parallel_loop3A_178 = %parallel_loop3A_113 to %parallel_loop3A_114 step %parallel_loop3A_115 iter_args(%parallel_loop3A_179 = %parallel_loop3A_100) -> (vector<16xi32>)  : i32 {
      %parallel_loop3A_180 = arith.constant 16 : i32
      %parallel_loop3A_181 = arith.muli %parallel_loop3A_178, %parallel_loop3A_180 : i32
      %parallel_loop3A_182 = arith.index_cast %parallel_loop3A_181 : i32 to index
      %parallel_loop3A_183 = tpu.vector_load %arg8[%parallel_loop3A_182] {strides = array<i32>} : memref<16384xf32, #tpu.memory_space<vmem>>, vector<16xf32>,
      %parallel_loop3A_184 = tpu.bitcast %parallel_loop3A_183 : vector<16xf32> -> vector<16xi32>
      %parallel_loop3A_185 = arith.constant 31 : i32
      %parallel_loop3A_186 = vector.broadcast %parallel_loop3A_185 : i32 to vector<16xi32>
      %parallel_loop3A_187 = arith.shrsi %parallel_loop3A_184, %parallel_loop3A_186 : vector<16xi32>
      %parallel_loop3A_188 = arith.constant -2147483648 : i32
      %parallel_loop3A_189 = vector.broadcast %parallel_loop3A_188 : i32 to vector<16xi32>
      %parallel_loop3A_190 = arith.ori %parallel_loop3A_187, %parallel_loop3A_189 : vector<16xi32>
      %parallel_loop3A_191 = arith.xori %parallel_loop3A_184, %parallel_loop3A_190 : vector<16xi32>
      %parallel_loop3A_192 = arith.constant 8 : i32
      %parallel_loop3A_193 = vector.broadcast %parallel_loop3A_192 : i32 to vector<16xi32>
      %parallel_loop3A_194 = arith.shrui %parallel_loop3A_191, %parallel_loop3A_193 : vector<16xi32>
      %parallel_loop3A_195 = arith.constant 7 : i32
      %parallel_loop3A_196 = vector.broadcast %parallel_loop3A_195 : i32 to vector<16xi32>
      %parallel_loop3A_197 = arith.shrui %parallel_loop3A_191, %parallel_loop3A_196 : vector<16xi32>
      %parallel_loop3A_198 = arith.constant 1 : i32
      %parallel_loop3A_199 = vector.broadcast %parallel_loop3A_198 : i32 to vector<16xi32>
      %parallel_loop3A_200 = arith.andi %parallel_loop3A_197, %parallel_loop3A_199 : vector<16xi32>
      %parallel_loop3A_201 = arith.constant 127 : i32
      %parallel_loop3A_202 = vector.broadcast %parallel_loop3A_201 : i32 to vector<16xi32>
      %parallel_loop3A_203 = arith.andi %parallel_loop3A_191, %parallel_loop3A_202 : vector<16xi32>
      %parallel_loop3A_204 = arith.cmpi eq, %parallel_loop3A_194, %or3A : vector<16xi32>
      tpu.vector_store_idx %arg9[%iota3A, %parallel_loop3A_200, %parallel_loop3A_203], %broadcast_in_dim3A_1 masked %parallel_loop3A_204 {add = true} : memref<16x2x128xi32, #tpu.memory_space<vmem>>[vector<16xi32>, vector<16xi32>, vector<16xi32>], vector<16xi32>, vector<16xi1>
      %parallel_loop3A_205 = arith.constant -2147483648 : i32
      %parallel_loop3A_206 = vector.broadcast %parallel_loop3A_205 : i32 to vector<16xi32>
      %parallel_loop3A_207 = arith.xori %parallel_loop3A_191, %parallel_loop3A_206 : vector<16xi32>
      %parallel_loop3A_208 = arith.cmpi sgt, %parallel_loop3A_207, %xor3A_15 : vector<16xi32>
      %parallel_loop3A_209 = arith.constant 2147483647 : i32
      %parallel_loop3A_210 = vector.broadcast %parallel_loop3A_209 : i32 to vector<16xi32>
      %parallel_loop3A_211 = arith.select %parallel_loop3A_208, %parallel_loop3A_207, %parallel_loop3A_210 : vector<16xi1>, vector<16xi32>
      %parallel_loop3A_212 = arith.minsi %parallel_loop3A_179, %parallel_loop3A_211 : vector<16xi32>
      scf.yield %parallel_loop3A_212 : vector<16xi32>
    } {sc.loop_unroll_factor = 8 : i64, sc.parallel_access}
    %dma_start3A_117 = arith.constant 16384 : i32
    %dma_start3A_118 = tpu.memref_slice %arg2[%add3A_41, %dma_start3A_117] : memref<128x32768xf32, #tpu.memory_space<hbm>> -> memref<1x16384xf32, #tpu.memory_space<hbm>>
    %dma_start3A_119 = tpu.memref_squeeze %dma_start3A_118 : memref<1x16384xf32, #tpu.memory_space<hbm>> -> memref<16384xf32, #tpu.memory_space<hbm>>
    %dma_start3A_120 = arith.constant 16384 : i32
    %dma_start3A_121 = tpu.memref_slice %arg2[%add3A_41, %dma_start3A_120] : memref<128x32768xf32, #tpu.memory_space<hbm>> -> memref<1x16384xf32, #tpu.memory_space<hbm>>
    %dma_start3A_122 = tpu.memref_squeeze %dma_start3A_121 : memref<1x16384xf32, #tpu.memory_space<hbm>> -> memref<16384xf32, #tpu.memory_space<hbm>>
    tpu.enqueue_dma source(%dma_start3A_122 : memref<16384xf32, #tpu.memory_space<hbm>>) target(%arg8 : memref<16384xf32, #tpu.memory_space<vmem>>) target_semaphore(%arg14 : memref<!tpu.dma_semaphore, #tpu.memory_space<semaphore_mem>>)
    %dma_wait3A_123 = arith.constant 0 : i32
    %dma_wait3A_124 = tpu.memref_slice %arg2[%add3A_37, %dma_wait3A_123] : memref<128x32768xf32, #tpu.memory_space<hbm>> -> memref<1x16384xf32, #tpu.memory_space<hbm>>
    %dma_wait3A_125 = tpu.memref_squeeze %dma_wait3A_124 : memref<1x16384xf32, #tpu.memory_space<hbm>> -> memref<16384xf32, #tpu.memory_space<hbm>>
    %dma_wait3A_126 = arith.constant 0 : i32
    %dma_wait3A_127 = tpu.memref_slice %arg2[%add3A_37, %dma_wait3A_126] : memref<128x32768xf32, #tpu.memory_space<hbm>> -> memref<1x16384xf32, #tpu.memory_space<hbm>>
    %dma_wait3A_128 = tpu.memref_squeeze %dma_wait3A_127 : memref<1x16384xf32, #tpu.memory_space<hbm>> -> memref<16384xf32, #tpu.memory_space<hbm>>
    tpu.wait_dma2 semaphore(%arg13 : memref<!tpu.dma_semaphore, #tpu.memory_space<semaphore_mem>>) src(%dma_wait3A_128 : memref<16384xf32, #tpu.memory_space<hbm>>) dst(%arg7 : memref<16384xf32, #tpu.memory_space<vmem>>)
    %parallel_loop3A_129 = arith.constant 0 : i32
    %parallel_loop3A_130 = arith.constant 1024 : i32
    %parallel_loop3A_131 = arith.constant 1 : i32
    %parallel_loop3A_132 = scf.for %parallel_loop3A_178 = %parallel_loop3A_129 to %parallel_loop3A_130 step %parallel_loop3A_131 iter_args(%parallel_loop3A_179 = %parallel_loop3A_116) -> (vector<16xi32>)  : i32 {
      %parallel_loop3A_180 = arith.constant 16 : i32
      %parallel_loop3A_181 = arith.muli %parallel_loop3A_178, %parallel_loop3A_180 : i32
      %parallel_loop3A_182 = arith.index_cast %parallel_loop3A_181 : i32 to index
      %parallel_loop3A_183 = tpu.vector_load %arg7[%parallel_loop3A_182] {strides = array<i32>} : memref<16384xf32, #tpu.memory_space<vmem>>, vector<16xf32>,
      %parallel_loop3A_184 = tpu.bitcast %parallel_loop3A_183 : vector<16xf32> -> vector<16xi32>
      %parallel_loop3A_185 = arith.constant 31 : i32
      %parallel_loop3A_186 = vector.broadcast %parallel_loop3A_185 : i32 to vector<16xi32>
      %parallel_loop3A_187 = arith.shrsi %parallel_loop3A_184, %parallel_loop3A_186 : vector<16xi32>
      %parallel_loop3A_188 = arith.constant -2147483648 : i32
      %parallel_loop3A_189 = vector.broadcast %parallel_loop3A_188 : i32 to vector<16xi32>
      %parallel_loop3A_190 = arith.ori %parallel_loop3A_187, %parallel_loop3A_189 : vector<16xi32>
      %parallel_loop3A_191 = arith.xori %parallel_loop3A_184, %parallel_loop3A_190 : vector<16xi32>
      %parallel_loop3A_192 = arith.constant 8 : i32
      %parallel_loop3A_193 = vector.broadcast %parallel_loop3A_192 : i32 to vector<16xi32>
      %parallel_loop3A_194 = arith.shrui %parallel_loop3A_191, %parallel_loop3A_193 : vector<16xi32>
      %parallel_loop3A_195 = arith.constant 7 : i32
      %parallel_loop3A_196 = vector.broadcast %parallel_loop3A_195 : i32 to vector<16xi32>
      %parallel_loop3A_197 = arith.shrui %parallel_loop3A_191, %parallel_loop3A_196 : vector<16xi32>
      %parallel_loop3A_198 = arith.constant 1 : i32
      %parallel_loop3A_199 = vector.broadcast %parallel_loop3A_198 : i32 to vector<16xi32>
      %parallel_loop3A_200 = arith.andi %parallel_loop3A_197, %parallel_loop3A_199 : vector<16xi32>
      %parallel_loop3A_201 = arith.constant 127 : i32
      %parallel_loop3A_202 = vector.broadcast %parallel_loop3A_201 : i32 to vector<16xi32>
      %parallel_loop3A_203 = arith.andi %parallel_loop3A_191, %parallel_loop3A_202 : vector<16xi32>
      %parallel_loop3A_204 = arith.cmpi eq, %parallel_loop3A_194, %or3A : vector<16xi32>
      tpu.vector_store_idx %arg9[%iota3A, %parallel_loop3A_200, %parallel_loop3A_203], %broadcast_in_dim3A_1 masked %parallel_loop3A_204 {add = true} : memref<16x2x128xi32, #tpu.memory_space<vmem>>[vector<16xi32>, vector<16xi32>, vector<16xi32>], vector<16xi32>, vector<16xi1>
      %parallel_loop3A_205 = arith.constant -2147483648 : i32
      %parallel_loop3A_206 = vector.broadcast %parallel_loop3A_205 : i32 to vector<16xi32>
      %parallel_loop3A_207 = arith.xori %parallel_loop3A_191, %parallel_loop3A_206 : vector<16xi32>
      %parallel_loop3A_208 = arith.cmpi sgt, %parallel_loop3A_207, %xor3A_15 : vector<16xi32>
      %parallel_loop3A_209 = arith.constant 2147483647 : i32
      %parallel_loop3A_210 = vector.broadcast %parallel_loop3A_209 : i32 to vector<16xi32>
      %parallel_loop3A_211 = arith.select %parallel_loop3A_208, %parallel_loop3A_207, %parallel_loop3A_210 : vector<16xi1>, vector<16xi32>
      %parallel_loop3A_212 = arith.minsi %parallel_loop3A_179, %parallel_loop3A_211 : vector<16xi32>
      scf.yield %parallel_loop3A_212 : vector<16xi32>
    } {sc.loop_unroll_factor = 8 : i64, sc.parallel_access}
    %dma_start3A_133 = arith.constant 0 : i32
    %dma_start3A_134 = tpu.memref_slice %arg2[%add3A_45, %dma_start3A_133] : memref<128x32768xf32, #tpu.memory_space<hbm>> -> memref<1x16384xf32, #tpu.memory_space<hbm>>
    %dma_start3A_135 = tpu.memref_squeeze %dma_start3A_134 : memref<1x16384xf32, #tpu.memory_space<hbm>> -> memref<16384xf32, #tpu.memory_space<hbm>>
    %dma_start3A_136 = arith.constant 0 : i32
    %dma_start3A_137 = tpu.memref_slice %arg2[%add3A_45, %dma_start3A_136] : memref<128x32768xf32, #tpu.memory_space<hbm>> -> memref<1x16384xf32, #tpu.memory_space<hbm>>
    %dma_start3A_138 = tpu.memref_squeeze %dma_start3A_137 : memref<1x16384xf32, #tpu.memory_space<hbm>> -> memref<16384xf32, #tpu.memory_space<hbm>>
    tpu.enqueue_dma source(%dma_start3A_138 : memref<16384xf32, #tpu.memory_space<hbm>>) target(%arg7 : memref<16384xf32, #tpu.memory_space<vmem>>) target_semaphore(%arg13 : memref<!tpu.dma_semaphore, #tpu.memory_space<semaphore_mem>>)
    %dma_wait3A_139 = arith.constant 16384 : i32
    %dma_wait3A_140 = tpu.memref_slice %arg2[%add3A_41, %dma_wait3A_139] : memref<128x32768xf32, #tpu.memory_space<hbm>> -> memref<1x16384xf32, #tpu.memory_space<hbm>>
    %dma_wait3A_141 = tpu.memref_squeeze %dma_wait3A_140 : memref<1x16384xf32, #tpu.memory_space<hbm>> -> memref<16384xf32, #tpu.memory_space<hbm>>
    %dma_wait3A_142 = arith.constant 16384 : i32
    %dma_wait3A_143 = tpu.memref_slice %arg2[%add3A_41, %dma_wait3A_142] : memref<128x32768xf32, #tpu.memory_space<hbm>> -> memref<1x16384xf32, #tpu.memory_space<hbm>>
    %dma_wait3A_144 = tpu.memref_squeeze %dma_wait3A_143 : memref<1x16384xf32, #tpu.memory_space<hbm>> -> memref<16384xf32, #tpu.memory_space<hbm>>
    tpu.wait_dma2 semaphore(%arg14 : memref<!tpu.dma_semaphore, #tpu.memory_space<semaphore_mem>>) src(%dma_wait3A_144 : memref<16384xf32, #tpu.memory_space<hbm>>) dst(%arg8 : memref<16384xf32, #tpu.memory_space<vmem>>)
    %parallel_loop3A_145 = arith.constant 0 : i32
    %parallel_loop3A_146 = arith.constant 1024 : i32
    %parallel_loop3A_147 = arith.constant 1 : i32
    %parallel_loop3A_148 = scf.for %parallel_loop3A_178 = %parallel_loop3A_145 to %parallel_loop3A_146 step %parallel_loop3A_147 iter_args(%parallel_loop3A_179 = %parallel_loop3A_132) -> (vector<16xi32>)  : i32 {
      %parallel_loop3A_180 = arith.constant 16 : i32
      %parallel_loop3A_181 = arith.muli %parallel_loop3A_178, %parallel_loop3A_180 : i32
      %parallel_loop3A_182 = arith.index_cast %parallel_loop3A_181 : i32 to index
      %parallel_loop3A_183 = tpu.vector_load %arg8[%parallel_loop3A_182] {strides = array<i32>} : memref<16384xf32, #tpu.memory_space<vmem>>, vector<16xf32>,
      %parallel_loop3A_184 = tpu.bitcast %parallel_loop3A_183 : vector<16xf32> -> vector<16xi32>
      %parallel_loop3A_185 = arith.constant 31 : i32
      %parallel_loop3A_186 = vector.broadcast %parallel_loop3A_185 : i32 to vector<16xi32>
      %parallel_loop3A_187 = arith.shrsi %parallel_loop3A_184, %parallel_loop3A_186 : vector<16xi32>
      %parallel_loop3A_188 = arith.constant -2147483648 : i32
      %parallel_loop3A_189 = vector.broadcast %parallel_loop3A_188 : i32 to vector<16xi32>
      %parallel_loop3A_190 = arith.ori %parallel_loop3A_187, %parallel_loop3A_189 : vector<16xi32>
      %parallel_loop3A_191 = arith.xori %parallel_loop3A_184, %parallel_loop3A_190 : vector<16xi32>
      %parallel_loop3A_192 = arith.constant 8 : i32
      %parallel_loop3A_193 = vector.broadcast %parallel_loop3A_192 : i32 to vector<16xi32>
      %parallel_loop3A_194 = arith.shrui %parallel_loop3A_191, %parallel_loop3A_193 : vector<16xi32>
      %parallel_loop3A_195 = arith.constant 7 : i32
      %parallel_loop3A_196 = vector.broadcast %parallel_loop3A_195 : i32 to vector<16xi32>
      %parallel_loop3A_197 = arith.shrui %parallel_loop3A_191, %parallel_loop3A_196 : vector<16xi32>
      %parallel_loop3A_198 = arith.constant 1 : i32
      %parallel_loop3A_199 = vector.broadcast %parallel_loop3A_198 : i32 to vector<16xi32>
      %parallel_loop3A_200 = arith.andi %parallel_loop3A_197, %parallel_loop3A_199 : vector<16xi32>
      %parallel_loop3A_201 = arith.constant 127 : i32
      %parallel_loop3A_202 = vector.broadcast %parallel_loop3A_201 : i32 to vector<16xi32>
      %parallel_loop3A_203 = arith.andi %parallel_loop3A_191, %parallel_loop3A_202 : vector<16xi32>
      %parallel_loop3A_204 = arith.cmpi eq, %parallel_loop3A_194, %or3A : vector<16xi32>
      tpu.vector_store_idx %arg9[%iota3A, %parallel_loop3A_200, %parallel_loop3A_203], %broadcast_in_dim3A_1 masked %parallel_loop3A_204 {add = true} : memref<16x2x128xi32, #tpu.memory_space<vmem>>[vector<16xi32>, vector<16xi32>, vector<16xi32>], vector<16xi32>, vector<16xi1>
      %parallel_loop3A_205 = arith.constant -2147483648 : i32
      %parallel_loop3A_206 = vector.broadcast %parallel_loop3A_205 : i32 to vector<16xi32>
      %parallel_loop3A_207 = arith.xori %parallel_loop3A_191, %parallel_loop3A_206 : vector<16xi32>
      %parallel_loop3A_208 = arith.cmpi sgt, %parallel_loop3A_207, %xor3A_15 : vector<16xi32>
      %parallel_loop3A_209 = arith.constant 2147483647 : i32
      %parallel_loop3A_210 = vector.broadcast %parallel_loop3A_209 : i32 to vector<16xi32>
      %parallel_loop3A_211 = arith.select %parallel_loop3A_208, %parallel_loop3A_207, %parallel_loop3A_210 : vector<16xi1>, vector<16xi32>
      %parallel_loop3A_212 = arith.minsi %parallel_loop3A_179, %parallel_loop3A_211 : vector<16xi32>
      scf.yield %parallel_loop3A_212 : vector<16xi32>
    } {sc.loop_unroll_factor = 8 : i64, sc.parallel_access}
    %dma_start3A_149 = arith.constant 16384 : i32
    %dma_start3A_150 = tpu.memref_slice %arg2[%add3A_49, %dma_start3A_149] : memref<128x32768xf32, #tpu.memory_space<hbm>> -> memref<1x16384xf32, #tpu.memory_space<hbm>>
    %dma_start3A_151 = tpu.memref_squeeze %dma_start3A_150 : memref<1x16384xf32, #tpu.memory_space<hbm>> -> memref<16384xf32, #tpu.memory_space<hbm>>
    %dma_start3A_152 = arith.constant 16384 : i32
    %dma_start3A_153 = tpu.memref_slice %arg2[%add3A_49, %dma_start3A_152] : memref<128x32768xf32, #tpu.memory_space<hbm>> -> memref<1x16384xf32, #tpu.memory_space<hbm>>
    %dma_start3A_154 = tpu.memref_squeeze %dma_start3A_153 : memref<1x16384xf32, #tpu.memory_space<hbm>> -> memref<16384xf32, #tpu.memory_space<hbm>>
    tpu.enqueue_dma source(%dma_start3A_154 : memref<16384xf32, #tpu.memory_space<hbm>>) target(%arg8 : memref<16384xf32, #tpu.memory_space<vmem>>) target_semaphore(%arg14 : memref<!tpu.dma_semaphore, #tpu.memory_space<semaphore_mem>>)
    %dma_wait3A_155 = arith.constant 0 : i32
    %dma_wait3A_156 = tpu.memref_slice %arg2[%add3A_45, %dma_wait3A_155] : memref<128x32768xf32, #tpu.memory_space<hbm>> -> memref<1x16384xf32, #tpu.memory_space<hbm>>
    %dma_wait3A_157 = tpu.memref_squeeze %dma_wait3A_156 : memref<1x16384xf32, #tpu.memory_space<hbm>> -> memref<16384xf32, #tpu.memory_space<hbm>>
    %dma_wait3A_158 = arith.constant 0 : i32
    %dma_wait3A_159 = tpu.memref_slice %arg2[%add3A_45, %dma_wait3A_158] : memref<128x32768xf32, #tpu.memory_space<hbm>> -> memref<1x16384xf32, #tpu.memory_space<hbm>>
    %dma_wait3A_160 = tpu.memref_squeeze %dma_wait3A_159 : memref<1x16384xf32, #tpu.memory_space<hbm>> -> memref<16384xf32, #tpu.memory_space<hbm>>
    tpu.wait_dma2 semaphore(%arg13 : memref<!tpu.dma_semaphore, #tpu.memory_space<semaphore_mem>>) src(%dma_wait3A_160 : memref<16384xf32, #tpu.memory_space<hbm>>) dst(%arg7 : memref<16384xf32, #tpu.memory_space<vmem>>)
    %parallel_loop3A_161 = arith.constant 0 : i32
    %parallel_loop3A_162 = arith.constant 1024 : i32
    %parallel_loop3A_163 = arith.constant 1 : i32
    %parallel_loop3A_164 = scf.for %parallel_loop3A_178 = %parallel_loop3A_161 to %parallel_loop3A_162 step %parallel_loop3A_163 iter_args(%parallel_loop3A_179 = %parallel_loop3A_148) -> (vector<16xi32>)  : i32 {
      %parallel_loop3A_180 = arith.constant 16 : i32
      %parallel_loop3A_181 = arith.muli %parallel_loop3A_178, %parallel_loop3A_180 : i32
      %parallel_loop3A_182 = arith.index_cast %parallel_loop3A_181 : i32 to index
      %parallel_loop3A_183 = tpu.vector_load %arg7[%parallel_loop3A_182] {strides = array<i32>} : memref<16384xf32, #tpu.memory_space<vmem>>, vector<16xf32>,
      %parallel_loop3A_184 = tpu.bitcast %parallel_loop3A_183 : vector<16xf32> -> vector<16xi32>
      %parallel_loop3A_185 = arith.constant 31 : i32
      %parallel_loop3A_186 = vector.broadcast %parallel_loop3A_185 : i32 to vector<16xi32>
      %parallel_loop3A_187 = arith.shrsi %parallel_loop3A_184, %parallel_loop3A_186 : vector<16xi32>
      %parallel_loop3A_188 = arith.constant -2147483648 : i32
      %parallel_loop3A_189 = vector.broadcast %parallel_loop3A_188 : i32 to vector<16xi32>
      %parallel_loop3A_190 = arith.ori %parallel_loop3A_187, %parallel_loop3A_189 : vector<16xi32>
      %parallel_loop3A_191 = arith.xori %parallel_loop3A_184, %parallel_loop3A_190 : vector<16xi32>
      %parallel_loop3A_192 = arith.constant 8 : i32
      %parallel_loop3A_193 = vector.broadcast %parallel_loop3A_192 : i32 to vector<16xi32>
      %parallel_loop3A_194 = arith.shrui %parallel_loop3A_191, %parallel_loop3A_193 : vector<16xi32>
      %parallel_loop3A_195 = arith.constant 7 : i32
      %parallel_loop3A_196 = vector.broadcast %parallel_loop3A_195 : i32 to vector<16xi32>
      %parallel_loop3A_197 = arith.shrui %parallel_loop3A_191, %parallel_loop3A_196 : vector<16xi32>
      %parallel_loop3A_198 = arith.constant 1 : i32
      %parallel_loop3A_199 = vector.broadcast %parallel_loop3A_198 : i32 to vector<16xi32>
      %parallel_loop3A_200 = arith.andi %parallel_loop3A_197, %parallel_loop3A_199 : vector<16xi32>
      %parallel_loop3A_201 = arith.constant 127 : i32
      %parallel_loop3A_202 = vector.broadcast %parallel_loop3A_201 : i32 to vector<16xi32>
      %parallel_loop3A_203 = arith.andi %parallel_loop3A_191, %parallel_loop3A_202 : vector<16xi32>
      %parallel_loop3A_204 = arith.cmpi eq, %parallel_loop3A_194, %or3A : vector<16xi32>
      tpu.vector_store_idx %arg9[%iota3A, %parallel_loop3A_200, %parallel_loop3A_203], %broadcast_in_dim3A_1 masked %parallel_loop3A_204 {add = true} : memref<16x2x128xi32, #tpu.memory_space<vmem>>[vector<16xi32>, vector<16xi32>, vector<16xi32>], vector<16xi32>, vector<16xi1>
      %parallel_loop3A_205 = arith.constant -2147483648 : i32
      %parallel_loop3A_206 = vector.broadcast %parallel_loop3A_205 : i32 to vector<16xi32>
      %parallel_loop3A_207 = arith.xori %parallel_loop3A_191, %parallel_loop3A_206 : vector<16xi32>
      %parallel_loop3A_208 = arith.cmpi sgt, %parallel_loop3A_207, %xor3A_15 : vector<16xi32>
      %parallel_loop3A_209 = arith.constant 2147483647 : i32
      %parallel_loop3A_210 = vector.broadcast %parallel_loop3A_209 : i32 to vector<16xi32>
      %parallel_loop3A_211 = arith.select %parallel_loop3A_208, %parallel_loop3A_207, %parallel_loop3A_210 : vector<16xi1>, vector<16xi32>
      %parallel_loop3A_212 = arith.minsi %parallel_loop3A_179, %parallel_loop3A_211 : vector<16xi32>
      scf.yield %parallel_loop3A_212 : vector<16xi32>
    } {sc.loop_unroll_factor = 8 : i64, sc.parallel_access}
    %dma_wait3A_165 = arith.constant 16384 : i32
    %dma_wait3A_166 = tpu.memref_slice %arg2[%add3A_49, %dma_wait3A_165] : memref<128x32768xf32, #tpu.memory_space<hbm>> -> memref<1x16384xf32, #tpu.memory_space<hbm>>
    %dma_wait3A_167 = tpu.memref_squeeze %dma_wait3A_166 : memref<1x16384xf32, #tpu.memory_space<hbm>> -> memref<16384xf32, #tpu.memory_space<hbm>>
    %dma_wait3A_168 = arith.constant 16384 : i32
    %dma_wait3A_169 = tpu.memref_slice %arg2[%add3A_49, %dma_wait3A_168] : memref<128x32768xf32, #tpu.memory_space<hbm>> -> memref<1x16384xf32, #tpu.memory_space<hbm>>
    %dma_wait3A_170 = tpu.memref_squeeze %dma_wait3A_169 : memref<1x16384xf32, #tpu.memory_space<hbm>> -> memref<16384xf32, #tpu.memory_space<hbm>>
    tpu.wait_dma2 semaphore(%arg14 : memref<!tpu.dma_semaphore, #tpu.memory_space<semaphore_mem>>) src(%dma_wait3A_170 : memref<16384xf32, #tpu.memory_space<hbm>>) dst(%arg8 : memref<16384xf32, #tpu.memory_space<vmem>>)
    %parallel_loop3A_171 = arith.constant 0 : i32
    %parallel_loop3A_172 = arith.constant 1024 : i32
    %parallel_loop3A_173 = arith.constant 1 : i32
    %parallel_loop3A_174 = scf.for %parallel_loop3A_178 = %parallel_loop3A_171 to %parallel_loop3A_172 step %parallel_loop3A_173 iter_args(%parallel_loop3A_179 = %parallel_loop3A_164) -> (vector<16xi32>)  : i32 {
      %parallel_loop3A_180 = arith.constant 16 : i32
      %parallel_loop3A_181 = arith.muli %parallel_loop3A_178, %parallel_loop3A_180 : i32
      %parallel_loop3A_182 = arith.index_cast %parallel_loop3A_181 : i32 to index
      %parallel_loop3A_183 = tpu.vector_load %arg8[%parallel_loop3A_182] {strides = array<i32>} : memref<16384xf32, #tpu.memory_space<vmem>>, vector<16xf32>,
      %parallel_loop3A_184 = tpu.bitcast %parallel_loop3A_183 : vector<16xf32> -> vector<16xi32>
      %parallel_loop3A_185 = arith.constant 31 : i32
      %parallel_loop3A_186 = vector.broadcast %parallel_loop3A_185 : i32 to vector<16xi32>
      %parallel_loop3A_187 = arith.shrsi %parallel_loop3A_184, %parallel_loop3A_186 : vector<16xi32>
      %parallel_loop3A_188 = arith.constant -2147483648 : i32
      %parallel_loop3A_189 = vector.broadcast %parallel_loop3A_188 : i32 to vector<16xi32>
      %parallel_loop3A_190 = arith.ori %parallel_loop3A_187, %parallel_loop3A_189 : vector<16xi32>
      %parallel_loop3A_191 = arith.xori %parallel_loop3A_184, %parallel_loop3A_190 : vector<16xi32>
      %parallel_loop3A_192 = arith.constant 8 : i32
      %parallel_loop3A_193 = vector.broadcast %parallel_loop3A_192 : i32 to vector<16xi32>
      %parallel_loop3A_194 = arith.shrui %parallel_loop3A_191, %parallel_loop3A_193 : vector<16xi32>
      %parallel_loop3A_195 = arith.constant 7 : i32
      %parallel_loop3A_196 = vector.broadcast %parallel_loop3A_195 : i32 to vector<16xi32>
      %parallel_loop3A_197 = arith.shrui %parallel_loop3A_191, %parallel_loop3A_196 : vector<16xi32>
      %parallel_loop3A_198 = arith.constant 1 : i32
      %parallel_loop3A_199 = vector.broadcast %parallel_loop3A_198 : i32 to vector<16xi32>
      %parallel_loop3A_200 = arith.andi %parallel_loop3A_197, %parallel_loop3A_199 : vector<16xi32>
      %parallel_loop3A_201 = arith.constant 127 : i32
      %parallel_loop3A_202 = vector.broadcast %parallel_loop3A_201 : i32 to vector<16xi32>
      %parallel_loop3A_203 = arith.andi %parallel_loop3A_191, %parallel_loop3A_202 : vector<16xi32>
      %parallel_loop3A_204 = arith.cmpi eq, %parallel_loop3A_194, %or3A : vector<16xi32>
      tpu.vector_store_idx %arg9[%iota3A, %parallel_loop3A_200, %parallel_loop3A_203], %broadcast_in_dim3A_1 masked %parallel_loop3A_204 {add = true} : memref<16x2x128xi32, #tpu.memory_space<vmem>>[vector<16xi32>, vector<16xi32>, vector<16xi32>], vector<16xi32>, vector<16xi1>
      %parallel_loop3A_205 = arith.constant -2147483648 : i32
      %parallel_loop3A_206 = vector.broadcast %parallel_loop3A_205 : i32 to vector<16xi32>
      %parallel_loop3A_207 = arith.xori %parallel_loop3A_191, %parallel_loop3A_206 : vector<16xi32>
      %parallel_loop3A_208 = arith.cmpi sgt, %parallel_loop3A_207, %xor3A_15 : vector<16xi32>
      %parallel_loop3A_209 = arith.constant 2147483647 : i32
      %parallel_loop3A_210 = vector.broadcast %parallel_loop3A_209 : i32 to vector<16xi32>
      %parallel_loop3A_211 = arith.select %parallel_loop3A_208, %parallel_loop3A_207, %parallel_loop3A_210 : vector<16xi1>, vector<16xi32>
      %parallel_loop3A_212 = arith.minsi %parallel_loop3A_179, %parallel_loop3A_211 : vector<16xi32>
      scf.yield %parallel_loop3A_212 : vector<16xi32>
    } {sc.loop_unroll_factor = 8 : i64, sc.parallel_access}
    %swap3A = arith.constant 0 : index
    %swap3A_175 = tpu.vector_load %arg12[%swap3A] {strides = array<i32>} : memref<16xi32, #tpu.memory_space<vmem>>, vector<16xi32>,
    tpu.vector_store %arg12[%swap3A], %parallel_loop3A_174 {strides = array<i32>} : memref<16xi32, #tpu.memory_space<vmem>>, vector<16xi32>,
    %mul3A_176 = arith.constant 16 : i32
    %mul3A_177 = arith.muli %add3A, %mul3A_176 : i32
    "tpu.region"() ({
      %run_scoped3A_178 = tpu.sem_alloc : memref<!tpu.dma_semaphore, #tpu.memory_space<semaphore_mem>>
      %dma_start3A_179 = arith.constant 0 : i32
      %dma_start3A_180 = arith.constant 0 : i32
      %dma_start3A_181 = tpu.memref_slice %arg5[%mul3A_177, %dma_start3A_179, %dma_start3A_180] : memref<512x2x128xi32, #tpu.memory_space<hbm>> -> memref<16x2x128xi32, #tpu.memory_space<hbm>>
      %dma_start3A_182 = arith.constant 0 : i32
      %dma_start3A_183 = arith.constant 0 : i32
      %dma_start3A_184 = tpu.memref_slice %arg5[%mul3A_177, %dma_start3A_182, %dma_start3A_183] : memref<512x2x128xi32, #tpu.memory_space<hbm>> -> memref<16x2x128xi32, #tpu.memory_space<hbm>>
      tpu.enqueue_dma source(%arg9 : memref<16x2x128xi32, #tpu.memory_space<vmem>>) target(%dma_start3A_184 : memref<16x2x128xi32, #tpu.memory_space<hbm>>) target_semaphore(%run_scoped3A_178 : memref<!tpu.dma_semaphore, #tpu.memory_space<semaphore_mem>>)
      %dma_wait3A_185 = arith.constant 0 : i32
      %dma_wait3A_186 = arith.constant 0 : i32
      %dma_wait3A_187 = tpu.memref_slice %arg5[%mul3A_177, %dma_wait3A_185, %dma_wait3A_186] : memref<512x2x128xi32, #tpu.memory_space<hbm>> -> memref<16x2x128xi32, #tpu.memory_space<hbm>>
      %dma_wait3A_188 = arith.constant 0 : i32
      %dma_wait3A_189 = arith.constant 0 : i32
      %dma_wait3A_190 = tpu.memref_slice %arg5[%mul3A_177, %dma_wait3A_188, %dma_wait3A_189] : memref<512x2x128xi32, #tpu.memory_space<hbm>> -> memref<16x2x128xi32, #tpu.memory_space<hbm>>
      tpu.wait_dma2 semaphore(%run_scoped3A_178 : memref<!tpu.dma_semaphore, #tpu.memory_space<semaphore_mem>>) src(%arg9 : memref<16x2x128xi32, #tpu.memory_space<vmem>>) dst(%dma_wait3A_190 : memref<16x2x128xi32, #tpu.memory_space<hbm>>)
      tpu.yield
    }) : () -> ()
    "tpu.region"() ({
      %run_scoped3A_178 = tpu.sem_alloc : memref<!tpu.dma_semaphore, #tpu.memory_space<semaphore_mem>>
      %dma_start3A_179 = arith.constant 0 : i32
      %dma_start3A_180 = tpu.memref_slice %arg6[%add3A, %dma_start3A_179] : memref<32x16xi32, #tpu.memory_space<hbm>> -> memref<1x16xi32, #tpu.memory_space<hbm>>
      %dma_start3A_181 = tpu.memref_squeeze %dma_start3A_180 : memref<1x16xi32, #tpu.memory_space<hbm>> -> memref<16xi32, #tpu.memory_space<hbm>>
      %dma_start3A_182 = arith.constant 0 : i32
      %dma_start3A_183 = tpu.memref_slice %arg6[%add3A, %dma_start3A_182] : memref<32x16xi32, #tpu.memory_space<hbm>> -> memref<1x16xi32, #tpu.memory_space<hbm>>
      %dma_start3A_184 = tpu.memref_squeeze %dma_start3A_183 : memref<1x16xi32, #tpu.memory_space<hbm>> -> memref<16xi32, #tpu.memory_space<hbm>>
      tpu.enqueue_dma source(%arg12 : memref<16xi32, #tpu.memory_space<vmem>>) target(%dma_start3A_184 : memref<16xi32, #tpu.memory_space<hbm>>) target_semaphore(%run_scoped3A_178 : memref<!tpu.dma_semaphore, #tpu.memory_space<semaphore_mem>>)
      %dma_wait3A_185 = arith.constant 0 : i32
      %dma_wait3A_186 = tpu.memref_slice %arg6[%add3A, %dma_wait3A_185] : memref<32x16xi32, #tpu.memory_space<hbm>> -> memref<1x16xi32, #tpu.memory_space<hbm>>
      %dma_wait3A_187 = tpu.memref_squeeze %dma_wait3A_186 : memref<1x16xi32, #tpu.memory_space<hbm>> -> memref<16xi32, #tpu.memory_space<hbm>>
      %dma_wait3A_188 = arith.constant 0 : i32
      %dma_wait3A_189 = tpu.memref_slice %arg6[%add3A, %dma_wait3A_188] : memref<32x16xi32, #tpu.memory_space<hbm>> -> memref<1x16xi32, #tpu.memory_space<hbm>>
      %dma_wait3A_190 = tpu.memref_squeeze %dma_wait3A_189 : memref<1x16xi32, #tpu.memory_space<hbm>> -> memref<16xi32, #tpu.memory_space<hbm>>
      tpu.wait_dma2 semaphore(%run_scoped3A_178 : memref<!tpu.dma_semaphore, #tpu.memory_space<semaphore_mem>>) src(%arg12 : memref<16xi32, #tpu.memory_space<vmem>>) dst(%dma_wait3A_190 : memref<16xi32, #tpu.memory_space<hbm>>)
      tpu.yield
    }) : () -> ()
    return
  }
}

#map = affine_map<(d0, d1) -> (0, 0)>
#map1 = affine_map<(d0, d1) -> (0, 0, 0)>
module attributes {stable_mosaic.version = 14 : i64} {
  func.func @k(%arg0: i32, %arg1: i32, %arg2: memref<128x32768xf32, #tpu.memory_space<hbm>>, %arg3: memref<16x32x128xi32, #tpu.memory_space<hbm>>, %arg4: memref<8x128xi32, #tpu.memory_space<hbm>>, %arg5: memref<512x32x128xi32, #tpu.memory_space<hbm>>, %arg6: memref<16384xf32, #tpu.memory_space<vmem>>, %arg7: memref<16384xf32, #tpu.memory_space<vmem>>, %arg8: memref<16x32x128xi32, #tpu.memory_space<vmem>>, %arg9: memref<128xi32, #tpu.memory_space<vmem>>, %arg10: memref<!tpu.dma_semaphore, #tpu.memory_space<semaphore_mem>>, %arg11: memref<!tpu.dma_semaphore, #tpu.memory_space<semaphore_mem>>) attributes {dimension_semantics = [#tpu.dimension_semantics<core_parallel>, #tpu.dimension_semantics<subcore_parallel>], iteration_bounds = array<i64: 2, 16>, scalar_prefetch = 0 : i64, scratch_operands = 6 : i64, tpu.core_type = #tpu.core_type<sc_vector_subcore>, window_params = [{transform_indices = #map}, {transform_indices = #map1}, {transform_indices = #map}, {transform_indices = #map1}]} {
    %mul3A = arith.constant 2 : i32
    %mul3A_0 = arith.muli %arg1, %mul3A : i32
    %add3A = arith.addi %mul3A_0, %arg0 : i32
    %iota3A = tpu.iota {dimensions = array<i32: 0>} : vector<16xi32>
    %broadcast_in_dim3A = arith.constant 1 : i32
    %broadcast_in_dim3A_1 = vector.broadcast %broadcast_in_dim3A : i32 to vector<16xi32>
    %run_scoped3A = arith.constant 0 : i32
    "tpu.region"() ({
      %run_scoped3A_154 = tpu.sem_alloc : memref<!tpu.dma_semaphore, #tpu.memory_space<semaphore_mem>>
      %dma_start3A_155 = arith.constant 0 : i32
      %dma_start3A_156 = tpu.memref_slice %arg4[%run_scoped3A, %dma_start3A_155] : memref<8x128xi32, #tpu.memory_space<hbm>> -> memref<1x128xi32, #tpu.memory_space<hbm>>
      %dma_start3A_157 = tpu.memref_squeeze %dma_start3A_156 : memref<1x128xi32, #tpu.memory_space<hbm>> -> memref<128xi32, #tpu.memory_space<hbm>>
      %dma_start3A_158 = arith.constant 0 : i32
      %dma_start3A_159 = tpu.memref_slice %arg4[%run_scoped3A, %dma_start3A_158] : memref<8x128xi32, #tpu.memory_space<hbm>> -> memref<1x128xi32, #tpu.memory_space<hbm>>
      %dma_start3A_160 = tpu.memref_squeeze %dma_start3A_159 : memref<1x128xi32, #tpu.memory_space<hbm>> -> memref<128xi32, #tpu.memory_space<hbm>>
      tpu.enqueue_dma source(%dma_start3A_160 : memref<128xi32, #tpu.memory_space<hbm>>) target(%arg9 : memref<128xi32, #tpu.memory_space<vmem>>) target_semaphore(%run_scoped3A_154 : memref<!tpu.dma_semaphore, #tpu.memory_space<semaphore_mem>>)
      %dma_wait3A_161 = arith.constant 0 : i32
      %dma_wait3A_162 = tpu.memref_slice %arg4[%run_scoped3A, %dma_wait3A_161] : memref<8x128xi32, #tpu.memory_space<hbm>> -> memref<1x128xi32, #tpu.memory_space<hbm>>
      %dma_wait3A_163 = tpu.memref_squeeze %dma_wait3A_162 : memref<1x128xi32, #tpu.memory_space<hbm>> -> memref<128xi32, #tpu.memory_space<hbm>>
      %dma_wait3A_164 = arith.constant 0 : i32
      %dma_wait3A_165 = tpu.memref_slice %arg4[%run_scoped3A, %dma_wait3A_164] : memref<8x128xi32, #tpu.memory_space<hbm>> -> memref<1x128xi32, #tpu.memory_space<hbm>>
      %dma_wait3A_166 = tpu.memref_squeeze %dma_wait3A_165 : memref<1x128xi32, #tpu.memory_space<hbm>> -> memref<128xi32, #tpu.memory_space<hbm>>
      tpu.wait_dma2 semaphore(%run_scoped3A_154 : memref<!tpu.dma_semaphore, #tpu.memory_space<semaphore_mem>>) src(%dma_wait3A_166 : memref<128xi32, #tpu.memory_space<hbm>>) dst(%arg9 : memref<128xi32, #tpu.memory_space<vmem>>)
      tpu.yield
    }) : () -> ()
    %get3A = arith.constant 0 : index
    %get3A_2 = tpu.vector_load %arg9[%get3A] {strides = array<i32>} : memref<128xi32, #tpu.memory_space<vmem>>, vector<16xi32>,
    "tpu.region"() ({
      %run_scoped3A_154 = tpu.sem_alloc : memref<!tpu.dma_semaphore, #tpu.memory_space<semaphore_mem>>
      tpu.enqueue_dma source(%arg3 : memref<16x32x128xi32, #tpu.memory_space<hbm>>) target(%arg8 : memref<16x32x128xi32, #tpu.memory_space<vmem>>) target_semaphore(%run_scoped3A_154 : memref<!tpu.dma_semaphore, #tpu.memory_space<semaphore_mem>>)
      tpu.wait_dma2 semaphore(%run_scoped3A_154 : memref<!tpu.dma_semaphore, #tpu.memory_space<semaphore_mem>>) src(%arg3 : memref<16x32x128xi32, #tpu.memory_space<hbm>>) dst(%arg8 : memref<16x32x128xi32, #tpu.memory_space<vmem>>)
      tpu.yield
    }) : () -> ()
    %mul3A_3 = arith.constant 4 : i32
    %mul3A_4 = arith.muli %add3A, %mul3A_3 : i32
    %add3A_5 = arith.constant 0 : i32
    %add3A_6 = arith.addi %mul3A_4, %add3A_5 : i32
    %mul3A_7 = arith.constant 4 : i32
    %mul3A_8 = arith.muli %add3A, %mul3A_7 : i32
    %add3A_9 = arith.constant 0 : i32
    %add3A_10 = arith.addi %mul3A_8, %add3A_9 : i32
    %mul3A_11 = arith.constant 4 : i32
    %mul3A_12 = arith.muli %add3A, %mul3A_11 : i32
    %add3A_13 = arith.constant 1 : i32
    %add3A_14 = arith.addi %mul3A_12, %add3A_13 : i32
    %mul3A_15 = arith.constant 4 : i32
    %mul3A_16 = arith.muli %add3A, %mul3A_15 : i32
    %add3A_17 = arith.constant 1 : i32
    %add3A_18 = arith.addi %mul3A_16, %add3A_17 : i32
    %mul3A_19 = arith.constant 4 : i32
    %mul3A_20 = arith.muli %add3A, %mul3A_19 : i32
    %add3A_21 = arith.constant 2 : i32
    %add3A_22 = arith.addi %mul3A_20, %add3A_21 : i32
    %mul3A_23 = arith.constant 4 : i32
    %mul3A_24 = arith.muli %add3A, %mul3A_23 : i32
    %add3A_25 = arith.constant 2 : i32
    %add3A_26 = arith.addi %mul3A_24, %add3A_25 : i32
    %mul3A_27 = arith.constant 4 : i32
    %mul3A_28 = arith.muli %add3A, %mul3A_27 : i32
    %add3A_29 = arith.constant 3 : i32
    %add3A_30 = arith.addi %mul3A_28, %add3A_29 : i32
    %mul3A_31 = arith.constant 4 : i32
    %mul3A_32 = arith.muli %add3A, %mul3A_31 : i32
    %add3A_33 = arith.constant 3 : i32
    %add3A_34 = arith.addi %mul3A_32, %add3A_33 : i32
    %dma_start3A = arith.constant 0 : i32
    %dma_start3A_35 = tpu.memref_slice %arg2[%add3A_6, %dma_start3A] : memref<128x32768xf32, #tpu.memory_space<hbm>> -> memref<1x16384xf32, #tpu.memory_space<hbm>>
    %dma_start3A_36 = tpu.memref_squeeze %dma_start3A_35 : memref<1x16384xf32, #tpu.memory_space<hbm>> -> memref<16384xf32, #tpu.memory_space<hbm>>
    %dma_start3A_37 = arith.constant 0 : i32
    %dma_start3A_38 = tpu.memref_slice %arg2[%add3A_6, %dma_start3A_37] : memref<128x32768xf32, #tpu.memory_space<hbm>> -> memref<1x16384xf32, #tpu.memory_space<hbm>>
    %dma_start3A_39 = tpu.memref_squeeze %dma_start3A_38 : memref<1x16384xf32, #tpu.memory_space<hbm>> -> memref<16384xf32, #tpu.memory_space<hbm>>
    tpu.enqueue_dma source(%dma_start3A_39 : memref<16384xf32, #tpu.memory_space<hbm>>) target(%arg6 : memref<16384xf32, #tpu.memory_space<vmem>>) target_semaphore(%arg10 : memref<!tpu.dma_semaphore, #tpu.memory_space<semaphore_mem>>)
    %dma_start3A_40 = arith.constant 16384 : i32
    %dma_start3A_41 = tpu.memref_slice %arg2[%add3A_10, %dma_start3A_40] : memref<128x32768xf32, #tpu.memory_space<hbm>> -> memref<1x16384xf32, #tpu.memory_space<hbm>>
    %dma_start3A_42 = tpu.memref_squeeze %dma_start3A_41 : memref<1x16384xf32, #tpu.memory_space<hbm>> -> memref<16384xf32, #tpu.memory_space<hbm>>
    %dma_start3A_43 = arith.constant 16384 : i32
    %dma_start3A_44 = tpu.memref_slice %arg2[%add3A_10, %dma_start3A_43] : memref<128x32768xf32, #tpu.memory_space<hbm>> -> memref<1x16384xf32, #tpu.memory_space<hbm>>
    %dma_start3A_45 = tpu.memref_squeeze %dma_start3A_44 : memref<1x16384xf32, #tpu.memory_space<hbm>> -> memref<16384xf32, #tpu.memory_space<hbm>>
    tpu.enqueue_dma source(%dma_start3A_45 : memref<16384xf32, #tpu.memory_space<hbm>>) target(%arg7 : memref<16384xf32, #tpu.memory_space<vmem>>) target_semaphore(%arg11 : memref<!tpu.dma_semaphore, #tpu.memory_space<semaphore_mem>>)
    %dma_wait3A = arith.constant 0 : i32
    %dma_wait3A_46 = tpu.memref_slice %arg2[%add3A_6, %dma_wait3A] : memref<128x32768xf32, #tpu.memory_space<hbm>> -> memref<1x16384xf32, #tpu.memory_space<hbm>>
    %dma_wait3A_47 = tpu.memref_squeeze %dma_wait3A_46 : memref<1x16384xf32, #tpu.memory_space<hbm>> -> memref<16384xf32, #tpu.memory_space<hbm>>
    %dma_wait3A_48 = arith.constant 0 : i32
    %dma_wait3A_49 = tpu.memref_slice %arg2[%add3A_6, %dma_wait3A_48] : memref<128x32768xf32, #tpu.memory_space<hbm>> -> memref<1x16384xf32, #tpu.memory_space<hbm>>
    %dma_wait3A_50 = tpu.memref_squeeze %dma_wait3A_49 : memref<1x16384xf32, #tpu.memory_space<hbm>> -> memref<16384xf32, #tpu.memory_space<hbm>>
    tpu.wait_dma2 semaphore(%arg10 : memref<!tpu.dma_semaphore, #tpu.memory_space<semaphore_mem>>) src(%dma_wait3A_50 : memref<16384xf32, #tpu.memory_space<hbm>>) dst(%arg6 : memref<16384xf32, #tpu.memory_space<vmem>>)
    %parallel_loop3A = arith.constant 0 : i32
    %parallel_loop3A_51 = arith.constant 1024 : i32
    %parallel_loop3A_52 = arith.constant 1 : i32
    scf.for %parallel_loop3A_154 = %parallel_loop3A to %parallel_loop3A_51 step %parallel_loop3A_52  : i32 {
      %parallel_loop3A_155 = arith.constant 16 : i32
      %parallel_loop3A_156 = arith.muli %parallel_loop3A_154, %parallel_loop3A_155 : i32
      %parallel_loop3A_157 = arith.index_cast %parallel_loop3A_156 : i32 to index
      %parallel_loop3A_158 = tpu.vector_load %arg6[%parallel_loop3A_157] {strides = array<i32>} : memref<16384xf32, #tpu.memory_space<vmem>>, vector<16xf32>,
      %parallel_loop3A_159 = tpu.bitcast %parallel_loop3A_158 : vector<16xf32> -> vector<16xi32>
      %parallel_loop3A_160 = arith.constant 31 : i32
      %parallel_loop3A_161 = vector.broadcast %parallel_loop3A_160 : i32 to vector<16xi32>
      %parallel_loop3A_162 = arith.shrsi %parallel_loop3A_159, %parallel_loop3A_161 : vector<16xi32>
      %parallel_loop3A_163 = arith.constant -2147483648 : i32
      %parallel_loop3A_164 = vector.broadcast %parallel_loop3A_163 : i32 to vector<16xi32>
      %parallel_loop3A_165 = arith.ori %parallel_loop3A_162, %parallel_loop3A_164 : vector<16xi32>
      %parallel_loop3A_166 = arith.xori %parallel_loop3A_159, %parallel_loop3A_165 : vector<16xi32>
      %parallel_loop3A_167 = arith.constant 20 : i32
      %parallel_loop3A_168 = vector.broadcast %parallel_loop3A_167 : i32 to vector<16xi32>
      %parallel_loop3A_169 = arith.shrui %parallel_loop3A_166, %parallel_loop3A_168 : vector<16xi32>
      %parallel_loop3A_170 = arith.constant 15 : i32
      %parallel_loop3A_171 = vector.broadcast %parallel_loop3A_170 : i32 to vector<16xi32>
      %parallel_loop3A_172 = arith.shrui %parallel_loop3A_166, %parallel_loop3A_171 : vector<16xi32>
      %parallel_loop3A_173 = arith.constant 31 : i32
      %parallel_loop3A_174 = vector.broadcast %parallel_loop3A_173 : i32 to vector<16xi32>
      %parallel_loop3A_175 = arith.andi %parallel_loop3A_172, %parallel_loop3A_174 : vector<16xi32>
      %parallel_loop3A_176 = arith.constant 8 : i32
      %parallel_loop3A_177 = vector.broadcast %parallel_loop3A_176 : i32 to vector<16xi32>
      %parallel_loop3A_178 = arith.shrui %parallel_loop3A_166, %parallel_loop3A_177 : vector<16xi32>
      %parallel_loop3A_179 = arith.constant 127 : i32
      %parallel_loop3A_180 = vector.broadcast %parallel_loop3A_179 : i32 to vector<16xi32>
      %parallel_loop3A_181 = arith.andi %parallel_loop3A_178, %parallel_loop3A_180 : vector<16xi32>
      %parallel_loop3A_182 = arith.cmpi eq, %parallel_loop3A_169, %get3A_2 : vector<16xi32>
      tpu.vector_store_idx %arg8[%iota3A, %parallel_loop3A_175, %parallel_loop3A_181], %broadcast_in_dim3A_1 masked %parallel_loop3A_182 {add = true} : memref<16x32x128xi32, #tpu.memory_space<vmem>>[vector<16xi32>, vector<16xi32>, vector<16xi32>], vector<16xi32>, vector<16xi1>
    } {sc.loop_unroll_factor = 8 : i64, sc.parallel_access}
    %dma_start3A_53 = arith.constant 0 : i32
    %dma_start3A_54 = tpu.memref_slice %arg2[%add3A_14, %dma_start3A_53] : memref<128x32768xf32, #tpu.memory_space<hbm>> -> memref<1x16384xf32, #tpu.memory_space<hbm>>
    %dma_start3A_55 = tpu.memref_squeeze %dma_start3A_54 : memref<1x16384xf32, #tpu.memory_space<hbm>> -> memref<16384xf32, #tpu.memory_space<hbm>>
    %dma_start3A_56 = arith.constant 0 : i32
    %dma_start3A_57 = tpu.memref_slice %arg2[%add3A_14, %dma_start3A_56] : memref<128x32768xf32, #tpu.memory_space<hbm>> -> memref<1x16384xf32, #tpu.memory_space<hbm>>
    %dma_start3A_58 = tpu.memref_squeeze %dma_start3A_57 : memref<1x16384xf32, #tpu.memory_space<hbm>> -> memref<16384xf32, #tpu.memory_space<hbm>>
    tpu.enqueue_dma source(%dma_start3A_58 : memref<16384xf32, #tpu.memory_space<hbm>>) target(%arg6 : memref<16384xf32, #tpu.memory_space<vmem>>) target_semaphore(%arg10 : memref<!tpu.dma_semaphore, #tpu.memory_space<semaphore_mem>>)
    %dma_wait3A_59 = arith.constant 16384 : i32
    %dma_wait3A_60 = tpu.memref_slice %arg2[%add3A_10, %dma_wait3A_59] : memref<128x32768xf32, #tpu.memory_space<hbm>> -> memref<1x16384xf32, #tpu.memory_space<hbm>>
    %dma_wait3A_61 = tpu.memref_squeeze %dma_wait3A_60 : memref<1x16384xf32, #tpu.memory_space<hbm>> -> memref<16384xf32, #tpu.memory_space<hbm>>
    %dma_wait3A_62 = arith.constant 16384 : i32
    %dma_wait3A_63 = tpu.memref_slice %arg2[%add3A_10, %dma_wait3A_62] : memref<128x32768xf32, #tpu.memory_space<hbm>> -> memref<1x16384xf32, #tpu.memory_space<hbm>>
    %dma_wait3A_64 = tpu.memref_squeeze %dma_wait3A_63 : memref<1x16384xf32, #tpu.memory_space<hbm>> -> memref<16384xf32, #tpu.memory_space<hbm>>
    tpu.wait_dma2 semaphore(%arg11 : memref<!tpu.dma_semaphore, #tpu.memory_space<semaphore_mem>>) src(%dma_wait3A_64 : memref<16384xf32, #tpu.memory_space<hbm>>) dst(%arg7 : memref<16384xf32, #tpu.memory_space<vmem>>)
    %parallel_loop3A_65 = arith.constant 0 : i32
    %parallel_loop3A_66 = arith.constant 1024 : i32
    %parallel_loop3A_67 = arith.constant 1 : i32
    scf.for %parallel_loop3A_154 = %parallel_loop3A_65 to %parallel_loop3A_66 step %parallel_loop3A_67  : i32 {
      %parallel_loop3A_155 = arith.constant 16 : i32
      %parallel_loop3A_156 = arith.muli %parallel_loop3A_154, %parallel_loop3A_155 : i32
      %parallel_loop3A_157 = arith.index_cast %parallel_loop3A_156 : i32 to index
      %parallel_loop3A_158 = tpu.vector_load %arg7[%parallel_loop3A_157] {strides = array<i32>} : memref<16384xf32, #tpu.memory_space<vmem>>, vector<16xf32>,
      %parallel_loop3A_159 = tpu.bitcast %parallel_loop3A_158 : vector<16xf32> -> vector<16xi32>
      %parallel_loop3A_160 = arith.constant 31 : i32
      %parallel_loop3A_161 = vector.broadcast %parallel_loop3A_160 : i32 to vector<16xi32>
      %parallel_loop3A_162 = arith.shrsi %parallel_loop3A_159, %parallel_loop3A_161 : vector<16xi32>
      %parallel_loop3A_163 = arith.constant -2147483648 : i32
      %parallel_loop3A_164 = vector.broadcast %parallel_loop3A_163 : i32 to vector<16xi32>
      %parallel_loop3A_165 = arith.ori %parallel_loop3A_162, %parallel_loop3A_164 : vector<16xi32>
      %parallel_loop3A_166 = arith.xori %parallel_loop3A_159, %parallel_loop3A_165 : vector<16xi32>
      %parallel_loop3A_167 = arith.constant 20 : i32
      %parallel_loop3A_168 = vector.broadcast %parallel_loop3A_167 : i32 to vector<16xi32>
      %parallel_loop3A_169 = arith.shrui %parallel_loop3A_166, %parallel_loop3A_168 : vector<16xi32>
      %parallel_loop3A_170 = arith.constant 15 : i32
      %parallel_loop3A_171 = vector.broadcast %parallel_loop3A_170 : i32 to vector<16xi32>
      %parallel_loop3A_172 = arith.shrui %parallel_loop3A_166, %parallel_loop3A_171 : vector<16xi32>
      %parallel_loop3A_173 = arith.constant 31 : i32
      %parallel_loop3A_174 = vector.broadcast %parallel_loop3A_173 : i32 to vector<16xi32>
      %parallel_loop3A_175 = arith.andi %parallel_loop3A_172, %parallel_loop3A_174 : vector<16xi32>
      %parallel_loop3A_176 = arith.constant 8 : i32
      %parallel_loop3A_177 = vector.broadcast %parallel_loop3A_176 : i32 to vector<16xi32>
      %parallel_loop3A_178 = arith.shrui %parallel_loop3A_166, %parallel_loop3A_177 : vector<16xi32>
      %parallel_loop3A_179 = arith.constant 127 : i32
      %parallel_loop3A_180 = vector.broadcast %parallel_loop3A_179 : i32 to vector<16xi32>
      %parallel_loop3A_181 = arith.andi %parallel_loop3A_178, %parallel_loop3A_180 : vector<16xi32>
      %parallel_loop3A_182 = arith.cmpi eq, %parallel_loop3A_169, %get3A_2 : vector<16xi32>
      tpu.vector_store_idx %arg8[%iota3A, %parallel_loop3A_175, %parallel_loop3A_181], %broadcast_in_dim3A_1 masked %parallel_loop3A_182 {add = true} : memref<16x32x128xi32, #tpu.memory_space<vmem>>[vector<16xi32>, vector<16xi32>, vector<16xi32>], vector<16xi32>, vector<16xi1>
    } {sc.loop_unroll_factor = 8 : i64, sc.parallel_access}
    %dma_start3A_68 = arith.constant 16384 : i32
    %dma_start3A_69 = tpu.memref_slice %arg2[%add3A_18, %dma_start3A_68] : memref<128x32768xf32, #tpu.memory_space<hbm>> -> memref<1x16384xf32, #tpu.memory_space<hbm>>
    %dma_start3A_70 = tpu.memref_squeeze %dma_start3A_69 : memref<1x16384xf32, #tpu.memory_space<hbm>> -> memref<16384xf32, #tpu.memory_space<hbm>>
    %dma_start3A_71 = arith.constant 16384 : i32
    %dma_start3A_72 = tpu.memref_slice %arg2[%add3A_18, %dma_start3A_71] : memref<128x32768xf32, #tpu.memory_space<hbm>> -> memref<1x16384xf32, #tpu.memory_space<hbm>>
    %dma_start3A_73 = tpu.memref_squeeze %dma_start3A_72 : memref<1x16384xf32, #tpu.memory_space<hbm>> -> memref<16384xf32, #tpu.memory_space<hbm>>
    tpu.enqueue_dma source(%dma_start3A_73 : memref<16384xf32, #tpu.memory_space<hbm>>) target(%arg7 : memref<16384xf32, #tpu.memory_space<vmem>>) target_semaphore(%arg11 : memref<!tpu.dma_semaphore, #tpu.memory_space<semaphore_mem>>)
    %dma_wait3A_74 = arith.constant 0 : i32
    %dma_wait3A_75 = tpu.memref_slice %arg2[%add3A_14, %dma_wait3A_74] : memref<128x32768xf32, #tpu.memory_space<hbm>> -> memref<1x16384xf32, #tpu.memory_space<hbm>>
    %dma_wait3A_76 = tpu.memref_squeeze %dma_wait3A_75 : memref<1x16384xf32, #tpu.memory_space<hbm>> -> memref<16384xf32, #tpu.memory_space<hbm>>
    %dma_wait3A_77 = arith.constant 0 : i32
    %dma_wait3A_78 = tpu.memref_slice %arg2[%add3A_14, %dma_wait3A_77] : memref<128x32768xf32, #tpu.memory_space<hbm>> -> memref<1x16384xf32, #tpu.memory_space<hbm>>
    %dma_wait3A_79 = tpu.memref_squeeze %dma_wait3A_78 : memref<1x16384xf32, #tpu.memory_space<hbm>> -> memref<16384xf32, #tpu.memory_space<hbm>>
    tpu.wait_dma2 semaphore(%arg10 : memref<!tpu.dma_semaphore, #tpu.memory_space<semaphore_mem>>) src(%dma_wait3A_79 : memref<16384xf32, #tpu.memory_space<hbm>>) dst(%arg6 : memref<16384xf32, #tpu.memory_space<vmem>>)
    %parallel_loop3A_80 = arith.constant 0 : i32
    %parallel_loop3A_81 = arith.constant 1024 : i32
    %parallel_loop3A_82 = arith.constant 1 : i32
    scf.for %parallel_loop3A_154 = %parallel_loop3A_80 to %parallel_loop3A_81 step %parallel_loop3A_82  : i32 {
      %parallel_loop3A_155 = arith.constant 16 : i32
      %parallel_loop3A_156 = arith.muli %parallel_loop3A_154, %parallel_loop3A_155 : i32
      %parallel_loop3A_157 = arith.index_cast %parallel_loop3A_156 : i32 to index
      %parallel_loop3A_158 = tpu.vector_load %arg6[%parallel_loop3A_157] {strides = array<i32>} : memref<16384xf32, #tpu.memory_space<vmem>>, vector<16xf32>,
      %parallel_loop3A_159 = tpu.bitcast %parallel_loop3A_158 : vector<16xf32> -> vector<16xi32>
      %parallel_loop3A_160 = arith.constant 31 : i32
      %parallel_loop3A_161 = vector.broadcast %parallel_loop3A_160 : i32 to vector<16xi32>
      %parallel_loop3A_162 = arith.shrsi %parallel_loop3A_159, %parallel_loop3A_161 : vector<16xi32>
      %parallel_loop3A_163 = arith.constant -2147483648 : i32
      %parallel_loop3A_164 = vector.broadcast %parallel_loop3A_163 : i32 to vector<16xi32>
      %parallel_loop3A_165 = arith.ori %parallel_loop3A_162, %parallel_loop3A_164 : vector<16xi32>
      %parallel_loop3A_166 = arith.xori %parallel_loop3A_159, %parallel_loop3A_165 : vector<16xi32>
      %parallel_loop3A_167 = arith.constant 20 : i32
      %parallel_loop3A_168 = vector.broadcast %parallel_loop3A_167 : i32 to vector<16xi32>
      %parallel_loop3A_169 = arith.shrui %parallel_loop3A_166, %parallel_loop3A_168 : vector<16xi32>
      %parallel_loop3A_170 = arith.constant 15 : i32
      %parallel_loop3A_171 = vector.broadcast %parallel_loop3A_170 : i32 to vector<16xi32>
      %parallel_loop3A_172 = arith.shrui %parallel_loop3A_166, %parallel_loop3A_171 : vector<16xi32>
      %parallel_loop3A_173 = arith.constant 31 : i32
      %parallel_loop3A_174 = vector.broadcast %parallel_loop3A_173 : i32 to vector<16xi32>
      %parallel_loop3A_175 = arith.andi %parallel_loop3A_172, %parallel_loop3A_174 : vector<16xi32>
      %parallel_loop3A_176 = arith.constant 8 : i32
      %parallel_loop3A_177 = vector.broadcast %parallel_loop3A_176 : i32 to vector<16xi32>
      %parallel_loop3A_178 = arith.shrui %parallel_loop3A_166, %parallel_loop3A_177 : vector<16xi32>
      %parallel_loop3A_179 = arith.constant 127 : i32
      %parallel_loop3A_180 = vector.broadcast %parallel_loop3A_179 : i32 to vector<16xi32>
      %parallel_loop3A_181 = arith.andi %parallel_loop3A_178, %parallel_loop3A_180 : vector<16xi32>
      %parallel_loop3A_182 = arith.cmpi eq, %parallel_loop3A_169, %get3A_2 : vector<16xi32>
      tpu.vector_store_idx %arg8[%iota3A, %parallel_loop3A_175, %parallel_loop3A_181], %broadcast_in_dim3A_1 masked %parallel_loop3A_182 {add = true} : memref<16x32x128xi32, #tpu.memory_space<vmem>>[vector<16xi32>, vector<16xi32>, vector<16xi32>], vector<16xi32>, vector<16xi1>
    } {sc.loop_unroll_factor = 8 : i64, sc.parallel_access}
    %dma_start3A_83 = arith.constant 0 : i32
    %dma_start3A_84 = tpu.memref_slice %arg2[%add3A_22, %dma_start3A_83] : memref<128x32768xf32, #tpu.memory_space<hbm>> -> memref<1x16384xf32, #tpu.memory_space<hbm>>
    %dma_start3A_85 = tpu.memref_squeeze %dma_start3A_84 : memref<1x16384xf32, #tpu.memory_space<hbm>> -> memref<16384xf32, #tpu.memory_space<hbm>>
    %dma_start3A_86 = arith.constant 0 : i32
    %dma_start3A_87 = tpu.memref_slice %arg2[%add3A_22, %dma_start3A_86] : memref<128x32768xf32, #tpu.memory_space<hbm>> -> memref<1x16384xf32, #tpu.memory_space<hbm>>
    %dma_start3A_88 = tpu.memref_squeeze %dma_start3A_87 : memref<1x16384xf32, #tpu.memory_space<hbm>> -> memref<16384xf32, #tpu.memory_space<hbm>>
    tpu.enqueue_dma source(%dma_start3A_88 : memref<16384xf32, #tpu.memory_space<hbm>>) target(%arg6 : memref<16384xf32, #tpu.memory_space<vmem>>) target_semaphore(%arg10 : memref<!tpu.dma_semaphore, #tpu.memory_space<semaphore_mem>>)
    %dma_wait3A_89 = arith.constant 16384 : i32
    %dma_wait3A_90 = tpu.memref_slice %arg2[%add3A_18, %dma_wait3A_89] : memref<128x32768xf32, #tpu.memory_space<hbm>> -> memref<1x16384xf32, #tpu.memory_space<hbm>>
    %dma_wait3A_91 = tpu.memref_squeeze %dma_wait3A_90 : memref<1x16384xf32, #tpu.memory_space<hbm>> -> memref<16384xf32, #tpu.memory_space<hbm>>
    %dma_wait3A_92 = arith.constant 16384 : i32
    %dma_wait3A_93 = tpu.memref_slice %arg2[%add3A_18, %dma_wait3A_92] : memref<128x32768xf32, #tpu.memory_space<hbm>> -> memref<1x16384xf32, #tpu.memory_space<hbm>>
    %dma_wait3A_94 = tpu.memref_squeeze %dma_wait3A_93 : memref<1x16384xf32, #tpu.memory_space<hbm>> -> memref<16384xf32, #tpu.memory_space<hbm>>
    tpu.wait_dma2 semaphore(%arg11 : memref<!tpu.dma_semaphore, #tpu.memory_space<semaphore_mem>>) src(%dma_wait3A_94 : memref<16384xf32, #tpu.memory_space<hbm>>) dst(%arg7 : memref<16384xf32, #tpu.memory_space<vmem>>)
    %parallel_loop3A_95 = arith.constant 0 : i32
    %parallel_loop3A_96 = arith.constant 1024 : i32
    %parallel_loop3A_97 = arith.constant 1 : i32
    scf.for %parallel_loop3A_154 = %parallel_loop3A_95 to %parallel_loop3A_96 step %parallel_loop3A_97  : i32 {
      %parallel_loop3A_155 = arith.constant 16 : i32
      %parallel_loop3A_156 = arith.muli %parallel_loop3A_154, %parallel_loop3A_155 : i32
      %parallel_loop3A_157 = arith.index_cast %parallel_loop3A_156 : i32 to index
      %parallel_loop3A_158 = tpu.vector_load %arg7[%parallel_loop3A_157] {strides = array<i32>} : memref<16384xf32, #tpu.memory_space<vmem>>, vector<16xf32>,
      %parallel_loop3A_159 = tpu.bitcast %parallel_loop3A_158 : vector<16xf32> -> vector<16xi32>
      %parallel_loop3A_160 = arith.constant 31 : i32
      %parallel_loop3A_161 = vector.broadcast %parallel_loop3A_160 : i32 to vector<16xi32>
      %parallel_loop3A_162 = arith.shrsi %parallel_loop3A_159, %parallel_loop3A_161 : vector<16xi32>
      %parallel_loop3A_163 = arith.constant -2147483648 : i32
      %parallel_loop3A_164 = vector.broadcast %parallel_loop3A_163 : i32 to vector<16xi32>
      %parallel_loop3A_165 = arith.ori %parallel_loop3A_162, %parallel_loop3A_164 : vector<16xi32>
      %parallel_loop3A_166 = arith.xori %parallel_loop3A_159, %parallel_loop3A_165 : vector<16xi32>
      %parallel_loop3A_167 = arith.constant 20 : i32
      %parallel_loop3A_168 = vector.broadcast %parallel_loop3A_167 : i32 to vector<16xi32>
      %parallel_loop3A_169 = arith.shrui %parallel_loop3A_166, %parallel_loop3A_168 : vector<16xi32>
      %parallel_loop3A_170 = arith.constant 15 : i32
      %parallel_loop3A_171 = vector.broadcast %parallel_loop3A_170 : i32 to vector<16xi32>
      %parallel_loop3A_172 = arith.shrui %parallel_loop3A_166, %parallel_loop3A_171 : vector<16xi32>
      %parallel_loop3A_173 = arith.constant 31 : i32
      %parallel_loop3A_174 = vector.broadcast %parallel_loop3A_173 : i32 to vector<16xi32>
      %parallel_loop3A_175 = arith.andi %parallel_loop3A_172, %parallel_loop3A_174 : vector<16xi32>
      %parallel_loop3A_176 = arith.constant 8 : i32
      %parallel_loop3A_177 = vector.broadcast %parallel_loop3A_176 : i32 to vector<16xi32>
      %parallel_loop3A_178 = arith.shrui %parallel_loop3A_166, %parallel_loop3A_177 : vector<16xi32>
      %parallel_loop3A_179 = arith.constant 127 : i32
      %parallel_loop3A_180 = vector.broadcast %parallel_loop3A_179 : i32 to vector<16xi32>
      %parallel_loop3A_181 = arith.andi %parallel_loop3A_178, %parallel_loop3A_180 : vector<16xi32>
      %parallel_loop3A_182 = arith.cmpi eq, %parallel_loop3A_169, %get3A_2 : vector<16xi32>
      tpu.vector_store_idx %arg8[%iota3A, %parallel_loop3A_175, %parallel_loop3A_181], %broadcast_in_dim3A_1 masked %parallel_loop3A_182 {add = true} : memref<16x32x128xi32, #tpu.memory_space<vmem>>[vector<16xi32>, vector<16xi32>, vector<16xi32>], vector<16xi32>, vector<16xi1>
    } {sc.loop_unroll_factor = 8 : i64, sc.parallel_access}
    %dma_start3A_98 = arith.constant 16384 : i32
    %dma_start3A_99 = tpu.memref_slice %arg2[%add3A_26, %dma_start3A_98] : memref<128x32768xf32, #tpu.memory_space<hbm>> -> memref<1x16384xf32, #tpu.memory_space<hbm>>
    %dma_start3A_100 = tpu.memref_squeeze %dma_start3A_99 : memref<1x16384xf32, #tpu.memory_space<hbm>> -> memref<16384xf32, #tpu.memory_space<hbm>>
    %dma_start3A_101 = arith.constant 16384 : i32
    %dma_start3A_102 = tpu.memref_slice %arg2[%add3A_26, %dma_start3A_101] : memref<128x32768xf32, #tpu.memory_space<hbm>> -> memref<1x16384xf32, #tpu.memory_space<hbm>>
    %dma_start3A_103 = tpu.memref_squeeze %dma_start3A_102 : memref<1x16384xf32, #tpu.memory_space<hbm>> -> memref<16384xf32, #tpu.memory_space<hbm>>
    tpu.enqueue_dma source(%dma_start3A_103 : memref<16384xf32, #tpu.memory_space<hbm>>) target(%arg7 : memref<16384xf32, #tpu.memory_space<vmem>>) target_semaphore(%arg11 : memref<!tpu.dma_semaphore, #tpu.memory_space<semaphore_mem>>)
    %dma_wait3A_104 = arith.constant 0 : i32
    %dma_wait3A_105 = tpu.memref_slice %arg2[%add3A_22, %dma_wait3A_104] : memref<128x32768xf32, #tpu.memory_space<hbm>> -> memref<1x16384xf32, #tpu.memory_space<hbm>>
    %dma_wait3A_106 = tpu.memref_squeeze %dma_wait3A_105 : memref<1x16384xf32, #tpu.memory_space<hbm>> -> memref<16384xf32, #tpu.memory_space<hbm>>
    %dma_wait3A_107 = arith.constant 0 : i32
    %dma_wait3A_108 = tpu.memref_slice %arg2[%add3A_22, %dma_wait3A_107] : memref<128x32768xf32, #tpu.memory_space<hbm>> -> memref<1x16384xf32, #tpu.memory_space<hbm>>
    %dma_wait3A_109 = tpu.memref_squeeze %dma_wait3A_108 : memref<1x16384xf32, #tpu.memory_space<hbm>> -> memref<16384xf32, #tpu.memory_space<hbm>>
    tpu.wait_dma2 semaphore(%arg10 : memref<!tpu.dma_semaphore, #tpu.memory_space<semaphore_mem>>) src(%dma_wait3A_109 : memref<16384xf32, #tpu.memory_space<hbm>>) dst(%arg6 : memref<16384xf32, #tpu.memory_space<vmem>>)
    %parallel_loop3A_110 = arith.constant 0 : i32
    %parallel_loop3A_111 = arith.constant 1024 : i32
    %parallel_loop3A_112 = arith.constant 1 : i32
    scf.for %parallel_loop3A_154 = %parallel_loop3A_110 to %parallel_loop3A_111 step %parallel_loop3A_112  : i32 {
      %parallel_loop3A_155 = arith.constant 16 : i32
      %parallel_loop3A_156 = arith.muli %parallel_loop3A_154, %parallel_loop3A_155 : i32
      %parallel_loop3A_157 = arith.index_cast %parallel_loop3A_156 : i32 to index
      %parallel_loop3A_158 = tpu.vector_load %arg6[%parallel_loop3A_157] {strides = array<i32>} : memref<16384xf32, #tpu.memory_space<vmem>>, vector<16xf32>,
      %parallel_loop3A_159 = tpu.bitcast %parallel_loop3A_158 : vector<16xf32> -> vector<16xi32>
      %parallel_loop3A_160 = arith.constant 31 : i32
      %parallel_loop3A_161 = vector.broadcast %parallel_loop3A_160 : i32 to vector<16xi32>
      %parallel_loop3A_162 = arith.shrsi %parallel_loop3A_159, %parallel_loop3A_161 : vector<16xi32>
      %parallel_loop3A_163 = arith.constant -2147483648 : i32
      %parallel_loop3A_164 = vector.broadcast %parallel_loop3A_163 : i32 to vector<16xi32>
      %parallel_loop3A_165 = arith.ori %parallel_loop3A_162, %parallel_loop3A_164 : vector<16xi32>
      %parallel_loop3A_166 = arith.xori %parallel_loop3A_159, %parallel_loop3A_165 : vector<16xi32>
      %parallel_loop3A_167 = arith.constant 20 : i32
      %parallel_loop3A_168 = vector.broadcast %parallel_loop3A_167 : i32 to vector<16xi32>
      %parallel_loop3A_169 = arith.shrui %parallel_loop3A_166, %parallel_loop3A_168 : vector<16xi32>
      %parallel_loop3A_170 = arith.constant 15 : i32
      %parallel_loop3A_171 = vector.broadcast %parallel_loop3A_170 : i32 to vector<16xi32>
      %parallel_loop3A_172 = arith.shrui %parallel_loop3A_166, %parallel_loop3A_171 : vector<16xi32>
      %parallel_loop3A_173 = arith.constant 31 : i32
      %parallel_loop3A_174 = vector.broadcast %parallel_loop3A_173 : i32 to vector<16xi32>
      %parallel_loop3A_175 = arith.andi %parallel_loop3A_172, %parallel_loop3A_174 : vector<16xi32>
      %parallel_loop3A_176 = arith.constant 8 : i32
      %parallel_loop3A_177 = vector.broadcast %parallel_loop3A_176 : i32 to vector<16xi32>
      %parallel_loop3A_178 = arith.shrui %parallel_loop3A_166, %parallel_loop3A_177 : vector<16xi32>
      %parallel_loop3A_179 = arith.constant 127 : i32
      %parallel_loop3A_180 = vector.broadcast %parallel_loop3A_179 : i32 to vector<16xi32>
      %parallel_loop3A_181 = arith.andi %parallel_loop3A_178, %parallel_loop3A_180 : vector<16xi32>
      %parallel_loop3A_182 = arith.cmpi eq, %parallel_loop3A_169, %get3A_2 : vector<16xi32>
      tpu.vector_store_idx %arg8[%iota3A, %parallel_loop3A_175, %parallel_loop3A_181], %broadcast_in_dim3A_1 masked %parallel_loop3A_182 {add = true} : memref<16x32x128xi32, #tpu.memory_space<vmem>>[vector<16xi32>, vector<16xi32>, vector<16xi32>], vector<16xi32>, vector<16xi1>
    } {sc.loop_unroll_factor = 8 : i64, sc.parallel_access}
    %dma_start3A_113 = arith.constant 0 : i32
    %dma_start3A_114 = tpu.memref_slice %arg2[%add3A_30, %dma_start3A_113] : memref<128x32768xf32, #tpu.memory_space<hbm>> -> memref<1x16384xf32, #tpu.memory_space<hbm>>
    %dma_start3A_115 = tpu.memref_squeeze %dma_start3A_114 : memref<1x16384xf32, #tpu.memory_space<hbm>> -> memref<16384xf32, #tpu.memory_space<hbm>>
    %dma_start3A_116 = arith.constant 0 : i32
    %dma_start3A_117 = tpu.memref_slice %arg2[%add3A_30, %dma_start3A_116] : memref<128x32768xf32, #tpu.memory_space<hbm>> -> memref<1x16384xf32, #tpu.memory_space<hbm>>
    %dma_start3A_118 = tpu.memref_squeeze %dma_start3A_117 : memref<1x16384xf32, #tpu.memory_space<hbm>> -> memref<16384xf32, #tpu.memory_space<hbm>>
    tpu.enqueue_dma source(%dma_start3A_118 : memref<16384xf32, #tpu.memory_space<hbm>>) target(%arg6 : memref<16384xf32, #tpu.memory_space<vmem>>) target_semaphore(%arg10 : memref<!tpu.dma_semaphore, #tpu.memory_space<semaphore_mem>>)
    %dma_wait3A_119 = arith.constant 16384 : i32
    %dma_wait3A_120 = tpu.memref_slice %arg2[%add3A_26, %dma_wait3A_119] : memref<128x32768xf32, #tpu.memory_space<hbm>> -> memref<1x16384xf32, #tpu.memory_space<hbm>>
    %dma_wait3A_121 = tpu.memref_squeeze %dma_wait3A_120 : memref<1x16384xf32, #tpu.memory_space<hbm>> -> memref<16384xf32, #tpu.memory_space<hbm>>
    %dma_wait3A_122 = arith.constant 16384 : i32
    %dma_wait3A_123 = tpu.memref_slice %arg2[%add3A_26, %dma_wait3A_122] : memref<128x32768xf32, #tpu.memory_space<hbm>> -> memref<1x16384xf32, #tpu.memory_space<hbm>>
    %dma_wait3A_124 = tpu.memref_squeeze %dma_wait3A_123 : memref<1x16384xf32, #tpu.memory_space<hbm>> -> memref<16384xf32, #tpu.memory_space<hbm>>
    tpu.wait_dma2 semaphore(%arg11 : memref<!tpu.dma_semaphore, #tpu.memory_space<semaphore_mem>>) src(%dma_wait3A_124 : memref<16384xf32, #tpu.memory_space<hbm>>) dst(%arg7 : memref<16384xf32, #tpu.memory_space<vmem>>)
    %parallel_loop3A_125 = arith.constant 0 : i32
    %parallel_loop3A_126 = arith.constant 1024 : i32
    %parallel_loop3A_127 = arith.constant 1 : i32
    scf.for %parallel_loop3A_154 = %parallel_loop3A_125 to %parallel_loop3A_126 step %parallel_loop3A_127  : i32 {
      %parallel_loop3A_155 = arith.constant 16 : i32
      %parallel_loop3A_156 = arith.muli %parallel_loop3A_154, %parallel_loop3A_155 : i32
      %parallel_loop3A_157 = arith.index_cast %parallel_loop3A_156 : i32 to index
      %parallel_loop3A_158 = tpu.vector_load %arg7[%parallel_loop3A_157] {strides = array<i32>} : memref<16384xf32, #tpu.memory_space<vmem>>, vector<16xf32>,
      %parallel_loop3A_159 = tpu.bitcast %parallel_loop3A_158 : vector<16xf32> -> vector<16xi32>
      %parallel_loop3A_160 = arith.constant 31 : i32
      %parallel_loop3A_161 = vector.broadcast %parallel_loop3A_160 : i32 to vector<16xi32>
      %parallel_loop3A_162 = arith.shrsi %parallel_loop3A_159, %parallel_loop3A_161 : vector<16xi32>
      %parallel_loop3A_163 = arith.constant -2147483648 : i32
      %parallel_loop3A_164 = vector.broadcast %parallel_loop3A_163 : i32 to vector<16xi32>
      %parallel_loop3A_165 = arith.ori %parallel_loop3A_162, %parallel_loop3A_164 : vector<16xi32>
      %parallel_loop3A_166 = arith.xori %parallel_loop3A_159, %parallel_loop3A_165 : vector<16xi32>
      %parallel_loop3A_167 = arith.constant 20 : i32
      %parallel_loop3A_168 = vector.broadcast %parallel_loop3A_167 : i32 to vector<16xi32>
      %parallel_loop3A_169 = arith.shrui %parallel_loop3A_166, %parallel_loop3A_168 : vector<16xi32>
      %parallel_loop3A_170 = arith.constant 15 : i32
      %parallel_loop3A_171 = vector.broadcast %parallel_loop3A_170 : i32 to vector<16xi32>
      %parallel_loop3A_172 = arith.shrui %parallel_loop3A_166, %parallel_loop3A_171 : vector<16xi32>
      %parallel_loop3A_173 = arith.constant 31 : i32
      %parallel_loop3A_174 = vector.broadcast %parallel_loop3A_173 : i32 to vector<16xi32>
      %parallel_loop3A_175 = arith.andi %parallel_loop3A_172, %parallel_loop3A_174 : vector<16xi32>
      %parallel_loop3A_176 = arith.constant 8 : i32
      %parallel_loop3A_177 = vector.broadcast %parallel_loop3A_176 : i32 to vector<16xi32>
      %parallel_loop3A_178 = arith.shrui %parallel_loop3A_166, %parallel_loop3A_177 : vector<16xi32>
      %parallel_loop3A_179 = arith.constant 127 : i32
      %parallel_loop3A_180 = vector.broadcast %parallel_loop3A_179 : i32 to vector<16xi32>
      %parallel_loop3A_181 = arith.andi %parallel_loop3A_178, %parallel_loop3A_180 : vector<16xi32>
      %parallel_loop3A_182 = arith.cmpi eq, %parallel_loop3A_169, %get3A_2 : vector<16xi32>
      tpu.vector_store_idx %arg8[%iota3A, %parallel_loop3A_175, %parallel_loop3A_181], %broadcast_in_dim3A_1 masked %parallel_loop3A_182 {add = true} : memref<16x32x128xi32, #tpu.memory_space<vmem>>[vector<16xi32>, vector<16xi32>, vector<16xi32>], vector<16xi32>, vector<16xi1>
    } {sc.loop_unroll_factor = 8 : i64, sc.parallel_access}
    %dma_start3A_128 = arith.constant 16384 : i32
    %dma_start3A_129 = tpu.memref_slice %arg2[%add3A_34, %dma_start3A_128] : memref<128x32768xf32, #tpu.memory_space<hbm>> -> memref<1x16384xf32, #tpu.memory_space<hbm>>
    %dma_start3A_130 = tpu.memref_squeeze %dma_start3A_129 : memref<1x16384xf32, #tpu.memory_space<hbm>> -> memref<16384xf32, #tpu.memory_space<hbm>>
    %dma_start3A_131 = arith.constant 16384 : i32
    %dma_start3A_132 = tpu.memref_slice %arg2[%add3A_34, %dma_start3A_131] : memref<128x32768xf32, #tpu.memory_space<hbm>> -> memref<1x16384xf32, #tpu.memory_space<hbm>>
    %dma_start3A_133 = tpu.memref_squeeze %dma_start3A_132 : memref<1x16384xf32, #tpu.memory_space<hbm>> -> memref<16384xf32, #tpu.memory_space<hbm>>
    tpu.enqueue_dma source(%dma_start3A_133 : memref<16384xf32, #tpu.memory_space<hbm>>) target(%arg7 : memref<16384xf32, #tpu.memory_space<vmem>>) target_semaphore(%arg11 : memref<!tpu.dma_semaphore, #tpu.memory_space<semaphore_mem>>)
    %dma_wait3A_134 = arith.constant 0 : i32
    %dma_wait3A_135 = tpu.memref_slice %arg2[%add3A_30, %dma_wait3A_134] : memref<128x32768xf32, #tpu.memory_space<hbm>> -> memref<1x16384xf32, #tpu.memory_space<hbm>>
    %dma_wait3A_136 = tpu.memref_squeeze %dma_wait3A_135 : memref<1x16384xf32, #tpu.memory_space<hbm>> -> memref<16384xf32, #tpu.memory_space<hbm>>
    %dma_wait3A_137 = arith.constant 0 : i32
    %dma_wait3A_138 = tpu.memref_slice %arg2[%add3A_30, %dma_wait3A_137] : memref<128x32768xf32, #tpu.memory_space<hbm>> -> memref<1x16384xf32, #tpu.memory_space<hbm>>
    %dma_wait3A_139 = tpu.memref_squeeze %dma_wait3A_138 : memref<1x16384xf32, #tpu.memory_space<hbm>> -> memref<16384xf32, #tpu.memory_space<hbm>>
    tpu.wait_dma2 semaphore(%arg10 : memref<!tpu.dma_semaphore, #tpu.memory_space<semaphore_mem>>) src(%dma_wait3A_139 : memref<16384xf32, #tpu.memory_space<hbm>>) dst(%arg6 : memref<16384xf32, #tpu.memory_space<vmem>>)
    %parallel_loop3A_140 = arith.constant 0 : i32
    %parallel_loop3A_141 = arith.constant 1024 : i32
    %parallel_loop3A_142 = arith.constant 1 : i32
    scf.for %parallel_loop3A_154 = %parallel_loop3A_140 to %parallel_loop3A_141 step %parallel_loop3A_142  : i32 {
      %parallel_loop3A_155 = arith.constant 16 : i32
      %parallel_loop3A_156 = arith.muli %parallel_loop3A_154, %parallel_loop3A_155 : i32
      %parallel_loop3A_157 = arith.index_cast %parallel_loop3A_156 : i32 to index
      %parallel_loop3A_158 = tpu.vector_load %arg6[%parallel_loop3A_157] {strides = array<i32>} : memref<16384xf32, #tpu.memory_space<vmem>>, vector<16xf32>,
      %parallel_loop3A_159 = tpu.bitcast %parallel_loop3A_158 : vector<16xf32> -> vector<16xi32>
      %parallel_loop3A_160 = arith.constant 31 : i32
      %parallel_loop3A_161 = vector.broadcast %parallel_loop3A_160 : i32 to vector<16xi32>
      %parallel_loop3A_162 = arith.shrsi %parallel_loop3A_159, %parallel_loop3A_161 : vector<16xi32>
      %parallel_loop3A_163 = arith.constant -2147483648 : i32
      %parallel_loop3A_164 = vector.broadcast %parallel_loop3A_163 : i32 to vector<16xi32>
      %parallel_loop3A_165 = arith.ori %parallel_loop3A_162, %parallel_loop3A_164 : vector<16xi32>
      %parallel_loop3A_166 = arith.xori %parallel_loop3A_159, %parallel_loop3A_165 : vector<16xi32>
      %parallel_loop3A_167 = arith.constant 20 : i32
      %parallel_loop3A_168 = vector.broadcast %parallel_loop3A_167 : i32 to vector<16xi32>
      %parallel_loop3A_169 = arith.shrui %parallel_loop3A_166, %parallel_loop3A_168 : vector<16xi32>
      %parallel_loop3A_170 = arith.constant 15 : i32
      %parallel_loop3A_171 = vector.broadcast %parallel_loop3A_170 : i32 to vector<16xi32>
      %parallel_loop3A_172 = arith.shrui %parallel_loop3A_166, %parallel_loop3A_171 : vector<16xi32>
      %parallel_loop3A_173 = arith.constant 31 : i32
      %parallel_loop3A_174 = vector.broadcast %parallel_loop3A_173 : i32 to vector<16xi32>
      %parallel_loop3A_175 = arith.andi %parallel_loop3A_172, %parallel_loop3A_174 : vector<16xi32>
      %parallel_loop3A_176 = arith.constant 8 : i32
      %parallel_loop3A_177 = vector.broadcast %parallel_loop3A_176 : i32 to vector<16xi32>
      %parallel_loop3A_178 = arith.shrui %parallel_loop3A_166, %parallel_loop3A_177 : vector<16xi32>
      %parallel_loop3A_179 = arith.constant 127 : i32
      %parallel_loop3A_180 = vector.broadcast %parallel_loop3A_179 : i32 to vector<16xi32>
      %parallel_loop3A_181 = arith.andi %parallel_loop3A_178, %parallel_loop3A_180 : vector<16xi32>
      %parallel_loop3A_182 = arith.cmpi eq, %parallel_loop3A_169, %get3A_2 : vector<16xi32>
      tpu.vector_store_idx %arg8[%iota3A, %parallel_loop3A_175, %parallel_loop3A_181], %broadcast_in_dim3A_1 masked %parallel_loop3A_182 {add = true} : memref<16x32x128xi32, #tpu.memory_space<vmem>>[vector<16xi32>, vector<16xi32>, vector<16xi32>], vector<16xi32>, vector<16xi1>
    } {sc.loop_unroll_factor = 8 : i64, sc.parallel_access}
    %dma_wait3A_143 = arith.constant 16384 : i32
    %dma_wait3A_144 = tpu.memref_slice %arg2[%add3A_34, %dma_wait3A_143] : memref<128x32768xf32, #tpu.memory_space<hbm>> -> memref<1x16384xf32, #tpu.memory_space<hbm>>
    %dma_wait3A_145 = tpu.memref_squeeze %dma_wait3A_144 : memref<1x16384xf32, #tpu.memory_space<hbm>> -> memref<16384xf32, #tpu.memory_space<hbm>>
    %dma_wait3A_146 = arith.constant 16384 : i32
    %dma_wait3A_147 = tpu.memref_slice %arg2[%add3A_34, %dma_wait3A_146] : memref<128x32768xf32, #tpu.memory_space<hbm>> -> memref<1x16384xf32, #tpu.memory_space<hbm>>
    %dma_wait3A_148 = tpu.memref_squeeze %dma_wait3A_147 : memref<1x16384xf32, #tpu.memory_space<hbm>> -> memref<16384xf32, #tpu.memory_space<hbm>>
    tpu.wait_dma2 semaphore(%arg11 : memref<!tpu.dma_semaphore, #tpu.memory_space<semaphore_mem>>) src(%dma_wait3A_148 : memref<16384xf32, #tpu.memory_space<hbm>>) dst(%arg7 : memref<16384xf32, #tpu.memory_space<vmem>>)
    %parallel_loop3A_149 = arith.constant 0 : i32
    %parallel_loop3A_150 = arith.constant 1024 : i32
    %parallel_loop3A_151 = arith.constant 1 : i32
    scf.for %parallel_loop3A_154 = %parallel_loop3A_149 to %parallel_loop3A_150 step %parallel_loop3A_151  : i32 {
      %parallel_loop3A_155 = arith.constant 16 : i32
      %parallel_loop3A_156 = arith.muli %parallel_loop3A_154, %parallel_loop3A_155 : i32
      %parallel_loop3A_157 = arith.index_cast %parallel_loop3A_156 : i32 to index
      %parallel_loop3A_158 = tpu.vector_load %arg7[%parallel_loop3A_157] {strides = array<i32>} : memref<16384xf32, #tpu.memory_space<vmem>>, vector<16xf32>,
      %parallel_loop3A_159 = tpu.bitcast %parallel_loop3A_158 : vector<16xf32> -> vector<16xi32>
      %parallel_loop3A_160 = arith.constant 31 : i32
      %parallel_loop3A_161 = vector.broadcast %parallel_loop3A_160 : i32 to vector<16xi32>
      %parallel_loop3A_162 = arith.shrsi %parallel_loop3A_159, %parallel_loop3A_161 : vector<16xi32>
      %parallel_loop3A_163 = arith.constant -2147483648 : i32
      %parallel_loop3A_164 = vector.broadcast %parallel_loop3A_163 : i32 to vector<16xi32>
      %parallel_loop3A_165 = arith.ori %parallel_loop3A_162, %parallel_loop3A_164 : vector<16xi32>
      %parallel_loop3A_166 = arith.xori %parallel_loop3A_159, %parallel_loop3A_165 : vector<16xi32>
      %parallel_loop3A_167 = arith.constant 20 : i32
      %parallel_loop3A_168 = vector.broadcast %parallel_loop3A_167 : i32 to vector<16xi32>
      %parallel_loop3A_169 = arith.shrui %parallel_loop3A_166, %parallel_loop3A_168 : vector<16xi32>
      %parallel_loop3A_170 = arith.constant 15 : i32
      %parallel_loop3A_171 = vector.broadcast %parallel_loop3A_170 : i32 to vector<16xi32>
      %parallel_loop3A_172 = arith.shrui %parallel_loop3A_166, %parallel_loop3A_171 : vector<16xi32>
      %parallel_loop3A_173 = arith.constant 31 : i32
      %parallel_loop3A_174 = vector.broadcast %parallel_loop3A_173 : i32 to vector<16xi32>
      %parallel_loop3A_175 = arith.andi %parallel_loop3A_172, %parallel_loop3A_174 : vector<16xi32>
      %parallel_loop3A_176 = arith.constant 8 : i32
      %parallel_loop3A_177 = vector.broadcast %parallel_loop3A_176 : i32 to vector<16xi32>
      %parallel_loop3A_178 = arith.shrui %parallel_loop3A_166, %parallel_loop3A_177 : vector<16xi32>
      %parallel_loop3A_179 = arith.constant 127 : i32
      %parallel_loop3A_180 = vector.broadcast %parallel_loop3A_179 : i32 to vector<16xi32>
      %parallel_loop3A_181 = arith.andi %parallel_loop3A_178, %parallel_loop3A_180 : vector<16xi32>
      %parallel_loop3A_182 = arith.cmpi eq, %parallel_loop3A_169, %get3A_2 : vector<16xi32>
      tpu.vector_store_idx %arg8[%iota3A, %parallel_loop3A_175, %parallel_loop3A_181], %broadcast_in_dim3A_1 masked %parallel_loop3A_182 {add = true} : memref<16x32x128xi32, #tpu.memory_space<vmem>>[vector<16xi32>, vector<16xi32>, vector<16xi32>], vector<16xi32>, vector<16xi1>
    } {sc.loop_unroll_factor = 8 : i64, sc.parallel_access}
    %mul3A_152 = arith.constant 16 : i32
    %mul3A_153 = arith.muli %add3A, %mul3A_152 : i32
    "tpu.region"() ({
      %run_scoped3A_154 = tpu.sem_alloc : memref<!tpu.dma_semaphore, #tpu.memory_space<semaphore_mem>>
      %dma_start3A_155 = arith.constant 0 : i32
      %dma_start3A_156 = arith.constant 0 : i32
      %dma_start3A_157 = tpu.memref_slice %arg5[%mul3A_153, %dma_start3A_155, %dma_start3A_156] : memref<512x32x128xi32, #tpu.memory_space<hbm>> -> memref<16x32x128xi32, #tpu.memory_space<hbm>>
      %dma_start3A_158 = arith.constant 0 : i32
      %dma_start3A_159 = arith.constant 0 : i32
      %dma_start3A_160 = tpu.memref_slice %arg5[%mul3A_153, %dma_start3A_158, %dma_start3A_159] : memref<512x32x128xi32, #tpu.memory_space<hbm>> -> memref<16x32x128xi32, #tpu.memory_space<hbm>>
      tpu.enqueue_dma source(%arg8 : memref<16x32x128xi32, #tpu.memory_space<vmem>>) target(%dma_start3A_160 : memref<16x32x128xi32, #tpu.memory_space<hbm>>) target_semaphore(%run_scoped3A_154 : memref<!tpu.dma_semaphore, #tpu.memory_space<semaphore_mem>>)
      %dma_wait3A_161 = arith.constant 0 : i32
      %dma_wait3A_162 = arith.constant 0 : i32
      %dma_wait3A_163 = tpu.memref_slice %arg5[%mul3A_153, %dma_wait3A_161, %dma_wait3A_162] : memref<512x32x128xi32, #tpu.memory_space<hbm>> -> memref<16x32x128xi32, #tpu.memory_space<hbm>>
      %dma_wait3A_164 = arith.constant 0 : i32
      %dma_wait3A_165 = arith.constant 0 : i32
      %dma_wait3A_166 = tpu.memref_slice %arg5[%mul3A_153, %dma_wait3A_164, %dma_wait3A_165] : memref<512x32x128xi32, #tpu.memory_space<hbm>> -> memref<16x32x128xi32, #tpu.memory_space<hbm>>
      tpu.wait_dma2 semaphore(%run_scoped3A_154 : memref<!tpu.dma_semaphore, #tpu.memory_space<semaphore_mem>>) src(%arg8 : memref<16x32x128xi32, #tpu.memory_space<vmem>>) dst(%dma_wait3A_166 : memref<16x32x128xi32, #tpu.memory_space<hbm>>)
      tpu.yield
    }) : () -> ()
    return
  }
}

module attributes {stable_mosaic.version = 14 : i64} {
  func.func @body(%arg0: memref<512x32x128xi32, #tpu.memory_space<vmem>>, %arg1: memref<8x128xi32, #tpu.memory_space<vmem>>) attributes {dimension_semantics = [], scalar_prefetch = 0 : i64, scratch_operands = 0 : i64, tpu.core_type = #tpu.core_type<tc>} {
    %get3A = arith.constant 0 : index
    %get3A_0 = arith.constant 0 : index
    %get3A_1 = arith.constant 0 : index
    %get3A_2 = vector.load %arg0[%get3A, %get3A_0, %get3A_1] : memref<512x32x128xi32, #tpu.memory_space<vmem>>, vector<512x32x128xi32>
    %convert_element_type3A = arith.sitofp %get3A_2 : vector<512x32x128xi32> to vector<512x32x128xf32>
    %reduce_sum3A = arith.constant dense<0.000000e+00> : vector<32x128xf32>
    %reduce_sum3A_3 = vector.multi_reduction <add>, %convert_element_type3A, %reduce_sum3A [0] : vector<512x32x128xf32> to vector<32x128xf32>
    %iota3A = tpu.iota {dimensions = array<i32: 0>} : vector<32x128xi32>
    %iota3A_4 = tpu.iota {dimensions = array<i32: 1>} : vector<32x128xi32>
    %mul3A = arith.constant 128 : i32
    %mul3A_5 = vector.broadcast %mul3A : i32 to vector<32x128xi32>
    %mul3A_6 = arith.muli %iota3A, %mul3A_5 : vector<32x128xi32>
    %add3A = arith.addi %mul3A_6, %iota3A_4 : vector<32x128xi32>
    %convert_element_type3A_7 = arith.sitofp %add3A : vector<32x128xi32> to vector<32x128xf32>
    %iota3A_8 = tpu.iota {dimensions = array<i32: 0>} : vector<128x128xi32>
    %iota3A_9 = tpu.iota {dimensions = array<i32: 1>} : vector<128x128xi32>
    %lt3A = arith.cmpi slt, %iota3A_8, %iota3A_9 : vector<128x128xi32>
    %convert_element_type3A_10 = arith.extui %lt3A : vector<128x128xi1> to vector<128x128xi32>
    %convert_element_type3A_11 = arith.sitofp %convert_element_type3A_10 : vector<128x128xi32> to vector<128x128xf32>
    %dot_general3A = arith.constant dense<0.000000e+00> : vector<32x128xf32>
    %dot_general3A_12 = tpu.matmul %reduce_sum3A_3, %convert_element_type3A_11, %dot_general3A {dimension_numbers = #tpu.dot_dimension_numbers<[1], [0], [0], [1], [0, 0, 1, 1], [], []>, precision = #tpu.contract_precision<fp32>, transpose_lhs_hint = false} : vector<32x128xf32>, vector<128x128xf32>, vector<32x128xf32> -> vector<32x128xf32>
    %iota3A_13 = tpu.iota {dimensions = array<i32: 0>} : vector<32x32xi32>
    %iota3A_14 = tpu.iota {dimensions = array<i32: 1>} : vector<32x32xi32>
    %gt3A = arith.cmpi sgt, %iota3A_13, %iota3A_14 : vector<32x32xi32>
    %convert_element_type3A_15 = arith.extui %gt3A : vector<32x32xi1> to vector<32x32xi32>
    %convert_element_type3A_16 = arith.sitofp %convert_element_type3A_15 : vector<32x32xi32> to vector<32x32xf32>
    %reduce_sum3A_17 = arith.constant dense<0.000000e+00> : vector<32xf32>
    %reduce_sum3A_18 = vector.multi_reduction <add>, %reduce_sum3A_3, %reduce_sum3A_17 [1] : vector<32x128xf32> to vector<32xf32>
    %broadcast_in_dim3A = vector.shape_cast %reduce_sum3A_18 : vector<32xf32> to vector<32x1xf32>
    %broadcast_in_dim3A_19 = vector.shape_cast %broadcast_in_dim3A : vector<32x1xf32> to vector<32x1xf32>
    %broadcast_in_dim3A_20 = vector.broadcast %broadcast_in_dim3A_19 : vector<32x1xf32> to vector<32x128xf32>
    %dot_general3A_21 = arith.constant dense<0.000000e+00> : vector<32x128xf32>
    %dot_general3A_22 = tpu.matmul %convert_element_type3A_16, %broadcast_in_dim3A_20, %dot_general3A_21 {dimension_numbers = #tpu.dot_dimension_numbers<[1], [0], [0], [1], [0, 0, 1, 1], [], []>, precision = #tpu.contract_precision<fp32>, transpose_lhs_hint = false} : vector<32x32xf32>, vector<32x128xf32>, vector<32x128xf32> -> vector<32x128xf32>
    %add3A_23 = arith.addf %dot_general3A_22, %dot_general3A_12 : vector<32x128xf32>
    %le3A = arith.constant 4.026530e+06 : f32
    %le3A_24 = vector.broadcast %le3A : f32 to vector<32x128xf32>
    %le3A_25 = arith.cmpf ole, %add3A_23, %le3A_24 : vector<32x128xf32>
    %add3A_26 = arith.addf %add3A_23, %reduce_sum3A_3 : vector<32x128xf32>
    %lt3A_27 = arith.constant 4.026530e+06 : f32
    %lt3A_28 = vector.broadcast %lt3A_27 : f32 to vector<32x128xf32>
    %lt3A_29 = arith.cmpf olt, %lt3A_28, %add3A_26 : vector<32x128xf32>
    %and3A = arith.andi %le3A_25, %lt3A_29 : vector<32x128xi1>
    %jit3A = arith.constant -1.000000e+00 : f32
    %broadcast_in_dim3A_30 = vector.broadcast %jit3A : f32 to vector<32x128xf32>
    %select_n3A = arith.select %and3A, %convert_element_type3A_7, %broadcast_in_dim3A_30 : vector<32x128xi1>, vector<32x128xf32>
    %reduce_max3A = vector.shape_cast %select_n3A : vector<32x128xf32> to vector<1x32x128xf32>
    %reduce_max3A_31 = arith.constant dense<0xFF800000> : vector<1xf32>
    %reduce_max3A_32 = vector.multi_reduction <maximumf>, %reduce_max3A, %reduce_max3A_31 [1, 2] : vector<1x32x128xf32> to vector<1xf32>
    %reduce_max3A_33 = vector.shape_cast %reduce_max3A_32 : vector<1xf32> to vector<1x1x1xf32>
    %reduce_max3A_34 = vector.extract %reduce_max3A_33[0, 0, 0] : f32 from vector<1x1x1xf32>
    %jit3A_35 = arith.constant -1.000000e+00 : f32
    %broadcast_in_dim3A_36 = vector.broadcast %jit3A_35 : f32 to vector<32x128xf32>
    %select_n3A_37 = arith.select %and3A, %add3A_23, %broadcast_in_dim3A_36 : vector<32x128xi1>, vector<32x128xf32>
    %reduce_max3A_38 = vector.shape_cast %select_n3A_37 : vector<32x128xf32> to vector<1x32x128xf32>
    %reduce_max3A_39 = arith.constant dense<0xFF800000> : vector<1xf32>
    %reduce_max3A_40 = vector.multi_reduction <maximumf>, %reduce_max3A_38, %reduce_max3A_39 [1, 2] : vector<1x32x128xf32> to vector<1xf32>
    %reduce_max3A_41 = vector.shape_cast %reduce_max3A_40 : vector<1xf32> to vector<1x1x1xf32>
    %reduce_max3A_42 = vector.extract %reduce_max3A_41[0, 0, 0] : f32 from vector<1x1x1xf32>
    %jit3A_43 = arith.constant -1.000000e+00 : f32
    %broadcast_in_dim3A_44 = vector.broadcast %jit3A_43 : f32 to vector<32x128xf32>
    %select_n3A_45 = arith.select %and3A, %reduce_sum3A_3, %broadcast_in_dim3A_44 : vector<32x128xi1>, vector<32x128xf32>
    %reduce_max3A_46 = vector.shape_cast %select_n3A_45 : vector<32x128xf32> to vector<1x32x128xf32>
    %reduce_max3A_47 = arith.constant dense<0xFF800000> : vector<1xf32>
    %reduce_max3A_48 = vector.multi_reduction <maximumf>, %reduce_max3A_46, %reduce_max3A_47 [1, 2] : vector<1x32x128xf32> to vector<1xf32>
    %reduce_max3A_49 = vector.shape_cast %reduce_max3A_48 : vector<1xf32> to vector<1x1x1xf32>
    %reduce_max3A_50 = vector.extract %reduce_max3A_49[0, 0, 0] : f32 from vector<1x1x1xf32>
    %iota3A_51 = tpu.iota {dimensions = array<i32: 0>} : vector<8x128xi32>
    %broadcast_in_dim3A_52 = arith.constant 0.000000e+00 : f32
    %broadcast_in_dim3A_53 = vector.broadcast %broadcast_in_dim3A_52 : f32 to vector<8x128xf32>
    %eq3A = arith.constant 0 : i32
    %eq3A_54 = vector.broadcast %eq3A : i32 to vector<8x128xi32>
    %eq3A_55 = arith.cmpi eq, %iota3A_51, %eq3A_54 : vector<8x128xi32>
    %jit3A_56 = arith.constant 0.000000e+00 : f32
    %broadcast_in_dim3A_57 = vector.broadcast %reduce_max3A_34 : f32 to vector<8x128xf32>
    %broadcast_in_dim3A_58 = vector.broadcast %jit3A_56 : f32 to vector<8x128xf32>
    %select_n3A_59 = arith.select %eq3A_55, %broadcast_in_dim3A_57, %broadcast_in_dim3A_58 : vector<8x128xi1>, vector<8x128xf32>
    %add3A_60 = arith.addf %broadcast_in_dim3A_53, %select_n3A_59 : vector<8x128xf32>
    %eq3A_61 = arith.constant 1 : i32
    %eq3A_62 = vector.broadcast %eq3A_61 : i32 to vector<8x128xi32>
    %eq3A_63 = arith.cmpi eq, %iota3A_51, %eq3A_62 : vector<8x128xi32>
    %jit3A_64 = arith.constant 0.000000e+00 : f32
    %broadcast_in_dim3A_65 = vector.broadcast %reduce_max3A_42 : f32 to vector<8x128xf32>
    %broadcast_in_dim3A_66 = vector.broadcast %jit3A_64 : f32 to vector<8x128xf32>
    %select_n3A_67 = arith.select %eq3A_63, %broadcast_in_dim3A_65, %broadcast_in_dim3A_66 : vector<8x128xi1>, vector<8x128xf32>
    %add3A_68 = arith.addf %add3A_60, %select_n3A_67 : vector<8x128xf32>
    %eq3A_69 = arith.constant 2 : i32
    %eq3A_70 = vector.broadcast %eq3A_69 : i32 to vector<8x128xi32>
    %eq3A_71 = arith.cmpi eq, %iota3A_51, %eq3A_70 : vector<8x128xi32>
    %jit3A_72 = arith.constant 0.000000e+00 : f32
    %broadcast_in_dim3A_73 = vector.broadcast %reduce_max3A_50 : f32 to vector<8x128xf32>
    %broadcast_in_dim3A_74 = vector.broadcast %jit3A_72 : f32 to vector<8x128xf32>
    %select_n3A_75 = arith.select %eq3A_71, %broadcast_in_dim3A_73, %broadcast_in_dim3A_74 : vector<8x128xi1>, vector<8x128xf32>
    %add3A_76 = arith.addf %add3A_68, %select_n3A_75 : vector<8x128xf32>
    %convert_element_type3A_77 = arith.fptosi %add3A_76 : vector<8x128xf32> to vector<8x128xi32>
    %swap3A = arith.constant 0 : index
    %swap3A_78 = arith.constant 0 : index
    %swap3A_79 = vector.load %arg1[%swap3A, %swap3A_78] : memref<8x128xi32, #tpu.memory_space<vmem>>, vector<8x128xi32>
    tpu.vector_store %arg1[%swap3A, %swap3A_78], %convert_element_type3A_77 {strides = array<i32>} : memref<8x128xi32, #tpu.memory_space<vmem>>, vector<8x128xi32>,
    return
  }
}

module attributes {stable_mosaic.version = 14 : i64} {
  func.func @body(%arg0: memref<512x32x128xi32, #tpu.memory_space<vmem>>, %arg1: memref<8x128xi32, #tpu.memory_space<vmem>>, %arg2: memref<8x128xi32, #tpu.memory_space<vmem>>) attributes {dimension_semantics = [], scalar_prefetch = 0 : i64, scratch_operands = 0 : i64, tpu.core_type = #tpu.core_type<tc>} {
    %get3A = arith.constant 0 : index
    %get3A_0 = arith.constant 0 : index
    %get3A_1 = arith.constant 0 : index
    %get3A_2 = vector.load %arg0[%get3A, %get3A_0, %get3A_1] : memref<512x32x128xi32, #tpu.memory_space<vmem>>, vector<512x32x128xi32>
    %convert_element_type3A = arith.sitofp %get3A_2 : vector<512x32x128xi32> to vector<512x32x128xf32>
    %reduce_sum3A = arith.constant dense<0.000000e+00> : vector<32x128xf32>
    %reduce_sum3A_3 = vector.multi_reduction <add>, %convert_element_type3A, %reduce_sum3A [0] : vector<512x32x128xf32> to vector<32x128xf32>
    %get3A_4 = arith.constant 0 : index
    %get3A_5 = arith.constant 0 : index
    %get3A_6 = vector.load %arg1[%get3A_4, %get3A_5] : memref<8x128xi32, #tpu.memory_space<vmem>>, vector<1x1xi32>
    %get3A_7 = vector.extract %get3A_6[0, 0] : i32 from vector<1x1xi32>
    %get3A_8 = arith.constant 1 : index
    %get3A_9 = arith.constant 0 : index
    %get3A_10 = vector.load %arg1[%get3A_8, %get3A_9] : memref<8x128xi32, #tpu.memory_space<vmem>>, vector<1x1xi32>
    %get3A_11 = vector.extract %get3A_10[0, 0] : i32 from vector<1x1xi32>
    %sub3A = arith.constant 4026530 : i32
    %sub3A_12 = arith.subi %sub3A, %get3A_11 : i32
    %convert_element_type3A_13 = arith.sitofp %sub3A_12 : i32 to f32
    %iota3A = tpu.iota {dimensions = array<i32: 0>} : vector<32x128xi32>
    %iota3A_14 = tpu.iota {dimensions = array<i32: 1>} : vector<32x128xi32>
    %mul3A = arith.constant 128 : i32
    %mul3A_15 = vector.broadcast %mul3A : i32 to vector<32x128xi32>
    %mul3A_16 = arith.muli %iota3A, %mul3A_15 : vector<32x128xi32>
    %add3A = arith.addi %mul3A_16, %iota3A_14 : vector<32x128xi32>
    %convert_element_type3A_17 = arith.sitofp %add3A : vector<32x128xi32> to vector<32x128xf32>
    %iota3A_18 = tpu.iota {dimensions = array<i32: 0>} : vector<128x128xi32>
    %iota3A_19 = tpu.iota {dimensions = array<i32: 1>} : vector<128x128xi32>
    %lt3A = arith.cmpi slt, %iota3A_18, %iota3A_19 : vector<128x128xi32>
    %convert_element_type3A_20 = arith.extui %lt3A : vector<128x128xi1> to vector<128x128xi32>
    %convert_element_type3A_21 = arith.sitofp %convert_element_type3A_20 : vector<128x128xi32> to vector<128x128xf32>
    %dot_general3A = arith.constant dense<0.000000e+00> : vector<32x128xf32>
    %dot_general3A_22 = tpu.matmul %reduce_sum3A_3, %convert_element_type3A_21, %dot_general3A {dimension_numbers = #tpu.dot_dimension_numbers<[1], [0], [0], [1], [0, 0, 1, 1], [], []>, precision = #tpu.contract_precision<fp32>, transpose_lhs_hint = false} : vector<32x128xf32>, vector<128x128xf32>, vector<32x128xf32> -> vector<32x128xf32>
    %iota3A_23 = tpu.iota {dimensions = array<i32: 0>} : vector<32x32xi32>
    %iota3A_24 = tpu.iota {dimensions = array<i32: 1>} : vector<32x32xi32>
    %gt3A = arith.cmpi sgt, %iota3A_23, %iota3A_24 : vector<32x32xi32>
    %convert_element_type3A_25 = arith.extui %gt3A : vector<32x32xi1> to vector<32x32xi32>
    %convert_element_type3A_26 = arith.sitofp %convert_element_type3A_25 : vector<32x32xi32> to vector<32x32xf32>
    %reduce_sum3A_27 = arith.constant dense<0.000000e+00> : vector<32xf32>
    %reduce_sum3A_28 = vector.multi_reduction <add>, %reduce_sum3A_3, %reduce_sum3A_27 [1] : vector<32x128xf32> to vector<32xf32>
    %broadcast_in_dim3A = vector.shape_cast %reduce_sum3A_28 : vector<32xf32> to vector<32x1xf32>
    %broadcast_in_dim3A_29 = vector.shape_cast %broadcast_in_dim3A : vector<32x1xf32> to vector<32x1xf32>
    %broadcast_in_dim3A_30 = vector.broadcast %broadcast_in_dim3A_29 : vector<32x1xf32> to vector<32x128xf32>
    %dot_general3A_31 = arith.constant dense<0.000000e+00> : vector<32x128xf32>
    %dot_general3A_32 = tpu.matmul %convert_element_type3A_26, %broadcast_in_dim3A_30, %dot_general3A_31 {dimension_numbers = #tpu.dot_dimension_numbers<[1], [0], [0], [1], [0, 0, 1, 1], [], []>, precision = #tpu.contract_precision<fp32>, transpose_lhs_hint = false} : vector<32x32xf32>, vector<32x128xf32>, vector<32x128xf32> -> vector<32x128xf32>
    %add3A_33 = arith.addf %dot_general3A_32, %dot_general3A_22 : vector<32x128xf32>
    %le3A = vector.broadcast %convert_element_type3A_13 : f32 to vector<32x128xf32>
    %le3A_34 = arith.cmpf ole, %add3A_33, %le3A : vector<32x128xf32>
    %add3A_35 = arith.addf %add3A_33, %reduce_sum3A_3 : vector<32x128xf32>
    %lt3A_36 = vector.broadcast %convert_element_type3A_13 : f32 to vector<32x128xf32>
    %lt3A_37 = arith.cmpf olt, %lt3A_36, %add3A_35 : vector<32x128xf32>
    %and3A = arith.andi %le3A_34, %lt3A_37 : vector<32x128xi1>
    %jit3A = arith.constant -1.000000e+00 : f32
    %broadcast_in_dim3A_38 = vector.broadcast %jit3A : f32 to vector<32x128xf32>
    %select_n3A = arith.select %and3A, %convert_element_type3A_17, %broadcast_in_dim3A_38 : vector<32x128xi1>, vector<32x128xf32>
    %reduce_max3A = vector.shape_cast %select_n3A : vector<32x128xf32> to vector<1x32x128xf32>
    %reduce_max3A_39 = arith.constant dense<0xFF800000> : vector<1xf32>
    %reduce_max3A_40 = vector.multi_reduction <maximumf>, %reduce_max3A, %reduce_max3A_39 [1, 2] : vector<1x32x128xf32> to vector<1xf32>
    %reduce_max3A_41 = vector.shape_cast %reduce_max3A_40 : vector<1xf32> to vector<1x1x1xf32>
    %reduce_max3A_42 = vector.extract %reduce_max3A_41[0, 0, 0] : f32 from vector<1x1x1xf32>
    %jit3A_43 = arith.constant -1.000000e+00 : f32
    %broadcast_in_dim3A_44 = vector.broadcast %jit3A_43 : f32 to vector<32x128xf32>
    %select_n3A_45 = arith.select %and3A, %add3A_33, %broadcast_in_dim3A_44 : vector<32x128xi1>, vector<32x128xf32>
    %reduce_max3A_46 = vector.shape_cast %select_n3A_45 : vector<32x128xf32> to vector<1x32x128xf32>
    %reduce_max3A_47 = arith.constant dense<0xFF800000> : vector<1xf32>
    %reduce_max3A_48 = vector.multi_reduction <maximumf>, %reduce_max3A_46, %reduce_max3A_47 [1, 2] : vector<1x32x128xf32> to vector<1xf32>
    %reduce_max3A_49 = vector.shape_cast %reduce_max3A_48 : vector<1xf32> to vector<1x1x1xf32>
    %reduce_max3A_50 = vector.extract %reduce_max3A_49[0, 0, 0] : f32 from vector<1x1x1xf32>
    %jit3A_51 = arith.constant -1.000000e+00 : f32
    %broadcast_in_dim3A_52 = vector.broadcast %jit3A_51 : f32 to vector<32x128xf32>
    %select_n3A_53 = arith.select %and3A, %reduce_sum3A_3, %broadcast_in_dim3A_52 : vector<32x128xi1>, vector<32x128xf32>
    %reduce_max3A_54 = vector.shape_cast %select_n3A_53 : vector<32x128xf32> to vector<1x32x128xf32>
    %reduce_max3A_55 = arith.constant dense<0xFF800000> : vector<1xf32>
    %reduce_max3A_56 = vector.multi_reduction <maximumf>, %reduce_max3A_54, %reduce_max3A_55 [1, 2] : vector<1x32x128xf32> to vector<1xf32>
    %reduce_max3A_57 = vector.shape_cast %reduce_max3A_56 : vector<1xf32> to vector<1x1x1xf32>
    %reduce_max3A_58 = vector.extract %reduce_max3A_57[0, 0, 0] : f32 from vector<1x1x1xf32>
    %convert_element_type3A_59 = arith.sitofp %get3A_11 : i32 to f32
    %add3A_60 = arith.addf %convert_element_type3A_59, %reduce_max3A_50 : f32
    %convert_element_type3A_61 = arith.sitofp %get3A_7 : i32 to f32
    %iota3A_62 = tpu.iota {dimensions = array<i32: 0>} : vector<8x128xi32>
    %broadcast_in_dim3A_63 = arith.constant 0.000000e+00 : f32
    %broadcast_in_dim3A_64 = vector.broadcast %broadcast_in_dim3A_63 : f32 to vector<8x128xf32>
    %eq3A = arith.constant 0 : i32
    %eq3A_65 = vector.broadcast %eq3A : i32 to vector<8x128xi32>
    %eq3A_66 = arith.cmpi eq, %iota3A_62, %eq3A_65 : vector<8x128xi32>
    %jit3A_67 = arith.constant 0.000000e+00 : f32
    %broadcast_in_dim3A_68 = vector.broadcast %convert_element_type3A_61 : f32 to vector<8x128xf32>
    %broadcast_in_dim3A_69 = vector.broadcast %jit3A_67 : f32 to vector<8x128xf32>
    %select_n3A_70 = arith.select %eq3A_66, %broadcast_in_dim3A_68, %broadcast_in_dim3A_69 : vector<8x128xi1>, vector<8x128xf32>
    %add3A_71 = arith.addf %broadcast_in_dim3A_64, %select_n3A_70 : vector<8x128xf32>
    %eq3A_72 = arith.constant 1 : i32
    %eq3A_73 = vector.broadcast %eq3A_72 : i32 to vector<8x128xi32>
    %eq3A_74 = arith.cmpi eq, %iota3A_62, %eq3A_73 : vector<8x128xi32>
    %jit3A_75 = arith.constant 0.000000e+00 : f32
    %broadcast_in_dim3A_76 = vector.broadcast %reduce_max3A_42 : f32 to vector<8x128xf32>
    %broadcast_in_dim3A_77 = vector.broadcast %jit3A_75 : f32 to vector<8x128xf32>
    %select_n3A_78 = arith.select %eq3A_74, %broadcast_in_dim3A_76, %broadcast_in_dim3A_77 : vector<8x128xi1>, vector<8x128xf32>
    %add3A_79 = arith.addf %add3A_71, %select_n3A_78 : vector<8x128xf32>
    %eq3A_80 = arith.constant 2 : i32
    %eq3A_81 = vector.broadcast %eq3A_80 : i32 to vector<8x128xi32>
    %eq3A_82 = arith.cmpi eq, %iota3A_62, %eq3A_81 : vector<8x128xi32>
    %jit3A_83 = arith.constant 0.000000e+00 : f32
    %broadcast_in_dim3A_84 = vector.broadcast %add3A_60 : f32 to vector<8x128xf32>
    %broadcast_in_dim3A_85 = vector.broadcast %jit3A_83 : f32 to vector<8x128xf32>
    %select_n3A_86 = arith.select %eq3A_82, %broadcast_in_dim3A_84, %broadcast_in_dim3A_85 : vector<8x128xi1>, vector<8x128xf32>
    %add3A_87 = arith.addf %add3A_79, %select_n3A_86 : vector<8x128xf32>
    %eq3A_88 = arith.constant 3 : i32
    %eq3A_89 = vector.broadcast %eq3A_88 : i32 to vector<8x128xi32>
    %eq3A_90 = arith.cmpi eq, %iota3A_62, %eq3A_89 : vector<8x128xi32>
    %jit3A_91 = arith.constant 0.000000e+00 : f32
    %broadcast_in_dim3A_92 = vector.broadcast %reduce_max3A_58 : f32 to vector<8x128xf32>
    %broadcast_in_dim3A_93 = vector.broadcast %jit3A_91 : f32 to vector<8x128xf32>
    %select_n3A_94 = arith.select %eq3A_90, %broadcast_in_dim3A_92, %broadcast_in_dim3A_93 : vector<8x128xi1>, vector<8x128xf32>
    %add3A_95 = arith.addf %add3A_87, %select_n3A_94 : vector<8x128xf32>
    %convert_element_type3A_96 = arith.fptosi %add3A_95 : vector<8x128xf32> to vector<8x128xi32>
    %swap3A = arith.constant 0 : index
    %swap3A_97 = arith.constant 0 : index
    %swap3A_98 = vector.load %arg2[%swap3A, %swap3A_97] : memref<8x128xi32, #tpu.memory_space<vmem>>, vector<8x128xi32>
    tpu.vector_store %arg2[%swap3A, %swap3A_97], %convert_element_type3A_96 {strides = array<i32>} : memref<8x128xi32, #tpu.memory_space<vmem>>, vector<8x128xi32>,
    return
  }
}

module attributes {stable_mosaic.version = 14 : i64} {
  func.func @body(%arg0: i32, %arg1: memref<8x32768xf32, #tpu.memory_space<vmem>>, %arg2: memref<512x2x128xi32, #tpu.memory_space<vmem>>, %arg3: memref<8x128xi32, #tpu.memory_space<vmem>>, %arg4: memref<4x128xi32, #tpu.memory_space<vmem>>, %arg5: memref<8x32768xf32, #tpu.memory_space<vmem>>) attributes {dimension_semantics = [#tpu.dimension_semantics<arbitrary>], iteration_bounds = array<i64: 16>, scalar_prefetch = 0 : i64, scratch_operands = 0 : i64, tpu.core_type = #tpu.core_type<tc>, window_params = [{transform_indices = @transform_0, window_bounds = array<i64: 8, 32768>}, {pipeline_mode = #tpu.pipeline_mode<synchronous>, transform_indices = @transform_1, window_bounds = array<i64: 512, 2, 128>}, {pipeline_mode = #tpu.pipeline_mode<synchronous>, transform_indices = @transform_2, window_bounds = array<i64: 8, 128>}, {pipeline_mode = #tpu.pipeline_mode<synchronous>, transform_indices = @transform_3, window_bounds = array<i64: 4, 128>}, {transform_indices = @transform_4, window_bounds = array<i64: 8, 32768>}]} {
    %get3A = arith.constant 0 : index
    %get3A_0 = arith.constant 0 : index
    %get3A_1 = arith.constant 0 : index
    %get3A_2 = vector.load %arg2[%get3A, %get3A_0, %get3A_1] : memref<512x2x128xi32, #tpu.memory_space<vmem>>, vector<512x2x128xi32>
    %convert_element_type3A = arith.sitofp %get3A_2 : vector<512x2x128xi32> to vector<512x2x128xf32>
    %reduce_sum3A = arith.constant dense<0.000000e+00> : vector<2x128xf32>
    %reduce_sum3A_3 = vector.multi_reduction <add>, %convert_element_type3A, %reduce_sum3A [0] : vector<512x2x128xf32> to vector<2x128xf32>
    %get3A_4 = arith.constant 0 : index
    %get3A_5 = arith.constant 0 : index
    %get3A_6 = vector.load %arg3[%get3A_4, %get3A_5] : memref<8x128xi32, #tpu.memory_space<vmem>>, vector<1x1xi32>
    %get3A_7 = vector.extract %get3A_6[0, 0] : i32 from vector<1x1xi32>
    %get3A_8 = arith.constant 1 : index
    %get3A_9 = arith.constant 0 : index
    %get3A_10 = vector.load %arg3[%get3A_8, %get3A_9] : memref<8x128xi32, #tpu.memory_space<vmem>>, vector<1x1xi32>
    %get3A_11 = vector.extract %get3A_10[0, 0] : i32 from vector<1x1xi32>
    %get3A_12 = arith.constant 2 : index
    %get3A_13 = arith.constant 0 : index
    %get3A_14 = vector.load %arg3[%get3A_12, %get3A_13] : memref<8x128xi32, #tpu.memory_space<vmem>>, vector<1x1xi32>
    %get3A_15 = vector.extract %get3A_14[0, 0] : i32 from vector<1x1xi32>
    %get3A_16 = arith.constant 3 : index
    %get3A_17 = arith.constant 0 : index
    %get3A_18 = vector.load %arg3[%get3A_16, %get3A_17] : memref<8x128xi32, #tpu.memory_space<vmem>>, vector<1x1xi32>
    %get3A_19 = vector.extract %get3A_18[0, 0] : i32 from vector<1x1xi32>
    %sub3A = arith.constant 4026530 : i32
    %sub3A_20 = arith.subi %sub3A, %get3A_15 : i32
    %convert_element_type3A_21 = arith.sitofp %sub3A_20 : i32 to f32
    %iota3A = tpu.iota {dimensions = array<i32: 0>} : vector<2x128xi32>
    %iota3A_22 = tpu.iota {dimensions = array<i32: 1>} : vector<2x128xi32>
    %mul3A = arith.constant 128 : i32
    %mul3A_23 = vector.broadcast %mul3A : i32 to vector<2x128xi32>
    %mul3A_24 = arith.muli %iota3A, %mul3A_23 : vector<2x128xi32>
    %add3A = arith.addi %mul3A_24, %iota3A_22 : vector<2x128xi32>
    %convert_element_type3A_25 = arith.sitofp %add3A : vector<2x128xi32> to vector<2x128xf32>
    %iota3A_26 = tpu.iota {dimensions = array<i32: 0>} : vector<128x128xi32>
    %iota3A_27 = tpu.iota {dimensions = array<i32: 1>} : vector<128x128xi32>
    %lt3A = arith.cmpi slt, %iota3A_26, %iota3A_27 : vector<128x128xi32>
    %convert_element_type3A_28 = arith.extui %lt3A : vector<128x128xi1> to vector<128x128xi32>
    %convert_element_type3A_29 = arith.sitofp %convert_element_type3A_28 : vector<128x128xi32> to vector<128x128xf32>
    %dot_general3A = arith.constant dense<0.000000e+00> : vector<2x128xf32>
    %dot_general3A_30 = tpu.matmul %reduce_sum3A_3, %convert_element_type3A_29, %dot_general3A {dimension_numbers = #tpu.dot_dimension_numbers<[1], [0], [0], [1], [0, 0, 1, 1], [], []>, precision = #tpu.contract_precision<fp32>, transpose_lhs_hint = false} : vector<2x128xf32>, vector<128x128xf32>, vector<2x128xf32> -> vector<2x128xf32>
    %iota3A_31 = tpu.iota {dimensions = array<i32: 0>} : vector<2x2xi32>
    %iota3A_32 = tpu.iota {dimensions = array<i32: 1>} : vector<2x2xi32>
    %gt3A = arith.cmpi sgt, %iota3A_31, %iota3A_32 : vector<2x2xi32>
    %convert_element_type3A_33 = arith.extui %gt3A : vector<2x2xi1> to vector<2x2xi32>
    %convert_element_type3A_34 = arith.sitofp %convert_element_type3A_33 : vector<2x2xi32> to vector<2x2xf32>
    %reduce_sum3A_35 = arith.constant dense<0.000000e+00> : vector<2xf32>
    %reduce_sum3A_36 = vector.multi_reduction <add>, %reduce_sum3A_3, %reduce_sum3A_35 [1] : vector<2x128xf32> to vector<2xf32>
    %broadcast_in_dim3A = vector.shape_cast %reduce_sum3A_36 : vector<2xf32> to vector<2x1xf32>
    %broadcast_in_dim3A_37 = vector.shape_cast %broadcast_in_dim3A : vector<2x1xf32> to vector<2x1xf32>
    %broadcast_in_dim3A_38 = vector.broadcast %broadcast_in_dim3A_37 : vector<2x1xf32> to vector<2x128xf32>
    %dot_general3A_39 = arith.constant dense<0.000000e+00> : vector<2x128xf32>
    %dot_general3A_40 = tpu.matmul %convert_element_type3A_34, %broadcast_in_dim3A_38, %dot_general3A_39 {dimension_numbers = #tpu.dot_dimension_numbers<[1], [0], [0], [1], [0, 0, 1, 1], [], []>, precision = #tpu.contract_precision<fp32>, transpose_lhs_hint = false} : vector<2x2xf32>, vector<2x128xf32>, vector<2x128xf32> -> vector<2x128xf32>
    %add3A_41 = arith.addf %dot_general3A_40, %dot_general3A_30 : vector<2x128xf32>
    %le3A = vector.broadcast %convert_element_type3A_21 : f32 to vector<2x128xf32>
    %le3A_42 = arith.cmpf ole, %add3A_41, %le3A : vector<2x128xf32>
    %add3A_43 = arith.addf %add3A_41, %reduce_sum3A_3 : vector<2x128xf32>
    %lt3A_44 = vector.broadcast %convert_element_type3A_21 : f32 to vector<2x128xf32>
    %lt3A_45 = arith.cmpf olt, %lt3A_44, %add3A_43 : vector<2x128xf32>
    %and3A = arith.andi %le3A_42, %lt3A_45 : vector<2x128xi1>
    %jit3A = arith.constant -1.000000e+00 : f32
    %broadcast_in_dim3A_46 = vector.broadcast %jit3A : f32 to vector<2x128xf32>
    %select_n3A = arith.select %and3A, %convert_element_type3A_25, %broadcast_in_dim3A_46 : vector<2x128xi1>, vector<2x128xf32>
    %reduce_max3A = vector.shape_cast %select_n3A : vector<2x128xf32> to vector<1x2x128xf32>
    %reduce_max3A_47 = arith.constant dense<0xFF800000> : vector<1xf32>
    %reduce_max3A_48 = vector.multi_reduction <maximumf>, %reduce_max3A, %reduce_max3A_47 [1, 2] : vector<1x2x128xf32> to vector<1xf32>
    %reduce_max3A_49 = vector.shape_cast %reduce_max3A_48 : vector<1xf32> to vector<1x1x1xf32>
    %reduce_max3A_50 = vector.extract %reduce_max3A_49[0, 0, 0] : f32 from vector<1x1x1xf32>
    %add3A_51 = arith.constant 1.000000e+00 : f32
    %add3A_52 = arith.addf %convert_element_type3A_21, %add3A_51 : f32
    %iota3A_53 = tpu.iota {dimensions = array<i32: 0>} : vector<2x128xi32>
    %iota3A_54 = tpu.iota {dimensions = array<i32: 1>} : vector<2x128xi32>
    %mul3A_55 = arith.constant 128 : i32
    %mul3A_56 = vector.broadcast %mul3A_55 : i32 to vector<2x128xi32>
    %mul3A_57 = arith.muli %iota3A_53, %mul3A_56 : vector<2x128xi32>
    %add3A_58 = arith.addi %mul3A_57, %iota3A_54 : vector<2x128xi32>
    %convert_element_type3A_59 = arith.sitofp %add3A_58 : vector<2x128xi32> to vector<2x128xf32>
    %iota3A_60 = tpu.iota {dimensions = array<i32: 0>} : vector<128x128xi32>
    %iota3A_61 = tpu.iota {dimensions = array<i32: 1>} : vector<128x128xi32>
    %lt3A_62 = arith.cmpi slt, %iota3A_60, %iota3A_61 : vector<128x128xi32>
    %convert_element_type3A_63 = arith.extui %lt3A_62 : vector<128x128xi1> to vector<128x128xi32>
    %convert_element_type3A_64 = arith.sitofp %convert_element_type3A_63 : vector<128x128xi32> to vector<128x128xf32>
    %dot_general3A_65 = arith.constant dense<0.000000e+00> : vector<2x128xf32>
    %dot_general3A_66 = tpu.matmul %reduce_sum3A_3, %convert_element_type3A_64, %dot_general3A_65 {dimension_numbers = #tpu.dot_dimension_numbers<[1], [0], [0], [1], [0, 0, 1, 1], [], []>, precision = #tpu.contract_precision<fp32>, transpose_lhs_hint = false} : vector<2x128xf32>, vector<128x128xf32>, vector<2x128xf32> -> vector<2x128xf32>
    %iota3A_67 = tpu.iota {dimensions = array<i32: 0>} : vector<2x2xi32>
    %iota3A_68 = tpu.iota {dimensions = array<i32: 1>} : vector<2x2xi32>
    %gt3A_69 = arith.cmpi sgt, %iota3A_67, %iota3A_68 : vector<2x2xi32>
    %convert_element_type3A_70 = arith.extui %gt3A_69 : vector<2x2xi1> to vector<2x2xi32>
    %convert_element_type3A_71 = arith.sitofp %convert_element_type3A_70 : vector<2x2xi32> to vector<2x2xf32>
    %reduce_sum3A_72 = arith.constant dense<0.000000e+00> : vector<2xf32>
    %reduce_sum3A_73 = vector.multi_reduction <add>, %reduce_sum3A_3, %reduce_sum3A_72 [1] : vector<2x128xf32> to vector<2xf32>
    %broadcast_in_dim3A_74 = vector.shape_cast %reduce_sum3A_73 : vector<2xf32> to vector<2x1xf32>
    %broadcast_in_dim3A_75 = vector.shape_cast %broadcast_in_dim3A_74 : vector<2x1xf32> to vector<2x1xf32>
    %broadcast_in_dim3A_76 = vector.broadcast %broadcast_in_dim3A_75 : vector<2x1xf32> to vector<2x128xf32>
    %dot_general3A_77 = arith.constant dense<0.000000e+00> : vector<2x128xf32>
    %dot_general3A_78 = tpu.matmul %convert_element_type3A_71, %broadcast_in_dim3A_76, %dot_general3A_77 {dimension_numbers = #tpu.dot_dimension_numbers<[1], [0], [0], [1], [0, 0, 1, 1], [], []>, precision = #tpu.contract_precision<fp32>, transpose_lhs_hint = false} : vector<2x2xf32>, vector<2x128xf32>, vector<2x128xf32> -> vector<2x128xf32>
    %add3A_79 = arith.addf %dot_general3A_78, %dot_general3A_66 : vector<2x128xf32>
    %le3A_80 = vector.broadcast %add3A_52 : f32 to vector<2x128xf32>
    %le3A_81 = arith.cmpf ole, %add3A_79, %le3A_80 : vector<2x128xf32>
    %add3A_82 = arith.addf %add3A_79, %reduce_sum3A_3 : vector<2x128xf32>
    %lt3A_83 = vector.broadcast %add3A_52 : f32 to vector<2x128xf32>
    %lt3A_84 = arith.cmpf olt, %lt3A_83, %add3A_82 : vector<2x128xf32>
    %and3A_85 = arith.andi %le3A_81, %lt3A_84 : vector<2x128xi1>
    %jit3A_86 = arith.constant -1.000000e+00 : f32
    %broadcast_in_dim3A_87 = vector.broadcast %jit3A_86 : f32 to vector<2x128xf32>
    %select_n3A_88 = arith.select %and3A_85, %convert_element_type3A_59, %broadcast_in_dim3A_87 : vector<2x128xi1>, vector<2x128xf32>
    %reduce_max3A_89 = vector.shape_cast %select_n3A_88 : vector<2x128xf32> to vector<1x2x128xf32>
    %reduce_max3A_90 = arith.constant dense<0xFF800000> : vector<1xf32>
    %reduce_max3A_91 = vector.multi_reduction <maximumf>, %reduce_max3A_89, %reduce_max3A_90 [1, 2] : vector<1x2x128xf32> to vector<1xf32>
    %reduce_max3A_92 = vector.shape_cast %reduce_max3A_91 : vector<1xf32> to vector<1x1x1xf32>
    %reduce_max3A_93 = vector.extract %reduce_max3A_92[0, 0, 0] : f32 from vector<1x1x1xf32>
    %sub3A_94 = arith.constant 2048 : i32
    %sub3A_95 = arith.subi %get3A_7, %sub3A_94 : i32
    %mul3A_96 = arith.constant 1048576 : i32
    %mul3A_97 = arith.muli %sub3A_95, %mul3A_96 : i32
    %mul3A_98 = arith.constant 256 : i32
    %mul3A_99 = arith.muli %get3A_11, %mul3A_98 : i32
    %add3A_100 = arith.addi %mul3A_97, %mul3A_99 : i32
    %convert_element_type3A_101 = arith.fptosi %reduce_max3A_50 : f32 to i32
    %add3A_102 = arith.addi %add3A_100, %convert_element_type3A_101 : i32
    %convert_element_type3A_103 = arith.fptosi %reduce_max3A_93 : f32 to i32
    %add3A_104 = arith.addi %add3A_100, %convert_element_type3A_103 : i32
    %get3A_105 = arith.constant 0 : index
    %get3A_106 = arith.constant 0 : index
    %get3A_107 = vector.load %arg4[%get3A_105, %get3A_106] : memref<4x128xi32, #tpu.memory_space<vmem>>, vector<4x128xi32>
    %reduce_min3A = vector.shape_cast %get3A_107 : vector<4x128xi32> to vector<1x4x128xi32>
    %reduce_min3A_108 = arith.constant dense<2147483647> : vector<1xi32>
    %reduce_min3A_109 = vector.multi_reduction <minsi>, %reduce_min3A, %reduce_min3A_108 [1, 2] : vector<1x4x128xi32> to vector<1xi32>
    %reduce_min3A_110 = vector.shape_cast %reduce_min3A_109 : vector<1xi32> to vector<1x1x1xi32>
    %reduce_min3A_111 = vector.extract %reduce_min3A_110[0, 0, 0] : i32 from vector<1x1x1xi32>
    %add3A_112 = arith.constant 1.000000e+00 : f32
    %add3A_113 = arith.addf %convert_element_type3A_21, %add3A_112 : f32
    %convert_element_type3A_114 = arith.sitofp %get3A_19 : i32 to f32
    %lt3A_115 = arith.cmpf olt, %add3A_113, %convert_element_type3A_114 : f32
    %select_n3A_116 = arith.select %lt3A_115, %add3A_104, %reduce_min3A_111 : i32
    %ge3A = arith.constant 0 : i32
    %ge3A_117 = arith.cmpi sge, %add3A_102, %ge3A : i32
    %not3A = arith.constant -1 : i32
    %not3A_118 = arith.xori %add3A_102, %not3A : i32
    %or3A = arith.constant -2147483648 : i32
    %or3A_119 = arith.ori %not3A_118, %or3A : i32
    %select_n3A_120 = arith.select %ge3A_117, %add3A_102, %or3A_119 : i32
    %bitcast_convert_type3A = arith.bitcast %select_n3A_120 : i32 to f32
    %ge3A_121 = arith.constant 0 : i32
    %ge3A_122 = arith.cmpi sge, %select_n3A_116, %ge3A_121 : i32
    %not3A_123 = arith.constant -1 : i32
    %not3A_124 = arith.xori %select_n3A_116, %not3A_123 : i32
    %or3A_125 = arith.constant -2147483648 : i32
    %or3A_126 = arith.ori %not3A_124, %or3A_125 : i32
    %select_n3A_127 = arith.select %ge3A_122, %select_n3A_116, %or3A_126 : i32
    %bitcast_convert_type3A_128 = arith.bitcast %select_n3A_127 : i32 to f32
    %mul3A_129 = arith.constant 2.500000e-01 : f32
    %mul3A_130 = arith.mulf %bitcast_convert_type3A, %mul3A_129 : f32
    %mul3A_131 = arith.constant 7.500000e-01 : f32
    %mul3A_132 = arith.mulf %bitcast_convert_type3A_128, %mul3A_131 : f32
    %add3A_133 = arith.addf %mul3A_130, %mul3A_132 : f32
    %le3A_134 = arith.cmpf ole, %bitcast_convert_type3A_128, %add3A_133 : f32
    %select_n3A_135 = arith.select %le3A_134, %bitcast_convert_type3A_128, %bitcast_convert_type3A : f32
    %get3A_136 = arith.constant 0 : index
    %get3A_137 = arith.constant 0 : index
    %get3A_138 = vector.load %arg1[%get3A_136, %get3A_137] : memref<8x32768xf32, #tpu.memory_space<vmem>>, vector<8x32768xf32>
    %min3A = vector.broadcast %select_n3A_135 : f32 to vector<8x32768xf32>
    %min3A_139 = arith.minimumf %get3A_138, %min3A : vector<8x32768xf32>
    %swap3A = arith.constant 0 : index
    %swap3A_140 = arith.constant 0 : index
    %swap3A_141 = vector.load %arg5[%swap3A, %swap3A_140] : memref<8x32768xf32, #tpu.memory_space<vmem>>, vector<8x32768xf32>
    tpu.vector_store %arg5[%swap3A, %swap3A_140], %min3A_139 {strides = array<i32>} : memref<8x32768xf32, #tpu.memory_space<vmem>>, vector<8x32768xf32>,
    return
  }
  func.func @transform_0(%arg0: i32) -> (i32, i32) {
    %c0_i32 = arith.constant 0 : i32
    %c0_i32_0 = arith.constant 0 : i32
    return %arg0, %c0_i32 : i32, i32
  }
  func.func @transform_1(%arg0: i32) -> (i32, i32, i32) {
    %c0_i32 = arith.constant 0 : i32
    %c0_i32_0 = arith.constant 0 : i32
    %c0_i32_1 = arith.constant 0 : i32
    %c0_i32_2 = arith.constant 0 : i32
    return %c0_i32, %c0_i32_0, %c0_i32_1 : i32, i32, i32
  }
  func.func @transform_2(%arg0: i32) -> (i32, i32) {
    %c0_i32 = arith.constant 0 : i32
    %c0_i32_0 = arith.constant 0 : i32
    %c0_i32_1 = arith.constant 0 : i32
    return %c0_i32, %c0_i32_0 : i32, i32
  }
  func.func @transform_3(%arg0: i32) -> (i32, i32) {
    %c0_i32 = arith.constant 0 : i32
    %c0_i32_0 = arith.constant 0 : i32
    %c0_i32_1 = arith.constant 0 : i32
    return %c0_i32, %c0_i32_0 : i32, i32
  }
  func.func @transform_4(%arg0: i32) -> (i32, i32) {
    %c0_i32 = arith.constant 0 : i32
    %c0_i32_0 = arith.constant 0 : i32
    return %arg0, %c0_i32 : i32, i32
  }
}

</mosaic_0001>

<sc_bundles>
// kernel: kernel.11.cloned.1.call-start
scs
__scs_entry_jumppad:
0x0: {  	(pc) =	sbr.rel $0x88, $3  }
0x1: {  	(tag) =	ssettag $0x0;
	lr =	simm.s32 $0x1  }
0x2: {  	[smem:$0x3FA0] =	sst lr;
	_ =	strace $0xD0000000  }
0x3: {  	_ = 	snop  }
0x4: {  	_ = 	snop  }
0x5: {  	_ = 	snop  }
0x6: {  	_ = 	snop  }
0x7: {  	_ = 	snop  }
__scs_overlays_trampoline_lowered:
0x8: {  	[smem:$0x3FAF] =	sst s0  }
0x9: {  	[smem:$0x3FB0] =	sst s1  }
0xa: {  	[smem:$0x3FB1] =	sst s2  }
0xb: {  	[smem:$0x3FB2] =	sst s3  }
0xc: {  	[smem:$0x3FB3] =	sst s4  }
0xd: {  	[smem:$0x3FB4] =	sst s5  }
0xe: {  	[smem:$0x3FB5] =	sst s6  }
0xf: {  	[smem:$0x3FB6] =	sst s7  }
0x10: {  	[smem:$0x3FB7] =	sst s8  }
0x11: {  	[smem:$0x3FB8] =	sst s9;
	s0 =	simm.s32 @!p0 $0x0  }
0x12: {  	s1 =	sld [smem:$0x3F9E];
	s0 =	simm.s32 @p0 $0x1  }
0x13: {  	[smem:$0x3FB9] =	sst s0;
	s0 =	simm.s32 @!p1 $0x0  }
0x14: {  	s2 =	sld [smem:$0x3F9D];
	s0 =	simm.s32 @p1 $0x1  }
0x15: {  	[smem:$0x3FBA] =	sst s0;
	s0 =	simm.s32 @!p2 $0x0  }
0x16: {  	s3 =	sld [smem:$0x3FDB];
	s0 =	simm.s32 @p2 $0x1  }
0x17: {  	s4 =	simm.s32 $0x1BF5;
	[smem:$0x3FBC] =	sst s0  }
0x18: {  	s0 =	sld [smem:$0x3F9F];
	_ =	swait.ge [sflag:s4], $0x0  }
0x19: {  	s7 =	sld [smem:$0x3FA0]  }
0x1a: {  	s8 =	sadd.s32 $0xFFFFE003, lr  }
0x1b: {  	s9 =	sadd.s32 $0xFFFFFEF7, lr;
	s5 =	simm.s32 $0xFFFFFFFF;
	p2 =	slt.u32 s8, $0xFFFFF086  }
0x1c: {  	p1 =	slt.u32 s9, $0xF7A;
	s5 =	simm.s32 @!p2 $0x0  }
0x1d: {  	s5 =	simm.s32 @p1 $0x1;
	p0 =	seq.s32 s7, s2  }
0x1e: {  	s7 =	smul.u32 @!p0 $0xF7A, s2;
	p2 =	seq.s32 @!p0 s5, $0x0  }
0x1f: {  	s9 =	smul.u32 $0xF7A, s1;
	s8 =	simm.s32 @!p0 $0x1BF5;
	p2 =	por !p2, p0  }
0x20: {  	[sflag:s8] =	ssyncset.s32 @!p0 $0xFFFFF086;
	s6 =	sadd.s32 @!p0 s3, s7;
	s7 =	simm.s32 @!p0 $0x108  }
0x21: {  	s3 =	sadd.s32 s3, s9;
	s6 =	sadd.s32 @!p0 $0x88, s6;
	s7 =	simm.s32 @p2 $0x1082  }
0x22: {  	[simem:s7], [sflag:s8] =	dma.local @!p0 [hbm:s6], $0xF7A  }
0x23: {  	s9 =	sor.u32 $0xD0000000, s2;
	s6 =	simm.s32 $0x108;
	_ =	swait.ge @!p0 [sflag:s8], $0x0  }
0x24: {  	s3 =	sadd.s32 $0x88, s3;
	s6 =	simm.s32 @!p1 $0x1082;
	[sflag:s4] =	ssyncset.s32 $0xFFFFF086  }
0x25: {  	[simem:s6], [sflag:s4] =	dma.local [hbm:s3], $0xF7A  }
0x26: {  	[smem:$0x3FA0] =	sst s1;
	(tag) =	ssettag s2;
	_ =	strace s9  }
0x27: {  	s1 =	sld [smem:$0x3FB0]  }
0x28: {  	s2 =	sld [smem:$0x3FB1]  }
0x29: {  	s4 =	sld [smem:$0x3FB3]  }
0x2a: {  	p0 =	seq.s32 s5, $0x0;
	s5 =	sld [smem:$0x3FB4]  }
0x2b: {  	s6 =	sld [smem:$0x3FB5]  }
0x2c: {  	s7 =	sld [smem:$0x3FB6]  }
0x2d: {  	s3 =	simm.s32 $0x108;
	s8 =	sld [smem:$0x3FB7]  }
0x2e: {  	s3 =	simm.s32 @!p0 $0x1082;
	s9 =	sld [smem:$0x3FB8]  }
0x2f: {  	lr =	sadd.s32 s0, s3;
	s0 =	sld [smem:$0x3FAF]  }
0x30: {  	s3 =	sld [smem:$0x3FB2]  }
0x31: {  	[smem:$0x3FBB] =	sst s10  }
0x32: {  	s10 =	sld [smem:$0x3FB9];
	_ =	sdelay $0x3  }
0x33: {  	p0 =	seq.s32 s10, $0x1;
	s10 =	sld [smem:$0x3FBB];
	_ =	sdelay $0x3  }
0x34: {  	[smem:$0x3FBB] =	sst s10  }
0x35: {  	s10 =	sld [smem:$0x3FBA];
	_ =	sdelay $0x3  }
0x36: {  	p1 =	seq.s32 s10, $0x1;
	s10 =	sld [smem:$0x3FBB];
	_ =	sdelay $0x3  }
0x37: {  	[smem:$0x3FBB] =	sst s10  }
0x38: {  	s10 =	sld [smem:$0x3FBC]  }
0x39: {  	_ = 	snop;
	(pc) =	sbr.ind lr, $3  }
0x3a: {  	_ = 	snop  }
0x3b: {  	_ = 	snop  }
0x3c: {  	p2 =	seq.s32 s10, $0x1;
	s10 =	sld [smem:$0x3FBB]  }
0x3d: {  	_ =	shalt  }
0x3e: {  	_ =	shalt  }
0x3f: {  	_ =	shalt  }
0x40: {  	_ =	shalt  }
0x41: {  	_ =	shalt  }
0x42: {  	_ =	shalt  }
0x43: {  	_ =	shalt  }
0x44: {  	_ =	shalt  }
0x45: {  	_ =	shalt  }
0x46: {  	_ =	shalt  }
0x47: {  	_ =	shalt  }
0x48: {  	_ =	shalt  }
0x49: {  	_ =	shalt  }
0x4a: {  	_ =	shalt  }
0x4b: {  	_ =	shalt  }
0x4c: {  	_ =	shalt  }
0x4d: {  	_ =	shalt  }
0x4e: {  	_ =	shalt  }
0x4f: {  	_ =	shalt  }
0x50: {  	_ =	shalt  }
0x51: {  	_ =	shalt  }
0x52: {  	_ =	shalt  }
0x53: {  	_ =	shalt  }
0x54: {  	_ =	shalt  }
0x55: {  	_ =	shalt  }
0x56: {  	_ =	shalt  }
0x57: {  	_ =	shalt  }
0x58: {  	_ =	shalt  }
0x59: {  	_ =	shalt  }
0x5a: {  	_ =	shalt  }
0x5b: {  	_ =	shalt  }
0x5c: {  	_ =	shalt  }
0x5d: {  	_ =	shalt  }
0x5e: {  	_ =	shalt  }
0x5f: {  	_ =	shalt  }
0x60: {  	_ =	shalt  }
0x61: {  	_ =	shalt  }
0x62: {  	_ =	shalt  }
0x63: {  	_ =	shalt  }
0x64: {  	_ =	shalt  }
0x65: {  	_ =	shalt  }
0x66: {  	_ =	shalt  }
0x67: {  	_ =	shalt  }
0x68: {  	_ =	shalt  }
0x69: {  	_ =	shalt  }
0x6a: {  	_ =	shalt  }
0x6b: {  	_ =	shalt  }
0x6c: {  	_ =	shalt  }
0x6d: {  	_ =	shalt  }
0x6e: {  	_ =	shalt  }
0x6f: {  	_ =	shalt  }
0x70: {  	_ =	shalt  }
0x71: {  	_ =	shalt  }
0x72: {  	_ =	shalt  }
0x73: {  	_ =	shalt  }
0x74: {  	_ =	shalt  }
0x75: {  	_ =	shalt  }
0x76: {  	_ =	shalt  }
0x77: {  	_ =	shalt  }
0x78: {  	_ =	shalt  }
0x79: {  	_ =	shalt  }
0x7a: {  	_ =	shalt  }
0x7b: {  	_ =	shalt  }
0x7c: {  	_ =	shalt  }
0x7d: {  	_ =	shalt  }
0x7e: {  	_ =	shalt  }
0x7f: {  	_ =	shalt  }
0x80: {  	_ =	shalt  }
0x81: {  	_ =	shalt  }
0x82: {  	_ =	shalt  }
0x83: {  	_ =	shalt  }
0x84: {  	_ =	shalt  }
0x85: {  	_ =	shalt  }
0x86: {  	_ =	shalt  }
0x87: {  	_ =	shalt  }
.Lfunc_end0:
.L_simem_size_0:
called_computation.1_lowered:
.L_overlay_start_0:
0x88: {  	s2 =	sld [smem:$0x3FD9]  }
0x89: {  	s3 =	sld [smem:$0x3FFE];
	_ =	sdelay $0x1  }
0x8a: {  	s1 =	srdreg.scid  }
0x8b: {  	s0 =	sand.u32 $0x1, s1  }
0x8c: {  	s17 =	sshll.u32 s0, $0xA;
	s2 =	sadd.s32 s3, s2  }
0x8d: {  	s2 =	sadd.s32 s2, s17  }
0x8e: {  	[smem:$0x3FC7] =	sst s2  }
0x8f: {  	_ = 	snop  }
0x90: {  	s2 =	sld [smem:$0x3FC9]  }
0x91: {  	s18 =	sld [smem:$0x3FD0];
	(tm) =	ssettm $0x1  }
0x92: {  	s4 =	sld [smem:$0x3FFB];
	_ =	sdelay $0x3  }
0x93: {  	_ =	strace s4  }
0x94: {  	s4 =	sld [smem:$0x3FFC];
	_ =	sdelay $0x3  }
0x95: {  	_ =	strace s4  }
0x96: {  	s4 =	sld [smem:$0x3FFD];
	_ =	sdelay $0x3  }
0x97: {  	_ =	strace s4  }
0x98: {  	_ =	strace $0x8FFFFFFF  }
0x99: {  	s19 =	sld [smem:$0x3FDB];
	_ =	sdelay $0x1  }
0x9a: {  	s5 =	simm.s32 $_scs_section_size  }
0x9b: {  	s6 =	simm.s32 $_size__tile_overlayer_lowered;
	s7 =	simm.s32 $_tile_overlayer_lowered  }
0x9c: {  	s22 =	simm.s32 $0x1BFF;
	s21 =	sshll.u32 s7, $0x1;
	s4 =	sadd.s32 s5, s19  }
0x9d: {  	s8 =	simm.s32 $0x0;
	s20 =	sshll.u32 s6, $0x1;
	s6 =	sadd.s32 s21, s4  }
0x9e: {  	[timem:s8], [sflag:s22] =	dma.local [hbm:s6], s20  }
0x9f: {  	_ =	swait.ge [sflag:s22], s20  }
0xa0: {  	s5 =	ssub.s32 $0x0, s20;
	[sflag:s22] =	ssyncset.done $0x0  }
0xa1: {  	[sflag:s22] =	ssyncadd.s32 s5;
	_ =	sdelay $0x1  }
0xa2: {  	s23 =	simm.s32 $0x1B8B  }
0xa3: {  	_ =	swait.ge [sflag:s23], $0x1  }
0xa4: {  	[sflag:s23] =	ssyncset.done $0x0  }
0xa5: {  	s25 =	simm.s32 $0x1B8E;
	s24 =	sld [smem:$0x3FFE];
	[sflag:s23] =	ssyncadd.s32 $0xFFFFFFFF  }
0xa6: {  	s26 =	simm.s32 $execute0_lowered;
	[smem:$0x3FD2] =	sst s25  }
0xa7: {  	s6 =	sshll.u32 s26, $0x1;
	_ =	strace $0x80000049;
	[dreg:$0x1] =	wrdreg $0xFFFFFFFF  }
0xa8: {  	s28 =	simm.s32 $_size_execute0_lowered;
	s4 =	sadd.s32 s4, s6;
	[dreg:$0x0] =	wrdreg $0x0  }
0xa9: {  	s6 =	sshll.u32 s28, $0x1;
	[dreg:$0x2] =	wrdreg s4  }
0xaa: {  	[dreg:$0x3] =	wrdreg s6  }
0xab: {  	[dreg:$0x4] =	wrdreg $0xC0  }
0xac: {  	_ =	task [dreg:s8], $0x5FFFF  }
0xad: {  	[dreg:$0x1] =	wrdreg $0xFFFFFFFF  }
0xae: {  	[dreg:$0x0] =	wrdreg $0x60  }
0xaf: {  	[dreg:$0x2] =	wrdreg s2  }
0xb0: {  	[dreg:$0x3] =	wrdreg s24  }
0xb1: {  	[dreg:$0x4] =	wrdreg s18  }
0xb2: {  	[dreg:$0x5] =	wrdreg $0x9  }
0xb3: {  	_ =	task.clear_ibuf [dreg:s8], $0x6FFFF;
	_ =	strace $0x90000049  }
0xb4: {  	s29 =	simm.s32 $0x9;
	_ =	strace $0x8000004B  }
0xb5: {  	_ =	swait.ge [sflag:s29], $0x1  }
0xb6: {  	[sflag:s29] =	ssyncadd.s32 $0xFFFFFFFF  }
0xb7: {  	_ =	strace $0x9000004B  }
0xb8: {  	_ =	sfence  }
0xb9: {  	s30 =	sld [smem:$0x0];
	_ =	sdelay $0x2  }
0xba: {  	s31 =	sshll.u32 s1, $0xD;
	s1 =	sshrl.u32 s1, $0x2  }
0xbb: {  	s3 =	sand.u32 $0x4000, s31;
	s1 =	sadd.s32 s1, s30  }
0xbc: {  	s0 =	sor.u32 s3, s0;
	s1 =	sshll.u32 s1, $0x11  }
0xbd: {  	s0 =	sor.u32 s1, s0  }
0xbe: {  	s0 =	sadd.s32 $0x8F2B, s0  }
0xbf: {  	[sflag:s0] =	ssyncadd.remote.s32 $0x1  }
0xc0: {  	_ =	sfence.sel $0xFFFF  }
0xc1: {  	[dreg:$0x0] =	wrdreg $0xFFFFFFFF;
	(pc) =	sbr.abs _section_cstart, $3  }
0xc2: {  	[dreg:$0x1] =	wrdreg $0xFFFFFFFF  }
0xc3: {  	_ =	task.clear_ibuf [dreg:s8], $0x2FFFF;
	_ =	strace $0x9FFFFFFF  }
0xc4: {  	(tm) =	ssettm $0x7FFFFFFF  }
0xc5: {  	_ =	shalt  }
tec
execute0_lowered:
.L_overlay_start_1:
0x0: {  	(tag) =	ssettag $0x1  }
0x1: {  	s12 =	rddreg [dreg:$0x0]  }
0x2: {  	s4 =	rddreg [dreg:$0x1]  }
0x3: {  	s13 =	rddreg [dreg:$0x2]  }
0x4: {  	s0 =	rddreg [dreg:$0x3];
	s2 =	simm.s32 $0x0;
	s3 =	srdreg.scid  }
0x5: {  	s1 =	stileid.u32;
	s18 =	simm.s32 $0x80;
	s19 =	simm.s32 $0x400  }
0x6: {  	s20 =	simm.s32 $0x4000;
	[smem:$0x7FF] =	sst s2;
	s5 =	sand.u32 $0x1, s3  }
0x7: {  	s21 =	sshll.u32 s1, $0x1;
	s3 =	sadd.s32 $0x2E00, s4;
	s4 =	sadd.s32 $0x4E00, s4  }
0x8: {  	_ =	strace $0x8000004A;
	s14 =	sor.u32 s5, s21;
	s6 =	ssub.s32 $0x2, s5  }
0x9: {  	s11 =	sshll.u32 s5, $0x9;
	s21 =	simm.s32 $0x1;
	s10 =	sshll.u32 s14, $0x11  }
0xa: {  	s22 =	sshrl.u32 s6, $0x1;
	s25 =	sor.u32 $0x80, s11;
	s17 =	sor.u32 $0x100, s11  }
0xb: {  	s14 =	sshll.u32 s14, $0xD;
	s15 =	sand.u32 $0x3C0000, s10;
	s8 =	sor.u32 s11, s10  }
0xc: {  	s16 =	ssub.s32 s6, s22;
	s13 =	sadd.s32 s13, s14;
	s22 =	simm.s32 $0x2  }
0xd: {  	s7 =	sor.u32 s11, s15;
	s24 =	sshrl.u32 s8, $0x3;
	s26 =	sor.u32 s25, s15  }
0xe: {  	s29 =	sor.u32 s17, s15;
	s17 =	sor.u32 s17, s10;
	s11 =	sor.u32 $0x180, s11  }
0xf: {  	s14 =	smax.u32 s16, $0x1;
	s16 =	simm.s32 $0x3;
	s23 =	sshrl.u32 s7, $0x3  }
0x10: {  	s6 =	sor.u32 $0x4000, s24;
	s7 =	sor.u32 s25, s10;
	s8 =	sshrl.u32 s26, $0x3  }
0x11: {  	s17 =	sshrl.u32 s17, $0x3;
	s15 =	sor.u32 s11, s15;
	s11 =	sor.u32 s11, s10  }
0x12: {  	s5 =	sadd.s32 s12, s23;
	s6 =	sadd.s32 s12, s6;
	s9 =	sshrl.u32 s7, $0x3  }
0x13: {  	s7 =	sadd.s32 s12, s8;
	s17 =	sor.u32 $0x4000, s17;
	s15 =	sshrl.u32 s15, $0x3  }
0x14: {  	s30 =	sshrl.u32 s11, $0x3;
	s23 =	simm.s32 $0x0;
	s28 =	sor.u32 $0x4000, s9  }
0x15: {  	s9 =	sshrl.u32 s29, $0x3;
	s10 =	sadd.s32 s12, s17;
	s11 =	sadd.s32 s12, s15  }
0x16: {  	v0 =	vlaneseq.u32;
	s31 =	sor.u32 $0x4000, s30;
	s15 =	simm.s32 $0x18000;
	s17 =	simm.s32 $0x8000  }
0x17: {  	v1 =	vimm.s32 $0x1;
	v0 =	vmul.u32 $0x1000, v0;
	s8 =	sadd.s32 s12, s28;
	s9 =	sadd.s32 s12, s9;
	s12 =	sadd.s32 s12, s31  }
.LBB2_1:
0x18: {  	[tilespmem:s15], [sflag:$0x3] =	stream.linear.gather [hbm4b:s4+s2], $0x80, $0x38;
	[tilespmem:$0x18080] =	vst v63  }
0x19: {  	_ =	swait.ge [sflag:s16], $0x80  }
0x1a: {  	[sflag:s16] =	ssyncset.done $0x0  }
0x1b: {  	[sflag:s16] =	ssyncadd.s32 $0xFFFFFF80  }
0x1c: {  	v2 =	vld [tilespmem:$0x18000];
	[tilespmem:s17], [sflag:$0x3] =	stream.linear.gather [hbm4b:s3+s2], $0x10000, $0x38  }
0x1d: {  	_ =	swait.ge [sflag:s16], $0x10000  }
0x1e: {  	[sflag:s16] =	ssyncset.done $0x0  }
0x1f: {  	[sflag:s16] =	ssyncadd.s32 $0xFFFF0000  }
0x20: {  	[tilespmem:s2], [sflag:$0x1] =	stream.strided.gather [hbm4b:s5+s18], $0x4000, s19, s18, $0x38;
	[tilespmem:$0x18080] =	vst v63  }
0x21: {  	_ = 	snop  }
0x22: {  	[tilespmem:s20], [sflag:$0x2] =	stream.strided.gather [hbm4b:s6+s18], $0x4000, s19, s18, $0x38;
	[tilespmem:$0x18080] =	vst v63  }
0x23: {  	_ =	swait.ge [sflag:s21], $0x4000  }
0x24: {  	[sflag:s21] =	ssyncset.done $0x0  }
0x25: {  	s24 =	simm.s32 $0x40;
	[sflag:s21] =	ssyncadd.s32 $0xFFFFC000  }
0x26: {  	v3 =	vld [tilespmem:s24+$0x30]  }
0x27: {  	v4 =	vld [tilespmem:s24+$0xFFFFFFD0]  }
0x28: {  	v5 =	vld [tilespmem:s24+$0xFFFFFFE0]  }
0x29: {  	v7 =	vld [tilespmem:s24+$0x0]  }
0x2a: {  	v12 =	vld [tilespmem:s24+$0xFFFFFFC0];
	_ =	sdelay $0x1  }
0x2b: {  	v6 =	vld [tilespmem:s24+$0xFFFFFFF0];
	_ =	sdelay $0x1  }
0x2c: {  	v9 =	vshra.s32 v3, $0x1F;
	v10 =	vshra.s32 v4, $0x1F;
	v13 =	vshra.s32 v5, $0x1F  }
0x2d: {  	v8 =	vld [tilespmem:s24+$0x10];
	v15 =	vshra.s32 v7, $0x1F;
	v16 =	vshra.s32 v12, $0x1F;
	v9 =	vor.u32 $0x80000000, v9  }
0x2e: {  	v11 =	vld [tilespmem:s24+$0x20];
	v10 =	vor.u32 $0x80000000, v10;
	v13 =	vor.u32 $0x80000000, v13;
	v16 =	vor.u32 $0x80000000, v16  }
0x2f: {  	v3 =	vxor.u32 v3, v9;
	v9 =	vshra.s32 v6, $0x1F;
	v10 =	vxor.u32 v4, v10  }
0x30: {  	v5 =	vxor.u32 v5, v13;
	v14 =	vshrl.u32 v3, $0x14;
	v3 =	vshrl.u32 v3, $0x8  }
0x31: {  	v12 =	vxor.u32 v12, v16;
	v13 =	vshrl.u32 v10, $0x8;
	v3 =	vand.u32 $0xFFF, v3  }
0x32: {  	vm0 =	veq.s32 v14, v2;
	v14 =	vshra.s32 v8, $0x1F;
	v17 =	vor.u32 v0, v3  }
0x33: {  	v3 =	vor.u32 $0x80000000, v9;
	v9 =	vor.u32 $0x80000000, v15;
	v15 =	vshra.s32 v11, $0x1F  }
0x34: {  	v16 =	vshrl.u32 v12, $0x14;
	v14 =	vor.u32 $0x80000000, v14;
	v15 =	vor.u32 $0x80000000, v15  }
0x35: {  	v6 =	vxor.u32 v6, v3;
	v7 =	vxor.u32 v7, v9;
	v9 =	vshrl.u32 v12, $0x8  }
0x36: {  	v8 =	vxor.u32 v8, v14;
	v14 =	vshrl.u32 v5, $0x8;
	v12 =	vshrl.u32 v10, $0x14  }
0x37: {  	v3 =	vxor.u32 v11, v15;
	v18 =	vshrl.u32 v6, $0x8;
	v19 =	vshrl.u32 v7, $0x8  }
0x38: {  	v20 =	vshrl.u32 v8, $0x8;
	v11 =	vand.u32 $0xFFF, v9;
	v15 =	vand.u32 $0xFFF, v13  }
0x39: {  	v9 =	vshrl.u32 v5, $0x14;
	v10 =	vand.u32 $0xFFF, v14;
	v13 =	vshrl.u32 v6, $0x14  }
0x3a: {  	v7 =	vshrl.u32 v7, $0x14;
	v8 =	vshrl.u32 v8, $0x14;
	v4 =	vshrl.u32 v3, $0x8  }
0x3b: {  	s25 =	simm.s32 $0xC0;
	s24 =	simm.s32 $0x0;
	v6 =	vand.u32 $0xFFF, v18;
	v14 =	vand.u32 $0xFFF, v19;
	v5 =	vand.u32 $0xFFF, v20;
	[tilespmem:v17+s17+$0x0] =	vst.idx.add.s32.msk vm0, v1  }
.LBB2_2:
0x3c: {  	v17 =	vld [tilespmem:s25+$0x30];
	s24 =	sadd.s32 $0x8, s24;
	vm4 =	veq.s32 v16, v2;
	v3 =	vshrl.u32 v3, $0x14;
	v4 =	vand.u32 $0xFFF, v4  }
0x3d: {  	v11 =	vor.u32 v0, v11;
	vm6 =	veq.s32 v12, v2;
	v12 =	vor.u32 v0, v15;
	v16 =	vld [tilespmem:s25+$0xFFFFFFD0];
	p0 =	slt.u32 s24, $0x3F8  }
0x3e: {  	vm5 =	veq.s32 v9, v2;
	v9 =	vor.u32 v0, v10;
	vm3 =	veq.s32 v13, v2;
	v15 =	vld [tilespmem:s25+$0xFFFFFFE0]  }
0x3f: {  	v6 =	vor.u32 v0, v6;
	vm2 =	veq.s32 v7, v2;
	v7 =	vor.u32 v0, v14;
	v10 =	vld [tilespmem:s25+$0xFFFFFFF0]  }
0x40: {  	vm1 =	veq.s32 v8, v2;
	v5 =	vor.u32 v0, v5;
	vm0 =	veq.s32 v3, v2;
	v13 =	vld [tilespmem:s25+$0x0]  }
0x41: {  	v4 =	vor.u32 v0, v4;
	v3 =	vld [tilespmem:s25+$0x10];
	v8 =	vshra.s32 v17, $0x1F  }
0x42: {  	v14 =	vshra.s32 v16, $0x1F;
	v18 =	vld [tilespmem:s25+$0x20];
	v8 =	vor.u32 $0x80000000, v8  }
0x43: {  	v19 =	vld [tilespmem:s25+$0xFFFFFFC0];
	v14 =	vor.u32 $0x80000000, v14;
	v20 =	vshra.s32 v15, $0x1F;
	v8 =	vxor.u32 v17, v8  }
0x44: {  	v17 =	vshra.s32 v10, $0x1F;
	v21 =	vshrl.u32 v8, $0x14;
	v8 =	vshrl.u32 v8, $0x8;
	[tilespmem:v11+s17+$0x0] =	vst.idx.add.s32.msk vm4, v1  }
0x45: {  	v11 =	vshra.s32 v13, $0x1F;
	vm4 =	veq.s32 v21, v2;
	v8 =	vand.u32 $0xFFF, v8;
	[tilespmem:v12+s17+$0x0] =	vst.idx.add.s32.msk vm6, v1  }
0x46: {  	v12 =	vor.u32 $0x80000000, v20;
	v20 =	vshra.s32 v3, $0x1F;
	v8 =	vor.u32 v0, v8;
	[tilespmem:v9+s17+$0x0] =	vst.idx.add.s32.msk vm5, v1  }
0x47: {  	v9 =	vor.u32 $0x80000000, v17;
	v11 =	vor.u32 $0x80000000, v11;
	v17 =	vshra.s32 v18, $0x1F;
	[tilespmem:v6+s17+$0x0] =	vst.idx.add.s32.msk vm3, v1  }
0x48: {  	v20 =	vor.u32 $0x80000000, v20;
	v6 =	vshra.s32 v19, $0x1F;
	v17 =	vor.u32 $0x80000000, v17;
	[tilespmem:v7+s17+$0x0] =	vst.idx.add.s32.msk vm2, v1  }
0x49: {  	v7 =	vxor.u32 v16, v14;
	v14 =	vxor.u32 v15, v12;
	v6 =	vor.u32 $0x80000000, v6;
	[tilespmem:v5+s17+$0x0] =	vst.idx.add.s32.msk vm1, v1  }
0x4a: {  	v5 =	vxor.u32 v19, v6;
	v6 =	vxor.u32 v10, v9;
	v19 =	vxor.u32 v13, v11  }
0x4b: {  	v20 =	vxor.u32 v3, v20;
	v3 =	vxor.u32 v18, v17;
	v9 =	vshrl.u32 v5, $0x8;
	[tilespmem:v8+s17+$0x0] =	vst.idx.add.s32.msk vm4, v1  }
0x4c: {  	v10 =	vshrl.u32 v14, $0x8;
	v8 =	vshrl.u32 v7, $0x8;
	v17 =	vshrl.u32 v6, $0x8;
	[tilespmem:v4+s17+$0x0] =	vst.idx.add.s32.msk vm0, v1  }
.Ltmp0:
0x4d: {  	v21 =	vshrl.u32 v20, $0x8;
	v18 =	vshrl.u32 v19, $0x8;
	v4 =	vshrl.u32 v3, $0x8;
	(pc) =	sbr.rel @p0 .LBB2_2-.Ltmp0, $4  }
0x4e: {  	v12 =	vshrl.u32 v7, $0x14;
	v16 =	vshrl.u32 v5, $0x14;
	v11 =	vand.u32 $0xFFF, v9  }
0x4f: {  	v10 =	vand.u32 $0xFFF, v10;
	v15 =	vand.u32 $0xFFF, v8;
	v9 =	vshrl.u32 v14, $0x14  }
0x50: {  	v13 =	vshrl.u32 v6, $0x14;
	v7 =	vshrl.u32 v19, $0x14;
	v6 =	vand.u32 $0xFFF, v17  }
0x51: {  	s25 =	sadd.s32 $0x80, s25;
	v5 =	vand.u32 $0xFFF, v21;
	v14 =	vand.u32 $0xFFF, v18;
	v8 =	vshrl.u32 v20, $0x14  }
0x52: {  	vm0 =	veq.s32 v16, v2  }
0x53: {  	v11 =	vor.u32 v0, v11;
	vm1 =	veq.s32 v12, v2  }
0x54: {  	v12 =	vor.u32 v0, v15;
	vm2 =	veq.s32 v9, v2  }
0x55: {  	v9 =	vor.u32 v0, v10;
	vm3 =	veq.s32 v13, v2  }
0x56: {  	v6 =	vor.u32 v0, v6;
	vm4 =	veq.s32 v7, v2  }
0x57: {  	v3 =	vshrl.u32 v3, $0x14;
	v7 =	vor.u32 v0, v14;
	vm5 =	veq.s32 v8, v2  }
0x58: {  	v4 =	vand.u32 $0xFFF, v4;
	v5 =	vor.u32 v0, v5;
	vm6 =	veq.s32 v3, v2;
	[tilespmem:v11+s17+$0x0] =	vst.idx.add.s32.msk vm0, v1  }
0x59: {  	v3 =	vor.u32 v0, v4;
	[tilespmem:v12+s17+$0x0] =	vst.idx.add.s32.msk vm1, v1  }
0x5a: {  	[tilespmem:v9+s17+$0x0] =	vst.idx.add.s32.msk vm2, v1  }
0x5b: {  	[tilespmem:v6+s17+$0x0] =	vst.idx.add.s32.msk vm3, v1  }
0x5c: {  	[tilespmem:v7+s17+$0x0] =	vst.idx.add.s32.msk vm4, v1  }
0x5d: {  	[tilespmem:v5+s17+$0x0] =	vst.idx.add.s32.msk vm5, v1  }
0x5e: {  	[tilespmem:v3+s17+$0x0] =	vst.idx.add.s32.msk vm6, v1  }
0x5f: {  	[tilespmem:s2], [sflag:$0x1] =	stream.strided.gather [hbm4b:s7+s18], $0x4000, s19, s18, $0x38;
	[tilespmem:$0x18080] =	vst v63  }
0x60: {  	_ =	swait.ge [sflag:s22], $0x4000  }
0x61: {  	[sflag:s22] =	ssyncset.done $0x0  }
0x62: {  	s24 =	simm.s32 $0x4040;
	[sflag:s22] =	ssyncadd.s32 $0xFFFFC000  }
0x63: {  	v3 =	vld [tilespmem:s24+$0x30]  }
0x64: {  	v4 =	vld [tilespmem:s24+$0xFFFFFFD0]  }
0x65: {  	v5 =	vld [tilespmem:s24+$0xFFFFFFE0]  }
0x66: {  	v7 =	vld [tilespmem:s24+$0x0]  }
0x67: {  	v12 =	vld [tilespmem:s24+$0xFFFFFFC0];
	_ =	sdelay $0x1  }
0x68: {  	v6 =	vld [tilespmem:s24+$0xFFFFFFF0];
	_ =	sdelay $0x1  }
0x69: {  	v9 =	vshra.s32 v3, $0x1F;
	v10 =	vshra.s32 v4, $0x1F;
	v13 =	vshra.s32 v5, $0x1F  }
0x6a: {  	v8 =	vld [tilespmem:s24+$0x10];
	v15 =	vshra.s32 v7, $0x1F;
	v16 =	vshra.s32 v12, $0x1F;
	v9 =	vor.u32 $0x80000000, v9  }
0x6b: {  	v11 =	vld [tilespmem:s24+$0x20];
	v10 =	vor.u32 $0x80000000, v10;
	v13 =	vor.u32 $0x80000000, v13;
	v16 =	vor.u32 $0x80000000, v16  }
0x6c: {  	v3 =	vxor.u32 v3, v9;
	v9 =	vshra.s32 v6, $0x1F;
	v10 =	vxor.u32 v4, v10  }
0x6d: {  	v5 =	vxor.u32 v5, v13;
	v14 =	vshrl.u32 v3, $0x14;
	v3 =	vshrl.u32 v3, $0x8  }
0x6e: {  	v12 =	vxor.u32 v12, v16;
	v13 =	vshrl.u32 v10, $0x8;
	v3 =	vand.u32 $0xFFF, v3  }
0x6f: {  	vm15 =	veq.s32 v14, v2;
	v14 =	vshra.s32 v8, $0x1F;
	v17 =	vor.u32 v0, v3  }
0x70: {  	v3 =	vor.u32 $0x80000000, v9;
	v9 =	vor.u32 $0x80000000, v15;
	v15 =	vshra.s32 v11, $0x1F  }
0x71: {  	v16 =	vshrl.u32 v12, $0x14;
	v14 =	vor.u32 $0x80000000, v14;
	v15 =	vor.u32 $0x80000000, v15  }
0x72: {  	v6 =	vxor.u32 v6, v3;
	v7 =	vxor.u32 v7, v9;
	v9 =	vshrl.u32 v12, $0x8  }
0x73: {  	v8 =	vxor.u32 v8, v14;
	v14 =	vshrl.u32 v5, $0x8;
	v12 =	vshrl.u32 v10, $0x14  }
0x74: {  	v3 =	vxor.u32 v11, v15;
	v18 =	vshrl.u32 v6, $0x8;
	v19 =	vshrl.u32 v7, $0x8  }
0x75: {  	v20 =	vshrl.u32 v8, $0x8;
	v11 =	vand.u32 $0xFFF, v9;
	v15 =	vand.u32 $0xFFF, v13  }
0x76: {  	v9 =	vshrl.u32 v5, $0x14;
	v10 =	vand.u32 $0xFFF, v14;
	v13 =	vshrl.u32 v6, $0x14  }
0x77: {  	v7 =	vshrl.u32 v7, $0x14;
	v8 =	vshrl.u32 v8, $0x14;
	v4 =	vshrl.u32 v3, $0x8  }
0x78: {  	s25 =	simm.s32 $0x40C0;
	s24 =	simm.s32 $0x0;
	v6 =	vand.u32 $0xFFF, v18;
	v14 =	vand.u32 $0xFFF, v19;
	v5 =	vand.u32 $0xFFF, v20;
	[tilespmem:v17+s17+$0x0] =	vst.idx.add.s32.msk vm15, v1  }
.LBB2_4:
0x79: {  	v17 =	vld [tilespmem:s25+$0x30];
	s24 =	sadd.s32 $0x8, s24;
	vm4 =	veq.s32 v16, v2;
	v3 =	vshrl.u32 v3, $0x14;
	v4 =	vand.u32 $0xFFF, v4  }
0x7a: {  	v11 =	vor.u32 v0, v11;
	vm6 =	veq.s32 v12, v2;
	v12 =	vor.u32 v0, v15;
	v16 =	vld [tilespmem:s25+$0xFFFFFFD0];
	p0 =	slt.u32 s24, $0x3F8  }
0x7b: {  	vm5 =	veq.s32 v9, v2;
	v9 =	vor.u32 v0, v10;
	vm3 =	veq.s32 v13, v2;
	v15 =	vld [tilespmem:s25+$0xFFFFFFE0]  }
0x7c: {  	v6 =	vor.u32 v0, v6;
	vm2 =	veq.s32 v7, v2;
	v7 =	vor.u32 v0, v14;
	v10 =	vld [tilespmem:s25+$0xFFFFFFF0]  }
0x7d: {  	vm1 =	veq.s32 v8, v2;
	v5 =	vor.u32 v0, v5;
	vm0 =	veq.s32 v3, v2;
	v13 =	vld [tilespmem:s25+$0x0]  }
0x7e: {  	v4 =	vor.u32 v0, v4;
	v3 =	vld [tilespmem:s25+$0x10];
	v8 =	vshra.s32 v17, $0x1F  }
0x7f: {  	v14 =	vshra.s32 v16, $0x1F;
	v18 =	vld [tilespmem:s25+$0x20];
	v8 =	vor.u32 $0x80000000, v8  }
0x80: {  	v19 =	vld [tilespmem:s25+$0xFFFFFFC0];
	v14 =	vor.u32 $0x80000000, v14;
	v20 =	vshra.s32 v15, $0x1F;
	v8 =	vxor.u32 v17, v8  }
0x81: {  	v17 =	vshra.s32 v10, $0x1F;
	v21 =	vshrl.u32 v8, $0x14;
	v8 =	vshrl.u32 v8, $0x8;
	[tilespmem:v11+s17+$0x0] =	vst.idx.add.s32.msk vm4, v1  }
0x82: {  	v11 =	vshra.s32 v13, $0x1F;
	vm4 =	veq.s32 v21, v2;
	v8 =	vand.u32 $0xFFF, v8;
	[tilespmem:v12+s17+$0x0] =	vst.idx.add.s32.msk vm6, v1  }
0x83: {  	v12 =	vor.u32 $0x80000000, v20;
	v20 =	vshra.s32 v3, $0x1F;
	v8 =	vor.u32 v0, v8;
	[tilespmem:v9+s17+$0x0] =	vst.idx.add.s32.msk vm5, v1  }
0x84: {  	v9 =	vor.u32 $0x80000000, v17;
	v11 =	vor.u32 $0x80000000, v11;
	v17 =	vshra.s32 v18, $0x1F;
	[tilespmem:v6+s17+$0x0] =	vst.idx.add.s32.msk vm3, v1  }
0x85: {  	v20 =	vor.u32 $0x80000000, v20;
	v6 =	vshra.s32 v19, $0x1F;
	v17 =	vor.u32 $0x80000000, v17;
	[tilespmem:v7+s17+$0x0] =	vst.idx.add.s32.msk vm2, v1  }
0x86: {  	v7 =	vxor.u32 v16, v14;
	v14 =	vxor.u32 v15, v12;
	v6 =	vor.u32 $0x80000000, v6;
	[tilespmem:v5+s17+$0x0] =	vst.idx.add.s32.msk vm1, v1  }
0x87: {  	v5 =	vxor.u32 v19, v6;
	v6 =	vxor.u32 v10, v9;
	v19 =	vxor.u32 v13, v11  }
0x88: {  	v20 =	vxor.u32 v3, v20;
	v3 =	vxor.u32 v18, v17;
	v9 =	vshrl.u32 v5, $0x8;
	[tilespmem:v8+s17+$0x0] =	vst.idx.add.s32.msk vm4, v1  }
0x89: {  	v10 =	vshrl.u32 v14, $0x8;
	v8 =	vshrl.u32 v7, $0x8;
	v17 =	vshrl.u32 v6, $0x8;
	[tilespmem:v4+s17+$0x0] =	vst.idx.add.s32.msk vm0, v1  }
.Ltmp1:
0x8a: {  	v21 =	vshrl.u32 v20, $0x8;
	v18 =	vshrl.u32 v19, $0x8;
	v4 =	vshrl.u32 v3, $0x8;
	(pc) =	sbr.rel @p0 .LBB2_4-.Ltmp1, $4  }
0x8b: {  	v12 =	vshrl.u32 v7, $0x14;
	v16 =	vshrl.u32 v5, $0x14;
	v11 =	vand.u32 $0xFFF, v9  }
0x8c: {  	v10 =	vand.u32 $0xFFF, v10;
	v15 =	vand.u32 $0xFFF, v8;
	v9 =	vshrl.u32 v14, $0x14  }
0x8d: {  	v13 =	vshrl.u32 v6, $0x14;
	v7 =	vshrl.u32 v19, $0x14;
	v6 =	vand.u32 $0xFFF, v17  }
0x8e: {  	s25 =	sadd.s32 $0x80, s25;
	v5 =	vand.u32 $0xFFF, v21;
	v14 =	vand.u32 $0xFFF, v18;
	v8 =	vshrl.u32 v20, $0x14  }
0x8f: {  	vm0 =	veq.s32 v16, v2  }
0x90: {  	v11 =	vor.u32 v0, v11;
	vm1 =	veq.s32 v12, v2  }
0x91: {  	v12 =	vor.u32 v0, v15;
	vm2 =	veq.s32 v9, v2  }
0x92: {  	v9 =	vor.u32 v0, v10;
	vm3 =	veq.s32 v13, v2  }
0x93: {  	v6 =	vor.u32 v0, v6;
	vm4 =	veq.s32 v7, v2  }
0x94: {  	v3 =	vshrl.u32 v3, $0x14;
	v7 =	vor.u32 v0, v14;
	vm5 =	veq.s32 v8, v2  }
0x95: {  	v4 =	vand.u32 $0xFFF, v4;
	v5 =	vor.u32 v0, v5;
	vm6 =	veq.s32 v3, v2;
	[tilespmem:v11+s17+$0x0] =	vst.idx.add.s32.msk vm0, v1  }
0x96: {  	v3 =	vor.u32 v0, v4;
	[tilespmem:v12+s17+$0x0] =	vst.idx.add.s32.msk vm1, v1  }
0x97: {  	[tilespmem:v9+s17+$0x0] =	vst.idx.add.s32.msk vm2, v1  }
0x98: {  	[tilespmem:v6+s17+$0x0] =	vst.idx.add.s32.msk vm3, v1  }
0x99: {  	[tilespmem:v7+s17+$0x0] =	vst.idx.add.s32.msk vm4, v1  }
0x9a: {  	[tilespmem:v5+s17+$0x0] =	vst.idx.add.s32.msk vm5, v1  }
0x9b: {  	[tilespmem:v3+s17+$0x0] =	vst.idx.add.s32.msk vm6, v1  }
0x9c: {  	[tilespmem:s20], [sflag:$0x2] =	stream.strided.gather [hbm4b:s8+s18], $0x4000, s19, s18, $0x38;
	[tilespmem:$0x18080] =	vst v63  }
0x9d: {  	_ =	swait.ge [sflag:s21], $0x4000  }
0x9e: {  	[sflag:s21] =	ssyncset.done $0x0  }
0x9f: {  	s24 =	simm.s32 $0x40;
	[sflag:s21] =	ssyncadd.s32 $0xFFFFC000  }
0xa0: {  	v3 =	vld [tilespmem:s24+$0x30]  }
0xa1: {  	v4 =	vld [tilespmem:s24+$0xFFFFFFD0]  }
0xa2: {  	v5 =	vld [tilespmem:s24+$0xFFFFFFE0]  }
0xa3: {  	v7 =	vld [tilespmem:s24+$0x0]  }
0xa4: {  	v12 =	vld [tilespmem:s24+$0xFFFFFFC0];
	_ =	sdelay $0x1  }
0xa5: {  	v6 =	vld [tilespmem:s24+$0xFFFFFFF0];
	_ =	sdelay $0x1  }
0xa6: {  	v9 =	vshra.s32 v3, $0x1F;
	v10 =	vshra.s32 v4, $0x1F;
	v13 =	vshra.s32 v5, $0x1F  }
0xa7: {  	v8 =	vld [tilespmem:s24+$0x10];
	v15 =	vshra.s32 v7, $0x1F;
	v16 =	vshra.s32 v12, $0x1F;
	v9 =	vor.u32 $0x80000000, v9  }
0xa8: {  	v11 =	vld [tilespmem:s24+$0x20];
	v10 =	vor.u32 $0x80000000, v10;
	v13 =	vor.u32 $0x80000000, v13;
	v16 =	vor.u32 $0x80000000, v16  }
0xa9: {  	v3 =	vxor.u32 v3, v9;
	v9 =	vshra.s32 v6, $0x1F;
	v10 =	vxor.u32 v4, v10  }
0xaa: {  	v5 =	vxor.u32 v5, v13;
	v14 =	vshrl.u32 v3, $0x14;
	v3 =	vshrl.u32 v3, $0x8  }
0xab: {  	v12 =	vxor.u32 v12, v16;
	v13 =	vshrl.u32 v10, $0x8;
	v3 =	vand.u32 $0xFFF, v3  }
0xac: {  	vm15 =	veq.s32 v14, v2;
	v14 =	vshra.s32 v8, $0x1F;
	v17 =	vor.u32 v0, v3  }
0xad: {  	v3 =	vor.u32 $0x80000000, v9;
	v9 =	vor.u32 $0x80000000, v15;
	v15 =	vshra.s32 v11, $0x1F  }
0xae: {  	v16 =	vshrl.u32 v12, $0x14;
	v14 =	vor.u32 $0x80000000, v14;
	v15 =	vor.u32 $0x80000000, v15  }
0xaf: {  	v6 =	vxor.u32 v6, v3;
	v7 =	vxor.u32 v7, v9;
	v9 =	vshrl.u32 v12, $0x8  }
0xb0: {  	v8 =	vxor.u32 v8, v14;
	v14 =	vshrl.u32 v5, $0x8;
	v12 =	vshrl.u32 v10, $0x14  }
0xb1: {  	v3 =	vxor.u32 v11, v15;
	v18 =	vshrl.u32 v6, $0x8;
	v19 =	vshrl.u32 v7, $0x8  }
0xb2: {  	v20 =	vshrl.u32 v8, $0x8;
	v11 =	vand.u32 $0xFFF, v9;
	v15 =	vand.u32 $0xFFF, v13  }
0xb3: {  	v9 =	vshrl.u32 v5, $0x14;
	v10 =	vand.u32 $0xFFF, v14;
	v13 =	vshrl.u32 v6, $0x14  }
0xb4: {  	v7 =	vshrl.u32 v7, $0x14;
	v8 =	vshrl.u32 v8, $0x14;
	v4 =	vshrl.u32 v3, $0x8  }
0xb5: {  	s25 =	simm.s32 $0xC0;
	s24 =	simm.s32 $0x0;
	v6 =	vand.u32 $0xFFF, v18;
	v14 =	vand.u32 $0xFFF, v19;
	v5 =	vand.u32 $0xFFF, v20;
	[tilespmem:v17+s17+$0x0] =	vst.idx.add.s32.msk vm15, v1  }
.LBB2_6:
0xb6: {  	v17 =	vld [tilespmem:s25+$0x30];
	s24 =	sadd.s32 $0x8, s24;
	vm4 =	veq.s32 v16, v2;
	v3 =	vshrl.u32 v3, $0x14;
	v4 =	vand.u32 $0xFFF, v4  }
0xb7: {  	v11 =	vor.u32 v0, v11;
	vm6 =	veq.s32 v12, v2;
	v12 =	vor.u32 v0, v15;
	v16 =	vld [tilespmem:s25+$0xFFFFFFD0];
	p0 =	slt.u32 s24, $0x3F8  }
0xb8: {  	vm5 =	veq.s32 v9, v2;
	v9 =	vor.u32 v0, v10;
	vm3 =	veq.s32 v13, v2;
	v15 =	vld [tilespmem:s25+$0xFFFFFFE0]  }
0xb9: {  	v6 =	vor.u32 v0, v6;
	vm2 =	veq.s32 v7, v2;
	v7 =	vor.u32 v0, v14;
	v10 =	vld [tilespmem:s25+$0xFFFFFFF0]  }
0xba: {  	vm1 =	veq.s32 v8, v2;
	v5 =	vor.u32 v0, v5;
	vm0 =	veq.s32 v3, v2;
	v13 =	vld [tilespmem:s25+$0x0]  }
0xbb: {  	v4 =	vor.u32 v0, v4;
	v3 =	vld [tilespmem:s25+$0x10];
	v8 =	vshra.s32 v17, $0x1F  }
0xbc: {  	v14 =	vshra.s32 v16, $0x1F;
	v18 =	vld [tilespmem:s25+$0x20];
	v8 =	vor.u32 $0x80000000, v8  }
0xbd: {  	v19 =	vld [tilespmem:s25+$0xFFFFFFC0];
	v14 =	vor.u32 $0x80000000, v14;
	v20 =	vshra.s32 v15, $0x1F;
	v8 =	vxor.u32 v17, v8  }
0xbe: {  	v17 =	vshra.s32 v10, $0x1F;
	v21 =	vshrl.u32 v8, $0x14;
	v8 =	vshrl.u32 v8, $0x8;
	[tilespmem:v11+s17+$0x0] =	vst.idx.add.s32.msk vm4, v1  }
0xbf: {  	v11 =	vshra.s32 v13, $0x1F;
	vm4 =	veq.s32 v21, v2;
	v8 =	vand.u32 $0xFFF, v8;
	[tilespmem:v12+s17+$0x0] =	vst.idx.add.s32.msk vm6, v1  }
0xc0: {  	v12 =	vor.u32 $0x80000000, v20;
	v20 =	vshra.s32 v3, $0x1F;
	v8 =	vor.u32 v0, v8;
	[tilespmem:v9+s17+$0x0] =	vst.idx.add.s32.msk vm5, v1  }
0xc1: {  	v9 =	vor.u32 $0x80000000, v17;
	v11 =	vor.u32 $0x80000000, v11;
	v17 =	vshra.s32 v18, $0x1F;
	[tilespmem:v6+s17+$0x0] =	vst.idx.add.s32.msk vm3, v1  }
0xc2: {  	v20 =	vor.u32 $0x80000000, v20;
	v6 =	vshra.s32 v19, $0x1F;
	v17 =	vor.u32 $0x80000000, v17;
	[tilespmem:v7+s17+$0x0] =	vst.idx.add.s32.msk vm2, v1  }
0xc3: {  	v7 =	vxor.u32 v16, v14;
	v14 =	vxor.u32 v15, v12;
	v6 =	vor.u32 $0x80000000, v6;
	[tilespmem:v5+s17+$0x0] =	vst.idx.add.s32.msk vm1, v1  }
0xc4: {  	v5 =	vxor.u32 v19, v6;
	v6 =	vxor.u32 v10, v9;
	v19 =	vxor.u32 v13, v11  }
0xc5: {  	v20 =	vxor.u32 v3, v20;
	v3 =	vxor.u32 v18, v17;
	v9 =	vshrl.u32 v5, $0x8;
	[tilespmem:v8+s17+$0x0] =	vst.idx.add.s32.msk vm4, v1  }
0xc6: {  	v10 =	vshrl.u32 v14, $0x8;
	v8 =	vshrl.u32 v7, $0x8;
	v17 =	vshrl.u32 v6, $0x8;
	[tilespmem:v4+s17+$0x0] =	vst.idx.add.s32.msk vm0, v1  }
.Ltmp2:
0xc7: {  	v21 =	vshrl.u32 v20, $0x8;
	v18 =	vshrl.u32 v19, $0x8;
	v4 =	vshrl.u32 v3, $0x8;
	(pc) =	sbr.rel @p0 .LBB2_6-.Ltmp2, $4  }
0xc8: {  	v12 =	vshrl.u32 v7, $0x14;
	v16 =	vshrl.u32 v5, $0x14;
	v11 =	vand.u32 $0xFFF, v9  }
0xc9: {  	v10 =	vand.u32 $0xFFF, v10;
	v15 =	vand.u32 $0xFFF, v8;
	v9 =	vshrl.u32 v14, $0x14  }
0xca: {  	v13 =	vshrl.u32 v6, $0x14;
	v7 =	vshrl.u32 v19, $0x14;
	v6 =	vand.u32 $0xFFF, v17  }
0xcb: {  	s25 =	sadd.s32 $0x80, s25;
	v5 =	vand.u32 $0xFFF, v21;
	v14 =	vand.u32 $0xFFF, v18;
	v8 =	vshrl.u32 v20, $0x14  }
0xcc: {  	vm0 =	veq.s32 v16, v2  }
0xcd: {  	v11 =	vor.u32 v0, v11;
	vm1 =	veq.s32 v12, v2  }
0xce: {  	v12 =	vor.u32 v0, v15;
	vm2 =	veq.s32 v9, v2  }
0xcf: {  	v9 =	vor.u32 v0, v10;
	vm3 =	veq.s32 v13, v2  }
0xd0: {  	v6 =	vor.u32 v0, v6;
	vm4 =	veq.s32 v7, v2  }
0xd1: {  	v3 =	vshrl.u32 v3, $0x14;
	v7 =	vor.u32 v0, v14;
	vm5 =	veq.s32 v8, v2  }
0xd2: {  	v4 =	vand.u32 $0xFFF, v4;
	v5 =	vor.u32 v0, v5;
	vm6 =	veq.s32 v3, v2;
	[tilespmem:v11+s17+$0x0] =	vst.idx.add.s32.msk vm0, v1  }
0xd3: {  	v3 =	vor.u32 v0, v4;
	[tilespmem:v12+s17+$0x0] =	vst.idx.add.s32.msk vm1, v1  }
0xd4: {  	[tilespmem:v9+s17+$0x0] =	vst.idx.add.s32.msk vm2, v1  }
0xd5: {  	[tilespmem:v6+s17+$0x0] =	vst.idx.add.s32.msk vm3, v1  }
0xd6: {  	[tilespmem:v7+s17+$0x0] =	vst.idx.add.s32.msk vm4, v1  }
0xd7: {  	[tilespmem:v5+s17+$0x0] =	vst.idx.add.s32.msk vm5, v1  }
0xd8: {  	[tilespmem:v3+s17+$0x0] =	vst.idx.add.s32.msk vm6, v1  }
0xd9: {  	[tilespmem:s2], [sflag:$0x1] =	stream.strided.gather [hbm4b:s9+s18], $0x4000, s19, s18, $0x38;
	[tilespmem:$0x18080] =	vst v63  }
0xda: {  	_ =	swait.ge [sflag:s22], $0x4000  }
0xdb: {  	[sflag:s22] =	ssyncset.done $0x0  }
0xdc: {  	s24 =	simm.s32 $0x4040;
	[sflag:s22] =	ssyncadd.s32 $0xFFFFC000  }
0xdd: {  	v3 =	vld [tilespmem:s24+$0x30]  }
0xde: {  	v4 =	vld [tilespmem:s24+$0xFFFFFFD0]  }
0xdf: {  	v5 =	vld [tilespmem:s24+$0xFFFFFFE0]  }
0xe0: {  	v7 =	vld [tilespmem:s24+$0x0]  }
0xe1: {  	v12 =	vld [tilespmem:s24+$0xFFFFFFC0];
	_ =	sdelay $0x1  }
0xe2: {  	v6 =	vld [tilespmem:s24+$0xFFFFFFF0];
	_ =	sdelay $0x1  }
0xe3: {  	v9 =	vshra.s32 v3, $0x1F;
	v10 =	vshra.s32 v4, $0x1F;
	v13 =	vshra.s32 v5, $0x1F  }
0xe4: {  	v8 =	vld [tilespmem:s24+$0x10];
	v15 =	vshra.s32 v7, $0x1F;
	v16 =	vshra.s32 v12, $0x1F;
	v9 =	vor.u32 $0x80000000, v9  }
0xe5: {  	v11 =	vld [tilespmem:s24+$0x20];
	v10 =	vor.u32 $0x80000000, v10;
	v13 =	vor.u32 $0x80000000, v13;
	v16 =	vor.u32 $0x80000000, v16  }
0xe6: {  	v3 =	vxor.u32 v3, v9;
	v9 =	vshra.s32 v6, $0x1F;
	v10 =	vxor.u32 v4, v10  }
0xe7: {  	v5 =	vxor.u32 v5, v13;
	v14 =	vshrl.u32 v3, $0x14;
	v3 =	vshrl.u32 v3, $0x8  }
0xe8: {  	v12 =	vxor.u32 v12, v16;
	v13 =	vshrl.u32 v10, $0x8;
	v3 =	vand.u32 $0xFFF, v3  }
0xe9: {  	vm15 =	veq.s32 v14, v2;
	v14 =	vshra.s32 v8, $0x1F;
	v17 =	vor.u32 v0, v3  }
0xea: {  	v3 =	vor.u32 $0x80000000, v9;
	v9 =	vor.u32 $0x80000000, v15;
	v15 =	vshra.s32 v11, $0x1F  }
0xeb: {  	v16 =	vshrl.u32 v12, $0x14;
	v14 =	vor.u32 $0x80000000, v14;
	v15 =	vor.u32 $0x80000000, v15  }
0xec: {  	v6 =	vxor.u32 v6, v3;
	v7 =	vxor.u32 v7, v9;
	v9 =	vshrl.u32 v12, $0x8  }
0xed: {  	v8 =	vxor.u32 v8, v14;
	v14 =	vshrl.u32 v5, $0x8;
	v12 =	vshrl.u32 v10, $0x14  }
0xee: {  	v3 =	vxor.u32 v11, v15;
	v18 =	vshrl.u32 v6, $0x8;
	v19 =	vshrl.u32 v7, $0x8  }
0xef: {  	v20 =	vshrl.u32 v8, $0x8;
	v11 =	vand.u32 $0xFFF, v9;
	v15 =	vand.u32 $0xFFF, v13  }
0xf0: {  	v9 =	vshrl.u32 v5, $0x14;
	v10 =	vand.u32 $0xFFF, v14;
	v13 =	vshrl.u32 v6, $0x14  }
0xf1: {  	v7 =	vshrl.u32 v7, $0x14;
	v8 =	vshrl.u32 v8, $0x14;
	v4 =	vshrl.u32 v3, $0x8  }
0xf2: {  	s25 =	simm.s32 $0x40C0;
	s24 =	simm.s32 $0x0;
	v6 =	vand.u32 $0xFFF, v18;
	v14 =	vand.u32 $0xFFF, v19;
	v5 =	vand.u32 $0xFFF, v20;
	[tilespmem:v17+s17+$0x0] =	vst.idx.add.s32.msk vm15, v1  }
.LBB2_8:
0xf3: {  	v17 =	vld [tilespmem:s25+$0x30];
	s24 =	sadd.s32 $0x8, s24;
	vm4 =	veq.s32 v16, v2;
	v3 =	vshrl.u32 v3, $0x14;
	v4 =	vand.u32 $0xFFF, v4  }
0xf4: {  	v11 =	vor.u32 v0, v11;
	vm6 =	veq.s32 v12, v2;
	v12 =	vor.u32 v0, v15;
	v16 =	vld [tilespmem:s25+$0xFFFFFFD0];
	p0 =	slt.u32 s24, $0x3F8  }
0xf5: {  	vm5 =	veq.s32 v9, v2;
	v9 =	vor.u32 v0, v10;
	vm3 =	veq.s32 v13, v2;
	v15 =	vld [tilespmem:s25+$0xFFFFFFE0]  }
0xf6: {  	v6 =	vor.u32 v0, v6;
	vm2 =	veq.s32 v7, v2;
	v7 =	vor.u32 v0, v14;
	v10 =	vld [tilespmem:s25+$0xFFFFFFF0]  }
0xf7: {  	vm1 =	veq.s32 v8, v2;
	v5 =	vor.u32 v0, v5;
	vm0 =	veq.s32 v3, v2;
	v13 =	vld [tilespmem:s25+$0x0]  }
0xf8: {  	v4 =	vor.u32 v0, v4;
	v3 =	vld [tilespmem:s25+$0x10];
	v8 =	vshra.s32 v17, $0x1F  }
0xf9: {  	v14 =	vshra.s32 v16, $0x1F;
	v18 =	vld [tilespmem:s25+$0x20];
	v8 =	vor.u32 $0x80000000, v8  }
0xfa: {  	v19 =	vld [tilespmem:s25+$0xFFFFFFC0];
	v14 =	vor.u32 $0x80000000, v14;
	v20 =	vshra.s32 v15, $0x1F;
	v8 =	vxor.u32 v17, v8  }
0xfb: {  	v17 =	vshra.s32 v10, $0x1F;
	v21 =	vshrl.u32 v8, $0x14;
	v8 =	vshrl.u32 v8, $0x8;
	[tilespmem:v11+s17+$0x0] =	vst.idx.add.s32.msk vm4, v1  }
0xfc: {  	v11 =	vshra.s32 v13, $0x1F;
	vm4 =	veq.s32 v21, v2;
	v8 =	vand.u32 $0xFFF, v8;
	[tilespmem:v12+s17+$0x0] =	vst.idx.add.s32.msk vm6, v1  }
0xfd: {  	v12 =	vor.u32 $0x80000000, v20;
	v20 =	vshra.s32 v3, $0x1F;
	v8 =	vor.u32 v0, v8;
	[tilespmem:v9+s17+$0x0] =	vst.idx.add.s32.msk vm5, v1  }
0xfe: {  	v9 =	vor.u32 $0x80000000, v17;
	v11 =	vor.u32 $0x80000000, v11;
	v17 =	vshra.s32 v18, $0x1F;
	[tilespmem:v6+s17+$0x0] =	vst.idx.add.s32.msk vm3, v1  }
0xff: {  	v20 =	vor.u32 $0x80000000, v20;
	v6 =	vshra.s32 v19, $0x1F;
	v17 =	vor.u32 $0x80000000, v17;
	[tilespmem:v7+s17+$0x0] =	vst.idx.add.s32.msk vm2, v1  }
0x100: {  	v7 =	vxor.u32 v16, v14;
	v14 =	vxor.u32 v15, v12;
	v6 =	vor.u32 $0x80000000, v6;
	[tilespmem:v5+s17+$0x0] =	vst.idx.add.s32.msk vm1, v1  }
0x101: {  	v5 =	vxor.u32 v19, v6;
	v6 =	vxor.u32 v10, v9;
	v19 =	vxor.u32 v13, v11  }
0x102: {  	v20 =	vxor.u32 v3, v20;
	v3 =	vxor.u32 v18, v17;
	v9 =	vshrl.u32 v5, $0x8;
	[tilespmem:v8+s17+$0x0] =	vst.idx.add.s32.msk vm4, v1  }
0x103: {  	v10 =	vshrl.u32 v14, $0x8;
	v8 =	vshrl.u32 v7, $0x8;
	v17 =	vshrl.u32 v6, $0x8;
	[tilespmem:v4+s17+$0x0] =	vst.idx.add.s32.msk vm0, v1  }
.Ltmp3:
0x104: {  	v21 =	vshrl.u32 v20, $0x8;
	v18 =	vshrl.u32 v19, $0x8;
	v4 =	vshrl.u32 v3, $0x8;
	(pc) =	sbr.rel @p0 .LBB2_8-.Ltmp3, $4  }
0x105: {  	v12 =	vshrl.u32 v7, $0x14;
	v16 =	vshrl.u32 v5, $0x14;
	v11 =	vand.u32 $0xFFF, v9  }
0x106: {  	v10 =	vand.u32 $0xFFF, v10;
	v15 =	vand.u32 $0xFFF, v8;
	v9 =	vshrl.u32 v14, $0x14  }
0x107: {  	v13 =	vshrl.u32 v6, $0x14;
	v7 =	vshrl.u32 v19, $0x14;
	v6 =	vand.u32 $0xFFF, v17  }
0x108: {  	s25 =	sadd.s32 $0x80, s25;
	v5 =	vand.u32 $0xFFF, v21;
	v14 =	vand.u32 $0xFFF, v18;
	v8 =	vshrl.u32 v20, $0x14  }
0x109: {  	vm0 =	veq.s32 v16, v2  }
0x10a: {  	v11 =	vor.u32 v0, v11;
	vm1 =	veq.s32 v12, v2  }
0x10b: {  	v12 =	vor.u32 v0, v15;
	vm2 =	veq.s32 v9, v2  }
0x10c: {  	v9 =	vor.u32 v0, v10;
	vm3 =	veq.s32 v13, v2  }
0x10d: {  	v6 =	vor.u32 v0, v6;
	vm4 =	veq.s32 v7, v2  }
0x10e: {  	v3 =	vshrl.u32 v3, $0x14;
	v7 =	vor.u32 v0, v14;
	vm5 =	veq.s32 v8, v2  }
0x10f: {  	v4 =	vand.u32 $0xFFF, v4;
	v5 =	vor.u32 v0, v5;
	vm6 =	veq.s32 v3, v2;
	[tilespmem:v11+s17+$0x0] =	vst.idx.add.s32.msk vm0, v1  }
0x110: {  	v3 =	vor.u32 v0, v4;
	[tilespmem:v12+s17+$0x0] =	vst.idx.add.s32.msk vm1, v1  }
0x111: {  	[tilespmem:v9+s17+$0x0] =	vst.idx.add.s32.msk vm2, v1  }
0x112: {  	[tilespmem:v6+s17+$0x0] =	vst.idx.add.s32.msk vm3, v1  }
0x113: {  	[tilespmem:v7+s17+$0x0] =	vst.idx.add.s32.msk vm4, v1  }
0x114: {  	[tilespmem:v5+s17+$0x0] =	vst.idx.add.s32.msk vm5, v1  }
0x115: {  	[tilespmem:v3+s17+$0x0] =	vst.idx.add.s32.msk vm6, v1  }
0x116: {  	[tilespmem:s20], [sflag:$0x2] =	stream.strided.gather [hbm4b:s10+s18], $0x4000, s19, s18, $0x38;
	[tilespmem:$0x18080] =	vst v63  }
0x117: {  	_ =	swait.ge [sflag:s21], $0x4000  }
0x118: {  	[sflag:s21] =	ssyncset.done $0x0  }
0x119: {  	s24 =	simm.s32 $0x40;
	[sflag:s21] =	ssyncadd.s32 $0xFFFFC000  }
0x11a: {  	v3 =	vld [tilespmem:s24+$0x30]  }
0x11b: {  	v4 =	vld [tilespmem:s24+$0xFFFFFFD0]  }
0x11c: {  	v5 =	vld [tilespmem:s24+$0xFFFFFFE0]  }
0x11d: {  	v7 =	vld [tilespmem:s24+$0x0]  }
0x11e: {  	v12 =	vld [tilespmem:s24+$0xFFFFFFC0];
	_ =	sdelay $0x1  }
0x11f: {  	v6 =	vld [tilespmem:s24+$0xFFFFFFF0];
	_ =	sdelay $0x1  }
0x120: {  	v9 =	vshra.s32 v3, $0x1F;
	v10 =	vshra.s32 v4, $0x1F;
	v13 =	vshra.s32 v5, $0x1F  }
0x121: {  	v8 =	vld [tilespmem:s24+$0x10];
	v15 =	vshra.s32 v7, $0x1F;
	v16 =	vshra.s32 v12, $0x1F;
	v9 =	vor.u32 $0x80000000, v9  }
0x122: {  	v11 =	vld [tilespmem:s24+$0x20];
	v10 =	vor.u32 $0x80000000, v10;
	v13 =	vor.u32 $0x80000000, v13;
	v16 =	vor.u32 $0x80000000, v16  }
0x123: {  	v3 =	vxor.u32 v3, v9;
	v9 =	vshra.s32 v6, $0x1F;
	v10 =	vxor.u32 v4, v10  }
0x124: {  	v5 =	vxor.u32 v5, v13;
	v14 =	vshrl.u32 v3, $0x14;
	v3 =	vshrl.u32 v3, $0x8  }
0x125: {  	v12 =	vxor.u32 v12, v16;
	v13 =	vshrl.u32 v10, $0x8;
	v3 =	vand.u32 $0xFFF, v3  }
0x126: {  	vm15 =	veq.s32 v14, v2;
	v14 =	vshra.s32 v8, $0x1F;
	v17 =	vor.u32 v0, v3  }
0x127: {  	v3 =	vor.u32 $0x80000000, v9;
	v9 =	vor.u32 $0x80000000, v15;
	v15 =	vshra.s32 v11, $0x1F  }
0x128: {  	v16 =	vshrl.u32 v12, $0x14;
	v14 =	vor.u32 $0x80000000, v14;
	v15 =	vor.u32 $0x80000000, v15  }
0x129: {  	v6 =	vxor.u32 v6, v3;
	v7 =	vxor.u32 v7, v9;
	v9 =	vshrl.u32 v12, $0x8  }
0x12a: {  	v8 =	vxor.u32 v8, v14;
	v14 =	vshrl.u32 v5, $0x8;
	v12 =	vshrl.u32 v10, $0x14  }
0x12b: {  	v3 =	vxor.u32 v11, v15;
	v18 =	vshrl.u32 v6, $0x8;
	v19 =	vshrl.u32 v7, $0x8  }
0x12c: {  	v20 =	vshrl.u32 v8, $0x8;
	v11 =	vand.u32 $0xFFF, v9;
	v15 =	vand.u32 $0xFFF, v13  }
0x12d: {  	v9 =	vshrl.u32 v5, $0x14;
	v10 =	vand.u32 $0xFFF, v14;
	v13 =	vshrl.u32 v6, $0x14  }
0x12e: {  	v7 =	vshrl.u32 v7, $0x14;
	v8 =	vshrl.u32 v8, $0x14;
	v4 =	vshrl.u32 v3, $0x8  }
0x12f: {  	s25 =	simm.s32 $0xC0;
	s24 =	simm.s32 $0x0;
	v6 =	vand.u32 $0xFFF, v18;
	v14 =	vand.u32 $0xFFF, v19;
	v5 =	vand.u32 $0xFFF, v20;
	[tilespmem:v17+s17+$0x0] =	vst.idx.add.s32.msk vm15, v1  }
.LBB2_10:
0x130: {  	v17 =	vld [tilespmem:s25+$0x30];
	s24 =	sadd.s32 $0x8, s24;
	vm4 =	veq.s32 v16, v2;
	v3 =	vshrl.u32 v3, $0x14;
	v4 =	vand.u32 $0xFFF, v4  }
0x131: {  	v11 =	vor.u32 v0, v11;
	vm6 =	veq.s32 v12, v2;
	v12 =	vor.u32 v0, v15;
	v16 =	vld [tilespmem:s25+$0xFFFFFFD0];
	p0 =	slt.u32 s24, $0x3F8  }
0x132: {  	vm5 =	veq.s32 v9, v2;
	v9 =	vor.u32 v0, v10;
	vm3 =	veq.s32 v13, v2;
	v15 =	vld [tilespmem:s25+$0xFFFFFFE0]  }
0x133: {  	v6 =	vor.u32 v0, v6;
	vm2 =	veq.s32 v7, v2;
	v7 =	vor.u32 v0, v14;
	v10 =	vld [tilespmem:s25+$0xFFFFFFF0]  }
0x134: {  	vm1 =	veq.s32 v8, v2;
	v5 =	vor.u32 v0, v5;
	vm0 =	veq.s32 v3, v2;
	v13 =	vld [tilespmem:s25+$0x0]  }
0x135: {  	v4 =	vor.u32 v0, v4;
	v3 =	vld [tilespmem:s25+$0x10];
	v8 =	vshra.s32 v17, $0x1F  }
0x136: {  	v14 =	vshra.s32 v16, $0x1F;
	v18 =	vld [tilespmem:s25+$0x20];
	v8 =	vor.u32 $0x80000000, v8  }
0x137: {  	v19 =	vld [tilespmem:s25+$0xFFFFFFC0];
	v14 =	vor.u32 $0x80000000, v14;
	v20 =	vshra.s32 v15, $0x1F;
	v8 =	vxor.u32 v17, v8  }
0x138: {  	v17 =	vshra.s32 v10, $0x1F;
	v21 =	vshrl.u32 v8, $0x14;
	v8 =	vshrl.u32 v8, $0x8;
	[tilespmem:v11+s17+$0x0] =	vst.idx.add.s32.msk vm4, v1  }
0x139: {  	v11 =	vshra.s32 v13, $0x1F;
	vm4 =	veq.s32 v21, v2;
	v8 =	vand.u32 $0xFFF, v8;
	[tilespmem:v12+s17+$0x0] =	vst.idx.add.s32.msk vm6, v1  }
0x13a: {  	v12 =	vor.u32 $0x80000000, v20;
	v20 =	vshra.s32 v3, $0x1F;
	v8 =	vor.u32 v0, v8;
	[tilespmem:v9+s17+$0x0] =	vst.idx.add.s32.msk vm5, v1  }
0x13b: {  	v9 =	vor.u32 $0x80000000, v17;
	v11 =	vor.u32 $0x80000000, v11;
	v17 =	vshra.s32 v18, $0x1F;
	[tilespmem:v6+s17+$0x0] =	vst.idx.add.s32.msk vm3, v1  }
0x13c: {  	v20 =	vor.u32 $0x80000000, v20;
	v6 =	vshra.s32 v19, $0x1F;
	v17 =	vor.u32 $0x80000000, v17;
	[tilespmem:v7+s17+$0x0] =	vst.idx.add.s32.msk vm2, v1  }
0x13d: {  	v7 =	vxor.u32 v16, v14;
	v14 =	vxor.u32 v15, v12;
	v6 =	vor.u32 $0x80000000, v6;
	[tilespmem:v5+s17+$0x0] =	vst.idx.add.s32.msk vm1, v1  }
0x13e: {  	v5 =	vxor.u32 v19, v6;
	v6 =	vxor.u32 v10, v9;
	v19 =	vxor.u32 v13, v11  }
0x13f: {  	v20 =	vxor.u32 v3, v20;
	v3 =	vxor.u32 v18, v17;
	v9 =	vshrl.u32 v5, $0x8;
	[tilespmem:v8+s17+$0x0] =	vst.idx.add.s32.msk vm4, v1  }
0x140: {  	v10 =	vshrl.u32 v14, $0x8;
	v8 =	vshrl.u32 v7, $0x8;
	v17 =	vshrl.u32 v6, $0x8;
	[tilespmem:v4+s17+$0x0] =	vst.idx.add.s32.msk vm0, v1  }
.Ltmp4:
0x141: {  	v21 =	vshrl.u32 v20, $0x8;
	v18 =	vshrl.u32 v19, $0x8;
	v4 =	vshrl.u32 v3, $0x8;
	(pc) =	sbr.rel @p0 .LBB2_10-.Ltmp4, $4  }
0x142: {  	v12 =	vshrl.u32 v7, $0x14;
	v16 =	vshrl.u32 v5, $0x14;
	v11 =	vand.u32 $0xFFF, v9  }
0x143: {  	v10 =	vand.u32 $0xFFF, v10;
	v15 =	vand.u32 $0xFFF, v8;
	v9 =	vshrl.u32 v14, $0x14  }
0x144: {  	v13 =	vshrl.u32 v6, $0x14;
	v7 =	vshrl.u32 v19, $0x14;
	v6 =	vand.u32 $0xFFF, v17  }
0x145: {  	s25 =	sadd.s32 $0x80, s25;
	v5 =	vand.u32 $0xFFF, v21;
	v14 =	vand.u32 $0xFFF, v18;
	v8 =	vshrl.u32 v20, $0x14  }
0x146: {  	vm0 =	veq.s32 v16, v2  }
0x147: {  	v11 =	vor.u32 v0, v11;
	vm1 =	veq.s32 v12, v2  }
0x148: {  	v12 =	vor.u32 v0, v15;
	vm2 =	veq.s32 v9, v2  }
0x149: {  	v9 =	vor.u32 v0, v10;
	vm3 =	veq.s32 v13, v2  }
0x14a: {  	v6 =	vor.u32 v0, v6;
	vm4 =	veq.s32 v7, v2  }
0x14b: {  	v3 =	vshrl.u32 v3, $0x14;
	v7 =	vor.u32 v0, v14;
	vm5 =	veq.s32 v8, v2  }
0x14c: {  	v4 =	vand.u32 $0xFFF, v4;
	v5 =	vor.u32 v0, v5;
	vm6 =	veq.s32 v3, v2;
	[tilespmem:v11+s17+$0x0] =	vst.idx.add.s32.msk vm0, v1  }
0x14d: {  	v3 =	vor.u32 v0, v4;
	[tilespmem:v12+s17+$0x0] =	vst.idx.add.s32.msk vm1, v1  }
0x14e: {  	[tilespmem:v9+s17+$0x0] =	vst.idx.add.s32.msk vm2, v1  }
0x14f: {  	[tilespmem:v6+s17+$0x0] =	vst.idx.add.s32.msk vm3, v1  }
0x150: {  	[tilespmem:v7+s17+$0x0] =	vst.idx.add.s32.msk vm4, v1  }
0x151: {  	[tilespmem:v5+s17+$0x0] =	vst.idx.add.s32.msk vm5, v1  }
0x152: {  	[tilespmem:v3+s17+$0x0] =	vst.idx.add.s32.msk vm6, v1  }
0x153: {  	[tilespmem:s2], [sflag:$0x1] =	stream.strided.gather [hbm4b:s11+s18], $0x4000, s19, s18, $0x38;
	[tilespmem:$0x18080] =	vst v63  }
0x154: {  	_ =	swait.ge [sflag:s22], $0x4000  }
0x155: {  	[sflag:s22] =	ssyncset.done $0x0  }
0x156: {  	s24 =	simm.s32 $0x4040;
	[sflag:s22] =	ssyncadd.s32 $0xFFFFC000  }
0x157: {  	v3 =	vld [tilespmem:s24+$0x30]  }
0x158: {  	v4 =	vld [tilespmem:s24+$0xFFFFFFD0]  }
0x159: {  	v5 =	vld [tilespmem:s24+$0xFFFFFFE0]  }
0x15a: {  	v7 =	vld [tilespmem:s24+$0x0]  }
0x15b: {  	v12 =	vld [tilespmem:s24+$0xFFFFFFC0];
	_ =	sdelay $0x1  }
0x15c: {  	v6 =	vld [tilespmem:s24+$0xFFFFFFF0];
	_ =	sdelay $0x1  }
0x15d: {  	v9 =	vshra.s32 v3, $0x1F;
	v10 =	vshra.s32 v4, $0x1F;
	v13 =	vshra.s32 v5, $0x1F  }
0x15e: {  	v8 =	vld [tilespmem:s24+$0x10];
	v15 =	vshra.s32 v7, $0x1F;
	v16 =	vshra.s32 v12, $0x1F;
	v9 =	vor.u32 $0x80000000, v9  }
0x15f: {  	v11 =	vld [tilespmem:s24+$0x20];
	v10 =	vor.u32 $0x80000000, v10;
	v13 =	vor.u32 $0x80000000, v13;
	v16 =	vor.u32 $0x80000000, v16  }
0x160: {  	v3 =	vxor.u32 v3, v9;
	v9 =	vshra.s32 v6, $0x1F;
	v10 =	vxor.u32 v4, v10  }
0x161: {  	v5 =	vxor.u32 v5, v13;
	v14 =	vshrl.u32 v3, $0x14;
	v3 =	vshrl.u32 v3, $0x8  }
0x162: {  	v12 =	vxor.u32 v12, v16;
	v13 =	vshrl.u32 v10, $0x8;
	v3 =	vand.u32 $0xFFF, v3  }
0x163: {  	vm15 =	veq.s32 v14, v2;
	v14 =	vshra.s32 v8, $0x1F;
	v17 =	vor.u32 v0, v3  }
0x164: {  	v3 =	vor.u32 $0x80000000, v9;
	v9 =	vor.u32 $0x80000000, v15;
	v15 =	vshra.s32 v11, $0x1F  }
0x165: {  	v16 =	vshrl.u32 v12, $0x14;
	v14 =	vor.u32 $0x80000000, v14;
	v15 =	vor.u32 $0x80000000, v15  }
0x166: {  	v6 =	vxor.u32 v6, v3;
	v7 =	vxor.u32 v7, v9;
	v9 =	vshrl.u32 v12, $0x8  }
0x167: {  	v8 =	vxor.u32 v8, v14;
	v14 =	vshrl.u32 v5, $0x8;
	v12 =	vshrl.u32 v10, $0x14  }
0x168: {  	v3 =	vxor.u32 v11, v15;
	v18 =	vshrl.u32 v6, $0x8;
	v19 =	vshrl.u32 v7, $0x8  }
0x169: {  	v20 =	vshrl.u32 v8, $0x8;
	v11 =	vand.u32 $0xFFF, v9;
	v15 =	vand.u32 $0xFFF, v13  }
0x16a: {  	v9 =	vshrl.u32 v5, $0x14;
	v10 =	vand.u32 $0xFFF, v14;
	v13 =	vshrl.u32 v6, $0x14  }
0x16b: {  	v7 =	vshrl.u32 v7, $0x14;
	v8 =	vshrl.u32 v8, $0x14;
	v4 =	vshrl.u32 v3, $0x8  }
0x16c: {  	s25 =	simm.s32 $0x40C0;
	s24 =	simm.s32 $0x0;
	v6 =	vand.u32 $0xFFF, v18;
	v14 =	vand.u32 $0xFFF, v19;
	v5 =	vand.u32 $0xFFF, v20;
	[tilespmem:v17+s17+$0x0] =	vst.idx.add.s32.msk vm15, v1  }
.LBB2_12:
0x16d: {  	v17 =	vld [tilespmem:s25+$0x30];
	s24 =	sadd.s32 $0x8, s24;
	vm4 =	veq.s32 v16, v2;
	v3 =	vshrl.u32 v3, $0x14;
	v4 =	vand.u32 $0xFFF, v4  }
0x16e: {  	v11 =	vor.u32 v0, v11;
	vm6 =	veq.s32 v12, v2;
	v12 =	vor.u32 v0, v15;
	v16 =	vld [tilespmem:s25+$0xFFFFFFD0];
	p0 =	slt.u32 s24, $0x3F8  }
0x16f: {  	vm5 =	veq.s32 v9, v2;
	v9 =	vor.u32 v0, v10;
	vm3 =	veq.s32 v13, v2;
	v15 =	vld [tilespmem:s25+$0xFFFFFFE0]  }
0x170: {  	v6 =	vor.u32 v0, v6;
	vm2 =	veq.s32 v7, v2;
	v7 =	vor.u32 v0, v14;
	v10 =	vld [tilespmem:s25+$0xFFFFFFF0]  }
0x171: {  	vm1 =	veq.s32 v8, v2;
	v5 =	vor.u32 v0, v5;
	vm0 =	veq.s32 v3, v2;
	v13 =	vld [tilespmem:s25+$0x0]  }
0x172: {  	v4 =	vor.u32 v0, v4;
	v3 =	vld [tilespmem:s25+$0x10];
	v8 =	vshra.s32 v17, $0x1F  }
0x173: {  	v14 =	vshra.s32 v16, $0x1F;
	v18 =	vld [tilespmem:s25+$0x20];
	v8 =	vor.u32 $0x80000000, v8  }
0x174: {  	v19 =	vld [tilespmem:s25+$0xFFFFFFC0];
	v14 =	vor.u32 $0x80000000, v14;
	v20 =	vshra.s32 v15, $0x1F;
	v8 =	vxor.u32 v17, v8  }
0x175: {  	v17 =	vshra.s32 v10, $0x1F;
	v21 =	vshrl.u32 v8, $0x14;
	v8 =	vshrl.u32 v8, $0x8;
	[tilespmem:v11+s17+$0x0] =	vst.idx.add.s32.msk vm4, v1  }
0x176: {  	v11 =	vshra.s32 v13, $0x1F;
	vm4 =	veq.s32 v21, v2;
	v8 =	vand.u32 $0xFFF, v8;
	[tilespmem:v12+s17+$0x0] =	vst.idx.add.s32.msk vm6, v1  }
0x177: {  	v12 =	vor.u32 $0x80000000, v20;
	v20 =	vshra.s32 v3, $0x1F;
	v8 =	vor.u32 v0, v8;
	[tilespmem:v9+s17+$0x0] =	vst.idx.add.s32.msk vm5, v1  }
0x178: {  	v9 =	vor.u32 $0x80000000, v17;
	v11 =	vor.u32 $0x80000000, v11;
	v17 =	vshra.s32 v18, $0x1F;
	[tilespmem:v6+s17+$0x0] =	vst.idx.add.s32.msk vm3, v1  }
0x179: {  	v20 =	vor.u32 $0x80000000, v20;
	v6 =	vshra.s32 v19, $0x1F;
	v17 =	vor.u32 $0x80000000, v17;
	[tilespmem:v7+s17+$0x0] =	vst.idx.add.s32.msk vm2, v1  }
0x17a: {  	v7 =	vxor.u32 v16, v14;
	v14 =	vxor.u32 v15, v12;
	v6 =	vor.u32 $0x80000000, v6;
	[tilespmem:v5+s17+$0x0] =	vst.idx.add.s32.msk vm1, v1  }
0x17b: {  	v5 =	vxor.u32 v19, v6;
	v6 =	vxor.u32 v10, v9;
	v19 =	vxor.u32 v13, v11  }
0x17c: {  	v20 =	vxor.u32 v3, v20;
	v3 =	vxor.u32 v18, v17;
	v9 =	vshrl.u32 v5, $0x8;
	[tilespmem:v8+s17+$0x0] =	vst.idx.add.s32.msk vm4, v1  }
0x17d: {  	v10 =	vshrl.u32 v14, $0x8;
	v8 =	vshrl.u32 v7, $0x8;
	v17 =	vshrl.u32 v6, $0x8;
	[tilespmem:v4+s17+$0x0] =	vst.idx.add.s32.msk vm0, v1  }
.Ltmp5:
0x17e: {  	v21 =	vshrl.u32 v20, $0x8;
	v18 =	vshrl.u32 v19, $0x8;
	v4 =	vshrl.u32 v3, $0x8;
	(pc) =	sbr.rel @p0 .LBB2_12-.Ltmp5, $4  }
0x17f: {  	v12 =	vshrl.u32 v7, $0x14;
	v16 =	vshrl.u32 v5, $0x14;
	v11 =	vand.u32 $0xFFF, v9  }
0x180: {  	v10 =	vand.u32 $0xFFF, v10;
	v15 =	vand.u32 $0xFFF, v8;
	v9 =	vshrl.u32 v14, $0x14  }
0x181: {  	v13 =	vshrl.u32 v6, $0x14;
	v7 =	vshrl.u32 v19, $0x14;
	v6 =	vand.u32 $0xFFF, v17  }
0x182: {  	s25 =	sadd.s32 $0x80, s25;
	v5 =	vand.u32 $0xFFF, v21;
	v14 =	vand.u32 $0xFFF, v18;
	v8 =	vshrl.u32 v20, $0x14  }
0x183: {  	vm0 =	veq.s32 v16, v2  }
0x184: {  	v11 =	vor.u32 v0, v11;
	vm1 =	veq.s32 v12, v2  }
0x185: {  	v12 =	vor.u32 v0, v15;
	vm2 =	veq.s32 v9, v2  }
0x186: {  	v9 =	vor.u32 v0, v10;
	vm3 =	veq.s32 v13, v2  }
0x187: {  	v6 =	vor.u32 v0, v6;
	vm4 =	veq.s32 v7, v2  }
0x188: {  	v3 =	vshrl.u32 v3, $0x14;
	v7 =	vor.u32 v0, v14;
	vm5 =	veq.s32 v8, v2  }
0x189: {  	v4 =	vand.u32 $0xFFF, v4;
	v5 =	vor.u32 v0, v5;
	vm6 =	veq.s32 v3, v2;
	[tilespmem:v11+s17+$0x0] =	vst.idx.add.s32.msk vm0, v1  }
0x18a: {  	v3 =	vor.u32 v0, v4;
	[tilespmem:v12+s17+$0x0] =	vst.idx.add.s32.msk vm1, v1  }
0x18b: {  	[tilespmem:v9+s17+$0x0] =	vst.idx.add.s32.msk vm2, v1  }
0x18c: {  	[tilespmem:v6+s17+$0x0] =	vst.idx.add.s32.msk vm3, v1  }
0x18d: {  	[tilespmem:v7+s17+$0x0] =	vst.idx.add.s32.msk vm4, v1  }
0x18e: {  	[tilespmem:v5+s17+$0x0] =	vst.idx.add.s32.msk vm5, v1  }
0x18f: {  	[tilespmem:v3+s17+$0x0] =	vst.idx.add.s32.msk vm6, v1  }
0x190: {  	[tilespmem:s20], [sflag:$0x2] =	stream.strided.gather [hbm4b:s12+s18], $0x4000, s19, s18, $0x38;
	[tilespmem:$0x18080] =	vst v63  }
0x191: {  	_ =	swait.ge [sflag:s21], $0x4000  }
0x192: {  	[sflag:s21] =	ssyncset.done $0x0  }
0x193: {  	s24 =	simm.s32 $0x40;
	[sflag:s21] =	ssyncadd.s32 $0xFFFFC000  }
0x194: {  	v3 =	vld [tilespmem:s24+$0x30]  }
0x195: {  	v4 =	vld [tilespmem:s24+$0xFFFFFFD0]  }
0x196: {  	v5 =	vld [tilespmem:s24+$0xFFFFFFE0]  }
0x197: {  	v7 =	vld [tilespmem:s24+$0x0]  }
0x198: {  	v12 =	vld [tilespmem:s24+$0xFFFFFFC0];
	_ =	sdelay $0x1  }
0x199: {  	v6 =	vld [tilespmem:s24+$0xFFFFFFF0];
	_ =	sdelay $0x1  }
0x19a: {  	v9 =	vshra.s32 v3, $0x1F;
	v10 =	vshra.s32 v4, $0x1F;
	v13 =	vshra.s32 v5, $0x1F  }
0x19b: {  	v8 =	vld [tilespmem:s24+$0x10];
	v15 =	vshra.s32 v7, $0x1F;
	v16 =	vshra.s32 v12, $0x1F;
	v9 =	vor.u32 $0x80000000, v9  }
0x19c: {  	v11 =	vld [tilespmem:s24+$0x20];
	v10 =	vor.u32 $0x80000000, v10;
	v13 =	vor.u32 $0x80000000, v13;
	v16 =	vor.u32 $0x80000000, v16  }
0x19d: {  	v3 =	vxor.u32 v3, v9;
	v9 =	vshra.s32 v6, $0x1F;
	v10 =	vxor.u32 v4, v10  }
0x19e: {  	v5 =	vxor.u32 v5, v13;
	v14 =	vshrl.u32 v3, $0x14;
	v3 =	vshrl.u32 v3, $0x8  }
0x19f: {  	v12 =	vxor.u32 v12, v16;
	v13 =	vshrl.u32 v10, $0x8;
	v3 =	vand.u32 $0xFFF, v3  }
0x1a0: {  	vm15 =	veq.s32 v14, v2;
	v14 =	vshra.s32 v8, $0x1F;
	v17 =	vor.u32 v0, v3  }
0x1a1: {  	v3 =	vor.u32 $0x80000000, v9;
	v9 =	vor.u32 $0x80000000, v15;
	v15 =	vshra.s32 v11, $0x1F  }
0x1a2: {  	v16 =	vshrl.u32 v12, $0x14;
	v14 =	vor.u32 $0x80000000, v14;
	v15 =	vor.u32 $0x80000000, v15  }
0x1a3: {  	v6 =	vxor.u32 v6, v3;
	v7 =	vxor.u32 v7, v9;
	v9 =	vshrl.u32 v12, $0x8  }
0x1a4: {  	v8 =	vxor.u32 v8, v14;
	v14 =	vshrl.u32 v5, $0x8;
	v12 =	vshrl.u32 v10, $0x14  }
0x1a5: {  	v3 =	vxor.u32 v11, v15;
	v18 =	vshrl.u32 v6, $0x8;
	v19 =	vshrl.u32 v7, $0x8  }
0x1a6: {  	v20 =	vshrl.u32 v8, $0x8;
	v11 =	vand.u32 $0xFFF, v9;
	v15 =	vand.u32 $0xFFF, v13  }
0x1a7: {  	v9 =	vshrl.u32 v5, $0x14;
	v10 =	vand.u32 $0xFFF, v14;
	v13 =	vshrl.u32 v6, $0x14  }
0x1a8: {  	v7 =	vshrl.u32 v7, $0x14;
	v8 =	vshrl.u32 v8, $0x14;
	v4 =	vshrl.u32 v3, $0x8  }
0x1a9: {  	s25 =	simm.s32 $0xC0;
	s24 =	simm.s32 $0x0;
	v6 =	vand.u32 $0xFFF, v18;
	v14 =	vand.u32 $0xFFF, v19;
	v5 =	vand.u32 $0xFFF, v20;
	[tilespmem:v17+s17+$0x0] =	vst.idx.add.s32.msk vm15, v1  }
.LBB2_14:
0x1aa: {  	v17 =	vld [tilespmem:s25+$0x30];
	s24 =	sadd.s32 $0x8, s24;
	vm4 =	veq.s32 v16, v2;
	v3 =	vshrl.u32 v3, $0x14;
	v4 =	vand.u32 $0xFFF, v4  }
0x1ab: {  	v11 =	vor.u32 v0, v11;
	vm6 =	veq.s32 v12, v2;
	v12 =	vor.u32 v0, v15;
	v16 =	vld [tilespmem:s25+$0xFFFFFFD0];
	p0 =	slt.u32 s24, $0x3F8  }
0x1ac: {  	vm5 =	veq.s32 v9, v2;
	v9 =	vor.u32 v0, v10;
	vm3 =	veq.s32 v13, v2;
	v15 =	vld [tilespmem:s25+$0xFFFFFFE0]  }
0x1ad: {  	v6 =	vor.u32 v0, v6;
	vm2 =	veq.s32 v7, v2;
	v7 =	vor.u32 v0, v14;
	v10 =	vld [tilespmem:s25+$0xFFFFFFF0]  }
0x1ae: {  	vm1 =	veq.s32 v8, v2;
	v5 =	vor.u32 v0, v5;
	vm0 =	veq.s32 v3, v2;
	v13 =	vld [tilespmem:s25+$0x0]  }
0x1af: {  	v4 =	vor.u32 v0, v4;
	v3 =	vld [tilespmem:s25+$0x10];
	v8 =	vshra.s32 v17, $0x1F  }
0x1b0: {  	v14 =	vshra.s32 v16, $0x1F;
	v18 =	vld [tilespmem:s25+$0x20];
	v8 =	vor.u32 $0x80000000, v8  }
0x1b1: {  	v19 =	vld [tilespmem:s25+$0xFFFFFFC0];
	v14 =	vor.u32 $0x80000000, v14;
	v20 =	vshra.s32 v15, $0x1F;
	v8 =	vxor.u32 v17, v8  }
0x1b2: {  	v17 =	vshra.s32 v10, $0x1F;
	v21 =	vshrl.u32 v8, $0x14;
	v8 =	vshrl.u32 v8, $0x8;
	[tilespmem:v11+s17+$0x0] =	vst.idx.add.s32.msk vm4, v1  }
0x1b3: {  	v11 =	vshra.s32 v13, $0x1F;
	vm4 =	veq.s32 v21, v2;
	v8 =	vand.u32 $0xFFF, v8;
	[tilespmem:v12+s17+$0x0] =	vst.idx.add.s32.msk vm6, v1  }
0x1b4: {  	v12 =	vor.u32 $0x80000000, v20;
	v20 =	vshra.s32 v3, $0x1F;
	v8 =	vor.u32 v0, v8;
	[tilespmem:v9+s17+$0x0] =	vst.idx.add.s32.msk vm5, v1  }
0x1b5: {  	v9 =	vor.u32 $0x80000000, v17;
	v11 =	vor.u32 $0x80000000, v11;
	v17 =	vshra.s32 v18, $0x1F;
	[tilespmem:v6+s17+$0x0] =	vst.idx.add.s32.msk vm3, v1  }
0x1b6: {  	v20 =	vor.u32 $0x80000000, v20;
	v6 =	vshra.s32 v19, $0x1F;
	v17 =	vor.u32 $0x80000000, v17;
	[tilespmem:v7+s17+$0x0] =	vst.idx.add.s32.msk vm2, v1  }
0x1b7: {  	v7 =	vxor.u32 v16, v14;
	v14 =	vxor.u32 v15, v12;
	v6 =	vor.u32 $0x80000000, v6;
	[tilespmem:v5+s17+$0x0] =	vst.idx.add.s32.msk vm1, v1  }
0x1b8: {  	v5 =	vxor.u32 v19, v6;
	v6 =	vxor.u32 v10, v9;
	v19 =	vxor.u32 v13, v11  }
0x1b9: {  	v20 =	vxor.u32 v3, v20;
	v3 =	vxor.u32 v18, v17;
	v9 =	vshrl.u32 v5, $0x8;
	[tilespmem:v8+s17+$0x0] =	vst.idx.add.s32.msk vm4, v1  }
0x1ba: {  	v10 =	vshrl.u32 v14, $0x8;
	v8 =	vshrl.u32 v7, $0x8;
	v17 =	vshrl.u32 v6, $0x8;
	[tilespmem:v4+s17+$0x0] =	vst.idx.add.s32.msk vm0, v1  }
.Ltmp6:
0x1bb: {  	v21 =	vshrl.u32 v20, $0x8;
	v18 =	vshrl.u32 v19, $0x8;
	v4 =	vshrl.u32 v3, $0x8;
	(pc) =	sbr.rel @p0 .LBB2_14-.Ltmp6, $4  }
0x1bc: {  	v12 =	vshrl.u32 v7, $0x14;
	v16 =	vshrl.u32 v5, $0x14;
	v11 =	vand.u32 $0xFFF, v9  }
0x1bd: {  	v10 =	vand.u32 $0xFFF, v10;
	v15 =	vand.u32 $0xFFF, v8;
	v9 =	vshrl.u32 v14, $0x14  }
0x1be: {  	v13 =	vshrl.u32 v6, $0x14;
	v7 =	vshrl.u32 v19, $0x14;
	v6 =	vand.u32 $0xFFF, v17  }
0x1bf: {  	s25 =	sadd.s32 $0x80, s25;
	v5 =	vand.u32 $0xFFF, v21;
	v14 =	vand.u32 $0xFFF, v18;
	v8 =	vshrl.u32 v20, $0x14  }
0x1c0: {  	vm0 =	veq.s32 v16, v2  }
0x1c1: {  	v11 =	vor.u32 v0, v11;
	vm1 =	veq.s32 v12, v2  }
0x1c2: {  	v12 =	vor.u32 v0, v15;
	vm2 =	veq.s32 v9, v2  }
0x1c3: {  	v9 =	vor.u32 v0, v10;
	vm3 =	veq.s32 v13, v2  }
0x1c4: {  	v6 =	vor.u32 v0, v6;
	vm4 =	veq.s32 v7, v2  }
0x1c5: {  	v3 =	vshrl.u32 v3, $0x14;
	v7 =	vor.u32 v0, v14;
	vm5 =	veq.s32 v8, v2  }
0x1c6: {  	v4 =	vand.u32 $0xFFF, v4;
	v5 =	vor.u32 v0, v5;
	vm6 =	veq.s32 v3, v2;
	[tilespmem:v11+s17+$0x0] =	vst.idx.add.s32.msk vm0, v1  }
0x1c7: {  	v3 =	vor.u32 v0, v4;
	[tilespmem:v12+s17+$0x0] =	vst.idx.add.s32.msk vm1, v1  }
0x1c8: {  	[tilespmem:v9+s17+$0x0] =	vst.idx.add.s32.msk vm2, v1  }
0x1c9: {  	[tilespmem:v6+s17+$0x0] =	vst.idx.add.s32.msk vm3, v1  }
0x1ca: {  	[tilespmem:v7+s17+$0x0] =	vst.idx.add.s32.msk vm4, v1  }
0x1cb: {  	[tilespmem:v5+s17+$0x0] =	vst.idx.add.s32.msk vm5, v1  }
0x1cc: {  	[tilespmem:v3+s17+$0x0] =	vst.idx.add.s32.msk vm6, v1  }
0x1cd: {  	_ =	swait.ge [sflag:s22], $0x4000  }
0x1ce: {  	[sflag:s22] =	ssyncset.done $0x0  }
0x1cf: {  	s24 =	simm.s32 $0x4040;
	[sflag:s22] =	ssyncadd.s32 $0xFFFFC000  }
0x1d0: {  	v3 =	vld [tilespmem:s24+$0x30]  }
0x1d1: {  	v4 =	vld [tilespmem:s24+$0xFFFFFFD0]  }
0x1d2: {  	v5 =	vld [tilespmem:s24+$0xFFFFFFE0]  }
0x1d3: {  	v7 =	vld [tilespmem:s24+$0x0]  }
0x1d4: {  	v12 =	vld [tilespmem:s24+$0xFFFFFFC0];
	_ =	sdelay $0x1  }
0x1d5: {  	v6 =	vld [tilespmem:s24+$0xFFFFFFF0];
	_ =	sdelay $0x1  }
0x1d6: {  	v9 =	vshra.s32 v3, $0x1F;
	v10 =	vshra.s32 v4, $0x1F;
	v13 =	vshra.s32 v5, $0x1F  }
0x1d7: {  	v8 =	vld [tilespmem:s24+$0x10];
	v15 =	vshra.s32 v7, $0x1F;
	v16 =	vshra.s32 v12, $0x1F;
	v9 =	vor.u32 $0x80000000, v9  }
0x1d8: {  	v11 =	vld [tilespmem:s24+$0x20];
	v10 =	vor.u32 $0x80000000, v10;
	v13 =	vor.u32 $0x80000000, v13;
	v16 =	vor.u32 $0x80000000, v16  }
0x1d9: {  	v3 =	vxor.u32 v3, v9;
	v9 =	vshra.s32 v6, $0x1F;
	v10 =	vxor.u32 v4, v10  }
0x1da: {  	v5 =	vxor.u32 v5, v13;
	v14 =	vshrl.u32 v3, $0x14;
	v3 =	vshrl.u32 v3, $0x8  }
0x1db: {  	v12 =	vxor.u32 v12, v16;
	v13 =	vshrl.u32 v10, $0x8;
	v3 =	vand.u32 $0xFFF, v3  }
0x1dc: {  	vm15 =	veq.s32 v14, v2;
	v14 =	vshra.s32 v8, $0x1F;
	v17 =	vor.u32 v0, v3  }
0x1dd: {  	v3 =	vor.u32 $0x80000000, v9;
	v9 =	vor.u32 $0x80000000, v15;
	v15 =	vshra.s32 v11, $0x1F  }
0x1de: {  	v16 =	vshrl.u32 v12, $0x14;
	v14 =	vor.u32 $0x80000000, v14;
	v15 =	vor.u32 $0x80000000, v15  }
0x1df: {  	v6 =	vxor.u32 v6, v3;
	v7 =	vxor.u32 v7, v9;
	v9 =	vshrl.u32 v12, $0x8  }
0x1e0: {  	v8 =	vxor.u32 v8, v14;
	v14 =	vshrl.u32 v5, $0x8;
	v12 =	vshrl.u32 v10, $0x14  }
0x1e1: {  	v3 =	vxor.u32 v11, v15;
	v18 =	vshrl.u32 v6, $0x8;
	v19 =	vshrl.u32 v7, $0x8  }
0x1e2: {  	v20 =	vshrl.u32 v8, $0x8;
	v11 =	vand.u32 $0xFFF, v9;
	v15 =	vand.u32 $0xFFF, v13  }
0x1e3: {  	v9 =	vshrl.u32 v5, $0x14;
	v10 =	vand.u32 $0xFFF, v14;
	v13 =	vshrl.u32 v6, $0x14  }
0x1e4: {  	v7 =	vshrl.u32 v7, $0x14;
	v8 =	vshrl.u32 v8, $0x14;
	v4 =	vshrl.u32 v3, $0x8  }
0x1e5: {  	s25 =	simm.s32 $0x40C0;
	s24 =	simm.s32 $0x0;
	v6 =	vand.u32 $0xFFF, v18;
	v14 =	vand.u32 $0xFFF, v19;
	v5 =	vand.u32 $0xFFF, v20;
	[tilespmem:v17+s17+$0x0] =	vst.idx.add.s32.msk vm15, v1  }
.LBB2_16:
0x1e6: {  	v17 =	vld [tilespmem:s25+$0x30];
	s24 =	sadd.s32 $0x8, s24;
	vm4 =	veq.s32 v16, v2;
	v3 =	vshrl.u32 v3, $0x14;
	v4 =	vand.u32 $0xFFF, v4  }
0x1e7: {  	v11 =	vor.u32 v0, v11;
	vm6 =	veq.s32 v12, v2;
	v12 =	vor.u32 v0, v15;
	v16 =	vld [tilespmem:s25+$0xFFFFFFD0];
	p0 =	slt.u32 s24, $0x3F8  }
0x1e8: {  	vm5 =	veq.s32 v9, v2;
	v9 =	vor.u32 v0, v10;
	vm3 =	veq.s32 v13, v2;
	v15 =	vld [tilespmem:s25+$0xFFFFFFE0]  }
0x1e9: {  	v6 =	vor.u32 v0, v6;
	vm2 =	veq.s32 v7, v2;
	v7 =	vor.u32 v0, v14;
	v10 =	vld [tilespmem:s25+$0xFFFFFFF0]  }
0x1ea: {  	vm1 =	veq.s32 v8, v2;
	v5 =	vor.u32 v0, v5;
	vm0 =	veq.s32 v3, v2;
	v13 =	vld [tilespmem:s25+$0x0]  }
0x1eb: {  	v4 =	vor.u32 v0, v4;
	v3 =	vld [tilespmem:s25+$0x10];
	v8 =	vshra.s32 v17, $0x1F  }
0x1ec: {  	v14 =	vshra.s32 v16, $0x1F;
	v18 =	vld [tilespmem:s25+$0x20];
	v8 =	vor.u32 $0x80000000, v8  }
0x1ed: {  	v19 =	vld [tilespmem:s25+$0xFFFFFFC0];
	v14 =	vor.u32 $0x80000000, v14;
	v20 =	vshra.s32 v15, $0x1F;
	v8 =	vxor.u32 v17, v8  }
0x1ee: {  	v17 =	vshra.s32 v10, $0x1F;
	v21 =	vshrl.u32 v8, $0x14;
	v8 =	vshrl.u32 v8, $0x8;
	[tilespmem:v11+s17+$0x0] =	vst.idx.add.s32.msk vm4, v1  }
0x1ef: {  	v11 =	vshra.s32 v13, $0x1F;
	vm4 =	veq.s32 v21, v2;
	v8 =	vand.u32 $0xFFF, v8;
	[tilespmem:v12+s17+$0x0] =	vst.idx.add.s32.msk vm6, v1  }
0x1f0: {  	v12 =	vor.u32 $0x80000000, v20;
	v20 =	vshra.s32 v3, $0x1F;
	v8 =	vor.u32 v0, v8;
	[tilespmem:v9+s17+$0x0] =	vst.idx.add.s32.msk vm5, v1  }
0x1f1: {  	v9 =	vor.u32 $0x80000000, v17;
	v11 =	vor.u32 $0x80000000, v11;
	v17 =	vshra.s32 v18, $0x1F;
	[tilespmem:v6+s17+$0x0] =	vst.idx.add.s32.msk vm3, v1  }
0x1f2: {  	v20 =	vor.u32 $0x80000000, v20;
	v6 =	vshra.s32 v19, $0x1F;
	v17 =	vor.u32 $0x80000000, v17;
	[tilespmem:v7+s17+$0x0] =	vst.idx.add.s32.msk vm2, v1  }
0x1f3: {  	v7 =	vxor.u32 v16, v14;
	v14 =	vxor.u32 v15, v12;
	v6 =	vor.u32 $0x80000000, v6;
	[tilespmem:v5+s17+$0x0] =	vst.idx.add.s32.msk vm1, v1  }
0x1f4: {  	v5 =	vxor.u32 v19, v6;
	v6 =	vxor.u32 v10, v9;
	v19 =	vxor.u32 v13, v11  }
0x1f5: {  	v20 =	vxor.u32 v3, v20;
	v3 =	vxor.u32 v18, v17;
	v9 =	vshrl.u32 v5, $0x8;
	[tilespmem:v8+s17+$0x0] =	vst.idx.add.s32.msk vm4, v1  }
0x1f6: {  	v10 =	vshrl.u32 v14, $0x8;
	v8 =	vshrl.u32 v7, $0x8;
	v17 =	vshrl.u32 v6, $0x8;
	[tilespmem:v4+s17+$0x0] =	vst.idx.add.s32.msk vm0, v1  }
.Ltmp7:
0x1f7: {  	v21 =	vshrl.u32 v20, $0x8;
	v18 =	vshrl.u32 v19, $0x8;
	v4 =	vshrl.u32 v3, $0x8;
	(pc) =	sbr.rel @p0 .LBB2_16-.Ltmp7, $4  }
0x1f8: {  	v12 =	vshrl.u32 v7, $0x14;
	v16 =	vshrl.u32 v5, $0x14;
	v11 =	vand.u32 $0xFFF, v9  }
0x1f9: {  	v10 =	vand.u32 $0xFFF, v10;
	v15 =	vand.u32 $0xFFF, v8;
	v9 =	vshrl.u32 v14, $0x14  }
0x1fa: {  	v13 =	vshrl.u32 v6, $0x14;
	v7 =	vshrl.u32 v19, $0x14;
	v6 =	vand.u32 $0xFFF, v17  }
0x1fb: {  	s25 =	sadd.s32 $0x80, s25;
	v5 =	vand.u32 $0xFFF, v21;
	v14 =	vand.u32 $0xFFF, v18;
	v8 =	vshrl.u32 v20, $0x14  }
0x1fc: {  	vm0 =	veq.s32 v16, v2  }
0x1fd: {  	v11 =	vor.u32 v0, v11;
	vm1 =	veq.s32 v12, v2  }
0x1fe: {  	v61 =	vor.u32 v0, v15;
	vm2 =	veq.s32 v9, v2  }
0x1ff: {  	v62 =	vor.u32 v0, v10;
	vm3 =	veq.s32 v13, v2  }
0x200: {  	v6 =	vor.u32 v0, v6;
	vm4 =	veq.s32 v7, v2  }
0x201: {  	v3 =	vshrl.u32 v3, $0x14;
	v63 =	vor.u32 v0, v14;
	vm5 =	veq.s32 v8, v2  }
0x202: {  	v4 =	vand.u32 $0xFFF, v4;
	v5 =	vor.u32 v0, v5;
	vm6 =	veq.s32 v3, v2;
	[tilespmem:v11+s17+$0x0] =	vst.idx.add.s32.msk vm0, v1  }
0x203: {  	v2 =	vor.u32 v0, v4;
	[tilespmem:v61+s17+$0x0] =	vst.idx.add.s32.msk vm1, v1  }
0x204: {  	[tilespmem:v62+s17+$0x0] =	vst.idx.add.s32.msk vm2, v1  }
0x205: {  	[tilespmem:v6+s17+$0x0] =	vst.idx.add.s32.msk vm3, v1  }
0x206: {  	s23 =	sadd.s32 $0x1, s23;
	[tilespmem:v63+s17+$0x0] =	vst.idx.add.s32.msk vm4, v1  }
0x207: {  	p0 =	sne.s32 s23, s14;
	[tilespmem:v5+s17+$0x0] =	vst.idx.add.s32.msk vm5, v1  }
.Ltmp8:
0x208: {  	[tilespmem:v2+s17+$0x0] =	vst.idx.add.s32.msk vm6, v1;
	(pc) =	sbr.rel @p0 .LBB2_1-.Ltmp8, $4  }
0x209: {  	[hbm4b:s13+s2] =	stream.linear.scatter [tilespmem:s17], [sflag:$0x3], $0x10000, $0x38;
	[tilespmem:$0x18080] =	vst v63  }
0x20a: {  	_ =	swait.ge [sflag:s16], $0x10000  }
0x20b: {  	[sflag:s16] =	ssyncset.done $0x0  }
0x20c: {  	[sflag:s16] =	ssyncadd.s32 $0xFFFF0000  }
0x20d: {  	_ =	sfence.sel $0x180000  }
0x20e: {  	[bflag:$0x0] =	sbarrier.arrive $0xFFFF  }
0x20f: {  	p0 =	sne.s32 s1, $0x0;
	_ =	strace $0x9000004A  }
0x210: {  	s0 =	sadd.s32 @!p0 $0x100000, s0;
	[bflag:$0x2] =	sbarrier.arrive $0xFFFF  }
0x211: {  	[sflag:s0] =	ssyncadd.tile.s32 @!p0 $0x1;
	_ =	shalt  }
.Lfunc_end2:
_tile_overlayer_lowered:
.L_overlay_start_2:
0x212: {  	(tag) =	ssettag $0x2  }
0x213: {  	s0 =	rddreg [dreg:$0x0];
	s2 =	stileid.u32  }
0x214: {  	s1 =	rddreg [dreg:$0x1];
	p0 =	sne.s32 s2, $0x0  }
0x215: {  	s3 =	rddreg [dreg:$0x2];
	[bflag:$0x3] =	sbarrier.arrive $0xFFFF;
	s2 =	simm.s32 @!p0 $0x1C03  }
0x216: {  	[timem:s3], [sflag:s2] =	dma.local @!p0 [hbm:s0], s1  }
0x217: {  	s0 =	simm.s32 @!p0 $0x3  }
0x218: {  	_ =	swait.ge @!p0 [sflag:s0], s1  }
0x219: {  	s1 =	ssub.s32 @!p0 $0x0, s1;
	[sflag:s0] =	ssyncset.done @!p0 $0x0  }
0x21a: {  	[sflag:s0] =	ssyncadd.s32 @!p0 s1  }
0x21b: {  	[bflag:$0x3] =	sbarrier.arrive $0xFFFF  }
0x21c: {  	_ =	shalt  }

// kernel: kernel.14.cloned.1.call-start
scs
__scs_entry_jumppad:
0x0: {  	(pc) =	sbr.rel $0x88, $3  }
0x1: {  	(tag) =	ssettag $0x0;
	lr =	simm.s32 $0x1  }
0x2: {  	[smem:$0x3FA0] =	sst lr;
	_ =	strace $0xD0000000  }
0x3: {  	_ = 	snop  }
0x4: {  	_ = 	snop  }
0x5: {  	_ = 	snop  }
0x6: {  	_ = 	snop  }
0x7: {  	_ = 	snop  }
__scs_overlays_trampoline_lowered:
0x8: {  	[smem:$0x3FAF] =	sst s0  }
0x9: {  	[smem:$0x3FB0] =	sst s1  }
0xa: {  	[smem:$0x3FB1] =	sst s2  }
0xb: {  	[smem:$0x3FB2] =	sst s3  }
0xc: {  	[smem:$0x3FB3] =	sst s4  }
0xd: {  	[smem:$0x3FB4] =	sst s5  }
0xe: {  	[smem:$0x3FB5] =	sst s6  }
0xf: {  	[smem:$0x3FB6] =	sst s7  }
0x10: {  	[smem:$0x3FB7] =	sst s8  }
0x11: {  	[smem:$0x3FB8] =	sst s9;
	s0 =	simm.s32 @!p0 $0x0  }
0x12: {  	s1 =	sld [smem:$0x3F9E];
	s0 =	simm.s32 @p0 $0x1  }
0x13: {  	[smem:$0x3FB9] =	sst s0;
	s0 =	simm.s32 @!p1 $0x0  }
0x14: {  	s2 =	sld [smem:$0x3F9D];
	s0 =	simm.s32 @p1 $0x1  }
0x15: {  	[smem:$0x3FBA] =	sst s0;
	s0 =	simm.s32 @!p2 $0x0  }
0x16: {  	s3 =	sld [smem:$0x3FDB];
	s0 =	simm.s32 @p2 $0x1  }
0x17: {  	s4 =	simm.s32 $0x1BF5;
	[smem:$0x3FBC] =	sst s0  }
0x18: {  	s0 =	sld [smem:$0x3F9F];
	_ =	swait.ge [sflag:s4], $0x0  }
0x19: {  	s7 =	sld [smem:$0x3FA0]  }
0x1a: {  	s8 =	sadd.s32 $0xFFFFE003, lr  }
0x1b: {  	s9 =	sadd.s32 $0xFFFFFEF7, lr;
	s5 =	simm.s32 $0xFFFFFFFF;
	p2 =	slt.u32 s8, $0xFFFFF086  }
0x1c: {  	p1 =	slt.u32 s9, $0xF7A;
	s5 =	simm.s32 @!p2 $0x0  }
0x1d: {  	s5 =	simm.s32 @p1 $0x1;
	p0 =	seq.s32 s7, s2  }
0x1e: {  	s7 =	smul.u32 @!p0 $0xF7A, s2;
	p2 =	seq.s32 @!p0 s5, $0x0  }
0x1f: {  	s9 =	smul.u32 $0xF7A, s1;
	s8 =	simm.s32 @!p0 $0x1BF5;
	p2 =	por !p2, p0  }
0x20: {  	[sflag:s8] =	ssyncset.s32 @!p0 $0xFFFFF086;
	s6 =	sadd.s32 @!p0 s3, s7;
	s7 =	simm.s32 @!p0 $0x108  }
0x21: {  	s3 =	sadd.s32 s3, s9;
	s6 =	sadd.s32 @!p0 $0x88, s6;
	s7 =	simm.s32 @p2 $0x1082  }
0x22: {  	[simem:s7], [sflag:s8] =	dma.local @!p0 [hbm:s6], $0xF7A  }
0x23: {  	s9 =	sor.u32 $0xD0000000, s2;
	s6 =	simm.s32 $0x108;
	_ =	swait.ge @!p0 [sflag:s8], $0x0  }
0x24: {  	s3 =	sadd.s32 $0x88, s3;
	s6 =	simm.s32 @!p1 $0x1082;
	[sflag:s4] =	ssyncset.s32 $0xFFFFF086  }
0x25: {  	[simem:s6], [sflag:s4] =	dma.local [hbm:s3], $0xF7A  }
0x26: {  	[smem:$0x3FA0] =	sst s1;
	(tag) =	ssettag s2;
	_ =	strace s9  }
0x27: {  	s1 =	sld [smem:$0x3FB0]  }
0x28: {  	s2 =	sld [smem:$0x3FB1]  }
0x29: {  	s4 =	sld [smem:$0x3FB3]  }
0x2a: {  	p0 =	seq.s32 s5, $0x0;
	s5 =	sld [smem:$0x3FB4]  }
0x2b: {  	s6 =	sld [smem:$0x3FB5]  }
0x2c: {  	s7 =	sld [smem:$0x3FB6]  }
0x2d: {  	s3 =	simm.s32 $0x108;
	s8 =	sld [smem:$0x3FB7]  }
0x2e: {  	s3 =	simm.s32 @!p0 $0x1082;
	s9 =	sld [smem:$0x3FB8]  }
0x2f: {  	lr =	sadd.s32 s0, s3;
	s0 =	sld [smem:$0x3FAF]  }
0x30: {  	s3 =	sld [smem:$0x3FB2]  }
0x31: {  	[smem:$0x3FBB] =	sst s10  }
0x32: {  	s10 =	sld [smem:$0x3FB9];
	_ =	sdelay $0x3  }
0x33: {  	p0 =	seq.s32 s10, $0x1;
	s10 =	sld [smem:$0x3FBB];
	_ =	sdelay $0x3  }
0x34: {  	[smem:$0x3FBB] =	sst s10  }
0x35: {  	s10 =	sld [smem:$0x3FBA];
	_ =	sdelay $0x3  }
0x36: {  	p1 =	seq.s32 s10, $0x1;
	s10 =	sld [smem:$0x3FBB];
	_ =	sdelay $0x3  }
0x37: {  	[smem:$0x3FBB] =	sst s10  }
0x38: {  	s10 =	sld [smem:$0x3FBC]  }
0x39: {  	_ = 	snop;
	(pc) =	sbr.ind lr, $3  }
0x3a: {  	_ = 	snop  }
0x3b: {  	_ = 	snop  }
0x3c: {  	p2 =	seq.s32 s10, $0x1;
	s10 =	sld [smem:$0x3FBB]  }
0x3d: {  	_ =	shalt  }
0x3e: {  	_ =	shalt  }
0x3f: {  	_ =	shalt  }
0x40: {  	_ =	shalt  }
0x41: {  	_ =	shalt  }
0x42: {  	_ =	shalt  }
0x43: {  	_ =	shalt  }
0x44: {  	_ =	shalt  }
0x45: {  	_ =	shalt  }
0x46: {  	_ =	shalt  }
0x47: {  	_ =	shalt  }
0x48: {  	_ =	shalt  }
0x49: {  	_ =	shalt  }
0x4a: {  	_ =	shalt  }
0x4b: {  	_ =	shalt  }
0x4c: {  	_ =	shalt  }
0x4d: {  	_ =	shalt  }
0x4e: {  	_ =	shalt  }
0x4f: {  	_ =	shalt  }
0x50: {  	_ =	shalt  }
0x51: {  	_ =	shalt  }
0x52: {  	_ =	shalt  }
0x53: {  	_ =	shalt  }
0x54: {  	_ =	shalt  }
0x55: {  	_ =	shalt  }
0x56: {  	_ =	shalt  }
0x57: {  	_ =	shalt  }
0x58: {  	_ =	shalt  }
0x59: {  	_ =	shalt  }
0x5a: {  	_ =	shalt  }
0x5b: {  	_ =	shalt  }
0x5c: {  	_ =	shalt  }
0x5d: {  	_ =	shalt  }
0x5e: {  	_ =	shalt  }
0x5f: {  	_ =	shalt  }
0x60: {  	_ =	shalt  }
0x61: {  	_ =	shalt  }
0x62: {  	_ =	shalt  }
0x63: {  	_ =	shalt  }
0x64: {  	_ =	shalt  }
0x65: {  	_ =	shalt  }
0x66: {  	_ =	shalt  }
0x67: {  	_ =	shalt  }
0x68: {  	_ =	shalt  }
0x69: {  	_ =	shalt  }
0x6a: {  	_ =	shalt  }
0x6b: {  	_ =	shalt  }
0x6c: {  	_ =	shalt  }
0x6d: {  	_ =	shalt  }
0x6e: {  	_ =	shalt  }
0x6f: {  	_ =	shalt  }
0x70: {  	_ =	shalt  }
0x71: {  	_ =	shalt  }
0x72: {  	_ =	shalt  }
0x73: {  	_ =	shalt  }
0x74: {  	_ =	shalt  }
0x75: {  	_ =	shalt  }
0x76: {  	_ =	shalt  }
0x77: {  	_ =	shalt  }
0x78: {  	_ =	shalt  }
0x79: {  	_ =	shalt  }
0x7a: {  	_ =	shalt  }
0x7b: {  	_ =	shalt  }
0x7c: {  	_ =	shalt  }
0x7d: {  	_ =	shalt  }
0x7e: {  	_ =	shalt  }
0x7f: {  	_ =	shalt  }
0x80: {  	_ =	shalt  }
0x81: {  	_ =	shalt  }
0x82: {  	_ =	shalt  }
0x83: {  	_ =	shalt  }
0x84: {  	_ =	shalt  }
0x85: {  	_ =	shalt  }
0x86: {  	_ =	shalt  }
0x87: {  	_ =	shalt  }
.Lfunc_end0:
.L_simem_size_0:
called_computation.2_lowered:
.L_overlay_start_0:
0x88: {  	s2 =	sld [smem:$0x3FD9]  }
0x89: {  	s3 =	sld [smem:$0x3FFE];
	_ =	sdelay $0x1  }
0x8a: {  	s1 =	srdreg.scid  }
0x8b: {  	s0 =	sand.u32 $0x1, s1  }
0x8c: {  	s17 =	sshll.u32 s0, $0xA;
	s2 =	sadd.s32 s3, s2  }
0x8d: {  	s2 =	sadd.s32 s2, s17  }
0x8e: {  	[smem:$0x3FC7] =	sst s2  }
0x8f: {  	_ = 	snop  }
0x90: {  	s2 =	sld [smem:$0x3FC9]  }
0x91: {  	s18 =	sld [smem:$0x3FD0];
	(tm) =	ssettm $0x1  }
0x92: {  	s4 =	sld [smem:$0x3FFB];
	_ =	sdelay $0x3  }
0x93: {  	_ =	strace s4  }
0x94: {  	s4 =	sld [smem:$0x3FFC];
	_ =	sdelay $0x3  }
0x95: {  	_ =	strace s4  }
0x96: {  	s4 =	sld [smem:$0x3FFD];
	_ =	sdelay $0x3  }
0x97: {  	_ =	strace s4  }
0x98: {  	_ =	strace $0x8FFFFFFF  }
0x99: {  	s19 =	sld [smem:$0x3FDB];
	_ =	sdelay $0x1  }
0x9a: {  	s5 =	simm.s32 $_scs_section_size  }
0x9b: {  	s6 =	simm.s32 $_size__tile_overlayer_lowered;
	s7 =	simm.s32 $_tile_overlayer_lowered  }
0x9c: {  	s22 =	simm.s32 $0x1BFF;
	s21 =	sshll.u32 s7, $0x1;
	s4 =	sadd.s32 s5, s19  }
0x9d: {  	s8 =	simm.s32 $0x0;
	s20 =	sshll.u32 s6, $0x1;
	s6 =	sadd.s32 s21, s4  }
0x9e: {  	[timem:s8], [sflag:s22] =	dma.local [hbm:s6], s20  }
0x9f: {  	_ =	swait.ge [sflag:s22], s20  }
0xa0: {  	s5 =	ssub.s32 $0x0, s20;
	[sflag:s22] =	ssyncset.done $0x0  }
0xa1: {  	[sflag:s22] =	ssyncadd.s32 s5;
	_ =	sdelay $0x1  }
0xa2: {  	s23 =	simm.s32 $0x1B8B  }
0xa3: {  	_ =	swait.ge [sflag:s23], $0x1  }
0xa4: {  	[sflag:s23] =	ssyncset.done $0x0  }
0xa5: {  	s25 =	simm.s32 $0x1B8E;
	s24 =	sld [smem:$0x3FFE];
	[sflag:s23] =	ssyncadd.s32 $0xFFFFFFFF  }
0xa6: {  	s26 =	simm.s32 $execute0_lowered;
	[smem:$0x3FD2] =	sst s25  }
0xa7: {  	s6 =	sshll.u32 s26, $0x1;
	_ =	strace $0x8000004C;
	[dreg:$0x1] =	wrdreg $0xFFFFFFFF  }
0xa8: {  	s28 =	simm.s32 $_size_execute0_lowered;
	s4 =	sadd.s32 s4, s6;
	[dreg:$0x0] =	wrdreg $0x0  }
0xa9: {  	s6 =	sshll.u32 s28, $0x1;
	[dreg:$0x2] =	wrdreg s4  }
0xaa: {  	[dreg:$0x3] =	wrdreg s6  }
0xab: {  	[dreg:$0x4] =	wrdreg $0xC0  }
0xac: {  	_ =	task [dreg:s8], $0x5FFFF  }
0xad: {  	[dreg:$0x1] =	wrdreg $0xFFFFFFFF  }
0xae: {  	[dreg:$0x0] =	wrdreg $0x60  }
0xaf: {  	[dreg:$0x2] =	wrdreg s2  }
0xb0: {  	[dreg:$0x3] =	wrdreg s24  }
0xb1: {  	[dreg:$0x4] =	wrdreg s18  }
0xb2: {  	[dreg:$0x5] =	wrdreg $0x9  }
0xb3: {  	_ =	task.clear_ibuf [dreg:s8], $0x6FFFF;
	_ =	strace $0x9000004C  }
0xb4: {  	s29 =	simm.s32 $0x9;
	_ =	strace $0x8000004E  }
0xb5: {  	_ =	swait.ge [sflag:s29], $0x1  }
0xb6: {  	[sflag:s29] =	ssyncadd.s32 $0xFFFFFFFF  }
0xb7: {  	_ =	strace $0x9000004E  }
0xb8: {  	_ =	sfence  }
0xb9: {  	s30 =	sld [smem:$0x0];
	_ =	sdelay $0x2  }
0xba: {  	s31 =	sshll.u32 s1, $0xD;
	s1 =	sshrl.u32 s1, $0x2  }
0xbb: {  	s3 =	sand.u32 $0x4000, s31;
	s1 =	sadd.s32 s1, s30  }
0xbc: {  	s0 =	sor.u32 s3, s0;
	s1 =	sshll.u32 s1, $0x11  }
0xbd: {  	s0 =	sor.u32 s1, s0  }
0xbe: {  	s0 =	sadd.s32 $0x8F2B, s0  }
0xbf: {  	[sflag:s0] =	ssyncadd.remote.s32 $0x1  }
0xc0: {  	_ =	sfence.sel $0xFFFF  }
0xc1: {  	[dreg:$0x0] =	wrdreg $0xFFFFFFFF;
	(pc) =	sbr.abs _section_cstart, $3  }
0xc2: {  	[dreg:$0x1] =	wrdreg $0xFFFFFFFF  }
0xc3: {  	_ =	task.clear_ibuf [dreg:s8], $0x2FFFF;
	_ =	strace $0x9FFFFFFF  }
0xc4: {  	(tm) =	ssettm $0x7FFFFFFF  }
0xc5: {  	_ =	shalt  }
tec
execute0_lowered:
.L_overlay_start_1:
0x0: {  	(tag) =	ssettag $0x1  }
0x1: {  	s13 =	rddreg [dreg:$0x0]  }
0x2: {  	s5 =	rddreg [dreg:$0x1]  }
0x3: {  	s14 =	rddreg [dreg:$0x2]  }
0x4: {  	s0 =	rddreg [dreg:$0x3];
	s2 =	simm.s32 $0x0;
	s3 =	srdreg.scid  }
0x5: {  	s1 =	stileid.u32;
	s20 =	simm.s32 $0x8000;
	s21 =	simm.s32 $0x80  }
0x6: {  	s28 =	simm.s32 $0x0;
	[smem:$0x7FF] =	sst s2;
	s6 =	sand.u32 $0x1, s3  }
0x7: {  	s22 =	sshll.u32 s1, $0x1;
	s3 =	sadd.s32 $0x3000, s5;
	s4 =	sadd.s32 $0x2E00, s5  }
0x8: {  	_ =	strace $0x8000004D;
	s15 =	sor.u32 s6, s22;
	s23 =	ssub.s32 $0x2, s6  }
0x9: {  	s12 =	sshll.u32 s6, $0x9;
	s22 =	simm.s32 $0x400;
	s7 =	sshll.u32 s15, $0x4  }
0xa: {  	s11 =	sshll.u32 s15, $0x11;
	s8 =	sshrl.u32 s23, $0x1;
	s25 =	sor.u32 $0x80, s12  }
0xb: {  	s19 =	sor.u32 $0x100, s12;
	s15 =	sshll.u32 s15, $0x9;
	s16 =	sadd.s32 s7, s5  }
0xc: {  	s17 =	sand.u32 $0x3C0000, s11;
	s18 =	ssub.s32 s23, s8;
	s24 =	sor.u32 s12, s11  }
0xd: {  	s5 =	sadd.s32 $0x2E10, s5;
	s8 =	sor.u32 s25, s11;
	s14 =	sadd.s32 s14, s15  }
0xe: {  	s23 =	simm.s32 $0x4000;
	s6 =	sor.u32 s12, s17;
	s7 =	sshrl.u32 s24, $0x3  }
0xf: {  	s9 =	sor.u32 s25, s17;
	s10 =	sshrl.u32 s8, $0x3;
	s29 =	sor.u32 s19, s17  }
0x10: {  	s19 =	sor.u32 s19, s11;
	s12 =	sor.u32 $0x180, s12;
	s15 =	sadd.s32 $0x3200, s16  }
0x11: {  	s16 =	smax.u32 s18, $0x1;
	s18 =	simm.s32 $0x3;
	s24 =	simm.s32 $0x1  }
0x12: {  	s25 =	simm.s32 $0x2;
	s6 =	sshrl.u32 s6, $0x3;
	s7 =	sor.u32 $0x4000, s7  }
0x13: {  	s9 =	sshrl.u32 s9, $0x3;
	s26 =	sor.u32 $0x4000, s10;
	s10 =	sshrl.u32 s29, $0x3  }
0x14: {  	s19 =	sshrl.u32 s19, $0x3;
	s17 =	sor.u32 s12, s17;
	s12 =	sor.u32 s12, s11  }
0x15: {  	s6 =	sadd.s32 s13, s6;
	s7 =	sadd.s32 s13, s7;
	s8 =	sadd.s32 s13, s9  }
0x16: {  	s9 =	sadd.s32 s13, s26;
	s10 =	sadd.s32 s13, s10;
	s19 =	sor.u32 $0x4000, s19  }
0x17: {  	s17 =	sshrl.u32 s17, $0x3;
	s30 =	sshrl.u32 s12, $0x3;
	s26 =	simm.s32 $0x9100  }
0x18: {  	v0 =	vlaneseq.u32;
	s11 =	sadd.s32 s13, s19;
	s12 =	sadd.s32 s13, s17;
	s31 =	sor.u32 $0x4000, s30  }
0x19: {  	v1 =	vimm.s32 $0x1;
	v0 =	vmul.u32 $0x100, v0;
	s17 =	simm.s32 $0x9000;
	s19 =	simm.s32 $0x9080;
	s13 =	sadd.s32 s13, s31  }
.LBB2_1:
0x1a: {  	[tilespmem:s17], [sflag:$0x3] =	stream.linear.gather [hbm4b:s4+s2], $0x80, $0x38;
	[tilespmem:$0x9180] =	vst v63  }
0x1b: {  	_ =	swait.ge [sflag:s18], $0x80  }
0x1c: {  	[sflag:s18] =	ssyncset.done $0x0  }
0x1d: {  	[sflag:s18] =	ssyncadd.s32 $0xFFFFFF80  }
0x1e: {  	[tilespmem:s19], [sflag:$0x3] =	stream.linear.gather [hbm4b:s5+s2], $0x80, $0x38;
	[tilespmem:$0x9180] =	vst v63  }
0x1f: {  	_ =	swait.ge [sflag:s18], $0x80  }
0x20: {  	[sflag:s18] =	ssyncset.done $0x0  }
0x21: {  	[sflag:s18] =	ssyncadd.s32 $0xFFFFFF80  }
0x22: {  	v2 =	vld [tilespmem:$0x9000]  }
0x23: {  	v3 =	vld [tilespmem:$0x9080];
	[tilespmem:s20], [sflag:$0x3] =	stream.linear.gather [hbm4b:s3+s2], $0x1000, $0x38  }
0x24: {  	_ =	swait.ge [sflag:s18], $0x1000  }
0x25: {  	[sflag:s18] =	ssyncset.done $0x0  }
0x26: {  	[sflag:s18] =	ssyncadd.s32 $0xFFFFF000  }
0x27: {  	[tilespmem:s2], [sflag:$0x1] =	stream.strided.gather [hbm4b:s6+s21], $0x4000, s22, s21, $0x38;
	[tilespmem:$0x9180] =	vst v63  }
0x28: {  	_ = 	snop  }
0x29: {  	[tilespmem:s23], [sflag:$0x2] =	stream.strided.gather [hbm4b:s7+s21], $0x4000, s22, s21, $0x38;
	[tilespmem:$0x9180] =	vst v63  }
0x2a: {  	_ =	swait.ge [sflag:s24], $0x4000  }
0x2b: {  	[sflag:s24] =	ssyncset.done $0x0  }
0x2c: {  	s29 =	simm.s32 $0x40;
	[sflag:s24] =	ssyncadd.s32 $0xFFFFC000  }
0x2d: {  	v4 =	vld [tilespmem:s29+$0xFFFFFFC0];
	_ =	sdelay $0x1  }
0x2e: {  	v6 =	vld [tilespmem:s29+$0xFFFFFFD0];
	_ =	sdelay $0x1  }
0x2f: {  	v2 =	vshll.u32 v2, $0xC;
	v8 =	vld [tilespmem:s29+$0xFFFFFFE0]  }
0x30: {  	v2 =	vor.u32 v3, v2;
	v3 =	vshra.s32 v4, $0x1F  }
0x31: {  	v9 =	vimm.s32 $0x7FFFFFFF;
	v7 =	vor.u32 $0x80000000, v3  }
0x32: {  	v5 =	vshll.u32 v2, $0x8;
	v10 =	vshra.s32 v6, $0x1F;
	v4 =	vxor.u32 v4, v7  }
0x33: {  	v11 =	vld [tilespmem:s29+$0xFFFFFFF0];
	v3 =	vxor.u32 $0x800000FF, v5;
	v10 =	vor.u32 $0x80000000, v10;
	v7 =	vxor.u32 $0x80000000, v4  }
0x34: {  	v18 =	vxor.u32 v6, v10;
	v10 =	vshra.s32 v8, $0x1F;
	vm0 =	vlt.s32 v9, v7  }
0x35: {  	v5 =	vshrl.u32 v4, $0x8;
	vm1 =	vgt.s32 v7, v3;
	v7 =	vsel vm0, v9, v7  }
0x36: {  	v12 =	vld [tilespmem:s29+$0x0];
	v10 =	vor.u32 $0x80000000, v10;
	v7 =	vsel vm1, v7, v9;
	v9 =	vxor.u32 $0x80000000, v18  }
0x37: {  	v4 =	vand.u32 $0xFF, v4;
	v19 =	vxor.u32 v8, v10;
	vm0 =	vlt.s32 v7, v9  }
0x38: {  	v10 =	vshra.s32 v11, $0x1F;
	vm1 =	vgt.s32 v9, v3;
	v9 =	vsel vm0, v7, v9  }
0x39: {  	v10 =	vor.u32 $0x80000000, v10;
	v8 =	vsel vm1, v9, v7;
	v9 =	vxor.u32 $0x80000000, v19  }
0x3a: {  	v13 =	vld [tilespmem:s29+$0x10];
	v6 =	vshrl.u32 v18, $0x8;
	v20 =	vxor.u32 v11, v10;
	vm0 =	vlt.s32 v8, v9  }
0x3b: {  	v11 =	vshra.s32 v12, $0x1F;
	vm1 =	vgt.s32 v9, v3;
	v9 =	vsel vm0, v8, v9  }
0x3c: {  	v10 =	vxor.u32 $0x80000000, v20;
	v11 =	vor.u32 $0x80000000, v11;
	v9 =	vsel vm1, v9, v8  }
0x3d: {  	v14 =	vld [tilespmem:s29+$0x20];
	v7 =	vshrl.u32 v19, $0x8;
	v19 =	vand.u32 $0xFF, v19;
	vm0 =	vlt.s32 v9, v10  }
0x3e: {  	vm1 =	vgt.s32 v10, v3;
	v15 =	vsel vm0, v9, v10;
	v10 =	vxor.u32 v12, v11  }
0x3f: {  	v11 =	vsel vm1, v15, v9;
	v12 =	vxor.u32 $0x80000000, v10;
	v15 =	vshra.s32 v13, $0x1F  }
0x40: {  	v16 =	vld [tilespmem:s29+$0x30];
	v8 =	vshrl.u32 v20, $0x8;
	vm0 =	vlt.s32 v11, v12;
	v15 =	vor.u32 $0x80000000, v15  }
0x41: {  	vm1 =	vgt.s32 v12, v3;
	v17 =	vsel vm0, v11, v12;
	v12 =	vxor.u32 v13, v15  }
0x42: {  	v15 =	vsel vm1, v17, v11;
	v13 =	vxor.u32 $0x80000000, v12;
	v17 =	vshra.s32 v14, $0x1F  }
0x43: {  	v20 =	vand.u32 $0xFF, v20;
	vm0 =	vlt.s32 v15, v13;
	v17 =	vor.u32 $0x80000000, v17  }
0x44: {  	vm1 =	vgt.s32 v13, v3;
	v21 =	vsel vm0, v15, v13;
	v13 =	vxor.u32 v14, v17  }
0x45: {  	v15 =	vsel vm1, v21, v15;
	v17 =	vxor.u32 $0x80000000, v13;
	v21 =	vshra.s32 v16, $0x1F  }
0x46: {  	v9 =	vshrl.u32 v10, $0x8;
	vm0 =	vlt.s32 v15, v17;
	v21 =	vor.u32 $0x80000000, v21  }
0x47: {  	vm1 =	vgt.s32 v17, v3;
	v22 =	vsel vm0, v15, v17;
	v17 =	vxor.u32 v16, v21  }
0x48: {  	v11 =	vshrl.u32 v12, $0x8;
	v15 =	vsel vm1, v22, v15;
	v22 =	vxor.u32 $0x80000000, v17  }
0x49: {  	v14 =	vshrl.u32 v13, $0x8;
	v21 =	vand.u32 $0xFF, v18;
	vm1 =	vlt.s32 v15, v22  }
0x4a: {  	s30 =	simm.s32 $0xC0;
	s29 =	simm.s32 $0x0;
	v16 =	vshrl.u32 v17, $0x8;
	vm0 =	vgt.s32 v22, v3;
	v18 =	vsel vm1, v15, v22  }
.LBB2_2:
0x4b: {  	v22 =	vld [tilespmem:s30+$0xFFFFFFC0];
	s29 =	sadd.s32 $0x8, s29;
	v10 =	vand.u32 $0xFF, v10;
	v12 =	vand.u32 $0xFF, v12;
	v15 =	vsel vm0, v18, v15  }
0x4c: {  	vm7 =	veq.s32 v5, v2;
	v5 =	vand.u32 $0xFF, v13;
	v13 =	vand.u32 $0xFF, v17;
	p0 =	slt.u32 s29, $0x3F8  }
0x4d: {  	vm6 =	veq.s32 v6, v2;
	vm5 =	veq.s32 v7, v2;
	vm4 =	veq.s32 v8, v2  }
0x4e: {  	vm3 =	veq.s32 v9, v2;
	vm2 =	veq.s32 v11, v2;
	vm1 =	veq.s32 v14, v2;
	v6 =	vld [tilespmem:s30+$0xFFFFFFD0]  }
0x4f: {  	v7 =	vor.u32 v0, v4;
	v8 =	vor.u32 v0, v21;
	vm0 =	veq.s32 v16, v2  }
0x50: {  	v9 =	vor.u32 v0, v19;
	v11 =	vor.u32 v0, v20;
	v4 =	vshra.s32 v22, $0x1F  }
0x51: {  	v16 =	vor.u32 v0, v10;
	v17 =	vor.u32 v0, v12;
	v4 =	vor.u32 $0x80000000, v4;
	v14 =	vld [tilespmem:s30+$0xFFFFFFE0]  }
0x52: {  	v18 =	vor.u32 v0, v5;
	v19 =	vor.u32 v0, v13;
	v4 =	vxor.u32 v22, v4  }
0x53: {  	v5 =	vshrl.u32 v4, $0x8;
	v10 =	vxor.u32 $0x80000000, v4;
	v12 =	vshra.s32 v6, $0x1F  }
0x54: {  	v4 =	vand.u32 $0xFF, v4;
	vm8 =	vlt.s32 v15, v10;
	v12 =	vor.u32 $0x80000000, v12;
	v13 =	vld [tilespmem:s30+$0xFFFFFFF0]  }
0x55: {  	vm9 =	vgt.s32 v10, v3;
	v10 =	vsel vm8, v15, v10;
	v20 =	vxor.u32 v6, v12  }
0x56: {  	v10 =	vsel vm9, v10, v15;
	v12 =	vxor.u32 $0x80000000, v20;
	v15 =	vshra.s32 v14, $0x1F;
	[tilespmem:v7+s20+$0x0] =	vst.idx.add.s32.msk vm7, v1  }
0x57: {  	v6 =	vshrl.u32 v20, $0x8;
	vm7 =	vlt.s32 v10, v12;
	v7 =	vor.u32 $0x80000000, v15;
	v15 =	vld [tilespmem:s30+$0x0]  }
0x58: {  	vm8 =	vgt.s32 v12, v3;
	v12 =	vsel vm7, v10, v12;
	v22 =	vxor.u32 v14, v7  }
0x59: {  	v10 =	vsel vm8, v12, v10;
	v12 =	vxor.u32 $0x80000000, v22;
	v14 =	vshra.s32 v13, $0x1F;
	[tilespmem:v8+s20+$0x0] =	vst.idx.add.s32.msk vm6, v1  }
0x5a: {  	v7 =	vshrl.u32 v22, $0x8;
	vm6 =	vlt.s32 v10, v12;
	v8 =	vor.u32 $0x80000000, v14;
	v14 =	vld [tilespmem:s30+$0x10]  }
0x5b: {  	vm7 =	vgt.s32 v12, v3;
	v12 =	vsel vm6, v10, v12;
	v23 =	vxor.u32 v13, v8  }
0x5c: {  	v12 =	vsel vm7, v12, v10;
	v10 =	vxor.u32 $0x80000000, v23;
	v13 =	vshra.s32 v15, $0x1F;
	[tilespmem:v9+s20+$0x0] =	vst.idx.add.s32.msk vm5, v1  }
0x5d: {  	v8 =	vshrl.u32 v23, $0x8;
	vm5 =	vlt.s32 v12, v10;
	v9 =	vor.u32 $0x80000000, v13;
	v13 =	vld [tilespmem:s30+$0x20]  }
0x5e: {  	vm6 =	vgt.s32 v10, v3;
	v21 =	vsel vm5, v12, v10;
	v10 =	vxor.u32 v15, v9  }
0x5f: {  	v15 =	vsel vm6, v21, v12;
	v12 =	vxor.u32 $0x80000000, v10;
	v21 =	vshra.s32 v14, $0x1F;
	[tilespmem:v11+s20+$0x0] =	vst.idx.add.s32.msk vm4, v1  }
0x60: {  	v9 =	vshrl.u32 v10, $0x8;
	vm4 =	vlt.s32 v15, v12;
	v11 =	vor.u32 $0x80000000, v21;
	v21 =	vld [tilespmem:s30+$0x30]  }
0x61: {  	vm5 =	vgt.s32 v12, v3;
	v24 =	vsel vm4, v15, v12;
	v12 =	vxor.u32 v14, v11  }
0x62: {  	v14 =	vsel vm5, v24, v15;
	v15 =	vxor.u32 $0x80000000, v12;
	v24 =	vshra.s32 v13, $0x1F;
	[tilespmem:v16+s20+$0x0] =	vst.idx.add.s32.msk vm3, v1  }
0x63: {  	v11 =	vshrl.u32 v12, $0x8;
	vm3 =	vlt.s32 v14, v15;
	v16 =	vor.u32 $0x80000000, v24;
	[tilespmem:v17+s20+$0x0] =	vst.idx.add.s32.msk vm2, v1  }
0x64: {  	vm2 =	vgt.s32 v15, v3;
	v15 =	vsel vm3, v14, v15;
	v13 =	vxor.u32 v13, v16  }
0x65: {  	v15 =	vsel vm2, v15, v14;
	v16 =	vxor.u32 $0x80000000, v13;
	v17 =	vshra.s32 v21, $0x1F;
	[tilespmem:v18+s20+$0x0] =	vst.idx.add.s32.msk vm1, v1  }
.Ltmp0:
0x66: {  	v14 =	vshrl.u32 v13, $0x8;
	vm1 =	vlt.s32 v15, v16;
	v17 =	vor.u32 $0x80000000, v17;
	[tilespmem:v19+s20+$0x0] =	vst.idx.add.s32.msk vm0, v1;
	(pc) =	sbr.rel @p0 .LBB2_2-.Ltmp0, $4  }
0x67: {  	vm0 =	vgt.s32 v16, v3;
	v16 =	vsel vm1, v15, v16;
	v17 =	vxor.u32 v21, v17  }
0x68: {  	v15 =	vsel vm0, v16, v15;
	v16 =	vshrl.u32 v17, $0x8;
	v18 =	vxor.u32 $0x80000000, v17  }
0x69: {  	v19 =	vand.u32 $0xFF, v22;
	v21 =	vand.u32 $0xFF, v20;
	vm1 =	vlt.s32 v15, v18  }
0x6a: {  	s30 =	sadd.s32 $0x80, s30;
	v20 =	vand.u32 $0xFF, v23;
	vm0 =	vgt.s32 v18, v3;
	v18 =	vsel vm1, v15, v18  }
0x6b: {  	vm1 =	veq.s32 v5, v2  }
0x6c: {  	vm2 =	veq.s32 v6, v2;
	v4 =	vor.u32 v0, v4  }
0x6d: {  	vm3 =	veq.s32 v7, v2;
	v5 =	vor.u32 v0, v21  }
0x6e: {  	vm4 =	veq.s32 v8, v2;
	v6 =	vor.u32 v0, v19  }
0x6f: {  	v7 =	vand.u32 $0xFF, v10;
	vm5 =	veq.s32 v9, v2;
	v8 =	vor.u32 v0, v20  }
0x70: {  	v9 =	vand.u32 $0xFF, v12;
	vm6 =	veq.s32 v11, v2;
	v7 =	vor.u32 v0, v7  }
0x71: {  	v10 =	vand.u32 $0xFF, v13;
	vm7 =	veq.s32 v14, v2;
	v9 =	vor.u32 v0, v9;
	[tilespmem:v4+s20+$0x0] =	vst.idx.add.s32.msk vm1, v1  }
0x72: {  	v10 =	vor.u32 v0, v10;
	v4 =	vand.u32 $0xFF, v17;
	vm1 =	veq.s32 v16, v2;
	[tilespmem:v5+s20+$0x0] =	vst.idx.add.s32.msk vm2, v1  }
0x73: {  	[tilespmem:v6+s20+$0x0] =	vst.idx.add.s32.msk vm3, v1;
	v4 =	vor.u32 v0, v4  }
0x74: {  	[tilespmem:v8+s20+$0x0] =	vst.idx.add.s32.msk vm4, v1  }
0x75: {  	[tilespmem:v7+s20+$0x0] =	vst.idx.add.s32.msk vm5, v1  }
0x76: {  	[tilespmem:v9+s20+$0x0] =	vst.idx.add.s32.msk vm6, v1  }
0x77: {  	[tilespmem:v10+s20+$0x0] =	vst.idx.add.s32.msk vm7, v1  }
0x78: {  	[tilespmem:v4+s20+$0x0] =	vst.idx.add.s32.msk vm1, v1  }
0x79: {  	[tilespmem:s2], [sflag:$0x1] =	stream.strided.gather [hbm4b:s8+s21], $0x4000, s22, s21, $0x38;
	[tilespmem:$0x9180] =	vst v63  }
0x7a: {  	_ =	swait.ge [sflag:s25], $0x4000  }
0x7b: {  	[sflag:s25] =	ssyncset.done $0x0  }
0x7c: {  	s29 =	simm.s32 $0x4040;
	[sflag:s25] =	ssyncadd.s32 $0xFFFFC000  }
0x7d: {  	v4 =	vld [tilespmem:s29+$0xFFFFFFC0];
	_ =	sdelay $0x1  }
0x7e: {  	v6 =	vld [tilespmem:s29+$0xFFFFFFD0];
	_ =	sdelay $0x1  }
0x7f: {  	v7 =	vld [tilespmem:s29+$0xFFFFFFE0]  }
0x80: {  	v5 =	vshra.s32 v4, $0x1F  }
0x81: {  	v5 =	vor.u32 $0x80000000, v5  }
0x82: {  	v10 =	vshra.s32 v6, $0x1F;
	v4 =	vxor.u32 v4, v5  }
0x83: {  	v8 =	vsel vm0, v18, v15;
	v10 =	vor.u32 $0x80000000, v10;
	v9 =	vxor.u32 $0x80000000, v4  }
0x84: {  	v11 =	vld [tilespmem:s29+$0xFFFFFFF0];
	v18 =	vxor.u32 v6, v10;
	v10 =	vshra.s32 v7, $0x1F;
	vm0 =	vlt.s32 v8, v9  }
0x85: {  	v5 =	vshrl.u32 v4, $0x8;
	vm1 =	vgt.s32 v9, v3;
	v9 =	vsel vm0, v8, v9  }
0x86: {  	v4 =	vand.u32 $0xFF, v4;
	v8 =	vsel vm1, v9, v8;
	v9 =	vxor.u32 $0x80000000, v18  }
0x87: {  	v12 =	vld [tilespmem:s29+$0x0];
	v6 =	vshrl.u32 v18, $0x8;
	v10 =	vor.u32 $0x80000000, v10;
	vm0 =	vlt.s32 v8, v9  }
0x88: {  	v19 =	vxor.u32 v7, v10;
	vm1 =	vgt.s32 v9, v3;
	v9 =	vsel vm0, v8, v9  }
0x89: {  	v10 =	vshra.s32 v11, $0x1F;
	v8 =	vsel vm1, v9, v8;
	v9 =	vxor.u32 $0x80000000, v19  }
0x8a: {  	v13 =	vld [tilespmem:s29+$0x10];
	v7 =	vshrl.u32 v19, $0x8;
	v10 =	vor.u32 $0x80000000, v10;
	vm0 =	vlt.s32 v8, v9  }
0x8b: {  	v20 =	vxor.u32 v11, v10;
	vm1 =	vgt.s32 v9, v3;
	v9 =	vsel vm0, v8, v9  }
0x8c: {  	v11 =	vshra.s32 v12, $0x1F;
	v10 =	vxor.u32 $0x80000000, v20;
	v9 =	vsel vm1, v9, v8  }
0x8d: {  	v14 =	vld [tilespmem:s29+$0x20];
	v11 =	vor.u32 $0x80000000, v11;
	v19 =	vand.u32 $0xFF, v19;
	vm0 =	vlt.s32 v9, v10  }
0x8e: {  	vm1 =	vgt.s32 v10, v3;
	v15 =	vsel vm0, v9, v10;
	v10 =	vxor.u32 v12, v11  }
0x8f: {  	v11 =	vsel vm1, v15, v9;
	v12 =	vxor.u32 $0x80000000, v10;
	v15 =	vshra.s32 v13, $0x1F  }
0x90: {  	v16 =	vld [tilespmem:s29+$0x30];
	v8 =	vshrl.u32 v20, $0x8;
	vm0 =	vlt.s32 v11, v12;
	v15 =	vor.u32 $0x80000000, v15  }
0x91: {  	vm1 =	vgt.s32 v12, v3;
	v17 =	vsel vm0, v11, v12;
	v12 =	vxor.u32 v13, v15  }
0x92: {  	v15 =	vsel vm1, v17, v11;
	v13 =	vxor.u32 $0x80000000, v12;
	v17 =	vshra.s32 v14, $0x1F  }
0x93: {  	v20 =	vand.u32 $0xFF, v20;
	vm0 =	vlt.s32 v15, v13;
	v17 =	vor.u32 $0x80000000, v17  }
0x94: {  	vm1 =	vgt.s32 v13, v3;
	v21 =	vsel vm0, v15, v13;
	v13 =	vxor.u32 v14, v17  }
0x95: {  	v15 =	vsel vm1, v21, v15;
	v17 =	vxor.u32 $0x80000000, v13;
	v21 =	vshra.s32 v16, $0x1F  }
0x96: {  	v9 =	vshrl.u32 v10, $0x8;
	vm0 =	vlt.s32 v15, v17;
	v21 =	vor.u32 $0x80000000, v21  }
0x97: {  	vm1 =	vgt.s32 v17, v3;
	v22 =	vsel vm0, v15, v17;
	v17 =	vxor.u32 v16, v21  }
0x98: {  	v11 =	vshrl.u32 v12, $0x8;
	v15 =	vsel vm1, v22, v15;
	v22 =	vxor.u32 $0x80000000, v17  }
0x99: {  	v14 =	vshrl.u32 v13, $0x8;
	v21 =	vand.u32 $0xFF, v18;
	vm1 =	vlt.s32 v15, v22  }
0x9a: {  	s30 =	simm.s32 $0x40C0;
	s29 =	simm.s32 $0x0;
	v16 =	vshrl.u32 v17, $0x8;
	vm0 =	vgt.s32 v22, v3;
	v18 =	vsel vm1, v15, v22  }
.LBB2_4:
0x9b: {  	v22 =	vld [tilespmem:s30+$0xFFFFFFC0];
	s29 =	sadd.s32 $0x8, s29;
	v10 =	vand.u32 $0xFF, v10;
	v12 =	vand.u32 $0xFF, v12;
	v15 =	vsel vm0, v18, v15  }
0x9c: {  	vm7 =	veq.s32 v5, v2;
	v5 =	vand.u32 $0xFF, v13;
	v13 =	vand.u32 $0xFF, v17;
	p0 =	slt.u32 s29, $0x3F8  }
0x9d: {  	vm6 =	veq.s32 v6, v2;
	vm5 =	veq.s32 v7, v2;
	vm4 =	veq.s32 v8, v2  }
0x9e: {  	vm3 =	veq.s32 v9, v2;
	vm2 =	veq.s32 v11, v2;
	vm1 =	veq.s32 v14, v2;
	v6 =	vld [tilespmem:s30+$0xFFFFFFD0]  }
0x9f: {  	v7 =	vor.u32 v0, v4;
	v8 =	vor.u32 v0, v21;
	vm0 =	veq.s32 v16, v2  }
0xa0: {  	v9 =	vor.u32 v0, v19;
	v11 =	vor.u32 v0, v20;
	v4 =	vshra.s32 v22, $0x1F  }
0xa1: {  	v16 =	vor.u32 v0, v10;
	v17 =	vor.u32 v0, v12;
	v4 =	vor.u32 $0x80000000, v4;
	v14 =	vld [tilespmem:s30+$0xFFFFFFE0]  }
0xa2: {  	v18 =	vor.u32 v0, v5;
	v19 =	vor.u32 v0, v13;
	v4 =	vxor.u32 v22, v4  }
0xa3: {  	v5 =	vshrl.u32 v4, $0x8;
	v10 =	vxor.u32 $0x80000000, v4;
	v12 =	vshra.s32 v6, $0x1F  }
0xa4: {  	v4 =	vand.u32 $0xFF, v4;
	vm8 =	vlt.s32 v15, v10;
	v12 =	vor.u32 $0x80000000, v12;
	v13 =	vld [tilespmem:s30+$0xFFFFFFF0]  }
0xa5: {  	vm9 =	vgt.s32 v10, v3;
	v10 =	vsel vm8, v15, v10;
	v20 =	vxor.u32 v6, v12  }
0xa6: {  	v10 =	vsel vm9, v10, v15;
	v12 =	vxor.u32 $0x80000000, v20;
	v15 =	vshra.s32 v14, $0x1F;
	[tilespmem:v7+s20+$0x0] =	vst.idx.add.s32.msk vm7, v1  }
0xa7: {  	v6 =	vshrl.u32 v20, $0x8;
	vm7 =	vlt.s32 v10, v12;
	v7 =	vor.u32 $0x80000000, v15;
	v15 =	vld [tilespmem:s30+$0x0]  }
0xa8: {  	vm8 =	vgt.s32 v12, v3;
	v12 =	vsel vm7, v10, v12;
	v22 =	vxor.u32 v14, v7  }
0xa9: {  	v10 =	vsel vm8, v12, v10;
	v12 =	vxor.u32 $0x80000000, v22;
	v14 =	vshra.s32 v13, $0x1F;
	[tilespmem:v8+s20+$0x0] =	vst.idx.add.s32.msk vm6, v1  }
0xaa: {  	v7 =	vshrl.u32 v22, $0x8;
	vm6 =	vlt.s32 v10, v12;
	v8 =	vor.u32 $0x80000000, v14;
	v14 =	vld [tilespmem:s30+$0x10]  }
0xab: {  	vm7 =	vgt.s32 v12, v3;
	v12 =	vsel vm6, v10, v12;
	v23 =	vxor.u32 v13, v8  }
0xac: {  	v12 =	vsel vm7, v12, v10;
	v10 =	vxor.u32 $0x80000000, v23;
	v13 =	vshra.s32 v15, $0x1F;
	[tilespmem:v9+s20+$0x0] =	vst.idx.add.s32.msk vm5, v1  }
0xad: {  	v8 =	vshrl.u32 v23, $0x8;
	vm5 =	vlt.s32 v12, v10;
	v9 =	vor.u32 $0x80000000, v13;
	v13 =	vld [tilespmem:s30+$0x20]  }
0xae: {  	vm6 =	vgt.s32 v10, v3;
	v21 =	vsel vm5, v12, v10;
	v10 =	vxor.u32 v15, v9  }
0xaf: {  	v15 =	vsel vm6, v21, v12;
	v12 =	vxor.u32 $0x80000000, v10;
	v21 =	vshra.s32 v14, $0x1F;
	[tilespmem:v11+s20+$0x0] =	vst.idx.add.s32.msk vm4, v1  }
0xb0: {  	v9 =	vshrl.u32 v10, $0x8;
	vm4 =	vlt.s32 v15, v12;
	v11 =	vor.u32 $0x80000000, v21;
	v21 =	vld [tilespmem:s30+$0x30]  }
0xb1: {  	vm5 =	vgt.s32 v12, v3;
	v24 =	vsel vm4, v15, v12;
	v12 =	vxor.u32 v14, v11  }
0xb2: {  	v14 =	vsel vm5, v24, v15;
	v15 =	vxor.u32 $0x80000000, v12;
	v24 =	vshra.s32 v13, $0x1F;
	[tilespmem:v16+s20+$0x0] =	vst.idx.add.s32.msk vm3, v1  }
0xb3: {  	v11 =	vshrl.u32 v12, $0x8;
	vm3 =	vlt.s32 v14, v15;
	v16 =	vor.u32 $0x80000000, v24;
	[tilespmem:v17+s20+$0x0] =	vst.idx.add.s32.msk vm2, v1  }
0xb4: {  	vm2 =	vgt.s32 v15, v3;
	v15 =	vsel vm3, v14, v15;
	v13 =	vxor.u32 v13, v16  }
0xb5: {  	v15 =	vsel vm2, v15, v14;
	v16 =	vxor.u32 $0x80000000, v13;
	v17 =	vshra.s32 v21, $0x1F;
	[tilespmem:v18+s20+$0x0] =	vst.idx.add.s32.msk vm1, v1  }
.Ltmp1:
0xb6: {  	v14 =	vshrl.u32 v13, $0x8;
	vm1 =	vlt.s32 v15, v16;
	v17 =	vor.u32 $0x80000000, v17;
	[tilespmem:v19+s20+$0x0] =	vst.idx.add.s32.msk vm0, v1;
	(pc) =	sbr.rel @p0 .LBB2_4-.Ltmp1, $4  }
0xb7: {  	vm0 =	vgt.s32 v16, v3;
	v16 =	vsel vm1, v15, v16;
	v17 =	vxor.u32 v21, v17  }
0xb8: {  	v15 =	vsel vm0, v16, v15;
	v16 =	vshrl.u32 v17, $0x8;
	v18 =	vxor.u32 $0x80000000, v17  }
0xb9: {  	v19 =	vand.u32 $0xFF, v22;
	v21 =	vand.u32 $0xFF, v20;
	vm1 =	vlt.s32 v15, v18  }
0xba: {  	s30 =	sadd.s32 $0x80, s30;
	v20 =	vand.u32 $0xFF, v23;
	vm0 =	vgt.s32 v18, v3;
	v18 =	vsel vm1, v15, v18  }
0xbb: {  	vm1 =	veq.s32 v5, v2  }
0xbc: {  	vm2 =	veq.s32 v6, v2;
	v4 =	vor.u32 v0, v4  }
0xbd: {  	vm3 =	veq.s32 v7, v2;
	v5 =	vor.u32 v0, v21  }
0xbe: {  	vm4 =	veq.s32 v8, v2;
	v6 =	vor.u32 v0, v19  }
0xbf: {  	v7 =	vand.u32 $0xFF, v10;
	vm5 =	veq.s32 v9, v2;
	v8 =	vor.u32 v0, v20  }
0xc0: {  	v9 =	vand.u32 $0xFF, v12;
	vm6 =	veq.s32 v11, v2;
	v7 =	vor.u32 v0, v7  }
0xc1: {  	v10 =	vand.u32 $0xFF, v13;
	vm7 =	veq.s32 v14, v2;
	v9 =	vor.u32 v0, v9;
	[tilespmem:v4+s20+$0x0] =	vst.idx.add.s32.msk vm1, v1  }
0xc2: {  	v10 =	vor.u32 v0, v10;
	v4 =	vand.u32 $0xFF, v17;
	vm1 =	veq.s32 v16, v2;
	[tilespmem:v5+s20+$0x0] =	vst.idx.add.s32.msk vm2, v1  }
0xc3: {  	[tilespmem:v6+s20+$0x0] =	vst.idx.add.s32.msk vm3, v1;
	v4 =	vor.u32 v0, v4  }
0xc4: {  	[tilespmem:v8+s20+$0x0] =	vst.idx.add.s32.msk vm4, v1  }
0xc5: {  	[tilespmem:v7+s20+$0x0] =	vst.idx.add.s32.msk vm5, v1  }
0xc6: {  	[tilespmem:v9+s20+$0x0] =	vst.idx.add.s32.msk vm6, v1  }
0xc7: {  	[tilespmem:v10+s20+$0x0] =	vst.idx.add.s32.msk vm7, v1  }
0xc8: {  	[tilespmem:v4+s20+$0x0] =	vst.idx.add.s32.msk vm1, v1  }
0xc9: {  	[tilespmem:s23], [sflag:$0x2] =	stream.strided.gather [hbm4b:s9+s21], $0x4000, s22, s21, $0x38;
	[tilespmem:$0x9180] =	vst v63  }
0xca: {  	_ =	swait.ge [sflag:s24], $0x4000  }
0xcb: {  	[sflag:s24] =	ssyncset.done $0x0  }
0xcc: {  	s29 =	simm.s32 $0x40;
	[sflag:s24] =	ssyncadd.s32 $0xFFFFC000  }
0xcd: {  	v4 =	vld [tilespmem:s29+$0xFFFFFFC0];
	_ =	sdelay $0x1  }
0xce: {  	v6 =	vld [tilespmem:s29+$0xFFFFFFD0];
	_ =	sdelay $0x1  }
0xcf: {  	v7 =	vld [tilespmem:s29+$0xFFFFFFE0]  }
0xd0: {  	v5 =	vshra.s32 v4, $0x1F  }
0xd1: {  	v5 =	vor.u32 $0x80000000, v5  }
0xd2: {  	v10 =	vshra.s32 v6, $0x1F;
	v4 =	vxor.u32 v4, v5  }
0xd3: {  	v8 =	vsel vm0, v18, v15;
	v10 =	vor.u32 $0x80000000, v10;
	v9 =	vxor.u32 $0x80000000, v4  }
0xd4: {  	v11 =	vld [tilespmem:s29+$0xFFFFFFF0];
	v18 =	vxor.u32 v6, v10;
	v10 =	vshra.s32 v7, $0x1F;
	vm0 =	vlt.s32 v8, v9  }
0xd5: {  	v5 =	vshrl.u32 v4, $0x8;
	vm1 =	vgt.s32 v9, v3;
	v9 =	vsel vm0, v8, v9  }
0xd6: {  	v4 =	vand.u32 $0xFF, v4;
	v8 =	vsel vm1, v9, v8;
	v9 =	vxor.u32 $0x80000000, v18  }
0xd7: {  	v12 =	vld [tilespmem:s29+$0x0];
	v6 =	vshrl.u32 v18, $0x8;
	v10 =	vor.u32 $0x80000000, v10;
	vm0 =	vlt.s32 v8, v9  }
0xd8: {  	v19 =	vxor.u32 v7, v10;
	vm1 =	vgt.s32 v9, v3;
	v9 =	vsel vm0, v8, v9  }
0xd9: {  	v10 =	vshra.s32 v11, $0x1F;
	v8 =	vsel vm1, v9, v8;
	v9 =	vxor.u32 $0x80000000, v19  }
0xda: {  	v13 =	vld [tilespmem:s29+$0x10];
	v7 =	vshrl.u32 v19, $0x8;
	v10 =	vor.u32 $0x80000000, v10;
	vm0 =	vlt.s32 v8, v9  }
0xdb: {  	v20 =	vxor.u32 v11, v10;
	vm1 =	vgt.s32 v9, v3;
	v9 =	vsel vm0, v8, v9  }
0xdc: {  	v11 =	vshra.s32 v12, $0x1F;
	v10 =	vxor.u32 $0x80000000, v20;
	v9 =	vsel vm1, v9, v8  }
0xdd: {  	v14 =	vld [tilespmem:s29+$0x20];
	v11 =	vor.u32 $0x80000000, v11;
	v19 =	vand.u32 $0xFF, v19;
	vm0 =	vlt.s32 v9, v10  }
0xde: {  	vm1 =	vgt.s32 v10, v3;
	v15 =	vsel vm0, v9, v10;
	v10 =	vxor.u32 v12, v11  }
0xdf: {  	v11 =	vsel vm1, v15, v9;
	v12 =	vxor.u32 $0x80000000, v10;
	v15 =	vshra.s32 v13, $0x1F  }
0xe0: {  	v16 =	vld [tilespmem:s29+$0x30];
	v8 =	vshrl.u32 v20, $0x8;
	vm0 =	vlt.s32 v11, v12;
	v15 =	vor.u32 $0x80000000, v15  }
0xe1: {  	vm1 =	vgt.s32 v12, v3;
	v17 =	vsel vm0, v11, v12;
	v12 =	vxor.u32 v13, v15  }
0xe2: {  	v15 =	vsel vm1, v17, v11;
	v13 =	vxor.u32 $0x80000000, v12;
	v17 =	vshra.s32 v14, $0x1F  }
0xe3: {  	v20 =	vand.u32 $0xFF, v20;
	vm0 =	vlt.s32 v15, v13;
	v17 =	vor.u32 $0x80000000, v17  }
0xe4: {  	vm1 =	vgt.s32 v13, v3;
	v21 =	vsel vm0, v15, v13;
	v13 =	vxor.u32 v14, v17  }
0xe5: {  	v15 =	vsel vm1, v21, v15;
	v17 =	vxor.u32 $0x80000000, v13;
	v21 =	vshra.s32 v16, $0x1F  }
0xe6: {  	v9 =	vshrl.u32 v10, $0x8;
	vm0 =	vlt.s32 v15, v17;
	v21 =	vor.u32 $0x80000000, v21  }
0xe7: {  	vm1 =	vgt.s32 v17, v3;
	v22 =	vsel vm0, v15, v17;
	v17 =	vxor.u32 v16, v21  }
0xe8: {  	v11 =	vshrl.u32 v12, $0x8;
	v15 =	vsel vm1, v22, v15;
	v22 =	vxor.u32 $0x80000000, v17  }
0xe9: {  	v14 =	vshrl.u32 v13, $0x8;
	v21 =	vand.u32 $0xFF, v18;
	vm1 =	vlt.s32 v15, v22  }
0xea: {  	s30 =	simm.s32 $0xC0;
	s29 =	simm.s32 $0x0;
	v16 =	vshrl.u32 v17, $0x8;
	vm0 =	vgt.s32 v22, v3;
	v18 =	vsel vm1, v15, v22  }
.LBB2_6:
0xeb: {  	v22 =	vld [tilespmem:s30+$0xFFFFFFC0];
	s29 =	sadd.s32 $0x8, s29;
	v10 =	vand.u32 $0xFF, v10;
	v12 =	vand.u32 $0xFF, v12;
	v15 =	vsel vm0, v18, v15  }
0xec: {  	vm7 =	veq.s32 v5, v2;
	v5 =	vand.u32 $0xFF, v13;
	v13 =	vand.u32 $0xFF, v17;
	p0 =	slt.u32 s29, $0x3F8  }
0xed: {  	vm6 =	veq.s32 v6, v2;
	vm5 =	veq.s32 v7, v2;
	vm4 =	veq.s32 v8, v2  }
0xee: {  	vm3 =	veq.s32 v9, v2;
	vm2 =	veq.s32 v11, v2;
	vm1 =	veq.s32 v14, v2;
	v6 =	vld [tilespmem:s30+$0xFFFFFFD0]  }
0xef: {  	v7 =	vor.u32 v0, v4;
	v8 =	vor.u32 v0, v21;
	vm0 =	veq.s32 v16, v2  }
0xf0: {  	v9 =	vor.u32 v0, v19;
	v11 =	vor.u32 v0, v20;
	v4 =	vshra.s32 v22, $0x1F  }
0xf1: {  	v16 =	vor.u32 v0, v10;
	v17 =	vor.u32 v0, v12;
	v4 =	vor.u32 $0x80000000, v4;
	v14 =	vld [tilespmem:s30+$0xFFFFFFE0]  }
0xf2: {  	v18 =	vor.u32 v0, v5;
	v19 =	vor.u32 v0, v13;
	v4 =	vxor.u32 v22, v4  }
0xf3: {  	v5 =	vshrl.u32 v4, $0x8;
	v10 =	vxor.u32 $0x80000000, v4;
	v12 =	vshra.s32 v6, $0x1F  }
0xf4: {  	v4 =	vand.u32 $0xFF, v4;
	vm8 =	vlt.s32 v15, v10;
	v12 =	vor.u32 $0x80000000, v12;
	v13 =	vld [tilespmem:s30+$0xFFFFFFF0]  }
0xf5: {  	vm9 =	vgt.s32 v10, v3;
	v10 =	vsel vm8, v15, v10;
	v20 =	vxor.u32 v6, v12  }
0xf6: {  	v10 =	vsel vm9, v10, v15;
	v12 =	vxor.u32 $0x80000000, v20;
	v15 =	vshra.s32 v14, $0x1F;
	[tilespmem:v7+s20+$0x0] =	vst.idx.add.s32.msk vm7, v1  }
0xf7: {  	v6 =	vshrl.u32 v20, $0x8;
	vm7 =	vlt.s32 v10, v12;
	v7 =	vor.u32 $0x80000000, v15;
	v15 =	vld [tilespmem:s30+$0x0]  }
0xf8: {  	vm8 =	vgt.s32 v12, v3;
	v12 =	vsel vm7, v10, v12;
	v22 =	vxor.u32 v14, v7  }
0xf9: {  	v10 =	vsel vm8, v12, v10;
	v12 =	vxor.u32 $0x80000000, v22;
	v14 =	vshra.s32 v13, $0x1F;
	[tilespmem:v8+s20+$0x0] =	vst.idx.add.s32.msk vm6, v1  }
0xfa: {  	v7 =	vshrl.u32 v22, $0x8;
	vm6 =	vlt.s32 v10, v12;
	v8 =	vor.u32 $0x80000000, v14;
	v14 =	vld [tilespmem:s30+$0x10]  }
0xfb: {  	vm7 =	vgt.s32 v12, v3;
	v12 =	vsel vm6, v10, v12;
	v23 =	vxor.u32 v13, v8  }
0xfc: {  	v12 =	vsel vm7, v12, v10;
	v10 =	vxor.u32 $0x80000000, v23;
	v13 =	vshra.s32 v15, $0x1F;
	[tilespmem:v9+s20+$0x0] =	vst.idx.add.s32.msk vm5, v1  }
0xfd: {  	v8 =	vshrl.u32 v23, $0x8;
	vm5 =	vlt.s32 v12, v10;
	v9 =	vor.u32 $0x80000000, v13;
	v13 =	vld [tilespmem:s30+$0x20]  }
0xfe: {  	vm6 =	vgt.s32 v10, v3;
	v21 =	vsel vm5, v12, v10;
	v10 =	vxor.u32 v15, v9  }
0xff: {  	v15 =	vsel vm6, v21, v12;
	v12 =	vxor.u32 $0x80000000, v10;
	v21 =	vshra.s32 v14, $0x1F;
	[tilespmem:v11+s20+$0x0] =	vst.idx.add.s32.msk vm4, v1  }
0x100: {  	v9 =	vshrl.u32 v10, $0x8;
	vm4 =	vlt.s32 v15, v12;
	v11 =	vor.u32 $0x80000000, v21;
	v21 =	vld [tilespmem:s30+$0x30]  }
0x101: {  	vm5 =	vgt.s32 v12, v3;
	v24 =	vsel vm4, v15, v12;
	v12 =	vxor.u32 v14, v11  }
0x102: {  	v14 =	vsel vm5, v24, v15;
	v15 =	vxor.u32 $0x80000000, v12;
	v24 =	vshra.s32 v13, $0x1F;
	[tilespmem:v16+s20+$0x0] =	vst.idx.add.s32.msk vm3, v1  }
0x103: {  	v11 =	vshrl.u32 v12, $0x8;
	vm3 =	vlt.s32 v14, v15;
	v16 =	vor.u32 $0x80000000, v24;
	[tilespmem:v17+s20+$0x0] =	vst.idx.add.s32.msk vm2, v1  }
0x104: {  	vm2 =	vgt.s32 v15, v3;
	v15 =	vsel vm3, v14, v15;
	v13 =	vxor.u32 v13, v16  }
0x105: {  	v15 =	vsel vm2, v15, v14;
	v16 =	vxor.u32 $0x80000000, v13;
	v17 =	vshra.s32 v21, $0x1F;
	[tilespmem:v18+s20+$0x0] =	vst.idx.add.s32.msk vm1, v1  }
.Ltmp2:
0x106: {  	v14 =	vshrl.u32 v13, $0x8;
	vm1 =	vlt.s32 v15, v16;
	v17 =	vor.u32 $0x80000000, v17;
	[tilespmem:v19+s20+$0x0] =	vst.idx.add.s32.msk vm0, v1;
	(pc) =	sbr.rel @p0 .LBB2_6-.Ltmp2, $4  }
0x107: {  	vm0 =	vgt.s32 v16, v3;
	v16 =	vsel vm1, v15, v16;
	v17 =	vxor.u32 v21, v17  }
0x108: {  	v15 =	vsel vm0, v16, v15;
	v16 =	vshrl.u32 v17, $0x8;
	v18 =	vxor.u32 $0x80000000, v17  }
0x109: {  	v19 =	vand.u32 $0xFF, v22;
	v21 =	vand.u32 $0xFF, v20;
	vm1 =	vlt.s32 v15, v18  }
0x10a: {  	s30 =	sadd.s32 $0x80, s30;
	v20 =	vand.u32 $0xFF, v23;
	vm0 =	vgt.s32 v18, v3;
	v18 =	vsel vm1, v15, v18  }
0x10b: {  	vm1 =	veq.s32 v5, v2  }
0x10c: {  	vm2 =	veq.s32 v6, v2;
	v4 =	vor.u32 v0, v4  }
0x10d: {  	vm3 =	veq.s32 v7, v2;
	v5 =	vor.u32 v0, v21  }
0x10e: {  	vm4 =	veq.s32 v8, v2;
	v6 =	vor.u32 v0, v19  }
0x10f: {  	v7 =	vand.u32 $0xFF, v10;
	vm5 =	veq.s32 v9, v2;
	v8 =	vor.u32 v0, v20  }
0x110: {  	v9 =	vand.u32 $0xFF, v12;
	vm6 =	veq.s32 v11, v2;
	v7 =	vor.u32 v0, v7  }
0x111: {  	v10 =	vand.u32 $0xFF, v13;
	vm7 =	veq.s32 v14, v2;
	v9 =	vor.u32 v0, v9;
	[tilespmem:v4+s20+$0x0] =	vst.idx.add.s32.msk vm1, v1  }
0x112: {  	v10 =	vor.u32 v0, v10;
	v4 =	vand.u32 $0xFF, v17;
	vm1 =	veq.s32 v16, v2;
	[tilespmem:v5+s20+$0x0] =	vst.idx.add.s32.msk vm2, v1  }
0x113: {  	[tilespmem:v6+s20+$0x0] =	vst.idx.add.s32.msk vm3, v1;
	v4 =	vor.u32 v0, v4  }
0x114: {  	[tilespmem:v8+s20+$0x0] =	vst.idx.add.s32.msk vm4, v1  }
0x115: {  	[tilespmem:v7+s20+$0x0] =	vst.idx.add.s32.msk vm5, v1  }
0x116: {  	[tilespmem:v9+s20+$0x0] =	vst.idx.add.s32.msk vm6, v1  }
0x117: {  	[tilespmem:v10+s20+$0x0] =	vst.idx.add.s32.msk vm7, v1  }
0x118: {  	[tilespmem:v4+s20+$0x0] =	vst.idx.add.s32.msk vm1, v1  }
0x119: {  	[tilespmem:s2], [sflag:$0x1] =	stream.strided.gather [hbm4b:s10+s21], $0x4000, s22, s21, $0x38;
	[tilespmem:$0x9180] =	vst v63  }
0x11a: {  	_ =	swait.ge [sflag:s25], $0x4000  }
0x11b: {  	[sflag:s25] =	ssyncset.done $0x0  }
0x11c: {  	s29 =	simm.s32 $0x4040;
	[sflag:s25] =	ssyncadd.s32 $0xFFFFC000  }
0x11d: {  	v4 =	vld [tilespmem:s29+$0xFFFFFFC0];
	_ =	sdelay $0x1  }
0x11e: {  	v6 =	vld [tilespmem:s29+$0xFFFFFFD0];
	_ =	sdelay $0x1  }
0x11f: {  	v7 =	vld [tilespmem:s29+$0xFFFFFFE0]  }
0x120: {  	v5 =	vshra.s32 v4, $0x1F  }
0x121: {  	v5 =	vor.u32 $0x80000000, v5  }
0x122: {  	v10 =	vshra.s32 v6, $0x1F;
	v4 =	vxor.u32 v4, v5  }
0x123: {  	v8 =	vsel vm0, v18, v15;
	v10 =	vor.u32 $0x80000000, v10;
	v9 =	vxor.u32 $0x80000000, v4  }
0x124: {  	v11 =	vld [tilespmem:s29+$0xFFFFFFF0];
	v18 =	vxor.u32 v6, v10;
	v10 =	vshra.s32 v7, $0x1F;
	vm0 =	vlt.s32 v8, v9  }
0x125: {  	v5 =	vshrl.u32 v4, $0x8;
	vm1 =	vgt.s32 v9, v3;
	v9 =	vsel vm0, v8, v9  }
0x126: {  	v4 =	vand.u32 $0xFF, v4;
	v8 =	vsel vm1, v9, v8;
	v9 =	vxor.u32 $0x80000000, v18  }
0x127: {  	v12 =	vld [tilespmem:s29+$0x0];
	v6 =	vshrl.u32 v18, $0x8;
	v10 =	vor.u32 $0x80000000, v10;
	vm0 =	vlt.s32 v8, v9  }
0x128: {  	v19 =	vxor.u32 v7, v10;
	vm1 =	vgt.s32 v9, v3;
	v9 =	vsel vm0, v8, v9  }
0x129: {  	v10 =	vshra.s32 v11, $0x1F;
	v8 =	vsel vm1, v9, v8;
	v9 =	vxor.u32 $0x80000000, v19  }
0x12a: {  	v13 =	vld [tilespmem:s29+$0x10];
	v7 =	vshrl.u32 v19, $0x8;
	v10 =	vor.u32 $0x80000000, v10;
	vm0 =	vlt.s32 v8, v9  }
0x12b: {  	v20 =	vxor.u32 v11, v10;
	vm1 =	vgt.s32 v9, v3;
	v9 =	vsel vm0, v8, v9  }
0x12c: {  	v11 =	vshra.s32 v12, $0x1F;
	v10 =	vxor.u32 $0x80000000, v20;
	v9 =	vsel vm1, v9, v8  }
0x12d: {  	v14 =	vld [tilespmem:s29+$0x20];
	v11 =	vor.u32 $0x80000000, v11;
	v19 =	vand.u32 $0xFF, v19;
	vm0 =	vlt.s32 v9, v10  }
0x12e: {  	vm1 =	vgt.s32 v10, v3;
	v15 =	vsel vm0, v9, v10;
	v10 =	vxor.u32 v12, v11  }
0x12f: {  	v11 =	vsel vm1, v15, v9;
	v12 =	vxor.u32 $0x80000000, v10;
	v15 =	vshra.s32 v13, $0x1F  }
0x130: {  	v16 =	vld [tilespmem:s29+$0x30];
	v8 =	vshrl.u32 v20, $0x8;
	vm0 =	vlt.s32 v11, v12;
	v15 =	vor.u32 $0x80000000, v15  }
0x131: {  	vm1 =	vgt.s32 v12, v3;
	v17 =	vsel vm0, v11, v12;
	v12 =	vxor.u32 v13, v15  }
0x132: {  	v15 =	vsel vm1, v17, v11;
	v13 =	vxor.u32 $0x80000000, v12;
	v17 =	vshra.s32 v14, $0x1F  }
0x133: {  	v20 =	vand.u32 $0xFF, v20;
	vm0 =	vlt.s32 v15, v13;
	v17 =	vor.u32 $0x80000000, v17  }
0x134: {  	vm1 =	vgt.s32 v13, v3;
	v21 =	vsel vm0, v15, v13;
	v13 =	vxor.u32 v14, v17  }
0x135: {  	v15 =	vsel vm1, v21, v15;
	v17 =	vxor.u32 $0x80000000, v13;
	v21 =	vshra.s32 v16, $0x1F  }
0x136: {  	v9 =	vshrl.u32 v10, $0x8;
	vm0 =	vlt.s32 v15, v17;
	v21 =	vor.u32 $0x80000000, v21  }
0x137: {  	vm1 =	vgt.s32 v17, v3;
	v22 =	vsel vm0, v15, v17;
	v17 =	vxor.u32 v16, v21  }
0x138: {  	v11 =	vshrl.u32 v12, $0x8;
	v15 =	vsel vm1, v22, v15;
	v22 =	vxor.u32 $0x80000000, v17  }
0x139: {  	v14 =	vshrl.u32 v13, $0x8;
	v21 =	vand.u32 $0xFF, v18;
	vm1 =	vlt.s32 v15, v22  }
0x13a: {  	s30 =	simm.s32 $0x40C0;
	s29 =	simm.s32 $0x0;
	v16 =	vshrl.u32 v17, $0x8;
	vm0 =	vgt.s32 v22, v3;
	v18 =	vsel vm1, v15, v22  }
.LBB2_8:
0x13b: {  	v22 =	vld [tilespmem:s30+$0xFFFFFFC0];
	s29 =	sadd.s32 $0x8, s29;
	v10 =	vand.u32 $0xFF, v10;
	v12 =	vand.u32 $0xFF, v12;
	v15 =	vsel vm0, v18, v15  }
0x13c: {  	vm7 =	veq.s32 v5, v2;
	v5 =	vand.u32 $0xFF, v13;
	v13 =	vand.u32 $0xFF, v17;
	p0 =	slt.u32 s29, $0x3F8  }
0x13d: {  	vm6 =	veq.s32 v6, v2;
	vm5 =	veq.s32 v7, v2;
	vm4 =	veq.s32 v8, v2  }
0x13e: {  	vm3 =	veq.s32 v9, v2;
	vm2 =	veq.s32 v11, v2;
	vm1 =	veq.s32 v14, v2;
	v6 =	vld [tilespmem:s30+$0xFFFFFFD0]  }
0x13f: {  	v7 =	vor.u32 v0, v4;
	v8 =	vor.u32 v0, v21;
	vm0 =	veq.s32 v16, v2  }
0x140: {  	v9 =	vor.u32 v0, v19;
	v11 =	vor.u32 v0, v20;
	v4 =	vshra.s32 v22, $0x1F  }
0x141: {  	v16 =	vor.u32 v0, v10;
	v17 =	vor.u32 v0, v12;
	v4 =	vor.u32 $0x80000000, v4;
	v14 =	vld [tilespmem:s30+$0xFFFFFFE0]  }
0x142: {  	v18 =	vor.u32 v0, v5;
	v19 =	vor.u32 v0, v13;
	v4 =	vxor.u32 v22, v4  }
0x143: {  	v5 =	vshrl.u32 v4, $0x8;
	v10 =	vxor.u32 $0x80000000, v4;
	v12 =	vshra.s32 v6, $0x1F  }
0x144: {  	v4 =	vand.u32 $0xFF, v4;
	vm8 =	vlt.s32 v15, v10;
	v12 =	vor.u32 $0x80000000, v12;
	v13 =	vld [tilespmem:s30+$0xFFFFFFF0]  }
0x145: {  	vm9 =	vgt.s32 v10, v3;
	v10 =	vsel vm8, v15, v10;
	v20 =	vxor.u32 v6, v12  }
0x146: {  	v10 =	vsel vm9, v10, v15;
	v12 =	vxor.u32 $0x80000000, v20;
	v15 =	vshra.s32 v14, $0x1F;
	[tilespmem:v7+s20+$0x0] =	vst.idx.add.s32.msk vm7, v1  }
0x147: {  	v6 =	vshrl.u32 v20, $0x8;
	vm7 =	vlt.s32 v10, v12;
	v7 =	vor.u32 $0x80000000, v15;
	v15 =	vld [tilespmem:s30+$0x0]  }
0x148: {  	vm8 =	vgt.s32 v12, v3;
	v12 =	vsel vm7, v10, v12;
	v22 =	vxor.u32 v14, v7  }
0x149: {  	v10 =	vsel vm8, v12, v10;
	v12 =	vxor.u32 $0x80000000, v22;
	v14 =	vshra.s32 v13, $0x1F;
	[tilespmem:v8+s20+$0x0] =	vst.idx.add.s32.msk vm6, v1  }
0x14a: {  	v7 =	vshrl.u32 v22, $0x8;
	vm6 =	vlt.s32 v10, v12;
	v8 =	vor.u32 $0x80000000, v14;
	v14 =	vld [tilespmem:s30+$0x10]  }
0x14b: {  	vm7 =	vgt.s32 v12, v3;
	v12 =	vsel vm6, v10, v12;
	v23 =	vxor.u32 v13, v8  }
0x14c: {  	v12 =	vsel vm7, v12, v10;
	v10 =	vxor.u32 $0x80000000, v23;
	v13 =	vshra.s32 v15, $0x1F;
	[tilespmem:v9+s20+$0x0] =	vst.idx.add.s32.msk vm5, v1  }
0x14d: {  	v8 =	vshrl.u32 v23, $0x8;
	vm5 =	vlt.s32 v12, v10;
	v9 =	vor.u32 $0x80000000, v13;
	v13 =	vld [tilespmem:s30+$0x20]  }
0x14e: {  	vm6 =	vgt.s32 v10, v3;
	v21 =	vsel vm5, v12, v10;
	v10 =	vxor.u32 v15, v9  }
0x14f: {  	v15 =	vsel vm6, v21, v12;
	v12 =	vxor.u32 $0x80000000, v10;
	v21 =	vshra.s32 v14, $0x1F;
	[tilespmem:v11+s20+$0x0] =	vst.idx.add.s32.msk vm4, v1  }
0x150: {  	v9 =	vshrl.u32 v10, $0x8;
	vm4 =	vlt.s32 v15, v12;
	v11 =	vor.u32 $0x80000000, v21;
	v21 =	vld [tilespmem:s30+$0x30]  }
0x151: {  	vm5 =	vgt.s32 v12, v3;
	v24 =	vsel vm4, v15, v12;
	v12 =	vxor.u32 v14, v11  }
0x152: {  	v14 =	vsel vm5, v24, v15;
	v15 =	vxor.u32 $0x80000000, v12;
	v24 =	vshra.s32 v13, $0x1F;
	[tilespmem:v16+s20+$0x0] =	vst.idx.add.s32.msk vm3, v1  }
0x153: {  	v11 =	vshrl.u32 v12, $0x8;
	vm3 =	vlt.s32 v14, v15;
	v16 =	vor.u32 $0x80000000, v24;
	[tilespmem:v17+s20+$0x0] =	vst.idx.add.s32.msk vm2, v1  }
0x154: {  	vm2 =	vgt.s32 v15, v3;
	v15 =	vsel vm3, v14, v15;
	v13 =	vxor.u32 v13, v16  }
0x155: {  	v15 =	vsel vm2, v15, v14;
	v16 =	vxor.u32 $0x80000000, v13;
	v17 =	vshra.s32 v21, $0x1F;
	[tilespmem:v18+s20+$0x0] =	vst.idx.add.s32.msk vm1, v1  }
.Ltmp3:
0x156: {  	v14 =	vshrl.u32 v13, $0x8;
	vm1 =	vlt.s32 v15, v16;
	v17 =	vor.u32 $0x80000000, v17;
	[tilespmem:v19+s20+$0x0] =	vst.idx.add.s32.msk vm0, v1;
	(pc) =	sbr.rel @p0 .LBB2_8-.Ltmp3, $4  }
0x157: {  	vm0 =	vgt.s32 v16, v3;
	v16 =	vsel vm1, v15, v16;
	v17 =	vxor.u32 v21, v17  }
0x158: {  	v15 =	vsel vm0, v16, v15;
	v16 =	vshrl.u32 v17, $0x8;
	v18 =	vxor.u32 $0x80000000, v17  }
0x159: {  	v19 =	vand.u32 $0xFF, v22;
	v21 =	vand.u32 $0xFF, v20;
	vm1 =	vlt.s32 v15, v18  }
0x15a: {  	s30 =	sadd.s32 $0x80, s30;
	v20 =	vand.u32 $0xFF, v23;
	vm0 =	vgt.s32 v18, v3;
	v18 =	vsel vm1, v15, v18  }
0x15b: {  	vm1 =	veq.s32 v5, v2  }
0x15c: {  	vm2 =	veq.s32 v6, v2;
	v4 =	vor.u32 v0, v4  }
0x15d: {  	vm3 =	veq.s32 v7, v2;
	v5 =	vor.u32 v0, v21  }
0x15e: {  	vm4 =	veq.s32 v8, v2;
	v6 =	vor.u32 v0, v19  }
0x15f: {  	v7 =	vand.u32 $0xFF, v10;
	vm5 =	veq.s32 v9, v2;
	v8 =	vor.u32 v0, v20  }
0x160: {  	v9 =	vand.u32 $0xFF, v12;
	vm6 =	veq.s32 v11, v2;
	v7 =	vor.u32 v0, v7  }
0x161: {  	v10 =	vand.u32 $0xFF, v13;
	vm7 =	veq.s32 v14, v2;
	v9 =	vor.u32 v0, v9;
	[tilespmem:v4+s20+$0x0] =	vst.idx.add.s32.msk vm1, v1  }
0x162: {  	v10 =	vor.u32 v0, v10;
	v4 =	vand.u32 $0xFF, v17;
	vm1 =	veq.s32 v16, v2;
	[tilespmem:v5+s20+$0x0] =	vst.idx.add.s32.msk vm2, v1  }
0x163: {  	[tilespmem:v6+s20+$0x0] =	vst.idx.add.s32.msk vm3, v1;
	v4 =	vor.u32 v0, v4  }
0x164: {  	[tilespmem:v8+s20+$0x0] =	vst.idx.add.s32.msk vm4, v1  }
0x165: {  	[tilespmem:v7+s20+$0x0] =	vst.idx.add.s32.msk vm5, v1  }
0x166: {  	[tilespmem:v9+s20+$0x0] =	vst.idx.add.s32.msk vm6, v1  }
0x167: {  	[tilespmem:v10+s20+$0x0] =	vst.idx.add.s32.msk vm7, v1  }
0x168: {  	[tilespmem:v4+s20+$0x0] =	vst.idx.add.s32.msk vm1, v1  }
0x169: {  	[tilespmem:s23], [sflag:$0x2] =	stream.strided.gather [hbm4b:s11+s21], $0x4000, s22, s21, $0x38;
	[tilespmem:$0x9180] =	vst v63  }
0x16a: {  	_ =	swait.ge [sflag:s24], $0x4000  }
0x16b: {  	[sflag:s24] =	ssyncset.done $0x0  }
0x16c: {  	s29 =	simm.s32 $0x40;
	[sflag:s24] =	ssyncadd.s32 $0xFFFFC000  }
0x16d: {  	v4 =	vld [tilespmem:s29+$0xFFFFFFC0];
	_ =	sdelay $0x1  }
0x16e: {  	v6 =	vld [tilespmem:s29+$0xFFFFFFD0];
	_ =	sdelay $0x1  }
0x16f: {  	v7 =	vld [tilespmem:s29+$0xFFFFFFE0]  }
0x170: {  	v5 =	vshra.s32 v4, $0x1F  }
0x171: {  	v5 =	vor.u32 $0x80000000, v5  }
0x172: {  	v10 =	vshra.s32 v6, $0x1F;
	v4 =	vxor.u32 v4, v5  }
0x173: {  	v8 =	vsel vm0, v18, v15;
	v10 =	vor.u32 $0x80000000, v10;
	v9 =	vxor.u32 $0x80000000, v4  }
0x174: {  	v11 =	vld [tilespmem:s29+$0xFFFFFFF0];
	v18 =	vxor.u32 v6, v10;
	v10 =	vshra.s32 v7, $0x1F;
	vm0 =	vlt.s32 v8, v9  }
0x175: {  	v5 =	vshrl.u32 v4, $0x8;
	vm1 =	vgt.s32 v9, v3;
	v9 =	vsel vm0, v8, v9  }
0x176: {  	v4 =	vand.u32 $0xFF, v4;
	v8 =	vsel vm1, v9, v8;
	v9 =	vxor.u32 $0x80000000, v18  }
0x177: {  	v12 =	vld [tilespmem:s29+$0x0];
	v6 =	vshrl.u32 v18, $0x8;
	v10 =	vor.u32 $0x80000000, v10;
	vm0 =	vlt.s32 v8, v9  }
0x178: {  	v19 =	vxor.u32 v7, v10;
	vm1 =	vgt.s32 v9, v3;
	v9 =	vsel vm0, v8, v9  }
0x179: {  	v10 =	vshra.s32 v11, $0x1F;
	v8 =	vsel vm1, v9, v8;
	v9 =	vxor.u32 $0x80000000, v19  }
0x17a: {  	v13 =	vld [tilespmem:s29+$0x10];
	v7 =	vshrl.u32 v19, $0x8;
	v10 =	vor.u32 $0x80000000, v10;
	vm0 =	vlt.s32 v8, v9  }
0x17b: {  	v20 =	vxor.u32 v11, v10;
	vm1 =	vgt.s32 v9, v3;
	v9 =	vsel vm0, v8, v9  }
0x17c: {  	v11 =	vshra.s32 v12, $0x1F;
	v10 =	vxor.u32 $0x80000000, v20;
	v9 =	vsel vm1, v9, v8  }
0x17d: {  	v14 =	vld [tilespmem:s29+$0x20];
	v11 =	vor.u32 $0x80000000, v11;
	v19 =	vand.u32 $0xFF, v19;
	vm0 =	vlt.s32 v9, v10  }
0x17e: {  	vm1 =	vgt.s32 v10, v3;
	v15 =	vsel vm0, v9, v10;
	v10 =	vxor.u32 v12, v11  }
0x17f: {  	v11 =	vsel vm1, v15, v9;
	v12 =	vxor.u32 $0x80000000, v10;
	v15 =	vshra.s32 v13, $0x1F  }
0x180: {  	v16 =	vld [tilespmem:s29+$0x30];
	v8 =	vshrl.u32 v20, $0x8;
	vm0 =	vlt.s32 v11, v12;
	v15 =	vor.u32 $0x80000000, v15  }
0x181: {  	vm1 =	vgt.s32 v12, v3;
	v17 =	vsel vm0, v11, v12;
	v12 =	vxor.u32 v13, v15  }
0x182: {  	v15 =	vsel vm1, v17, v11;
	v13 =	vxor.u32 $0x80000000, v12;
	v17 =	vshra.s32 v14, $0x1F  }
0x183: {  	v20 =	vand.u32 $0xFF, v20;
	vm0 =	vlt.s32 v15, v13;
	v17 =	vor.u32 $0x80000000, v17  }
0x184: {  	vm1 =	vgt.s32 v13, v3;
	v21 =	vsel vm0, v15, v13;
	v13 =	vxor.u32 v14, v17  }
0x185: {  	v15 =	vsel vm1, v21, v15;
	v17 =	vxor.u32 $0x80000000, v13;
	v21 =	vshra.s32 v16, $0x1F  }
0x186: {  	v9 =	vshrl.u32 v10, $0x8;
	vm0 =	vlt.s32 v15, v17;
	v21 =	vor.u32 $0x80000000, v21  }
0x187: {  	vm1 =	vgt.s32 v17, v3;
	v22 =	vsel vm0, v15, v17;
	v17 =	vxor.u32 v16, v21  }
0x188: {  	v11 =	vshrl.u32 v12, $0x8;
	v15 =	vsel vm1, v22, v15;
	v22 =	vxor.u32 $0x80000000, v17  }
0x189: {  	v14 =	vshrl.u32 v13, $0x8;
	v21 =	vand.u32 $0xFF, v18;
	vm1 =	vlt.s32 v15, v22  }
0x18a: {  	s30 =	simm.s32 $0xC0;
	s29 =	simm.s32 $0x0;
	v16 =	vshrl.u32 v17, $0x8;
	vm0 =	vgt.s32 v22, v3;
	v18 =	vsel vm1, v15, v22  }
.LBB2_10:
0x18b: {  	v22 =	vld [tilespmem:s30+$0xFFFFFFC0];
	s29 =	sadd.s32 $0x8, s29;
	v10 =	vand.u32 $0xFF, v10;
	v12 =	vand.u32 $0xFF, v12;
	v15 =	vsel vm0, v18, v15  }
0x18c: {  	vm7 =	veq.s32 v5, v2;
	v5 =	vand.u32 $0xFF, v13;
	v13 =	vand.u32 $0xFF, v17;
	p0 =	slt.u32 s29, $0x3F8  }
0x18d: {  	vm6 =	veq.s32 v6, v2;
	vm5 =	veq.s32 v7, v2;
	vm4 =	veq.s32 v8, v2  }
0x18e: {  	vm3 =	veq.s32 v9, v2;
	vm2 =	veq.s32 v11, v2;
	vm1 =	veq.s32 v14, v2;
	v6 =	vld [tilespmem:s30+$0xFFFFFFD0]  }
0x18f: {  	v7 =	vor.u32 v0, v4;
	v8 =	vor.u32 v0, v21;
	vm0 =	veq.s32 v16, v2  }
0x190: {  	v9 =	vor.u32 v0, v19;
	v11 =	vor.u32 v0, v20;
	v4 =	vshra.s32 v22, $0x1F  }
0x191: {  	v16 =	vor.u32 v0, v10;
	v17 =	vor.u32 v0, v12;
	v4 =	vor.u32 $0x80000000, v4;
	v14 =	vld [tilespmem:s30+$0xFFFFFFE0]  }
0x192: {  	v18 =	vor.u32 v0, v5;
	v19 =	vor.u32 v0, v13;
	v4 =	vxor.u32 v22, v4  }
0x193: {  	v5 =	vshrl.u32 v4, $0x8;
	v10 =	vxor.u32 $0x80000000, v4;
	v12 =	vshra.s32 v6, $0x1F  }
0x194: {  	v4 =	vand.u32 $0xFF, v4;
	vm8 =	vlt.s32 v15, v10;
	v12 =	vor.u32 $0x80000000, v12;
	v13 =	vld [tilespmem:s30+$0xFFFFFFF0]  }
0x195: {  	vm9 =	vgt.s32 v10, v3;
	v10 =	vsel vm8, v15, v10;
	v20 =	vxor.u32 v6, v12  }
0x196: {  	v10 =	vsel vm9, v10, v15;
	v12 =	vxor.u32 $0x80000000, v20;
	v15 =	vshra.s32 v14, $0x1F;
	[tilespmem:v7+s20+$0x0] =	vst.idx.add.s32.msk vm7, v1  }
0x197: {  	v6 =	vshrl.u32 v20, $0x8;
	vm7 =	vlt.s32 v10, v12;
	v7 =	vor.u32 $0x80000000, v15;
	v15 =	vld [tilespmem:s30+$0x0]  }
0x198: {  	vm8 =	vgt.s32 v12, v3;
	v12 =	vsel vm7, v10, v12;
	v22 =	vxor.u32 v14, v7  }
0x199: {  	v10 =	vsel vm8, v12, v10;
	v12 =	vxor.u32 $0x80000000, v22;
	v14 =	vshra.s32 v13, $0x1F;
	[tilespmem:v8+s20+$0x0] =	vst.idx.add.s32.msk vm6, v1  }
0x19a: {  	v7 =	vshrl.u32 v22, $0x8;
	vm6 =	vlt.s32 v10, v12;
	v8 =	vor.u32 $0x80000000, v14;
	v14 =	vld [tilespmem:s30+$0x10]  }
0x19b: {  	vm7 =	vgt.s32 v12, v3;
	v12 =	vsel vm6, v10, v12;
	v23 =	vxor.u32 v13, v8  }
0x19c: {  	v12 =	vsel vm7, v12, v10;
	v10 =	vxor.u32 $0x80000000, v23;
	v13 =	vshra.s32 v15, $0x1F;
	[tilespmem:v9+s20+$0x0] =	vst.idx.add.s32.msk vm5, v1  }
0x19d: {  	v8 =	vshrl.u32 v23, $0x8;
	vm5 =	vlt.s32 v12, v10;
	v9 =	vor.u32 $0x80000000, v13;
	v13 =	vld [tilespmem:s30+$0x20]  }
0x19e: {  	vm6 =	vgt.s32 v10, v3;
	v21 =	vsel vm5, v12, v10;
	v10 =	vxor.u32 v15, v9  }
0x19f: {  	v15 =	vsel vm6, v21, v12;
	v12 =	vxor.u32 $0x80000000, v10;
	v21 =	vshra.s32 v14, $0x1F;
	[tilespmem:v11+s20+$0x0] =	vst.idx.add.s32.msk vm4, v1  }
0x1a0: {  	v9 =	vshrl.u32 v10, $0x8;
	vm4 =	vlt.s32 v15, v12;
	v11 =	vor.u32 $0x80000000, v21;
	v21 =	vld [tilespmem:s30+$0x30]  }
0x1a1: {  	vm5 =	vgt.s32 v12, v3;
	v24 =	vsel vm4, v15, v12;
	v12 =	vxor.u32 v14, v11  }
0x1a2: {  	v14 =	vsel vm5, v24, v15;
	v15 =	vxor.u32 $0x80000000, v12;
	v24 =	vshra.s32 v13, $0x1F;
	[tilespmem:v16+s20+$0x0] =	vst.idx.add.s32.msk vm3, v1  }
0x1a3: {  	v11 =	vshrl.u32 v12, $0x8;
	vm3 =	vlt.s32 v14, v15;
	v16 =	vor.u32 $0x80000000, v24;
	[tilespmem:v17+s20+$0x0] =	vst.idx.add.s32.msk vm2, v1  }
0x1a4: {  	vm2 =	vgt.s32 v15, v3;
	v15 =	vsel vm3, v14, v15;
	v13 =	vxor.u32 v13, v16  }
0x1a5: {  	v15 =	vsel vm2, v15, v14;
	v16 =	vxor.u32 $0x80000000, v13;
	v17 =	vshra.s32 v21, $0x1F;
	[tilespmem:v18+s20+$0x0] =	vst.idx.add.s32.msk vm1, v1  }
.Ltmp4:
0x1a6: {  	v14 =	vshrl.u32 v13, $0x8;
	vm1 =	vlt.s32 v15, v16;
	v17 =	vor.u32 $0x80000000, v17;
	[tilespmem:v19+s20+$0x0] =	vst.idx.add.s32.msk vm0, v1;
	(pc) =	sbr.rel @p0 .LBB2_10-.Ltmp4, $4  }
0x1a7: {  	vm0 =	vgt.s32 v16, v3;
	v16 =	vsel vm1, v15, v16;
	v17 =	vxor.u32 v21, v17  }
0x1a8: {  	v15 =	vsel vm0, v16, v15;
	v16 =	vshrl.u32 v17, $0x8;
	v18 =	vxor.u32 $0x80000000, v17  }
0x1a9: {  	v19 =	vand.u32 $0xFF, v22;
	v21 =	vand.u32 $0xFF, v20;
	vm1 =	vlt.s32 v15, v18  }
0x1aa: {  	s30 =	sadd.s32 $0x80, s30;
	v20 =	vand.u32 $0xFF, v23;
	vm0 =	vgt.s32 v18, v3;
	v18 =	vsel vm1, v15, v18  }
0x1ab: {  	vm1 =	veq.s32 v5, v2  }
0x1ac: {  	vm2 =	veq.s32 v6, v2;
	v4 =	vor.u32 v0, v4  }
0x1ad: {  	vm3 =	veq.s32 v7, v2;
	v5 =	vor.u32 v0, v21  }
0x1ae: {  	vm4 =	veq.s32 v8, v2;
	v6 =	vor.u32 v0, v19  }
0x1af: {  	v7 =	vand.u32 $0xFF, v10;
	vm5 =	veq.s32 v9, v2;
	v8 =	vor.u32 v0, v20  }
0x1b0: {  	v9 =	vand.u32 $0xFF, v12;
	vm6 =	veq.s32 v11, v2;
	v7 =	vor.u32 v0, v7  }
0x1b1: {  	v10 =	vand.u32 $0xFF, v13;
	vm7 =	veq.s32 v14, v2;
	v9 =	vor.u32 v0, v9;
	[tilespmem:v4+s20+$0x0] =	vst.idx.add.s32.msk vm1, v1  }
0x1b2: {  	v10 =	vor.u32 v0, v10;
	v4 =	vand.u32 $0xFF, v17;
	vm1 =	veq.s32 v16, v2;
	[tilespmem:v5+s20+$0x0] =	vst.idx.add.s32.msk vm2, v1  }
0x1b3: {  	[tilespmem:v6+s20+$0x0] =	vst.idx.add.s32.msk vm3, v1;
	v4 =	vor.u32 v0, v4  }
0x1b4: {  	[tilespmem:v8+s20+$0x0] =	vst.idx.add.s32.msk vm4, v1  }
0x1b5: {  	[tilespmem:v7+s20+$0x0] =	vst.idx.add.s32.msk vm5, v1  }
0x1b6: {  	[tilespmem:v9+s20+$0x0] =	vst.idx.add.s32.msk vm6, v1  }
0x1b7: {  	[tilespmem:v10+s20+$0x0] =	vst.idx.add.s32.msk vm7, v1  }
0x1b8: {  	[tilespmem:v4+s20+$0x0] =	vst.idx.add.s32.msk vm1, v1  }
0x1b9: {  	[tilespmem:s2], [sflag:$0x1] =	stream.strided.gather [hbm4b:s12+s21], $0x4000, s22, s21, $0x38;
	[tilespmem:$0x9180] =	vst v63  }
0x1ba: {  	_ =	swait.ge [sflag:s25], $0x4000  }
0x1bb: {  	[sflag:s25] =	ssyncset.done $0x0  }
0x1bc: {  	s29 =	simm.s32 $0x4040;
	[sflag:s25] =	ssyncadd.s32 $0xFFFFC000  }
0x1bd: {  	v4 =	vld [tilespmem:s29+$0xFFFFFFC0];
	_ =	sdelay $0x1  }
0x1be: {  	v6 =	vld [tilespmem:s29+$0xFFFFFFD0];
	_ =	sdelay $0x1  }
0x1bf: {  	v7 =	vld [tilespmem:s29+$0xFFFFFFE0]  }
0x1c0: {  	v5 =	vshra.s32 v4, $0x1F  }
0x1c1: {  	v5 =	vor.u32 $0x80000000, v5  }
0x1c2: {  	v10 =	vshra.s32 v6, $0x1F;
	v4 =	vxor.u32 v4, v5  }
0x1c3: {  	v8 =	vsel vm0, v18, v15;
	v10 =	vor.u32 $0x80000000, v10;
	v9 =	vxor.u32 $0x80000000, v4  }
0x1c4: {  	v11 =	vld [tilespmem:s29+$0xFFFFFFF0];
	v18 =	vxor.u32 v6, v10;
	v10 =	vshra.s32 v7, $0x1F;
	vm0 =	vlt.s32 v8, v9  }
0x1c5: {  	v5 =	vshrl.u32 v4, $0x8;
	vm1 =	vgt.s32 v9, v3;
	v9 =	vsel vm0, v8, v9  }
0x1c6: {  	v4 =	vand.u32 $0xFF, v4;
	v8 =	vsel vm1, v9, v8;
	v9 =	vxor.u32 $0x80000000, v18  }
0x1c7: {  	v12 =	vld [tilespmem:s29+$0x0];
	v6 =	vshrl.u32 v18, $0x8;
	v10 =	vor.u32 $0x80000000, v10;
	vm0 =	vlt.s32 v8, v9  }
0x1c8: {  	v19 =	vxor.u32 v7, v10;
	vm1 =	vgt.s32 v9, v3;
	v9 =	vsel vm0, v8, v9  }
0x1c9: {  	v10 =	vshra.s32 v11, $0x1F;
	v8 =	vsel vm1, v9, v8;
	v9 =	vxor.u32 $0x80000000, v19  }
0x1ca: {  	v13 =	vld [tilespmem:s29+$0x10];
	v7 =	vshrl.u32 v19, $0x8;
	v10 =	vor.u32 $0x80000000, v10;
	vm0 =	vlt.s32 v8, v9  }
0x1cb: {  	v20 =	vxor.u32 v11, v10;
	vm1 =	vgt.s32 v9, v3;
	v9 =	vsel vm0, v8, v9  }
0x1cc: {  	v11 =	vshra.s32 v12, $0x1F;
	v10 =	vxor.u32 $0x80000000, v20;
	v9 =	vsel vm1, v9, v8  }
0x1cd: {  	v14 =	vld [tilespmem:s29+$0x20];
	v11 =	vor.u32 $0x80000000, v11;
	v19 =	vand.u32 $0xFF, v19;
	vm0 =	vlt.s32 v9, v10  }
0x1ce: {  	vm1 =	vgt.s32 v10, v3;
	v15 =	vsel vm0, v9, v10;
	v10 =	vxor.u32 v12, v11  }
0x1cf: {  	v11 =	vsel vm1, v15, v9;
	v12 =	vxor.u32 $0x80000000, v10;
	v15 =	vshra.s32 v13, $0x1F  }
0x1d0: {  	v16 =	vld [tilespmem:s29+$0x30];
	v8 =	vshrl.u32 v20, $0x8;
	vm0 =	vlt.s32 v11, v12;
	v15 =	vor.u32 $0x80000000, v15  }
0x1d1: {  	vm1 =	vgt.s32 v12, v3;
	v17 =	vsel vm0, v11, v12;
	v12 =	vxor.u32 v13, v15  }
0x1d2: {  	v15 =	vsel vm1, v17, v11;
	v13 =	vxor.u32 $0x80000000, v12;
	v17 =	vshra.s32 v14, $0x1F  }
0x1d3: {  	v20 =	vand.u32 $0xFF, v20;
	vm0 =	vlt.s32 v15, v13;
	v17 =	vor.u32 $0x80000000, v17  }
0x1d4: {  	vm1 =	vgt.s32 v13, v3;
	v21 =	vsel vm0, v15, v13;
	v13 =	vxor.u32 v14, v17  }
0x1d5: {  	v15 =	vsel vm1, v21, v15;
	v17 =	vxor.u32 $0x80000000, v13;
	v21 =	vshra.s32 v16, $0x1F  }
0x1d6: {  	v9 =	vshrl.u32 v10, $0x8;
	vm0 =	vlt.s32 v15, v17;
	v21 =	vor.u32 $0x80000000, v21  }
0x1d7: {  	vm1 =	vgt.s32 v17, v3;
	v22 =	vsel vm0, v15, v17;
	v17 =	vxor.u32 v16, v21  }
0x1d8: {  	v11 =	vshrl.u32 v12, $0x8;
	v15 =	vsel vm1, v22, v15;
	v22 =	vxor.u32 $0x80000000, v17  }
0x1d9: {  	v14 =	vshrl.u32 v13, $0x8;
	v21 =	vand.u32 $0xFF, v18;
	vm1 =	vlt.s32 v15, v22  }
0x1da: {  	s30 =	simm.s32 $0x40C0;
	s29 =	simm.s32 $0x0;
	v16 =	vshrl.u32 v17, $0x8;
	vm0 =	vgt.s32 v22, v3;
	v18 =	vsel vm1, v15, v22  }
.LBB2_12:
0x1db: {  	v22 =	vld [tilespmem:s30+$0xFFFFFFC0];
	s29 =	sadd.s32 $0x8, s29;
	v10 =	vand.u32 $0xFF, v10;
	v12 =	vand.u32 $0xFF, v12;
	v15 =	vsel vm0, v18, v15  }
0x1dc: {  	vm7 =	veq.s32 v5, v2;
	v5 =	vand.u32 $0xFF, v13;
	v13 =	vand.u32 $0xFF, v17;
	p0 =	slt.u32 s29, $0x3F8  }
0x1dd: {  	vm6 =	veq.s32 v6, v2;
	vm5 =	veq.s32 v7, v2;
	vm4 =	veq.s32 v8, v2  }
0x1de: {  	vm3 =	veq.s32 v9, v2;
	vm2 =	veq.s32 v11, v2;
	vm1 =	veq.s32 v14, v2;
	v6 =	vld [tilespmem:s30+$0xFFFFFFD0]  }
0x1df: {  	v7 =	vor.u32 v0, v4;
	v8 =	vor.u32 v0, v21;
	vm0 =	veq.s32 v16, v2  }
0x1e0: {  	v9 =	vor.u32 v0, v19;
	v11 =	vor.u32 v0, v20;
	v4 =	vshra.s32 v22, $0x1F  }
0x1e1: {  	v16 =	vor.u32 v0, v10;
	v17 =	vor.u32 v0, v12;
	v4 =	vor.u32 $0x80000000, v4;
	v14 =	vld [tilespmem:s30+$0xFFFFFFE0]  }
0x1e2: {  	v18 =	vor.u32 v0, v5;
	v19 =	vor.u32 v0, v13;
	v4 =	vxor.u32 v22, v4  }
0x1e3: {  	v5 =	vshrl.u32 v4, $0x8;
	v10 =	vxor.u32 $0x80000000, v4;
	v12 =	vshra.s32 v6, $0x1F  }
0x1e4: {  	v4 =	vand.u32 $0xFF, v4;
	vm8 =	vlt.s32 v15, v10;
	v12 =	vor.u32 $0x80000000, v12;
	v13 =	vld [tilespmem:s30+$0xFFFFFFF0]  }
0x1e5: {  	vm9 =	vgt.s32 v10, v3;
	v10 =	vsel vm8, v15, v10;
	v20 =	vxor.u32 v6, v12  }
0x1e6: {  	v10 =	vsel vm9, v10, v15;
	v12 =	vxor.u32 $0x80000000, v20;
	v15 =	vshra.s32 v14, $0x1F;
	[tilespmem:v7+s20+$0x0] =	vst.idx.add.s32.msk vm7, v1  }
0x1e7: {  	v6 =	vshrl.u32 v20, $0x8;
	vm7 =	vlt.s32 v10, v12;
	v7 =	vor.u32 $0x80000000, v15;
	v15 =	vld [tilespmem:s30+$0x0]  }
0x1e8: {  	vm8 =	vgt.s32 v12, v3;
	v12 =	vsel vm7, v10, v12;
	v22 =	vxor.u32 v14, v7  }
0x1e9: {  	v10 =	vsel vm8, v12, v10;
	v12 =	vxor.u32 $0x80000000, v22;
	v14 =	vshra.s32 v13, $0x1F;
	[tilespmem:v8+s20+$0x0] =	vst.idx.add.s32.msk vm6, v1  }
0x1ea: {  	v7 =	vshrl.u32 v22, $0x8;
	vm6 =	vlt.s32 v10, v12;
	v8 =	vor.u32 $0x80000000, v14;
	v14 =	vld [tilespmem:s30+$0x10]  }
0x1eb: {  	vm7 =	vgt.s32 v12, v3;
	v12 =	vsel vm6, v10, v12;
	v23 =	vxor.u32 v13, v8  }
0x1ec: {  	v12 =	vsel vm7, v12, v10;
	v10 =	vxor.u32 $0x80000000, v23;
	v13 =	vshra.s32 v15, $0x1F;
	[tilespmem:v9+s20+$0x0] =	vst.idx.add.s32.msk vm5, v1  }
0x1ed: {  	v8 =	vshrl.u32 v23, $0x8;
	vm5 =	vlt.s32 v12, v10;
	v9 =	vor.u32 $0x80000000, v13;
	v13 =	vld [tilespmem:s30+$0x20]  }
0x1ee: {  	vm6 =	vgt.s32 v10, v3;
	v21 =	vsel vm5, v12, v10;
	v10 =	vxor.u32 v15, v9  }
0x1ef: {  	v15 =	vsel vm6, v21, v12;
	v12 =	vxor.u32 $0x80000000, v10;
	v21 =	vshra.s32 v14, $0x1F;
	[tilespmem:v11+s20+$0x0] =	vst.idx.add.s32.msk vm4, v1  }
0x1f0: {  	v9 =	vshrl.u32 v10, $0x8;
	vm4 =	vlt.s32 v15, v12;
	v11 =	vor.u32 $0x80000000, v21;
	v21 =	vld [tilespmem:s30+$0x30]  }
0x1f1: {  	vm5 =	vgt.s32 v12, v3;
	v24 =	vsel vm4, v15, v12;
	v12 =	vxor.u32 v14, v11  }
0x1f2: {  	v14 =	vsel vm5, v24, v15;
	v15 =	vxor.u32 $0x80000000, v12;
	v24 =	vshra.s32 v13, $0x1F;
	[tilespmem:v16+s20+$0x0] =	vst.idx.add.s32.msk vm3, v1  }
0x1f3: {  	v11 =	vshrl.u32 v12, $0x8;
	vm3 =	vlt.s32 v14, v15;
	v16 =	vor.u32 $0x80000000, v24;
	[tilespmem:v17+s20+$0x0] =	vst.idx.add.s32.msk vm2, v1  }
0x1f4: {  	vm2 =	vgt.s32 v15, v3;
	v15 =	vsel vm3, v14, v15;
	v13 =	vxor.u32 v13, v16  }
0x1f5: {  	v15 =	vsel vm2, v15, v14;
	v16 =	vxor.u32 $0x80000000, v13;
	v17 =	vshra.s32 v21, $0x1F;
	[tilespmem:v18+s20+$0x0] =	vst.idx.add.s32.msk vm1, v1  }
.Ltmp5:
0x1f6: {  	v14 =	vshrl.u32 v13, $0x8;
	vm1 =	vlt.s32 v15, v16;
	v17 =	vor.u32 $0x80000000, v17;
	[tilespmem:v19+s20+$0x0] =	vst.idx.add.s32.msk vm0, v1;
	(pc) =	sbr.rel @p0 .LBB2_12-.Ltmp5, $4  }
0x1f7: {  	vm0 =	vgt.s32 v16, v3;
	v16 =	vsel vm1, v15, v16;
	v17 =	vxor.u32 v21, v17  }
0x1f8: {  	v15 =	vsel vm0, v16, v15;
	v16 =	vshrl.u32 v17, $0x8;
	v18 =	vxor.u32 $0x80000000, v17  }
0x1f9: {  	v19 =	vand.u32 $0xFF, v22;
	v21 =	vand.u32 $0xFF, v20;
	vm1 =	vlt.s32 v15, v18  }
0x1fa: {  	s30 =	sadd.s32 $0x80, s30;
	v20 =	vand.u32 $0xFF, v23;
	vm0 =	vgt.s32 v18, v3;
	v18 =	vsel vm1, v15, v18  }
0x1fb: {  	vm1 =	veq.s32 v5, v2  }
0x1fc: {  	vm2 =	veq.s32 v6, v2;
	v4 =	vor.u32 v0, v4  }
0x1fd: {  	vm3 =	veq.s32 v7, v2;
	v5 =	vor.u32 v0, v21  }
0x1fe: {  	vm4 =	veq.s32 v8, v2;
	v6 =	vor.u32 v0, v19  }
0x1ff: {  	v7 =	vand.u32 $0xFF, v10;
	vm5 =	veq.s32 v9, v2;
	v8 =	vor.u32 v0, v20  }
0x200: {  	v9 =	vand.u32 $0xFF, v12;
	vm6 =	veq.s32 v11, v2;
	v7 =	vor.u32 v0, v7  }
0x201: {  	v10 =	vand.u32 $0xFF, v13;
	vm7 =	veq.s32 v14, v2;
	v9 =	vor.u32 v0, v9;
	[tilespmem:v4+s20+$0x0] =	vst.idx.add.s32.msk vm1, v1  }
0x202: {  	v10 =	vor.u32 v0, v10;
	v4 =	vand.u32 $0xFF, v17;
	vm1 =	veq.s32 v16, v2;
	[tilespmem:v5+s20+$0x0] =	vst.idx.add.s32.msk vm2, v1  }
0x203: {  	[tilespmem:v6+s20+$0x0] =	vst.idx.add.s32.msk vm3, v1;
	v4 =	vor.u32 v0, v4  }
0x204: {  	[tilespmem:v8+s20+$0x0] =	vst.idx.add.s32.msk vm4, v1  }
0x205: {  	[tilespmem:v7+s20+$0x0] =	vst.idx.add.s32.msk vm5, v1  }
0x206: {  	[tilespmem:v9+s20+$0x0] =	vst.idx.add.s32.msk vm6, v1  }
0x207: {  	[tilespmem:v10+s20+$0x0] =	vst.idx.add.s32.msk vm7, v1  }
0x208: {  	[tilespmem:v4+s20+$0x0] =	vst.idx.add.s32.msk vm1, v1  }
0x209: {  	[tilespmem:s23], [sflag:$0x2] =	stream.strided.gather [hbm4b:s13+s21], $0x4000, s22, s21, $0x38;
	[tilespmem:$0x9180] =	vst v63  }
0x20a: {  	_ =	swait.ge [sflag:s24], $0x4000  }
0x20b: {  	[sflag:s24] =	ssyncset.done $0x0  }
0x20c: {  	s29 =	simm.s32 $0x40;
	[sflag:s24] =	ssyncadd.s32 $0xFFFFC000  }
0x20d: {  	v4 =	vld [tilespmem:s29+$0xFFFFFFC0];
	_ =	sdelay $0x1  }
0x20e: {  	v6 =	vld [tilespmem:s29+$0xFFFFFFD0];
	_ =	sdelay $0x1  }
0x20f: {  	v7 =	vld [tilespmem:s29+$0xFFFFFFE0]  }
0x210: {  	v5 =	vshra.s32 v4, $0x1F  }
0x211: {  	v5 =	vor.u32 $0x80000000, v5  }
0x212: {  	v10 =	vshra.s32 v6, $0x1F;
	v4 =	vxor.u32 v4, v5  }
0x213: {  	v8 =	vsel vm0, v18, v15;
	v10 =	vor.u32 $0x80000000, v10;
	v9 =	vxor.u32 $0x80000000, v4  }
0x214: {  	v11 =	vld [tilespmem:s29+$0xFFFFFFF0];
	v18 =	vxor.u32 v6, v10;
	v10 =	vshra.s32 v7, $0x1F;
	vm0 =	vlt.s32 v8, v9  }
0x215: {  	v5 =	vshrl.u32 v4, $0x8;
	vm1 =	vgt.s32 v9, v3;
	v9 =	vsel vm0, v8, v9  }
0x216: {  	v4 =	vand.u32 $0xFF, v4;
	v8 =	vsel vm1, v9, v8;
	v9 =	vxor.u32 $0x80000000, v18  }
0x217: {  	v12 =	vld [tilespmem:s29+$0x0];
	v6 =	vshrl.u32 v18, $0x8;
	v10 =	vor.u32 $0x80000000, v10;
	vm0 =	vlt.s32 v8, v9  }
0x218: {  	v19 =	vxor.u32 v7, v10;
	vm1 =	vgt.s32 v9, v3;
	v9 =	vsel vm0, v8, v9  }
0x219: {  	v10 =	vshra.s32 v11, $0x1F;
	v8 =	vsel vm1, v9, v8;
	v9 =	vxor.u32 $0x80000000, v19  }
0x21a: {  	v13 =	vld [tilespmem:s29+$0x10];
	v7 =	vshrl.u32 v19, $0x8;
	v10 =	vor.u32 $0x80000000, v10;
	vm0 =	vlt.s32 v8, v9  }
0x21b: {  	v20 =	vxor.u32 v11, v10;
	vm1 =	vgt.s32 v9, v3;
	v9 =	vsel vm0, v8, v9  }
0x21c: {  	v11 =	vshra.s32 v12, $0x1F;
	v10 =	vxor.u32 $0x80000000, v20;
	v9 =	vsel vm1, v9, v8  }
0x21d: {  	v14 =	vld [tilespmem:s29+$0x20];
	v11 =	vor.u32 $0x80000000, v11;
	v19 =	vand.u32 $0xFF, v19;
	vm0 =	vlt.s32 v9, v10  }
0x21e: {  	vm1 =	vgt.s32 v10, v3;
	v15 =	vsel vm0, v9, v10;
	v10 =	vxor.u32 v12, v11  }
0x21f: {  	v11 =	vsel vm1, v15, v9;
	v12 =	vxor.u32 $0x80000000, v10;
	v15 =	vshra.s32 v13, $0x1F  }
0x220: {  	v16 =	vld [tilespmem:s29+$0x30];
	v8 =	vshrl.u32 v20, $0x8;
	vm0 =	vlt.s32 v11, v12;
	v15 =	vor.u32 $0x80000000, v15  }
0x221: {  	vm1 =	vgt.s32 v12, v3;
	v17 =	vsel vm0, v11, v12;
	v12 =	vxor.u32 v13, v15  }
0x222: {  	v15 =	vsel vm1, v17, v11;
	v13 =	vxor.u32 $0x80000000, v12;
	v17 =	vshra.s32 v14, $0x1F  }
0x223: {  	v20 =	vand.u32 $0xFF, v20;
	vm0 =	vlt.s32 v15, v13;
	v17 =	vor.u32 $0x80000000, v17  }
0x224: {  	vm1 =	vgt.s32 v13, v3;
	v21 =	vsel vm0, v15, v13;
	v13 =	vxor.u32 v14, v17  }
0x225: {  	v15 =	vsel vm1, v21, v15;
	v17 =	vxor.u32 $0x80000000, v13;
	v21 =	vshra.s32 v16, $0x1F  }
0x226: {  	v9 =	vshrl.u32 v10, $0x8;
	vm0 =	vlt.s32 v15, v17;
	v21 =	vor.u32 $0x80000000, v21  }
0x227: {  	vm1 =	vgt.s32 v17, v3;
	v22 =	vsel vm0, v15, v17;
	v17 =	vxor.u32 v16, v21  }
0x228: {  	v11 =	vshrl.u32 v12, $0x8;
	v15 =	vsel vm1, v22, v15;
	v22 =	vxor.u32 $0x80000000, v17  }
0x229: {  	v14 =	vshrl.u32 v13, $0x8;
	v21 =	vand.u32 $0xFF, v18;
	vm1 =	vlt.s32 v15, v22  }
0x22a: {  	s30 =	simm.s32 $0xC0;
	s29 =	simm.s32 $0x0;
	v16 =	vshrl.u32 v17, $0x8;
	vm0 =	vgt.s32 v22, v3;
	v18 =	vsel vm1, v15, v22  }
.LBB2_14:
0x22b: {  	v22 =	vld [tilespmem:s30+$0xFFFFFFC0];
	s29 =	sadd.s32 $0x8, s29;
	v10 =	vand.u32 $0xFF, v10;
	v12 =	vand.u32 $0xFF, v12;
	v15 =	vsel vm0, v18, v15  }
0x22c: {  	vm7 =	veq.s32 v5, v2;
	v5 =	vand.u32 $0xFF, v13;
	v13 =	vand.u32 $0xFF, v17;
	p0 =	slt.u32 s29, $0x3F8  }
0x22d: {  	vm6 =	veq.s32 v6, v2;
	vm5 =	veq.s32 v7, v2;
	vm4 =	veq.s32 v8, v2  }
0x22e: {  	vm3 =	veq.s32 v9, v2;
	vm2 =	veq.s32 v11, v2;
	vm1 =	veq.s32 v14, v2;
	v6 =	vld [tilespmem:s30+$0xFFFFFFD0]  }
0x22f: {  	v7 =	vor.u32 v0, v4;
	v8 =	vor.u32 v0, v21;
	vm0 =	veq.s32 v16, v2  }
0x230: {  	v9 =	vor.u32 v0, v19;
	v11 =	vor.u32 v0, v20;
	v4 =	vshra.s32 v22, $0x1F  }
0x231: {  	v16 =	vor.u32 v0, v10;
	v17 =	vor.u32 v0, v12;
	v4 =	vor.u32 $0x80000000, v4;
	v14 =	vld [tilespmem:s30+$0xFFFFFFE0]  }
0x232: {  	v18 =	vor.u32 v0, v5;
	v19 =	vor.u32 v0, v13;
	v4 =	vxor.u32 v22, v4  }
0x233: {  	v5 =	vshrl.u32 v4, $0x8;
	v10 =	vxor.u32 $0x80000000, v4;
	v12 =	vshra.s32 v6, $0x1F  }
0x234: {  	v4 =	vand.u32 $0xFF, v4;
	vm8 =	vlt.s32 v15, v10;
	v12 =	vor.u32 $0x80000000, v12;
	v13 =	vld [tilespmem:s30+$0xFFFFFFF0]  }
0x235: {  	vm9 =	vgt.s32 v10, v3;
	v10 =	vsel vm8, v15, v10;
	v20 =	vxor.u32 v6, v12  }
0x236: {  	v10 =	vsel vm9, v10, v15;
	v12 =	vxor.u32 $0x80000000, v20;
	v15 =	vshra.s32 v14, $0x1F;
	[tilespmem:v7+s20+$0x0] =	vst.idx.add.s32.msk vm7, v1  }
0x237: {  	v6 =	vshrl.u32 v20, $0x8;
	vm7 =	vlt.s32 v10, v12;
	v7 =	vor.u32 $0x80000000, v15;
	v15 =	vld [tilespmem:s30+$0x0]  }
0x238: {  	vm8 =	vgt.s32 v12, v3;
	v12 =	vsel vm7, v10, v12;
	v22 =	vxor.u32 v14, v7  }
0x239: {  	v10 =	vsel vm8, v12, v10;
	v12 =	vxor.u32 $0x80000000, v22;
	v14 =	vshra.s32 v13, $0x1F;
	[tilespmem:v8+s20+$0x0] =	vst.idx.add.s32.msk vm6, v1  }
0x23a: {  	v7 =	vshrl.u32 v22, $0x8;
	vm6 =	vlt.s32 v10, v12;
	v8 =	vor.u32 $0x80000000, v14;
	v14 =	vld [tilespmem:s30+$0x10]  }
0x23b: {  	vm7 =	vgt.s32 v12, v3;
	v12 =	vsel vm6, v10, v12;
	v23 =	vxor.u32 v13, v8  }
0x23c: {  	v12 =	vsel vm7, v12, v10;
	v10 =	vxor.u32 $0x80000000, v23;
	v13 =	vshra.s32 v15, $0x1F;
	[tilespmem:v9+s20+$0x0] =	vst.idx.add.s32.msk vm5, v1  }
0x23d: {  	v8 =	vshrl.u32 v23, $0x8;
	vm5 =	vlt.s32 v12, v10;
	v9 =	vor.u32 $0x80000000, v13;
	v13 =	vld [tilespmem:s30+$0x20]  }
0x23e: {  	vm6 =	vgt.s32 v10, v3;
	v21 =	vsel vm5, v12, v10;
	v10 =	vxor.u32 v15, v9  }
0x23f: {  	v15 =	vsel vm6, v21, v12;
	v12 =	vxor.u32 $0x80000000, v10;
	v21 =	vshra.s32 v14, $0x1F;
	[tilespmem:v11+s20+$0x0] =	vst.idx.add.s32.msk vm4, v1  }
0x240: {  	v9 =	vshrl.u32 v10, $0x8;
	vm4 =	vlt.s32 v15, v12;
	v11 =	vor.u32 $0x80000000, v21;
	v21 =	vld [tilespmem:s30+$0x30]  }
0x241: {  	vm5 =	vgt.s32 v12, v3;
	v24 =	vsel vm4, v15, v12;
	v12 =	vxor.u32 v14, v11  }
0x242: {  	v14 =	vsel vm5, v24, v15;
	v15 =	vxor.u32 $0x80000000, v12;
	v24 =	vshra.s32 v13, $0x1F;
	[tilespmem:v16+s20+$0x0] =	vst.idx.add.s32.msk vm3, v1  }
0x243: {  	v11 =	vshrl.u32 v12, $0x8;
	vm3 =	vlt.s32 v14, v15;
	v16 =	vor.u32 $0x80000000, v24;
	[tilespmem:v17+s20+$0x0] =	vst.idx.add.s32.msk vm2, v1  }
0x244: {  	vm2 =	vgt.s32 v15, v3;
	v15 =	vsel vm3, v14, v15;
	v13 =	vxor.u32 v13, v16  }
0x245: {  	v15 =	vsel vm2, v15, v14;
	v16 =	vxor.u32 $0x80000000, v13;
	v17 =	vshra.s32 v21, $0x1F;
	[tilespmem:v18+s20+$0x0] =	vst.idx.add.s32.msk vm1, v1  }
.Ltmp6:
0x246: {  	v14 =	vshrl.u32 v13, $0x8;
	vm1 =	vlt.s32 v15, v16;
	v17 =	vor.u32 $0x80000000, v17;
	[tilespmem:v19+s20+$0x0] =	vst.idx.add.s32.msk vm0, v1;
	(pc) =	sbr.rel @p0 .LBB2_14-.Ltmp6, $4  }
0x247: {  	vm0 =	vgt.s32 v16, v3;
	v16 =	vsel vm1, v15, v16;
	v17 =	vxor.u32 v21, v17  }
0x248: {  	v15 =	vsel vm0, v16, v15;
	v16 =	vshrl.u32 v17, $0x8;
	v18 =	vxor.u32 $0x80000000, v17  }
0x249: {  	v19 =	vand.u32 $0xFF, v22;
	v21 =	vand.u32 $0xFF, v20;
	vm1 =	vlt.s32 v15, v18  }
0x24a: {  	s30 =	sadd.s32 $0x80, s30;
	v20 =	vand.u32 $0xFF, v23;
	vm0 =	vgt.s32 v18, v3;
	v18 =	vsel vm1, v15, v18  }
0x24b: {  	vm1 =	veq.s32 v5, v2  }
0x24c: {  	vm2 =	veq.s32 v6, v2;
	v4 =	vor.u32 v0, v4  }
0x24d: {  	vm3 =	veq.s32 v7, v2;
	v5 =	vor.u32 v0, v21  }
0x24e: {  	vm4 =	veq.s32 v8, v2;
	v6 =	vor.u32 v0, v19  }
0x24f: {  	v7 =	vand.u32 $0xFF, v10;
	vm5 =	veq.s32 v9, v2;
	v8 =	vor.u32 v0, v20  }
0x250: {  	v9 =	vand.u32 $0xFF, v12;
	vm6 =	veq.s32 v11, v2;
	v7 =	vor.u32 v0, v7  }
0x251: {  	v10 =	vand.u32 $0xFF, v13;
	vm7 =	veq.s32 v14, v2;
	v9 =	vor.u32 v0, v9;
	[tilespmem:v4+s20+$0x0] =	vst.idx.add.s32.msk vm1, v1  }
0x252: {  	v10 =	vor.u32 v0, v10;
	v4 =	vand.u32 $0xFF, v17;
	vm1 =	veq.s32 v16, v2;
	[tilespmem:v5+s20+$0x0] =	vst.idx.add.s32.msk vm2, v1  }
0x253: {  	[tilespmem:v6+s20+$0x0] =	vst.idx.add.s32.msk vm3, v1;
	v4 =	vor.u32 v0, v4  }
0x254: {  	[tilespmem:v8+s20+$0x0] =	vst.idx.add.s32.msk vm4, v1  }
0x255: {  	[tilespmem:v7+s20+$0x0] =	vst.idx.add.s32.msk vm5, v1  }
0x256: {  	[tilespmem:v9+s20+$0x0] =	vst.idx.add.s32.msk vm6, v1  }
0x257: {  	[tilespmem:v10+s20+$0x0] =	vst.idx.add.s32.msk vm7, v1  }
0x258: {  	[tilespmem:v4+s20+$0x0] =	vst.idx.add.s32.msk vm1, v1  }
0x259: {  	_ =	swait.ge [sflag:s25], $0x4000  }
0x25a: {  	[sflag:s25] =	ssyncset.done $0x0  }
0x25b: {  	s29 =	simm.s32 $0x4040;
	[sflag:s25] =	ssyncadd.s32 $0xFFFFC000  }
0x25c: {  	v4 =	vld [tilespmem:s29+$0xFFFFFFC0];
	_ =	sdelay $0x1  }
0x25d: {  	v6 =	vld [tilespmem:s29+$0xFFFFFFD0];
	_ =	sdelay $0x1  }
0x25e: {  	v7 =	vld [tilespmem:s29+$0xFFFFFFE0]  }
0x25f: {  	v5 =	vshra.s32 v4, $0x1F  }
0x260: {  	v5 =	vor.u32 $0x80000000, v5  }
0x261: {  	v10 =	vshra.s32 v6, $0x1F;
	v4 =	vxor.u32 v4, v5  }
0x262: {  	v8 =	vsel vm0, v18, v15;
	v10 =	vor.u32 $0x80000000, v10;
	v9 =	vxor.u32 $0x80000000, v4  }
0x263: {  	v11 =	vld [tilespmem:s29+$0xFFFFFFF0];
	v18 =	vxor.u32 v6, v10;
	v10 =	vshra.s32 v7, $0x1F;
	vm0 =	vlt.s32 v8, v9  }
0x264: {  	v5 =	vshrl.u32 v4, $0x8;
	vm1 =	vgt.s32 v9, v3;
	v9 =	vsel vm0, v8, v9  }
0x265: {  	v4 =	vand.u32 $0xFF, v4;
	v8 =	vsel vm1, v9, v8;
	v9 =	vxor.u32 $0x80000000, v18  }
0x266: {  	v12 =	vld [tilespmem:s29+$0x0];
	v6 =	vshrl.u32 v18, $0x8;
	v10 =	vor.u32 $0x80000000, v10;
	vm0 =	vlt.s32 v8, v9  }
0x267: {  	v19 =	vxor.u32 v7, v10;
	vm1 =	vgt.s32 v9, v3;
	v9 =	vsel vm0, v8, v9  }
0x268: {  	v10 =	vshra.s32 v11, $0x1F;
	v8 =	vsel vm1, v9, v8;
	v9 =	vxor.u32 $0x80000000, v19  }
0x269: {  	v13 =	vld [tilespmem:s29+$0x10];
	v7 =	vshrl.u32 v19, $0x8;
	v10 =	vor.u32 $0x80000000, v10;
	vm0 =	vlt.s32 v8, v9  }
0x26a: {  	v21 =	vxor.u32 v11, v10;
	vm1 =	vgt.s32 v9, v3;
	v9 =	vsel vm0, v8, v9  }
0x26b: {  	v11 =	vshra.s32 v12, $0x1F;
	v10 =	vxor.u32 $0x80000000, v21;
	v9 =	vsel vm1, v9, v8  }
0x26c: {  	v14 =	vld [tilespmem:s29+$0x20];
	v11 =	vor.u32 $0x80000000, v11;
	v8 =	vshrl.u32 v21, $0x8;
	vm0 =	vlt.s32 v9, v10  }
0x26d: {  	vm1 =	vgt.s32 v10, v3;
	v15 =	vsel vm0, v9, v10;
	v10 =	vxor.u32 v12, v11  }
0x26e: {  	v11 =	vsel vm1, v15, v9;
	v12 =	vxor.u32 $0x80000000, v10;
	v15 =	vshra.s32 v13, $0x1F  }
0x26f: {  	v16 =	vld [tilespmem:s29+$0x30];
	v9 =	vshrl.u32 v10, $0x8;
	vm0 =	vlt.s32 v11, v12;
	v15 =	vor.u32 $0x80000000, v15  }
0x270: {  	vm1 =	vgt.s32 v12, v3;
	v17 =	vsel vm0, v11, v12;
	v12 =	vxor.u32 v13, v15  }
0x271: {  	v15 =	vsel vm1, v17, v11;
	v13 =	vxor.u32 $0x80000000, v12;
	v17 =	vshra.s32 v14, $0x1F  }
0x272: {  	v11 =	vshrl.u32 v12, $0x8;
	vm0 =	vlt.s32 v15, v13;
	v17 =	vor.u32 $0x80000000, v17  }
0x273: {  	vm1 =	vgt.s32 v13, v3;
	v20 =	vsel vm0, v15, v13;
	v13 =	vxor.u32 v14, v17  }
0x274: {  	v15 =	vsel vm1, v20, v15;
	v17 =	vxor.u32 $0x80000000, v13;
	v20 =	vshra.s32 v16, $0x1F  }
0x275: {  	v14 =	vshrl.u32 v13, $0x8;
	vm0 =	vlt.s32 v15, v17;
	v20 =	vor.u32 $0x80000000, v20  }
0x276: {  	vm1 =	vgt.s32 v17, v3;
	v22 =	vsel vm0, v15, v17;
	v17 =	vxor.u32 v16, v20  }
0x277: {  	v20 =	vand.u32 $0xFF, v18;
	v16 =	vsel vm1, v22, v15;
	v22 =	vxor.u32 $0x80000000, v17  }
0x278: {  	v18 =	vand.u32 $0xFF, v19;
	v19 =	vand.u32 $0xFF, v21;
	vm1 =	vlt.s32 v16, v22  }
0x279: {  	s30 =	simm.s32 $0x40C0;
	s29 =	simm.s32 $0x0;
	v15 =	vshrl.u32 v17, $0x8;
	vm0 =	vgt.s32 v22, v3;
	v21 =	vsel vm1, v16, v22  }
.LBB2_16:
0x27a: {  	v22 =	vld [tilespmem:s30+$0xFFFFFFC0];
	s29 =	sadd.s32 $0x8, s29;
	v10 =	vand.u32 $0xFF, v10;
	v12 =	vand.u32 $0xFF, v12;
	v16 =	vsel vm0, v21, v16  }
0x27b: {  	vm7 =	veq.s32 v5, v2;
	v5 =	vand.u32 $0xFF, v13;
	v13 =	vand.u32 $0xFF, v17;
	p0 =	slt.u32 s29, $0x3F8  }
0x27c: {  	vm6 =	veq.s32 v6, v2;
	vm5 =	veq.s32 v7, v2;
	vm4 =	veq.s32 v8, v2  }
0x27d: {  	vm3 =	veq.s32 v9, v2;
	vm2 =	veq.s32 v11, v2;
	vm1 =	veq.s32 v14, v2;
	v6 =	vld [tilespmem:s30+$0xFFFFFFD0]  }
0x27e: {  	v7 =	vor.u32 v0, v4;
	v8 =	vor.u32 v0, v20;
	vm0 =	veq.s32 v15, v2  }
0x27f: {  	v9 =	vor.u32 v0, v18;
	v11 =	vor.u32 v0, v19;
	v4 =	vshra.s32 v22, $0x1F  }
0x280: {  	v15 =	vor.u32 v0, v10;
	v17 =	vor.u32 v0, v12;
	v4 =	vor.u32 $0x80000000, v4;
	v14 =	vld [tilespmem:s30+$0xFFFFFFE0]  }
0x281: {  	v18 =	vor.u32 v0, v5;
	v19 =	vor.u32 v0, v13;
	v4 =	vxor.u32 v22, v4  }
0x282: {  	v5 =	vshrl.u32 v4, $0x8;
	v10 =	vxor.u32 $0x80000000, v4;
	v12 =	vshra.s32 v6, $0x1F  }
0x283: {  	v4 =	vand.u32 $0xFF, v4;
	vm8 =	vlt.s32 v16, v10;
	v12 =	vor.u32 $0x80000000, v12;
	v13 =	vld [tilespmem:s30+$0xFFFFFFF0]  }
0x284: {  	vm9 =	vgt.s32 v10, v3;
	v10 =	vsel vm8, v16, v10;
	v20 =	vxor.u32 v6, v12  }
0x285: {  	v10 =	vsel vm9, v10, v16;
	v12 =	vxor.u32 $0x80000000, v20;
	v16 =	vshra.s32 v14, $0x1F;
	[tilespmem:v7+s20+$0x0] =	vst.idx.add.s32.msk vm7, v1  }
0x286: {  	v6 =	vshrl.u32 v20, $0x8;
	vm7 =	vlt.s32 v10, v12;
	v7 =	vor.u32 $0x80000000, v16;
	v16 =	vld [tilespmem:s30+$0x0]  }
0x287: {  	vm8 =	vgt.s32 v12, v3;
	v12 =	vsel vm7, v10, v12;
	v21 =	vxor.u32 v14, v7  }
0x288: {  	v10 =	vsel vm8, v12, v10;
	v12 =	vxor.u32 $0x80000000, v21;
	v14 =	vshra.s32 v13, $0x1F;
	[tilespmem:v8+s20+$0x0] =	vst.idx.add.s32.msk vm6, v1  }
0x289: {  	v7 =	vshrl.u32 v21, $0x8;
	vm6 =	vlt.s32 v10, v12;
	v8 =	vor.u32 $0x80000000, v14;
	v14 =	vld [tilespmem:s30+$0x10]  }
0x28a: {  	vm7 =	vgt.s32 v12, v3;
	v12 =	vsel vm6, v10, v12;
	v22 =	vxor.u32 v13, v8  }
0x28b: {  	v12 =	vsel vm7, v12, v10;
	v10 =	vxor.u32 $0x80000000, v22;
	v13 =	vshra.s32 v16, $0x1F;
	[tilespmem:v9+s20+$0x0] =	vst.idx.add.s32.msk vm5, v1  }
0x28c: {  	v8 =	vshrl.u32 v22, $0x8;
	vm5 =	vlt.s32 v12, v10;
	v9 =	vor.u32 $0x80000000, v13;
	v13 =	vld [tilespmem:s30+$0x20]  }
0x28d: {  	vm6 =	vgt.s32 v10, v3;
	v23 =	vsel vm5, v12, v10;
	v10 =	vxor.u32 v16, v9  }
0x28e: {  	v16 =	vsel vm6, v23, v12;
	v12 =	vxor.u32 $0x80000000, v10;
	v23 =	vshra.s32 v14, $0x1F;
	[tilespmem:v11+s20+$0x0] =	vst.idx.add.s32.msk vm4, v1  }
0x28f: {  	v9 =	vshrl.u32 v10, $0x8;
	vm4 =	vlt.s32 v16, v12;
	v11 =	vor.u32 $0x80000000, v23;
	v23 =	vld [tilespmem:s30+$0x30]  }
0x290: {  	vm5 =	vgt.s32 v12, v3;
	v24 =	vsel vm4, v16, v12;
	v12 =	vxor.u32 v14, v11  }
0x291: {  	v14 =	vsel vm5, v24, v16;
	v16 =	vxor.u32 $0x80000000, v12;
	v24 =	vshra.s32 v13, $0x1F;
	[tilespmem:v15+s20+$0x0] =	vst.idx.add.s32.msk vm3, v1  }
0x292: {  	v11 =	vshrl.u32 v12, $0x8;
	vm3 =	vlt.s32 v14, v16;
	v15 =	vor.u32 $0x80000000, v24;
	[tilespmem:v17+s20+$0x0] =	vst.idx.add.s32.msk vm2, v1  }
0x293: {  	vm2 =	vgt.s32 v16, v3;
	v16 =	vsel vm3, v14, v16;
	v13 =	vxor.u32 v13, v15  }
0x294: {  	v15 =	vsel vm2, v16, v14;
	v16 =	vxor.u32 $0x80000000, v13;
	v17 =	vshra.s32 v23, $0x1F;
	[tilespmem:v18+s20+$0x0] =	vst.idx.add.s32.msk vm1, v1  }
.Ltmp7:
0x295: {  	v14 =	vshrl.u32 v13, $0x8;
	vm1 =	vlt.s32 v15, v16;
	v17 =	vor.u32 $0x80000000, v17;
	[tilespmem:v19+s20+$0x0] =	vst.idx.add.s32.msk vm0, v1;
	(pc) =	sbr.rel @p0 .LBB2_16-.Ltmp7, $4  }
0x296: {  	vm0 =	vgt.s32 v16, v3;
	v16 =	vsel vm1, v15, v16;
	v17 =	vxor.u32 v23, v17  }
0x297: {  	v16 =	vsel vm0, v16, v15;
	v15 =	vshrl.u32 v17, $0x8;
	v23 =	vxor.u32 $0x80000000, v17  }
0x298: {  	v20 =	vand.u32 $0xFF, v20;
	v18 =	vand.u32 $0xFF, v21;
	vm1 =	vlt.s32 v16, v23  }
0x299: {  	s30 =	sadd.s32 $0x80, s30;
	v19 =	vand.u32 $0xFF, v22;
	vm0 =	vgt.s32 v23, v3;
	v21 =	vsel vm1, v16, v23  }
0x29a: {  	vm1 =	veq.s32 v5, v2  }
0x29b: {  	vm2 =	veq.s32 v6, v2;
	v3 =	vor.u32 v0, v4  }
0x29c: {  	vm3 =	veq.s32 v7, v2;
	v58 =	vor.u32 v0, v20  }
0x29d: {  	vm4 =	veq.s32 v8, v2;
	v59 =	vor.u32 v0, v18  }
0x29e: {  	v60 =	vand.u32 $0xFF, v10;
	vm5 =	veq.s32 v9, v2;
	v61 =	vor.u32 v0, v19  }
0x29f: {  	v62 =	vand.u32 $0xFF, v12;
	vm6 =	veq.s32 v11, v2;
	v6 =	vor.u32 v0, v60  }
0x2a0: {  	v63 =	vand.u32 $0xFF, v13;
	vm7 =	veq.s32 v14, v2;
	v8 =	vor.u32 v0, v62;
	[tilespmem:v3+s20+$0x0] =	vst.idx.add.s32.msk vm1, v1  }
0x2a1: {  	vm15 =	veq.s32 v15, v2;
	v2 =	vor.u32 v0, v63;
	v3 =	vand.u32 $0xFF, v17;
	[tilespmem:v58+s20+$0x0] =	vst.idx.add.s32.msk vm2, v1  }
0x2a2: {  	[tilespmem:v59+s20+$0x0] =	vst.idx.add.s32.msk vm3, v1;
	v3 =	vor.u32 v0, v3  }
0x2a3: {  	[tilespmem:v61+s20+$0x0] =	vst.idx.add.s32.msk vm4, v1  }
0x2a4: {  	[tilespmem:v6+s20+$0x0] =	vst.idx.add.s32.msk vm5, v1  }
0x2a5: {  	[tilespmem:v8+s20+$0x0] =	vst.idx.add.s32.msk vm6, v1  }
0x2a6: {  	[tilespmem:v2+s20+$0x0] =	vst.idx.add.s32.msk vm7, v1  }
0x2a7: {  	v2 =	vsel vm0, v21, v16;
	[tilespmem:v3+s20+$0x0] =	vst.idx.add.s32.msk vm15, v1  }
0x2a8: {  	[tilespmem:$0x9100] =	vst v2  }
0x2a9: {  	[hbm4b:s14+s2] =	stream.linear.scatter [tilespmem:s20], [sflag:$0x3], $0x1000, $0x38;
	[tilespmem:$0x9180] =	vst v63  }
0x2aa: {  	s28 =	sadd.s32 $0x1, s28;
	_ =	swait.ge [sflag:s18], $0x1000  }
0x2ab: {  	p0 =	sne.s32 s28, s16;
	[sflag:s18] =	ssyncset.done $0x0  }
.Ltmp8:
0x2ac: {  	[sflag:s18] =	ssyncadd.s32 $0xFFFFF000;
	(pc) =	sbr.rel @p0 .LBB2_1-.Ltmp8, $4  }
0x2ad: {  	[hbm4b:s15+s2] =	stream.linear.scatter [tilespmem:s26], [sflag:$0x3], $0x80, $0x38;
	[tilespmem:$0x9180] =	vst v63  }
0x2ae: {  	_ =	swait.ge [sflag:s18], $0x80  }
0x2af: {  	[sflag:s18] =	ssyncset.done $0x0  }
0x2b0: {  	[sflag:s18] =	ssyncadd.s32 $0xFFFFFF80  }
0x2b1: {  	_ =	sfence.sel $0x180000  }
0x2b2: {  	[bflag:$0x0] =	sbarrier.arrive $0xFFFF  }
0x2b3: {  	p0 =	sne.s32 s1, $0x0;
	_ =	strace $0x9000004D  }
0x2b4: {  	s0 =	sadd.s32 @!p0 $0x100000, s0;
	[bflag:$0x2] =	sbarrier.arrive $0xFFFF  }
0x2b5: {  	[sflag:s0] =	ssyncadd.tile.s32 @!p0 $0x1;
	_ =	shalt  }
.Lfunc_end2:
_tile_overlayer_lowered:
.L_overlay_start_2:
0x2b6: {  	(tag) =	ssettag $0x2  }
0x2b7: {  	s0 =	rddreg [dreg:$0x0];
	s2 =	stileid.u32  }
0x2b8: {  	s1 =	rddreg [dreg:$0x1];
	p0 =	sne.s32 s2, $0x0  }
0x2b9: {  	s3 =	rddreg [dreg:$0x2];
	[bflag:$0x3] =	sbarrier.arrive $0xFFFF;
	s2 =	simm.s32 @!p0 $0x1C03  }
0x2ba: {  	[timem:s3], [sflag:s2] =	dma.local @!p0 [hbm:s0], s1  }
0x2bb: {  	s0 =	simm.s32 @!p0 $0x3  }
0x2bc: {  	_ =	swait.ge @!p0 [sflag:s0], s1  }
0x2bd: {  	s1 =	ssub.s32 @!p0 $0x0, s1;
	[sflag:s0] =	ssyncset.done @!p0 $0x0  }
0x2be: {  	[sflag:s0] =	ssyncadd.s32 @!p0 s1  }
0x2bf: {  	[bflag:$0x3] =	sbarrier.arrive $0xFFFF  }
0x2c0: {  	_ =	shalt  }

// kernel: kernel.8.cloned.1.call-start
scs
__scs_entry_jumppad:
0x0: {  	(pc) =	sbr.rel $0x88, $3  }
0x1: {  	(tag) =	ssettag $0x0;
	lr =	simm.s32 $0x1  }
0x2: {  	[smem:$0x3FA0] =	sst lr;
	_ =	strace $0xD0000000  }
0x3: {  	_ = 	snop  }
0x4: {  	_ = 	snop  }
0x5: {  	_ = 	snop  }
0x6: {  	_ = 	snop  }
0x7: {  	_ = 	snop  }
__scs_overlays_trampoline_lowered:
0x8: {  	[smem:$0x3FAF] =	sst s0  }
0x9: {  	[smem:$0x3FB0] =	sst s1  }
0xa: {  	[smem:$0x3FB1] =	sst s2  }
0xb: {  	[smem:$0x3FB2] =	sst s3  }
0xc: {  	[smem:$0x3FB3] =	sst s4  }
0xd: {  	[smem:$0x3FB4] =	sst s5  }
0xe: {  	[smem:$0x3FB5] =	sst s6  }
0xf: {  	[smem:$0x3FB6] =	sst s7  }
0x10: {  	[smem:$0x3FB7] =	sst s8  }
0x11: {  	[smem:$0x3FB8] =	sst s9;
	s0 =	simm.s32 @!p0 $0x0  }
0x12: {  	s1 =	sld [smem:$0x3F9E];
	s0 =	simm.s32 @p0 $0x1  }
0x13: {  	[smem:$0x3FB9] =	sst s0;
	s0 =	simm.s32 @!p1 $0x0  }
0x14: {  	s2 =	sld [smem:$0x3F9D];
	s0 =	simm.s32 @p1 $0x1  }
0x15: {  	[smem:$0x3FBA] =	sst s0;
	s0 =	simm.s32 @!p2 $0x0  }
0x16: {  	s3 =	sld [smem:$0x3FDB];
	s0 =	simm.s32 @p2 $0x1  }
0x17: {  	s4 =	simm.s32 $0x1BF5;
	[smem:$0x3FBC] =	sst s0  }
0x18: {  	s0 =	sld [smem:$0x3F9F];
	_ =	swait.ge [sflag:s4], $0x0  }
0x19: {  	s7 =	sld [smem:$0x3FA0]  }
0x1a: {  	s8 =	sadd.s32 $0xFFFFE003, lr  }
0x1b: {  	s9 =	sadd.s32 $0xFFFFFEF7, lr;
	s5 =	simm.s32 $0xFFFFFFFF;
	p2 =	slt.u32 s8, $0xFFFFF086  }
0x1c: {  	p1 =	slt.u32 s9, $0xF7A;
	s5 =	simm.s32 @!p2 $0x0  }
0x1d: {  	s5 =	simm.s32 @p1 $0x1;
	p0 =	seq.s32 s7, s2  }
0x1e: {  	s7 =	smul.u32 @!p0 $0xF7A, s2;
	p2 =	seq.s32 @!p0 s5, $0x0  }
0x1f: {  	s9 =	smul.u32 $0xF7A, s1;
	s8 =	simm.s32 @!p0 $0x1BF5;
	p2 =	por !p2, p0  }
0x20: {  	[sflag:s8] =	ssyncset.s32 @!p0 $0xFFFFF086;
	s6 =	sadd.s32 @!p0 s3, s7;
	s7 =	simm.s32 @!p0 $0x108  }
0x21: {  	s3 =	sadd.s32 s3, s9;
	s6 =	sadd.s32 @!p0 $0x88, s6;
	s7 =	simm.s32 @p2 $0x1082  }
0x22: {  	[simem:s7], [sflag:s8] =	dma.local @!p0 [hbm:s6], $0xF7A  }
0x23: {  	s9 =	sor.u32 $0xD0000000, s2;
	s6 =	simm.s32 $0x108;
	_ =	swait.ge @!p0 [sflag:s8], $0x0  }
0x24: {  	s3 =	sadd.s32 $0x88, s3;
	s6 =	simm.s32 @!p1 $0x1082;
	[sflag:s4] =	ssyncset.s32 $0xFFFFF086  }
0x25: {  	[simem:s6], [sflag:s4] =	dma.local [hbm:s3], $0xF7A  }
0x26: {  	[smem:$0x3FA0] =	sst s1;
	(tag) =	ssettag s2;
	_ =	strace s9  }
0x27: {  	s1 =	sld [smem:$0x3FB0]  }
0x28: {  	s2 =	sld [smem:$0x3FB1]  }
0x29: {  	s4 =	sld [smem:$0x3FB3]  }
0x2a: {  	p0 =	seq.s32 s5, $0x0;
	s5 =	sld [smem:$0x3FB4]  }
0x2b: {  	s6 =	sld [smem:$0x3FB5]  }
0x2c: {  	s7 =	sld [smem:$0x3FB6]  }
0x2d: {  	s3 =	simm.s32 $0x108;
	s8 =	sld [smem:$0x3FB7]  }
0x2e: {  	s3 =	simm.s32 @!p0 $0x1082;
	s9 =	sld [smem:$0x3FB8]  }
0x2f: {  	lr =	sadd.s32 s0, s3;
	s0 =	sld [smem:$0x3FAF]  }
0x30: {  	s3 =	sld [smem:$0x3FB2]  }
0x31: {  	[smem:$0x3FBB] =	sst s10  }
0x32: {  	s10 =	sld [smem:$0x3FB9];
	_ =	sdelay $0x3  }
0x33: {  	p0 =	seq.s32 s10, $0x1;
	s10 =	sld [smem:$0x3FBB];
	_ =	sdelay $0x3  }
0x34: {  	[smem:$0x3FBB] =	sst s10  }
0x35: {  	s10 =	sld [smem:$0x3FBA];
	_ =	sdelay $0x3  }
0x36: {  	p1 =	seq.s32 s10, $0x1;
	s10 =	sld [smem:$0x3FBB];
	_ =	sdelay $0x3  }
0x37: {  	[smem:$0x3FBB] =	sst s10  }
0x38: {  	s10 =	sld [smem:$0x3FBC]  }
0x39: {  	_ = 	snop;
	(pc) =	sbr.ind lr, $3  }
0x3a: {  	_ = 	snop  }
0x3b: {  	_ = 	snop  }
0x3c: {  	p2 =	seq.s32 s10, $0x1;
	s10 =	sld [smem:$0x3FBB]  }
0x3d: {  	_ =	shalt  }
0x3e: {  	_ =	shalt  }
0x3f: {  	_ =	shalt  }
0x40: {  	_ =	shalt  }
0x41: {  	_ =	shalt  }
0x42: {  	_ =	shalt  }
0x43: {  	_ =	shalt  }
0x44: {  	_ =	shalt  }
0x45: {  	_ =	shalt  }
0x46: {  	_ =	shalt  }
0x47: {  	_ =	shalt  }
0x48: {  	_ =	shalt  }
0x49: {  	_ =	shalt  }
0x4a: {  	_ =	shalt  }
0x4b: {  	_ =	shalt  }
0x4c: {  	_ =	shalt  }
0x4d: {  	_ =	shalt  }
0x4e: {  	_ =	shalt  }
0x4f: {  	_ =	shalt  }
0x50: {  	_ =	shalt  }
0x51: {  	_ =	shalt  }
0x52: {  	_ =	shalt  }
0x53: {  	_ =	shalt  }
0x54: {  	_ =	shalt  }
0x55: {  	_ =	shalt  }
0x56: {  	_ =	shalt  }
0x57: {  	_ =	shalt  }
0x58: {  	_ =	shalt  }
0x59: {  	_ =	shalt  }
0x5a: {  	_ =	shalt  }
0x5b: {  	_ =	shalt  }
0x5c: {  	_ =	shalt  }
0x5d: {  	_ =	shalt  }
0x5e: {  	_ =	shalt  }
0x5f: {  	_ =	shalt  }
0x60: {  	_ =	shalt  }
0x61: {  	_ =	shalt  }
0x62: {  	_ =	shalt  }
0x63: {  	_ =	shalt  }
0x64: {  	_ =	shalt  }
0x65: {  	_ =	shalt  }
0x66: {  	_ =	shalt  }
0x67: {  	_ =	shalt  }
0x68: {  	_ =	shalt  }
0x69: {  	_ =	shalt  }
0x6a: {  	_ =	shalt  }
0x6b: {  	_ =	shalt  }
0x6c: {  	_ =	shalt  }
0x6d: {  	_ =	shalt  }
0x6e: {  	_ =	shalt  }
0x6f: {  	_ =	shalt  }
0x70: {  	_ =	shalt  }
0x71: {  	_ =	shalt  }
0x72: {  	_ =	shalt  }
0x73: {  	_ =	shalt  }
0x74: {  	_ =	shalt  }
0x75: {  	_ =	shalt  }
0x76: {  	_ =	shalt  }
0x77: {  	_ =	shalt  }
0x78: {  	_ =	shalt  }
0x79: {  	_ =	shalt  }
0x7a: {  	_ =	shalt  }
0x7b: {  	_ =	shalt  }
0x7c: {  	_ =	shalt  }
0x7d: {  	_ =	shalt  }
0x7e: {  	_ =	shalt  }
0x7f: {  	_ =	shalt  }
0x80: {  	_ =	shalt  }
0x81: {  	_ =	shalt  }
0x82: {  	_ =	shalt  }
0x83: {  	_ =	shalt  }
0x84: {  	_ =	shalt  }
0x85: {  	_ =	shalt  }
0x86: {  	_ =	shalt  }
0x87: {  	_ =	shalt  }
.Lfunc_end0:
.L_simem_size_0:
called_computation_lowered:
.L_overlay_start_0:
0x88: {  	s2 =	sld [smem:$0x3FD9]  }
0x89: {  	s3 =	sld [smem:$0x3FFE];
	_ =	sdelay $0x1  }
0x8a: {  	s1 =	srdreg.scid  }
0x8b: {  	s0 =	sand.u32 $0x1, s1  }
0x8c: {  	s17 =	sshll.u32 s0, $0xA;
	s2 =	sadd.s32 s3, s2  }
0x8d: {  	s2 =	sadd.s32 s2, s17  }
0x8e: {  	[smem:$0x3FC7] =	sst s2  }
0x8f: {  	_ = 	snop  }
0x90: {  	s2 =	sld [smem:$0x3FC9]  }
0x91: {  	s18 =	sld [smem:$0x3FD0];
	(tm) =	ssettm $0x1  }
0x92: {  	s4 =	sld [smem:$0x3FFB];
	_ =	sdelay $0x3  }
0x93: {  	_ =	strace s4  }
0x94: {  	s4 =	sld [smem:$0x3FFC];
	_ =	sdelay $0x3  }
0x95: {  	_ =	strace s4  }
0x96: {  	s4 =	sld [smem:$0x3FFD];
	_ =	sdelay $0x3  }
0x97: {  	_ =	strace s4  }
0x98: {  	_ =	strace $0x8FFFFFFF  }
0x99: {  	s19 =	sld [smem:$0x3FDB];
	_ =	sdelay $0x1  }
0x9a: {  	s5 =	simm.s32 $_scs_section_size  }
0x9b: {  	s6 =	simm.s32 $_size__tile_overlayer_lowered;
	s7 =	simm.s32 $_tile_overlayer_lowered  }
0x9c: {  	s22 =	simm.s32 $0x1BFF;
	s21 =	sshll.u32 s7, $0x1;
	s4 =	sadd.s32 s5, s19  }
0x9d: {  	s8 =	simm.s32 $0x0;
	s20 =	sshll.u32 s6, $0x1;
	s6 =	sadd.s32 s21, s4  }
0x9e: {  	[timem:s8], [sflag:s22] =	dma.local [hbm:s6], s20  }
0x9f: {  	_ =	swait.ge [sflag:s22], s20  }
0xa0: {  	s5 =	ssub.s32 $0x0, s20;
	[sflag:s22] =	ssyncset.done $0x0  }
0xa1: {  	[sflag:s22] =	ssyncadd.s32 s5;
	_ =	sdelay $0x1  }
0xa2: {  	s23 =	simm.s32 $0x1B8B  }
0xa3: {  	_ =	swait.ge [sflag:s23], $0x1  }
0xa4: {  	[sflag:s23] =	ssyncset.done $0x0  }
0xa5: {  	s25 =	simm.s32 $0x1B8E;
	s24 =	sld [smem:$0x3FFE];
	[sflag:s23] =	ssyncadd.s32 $0xFFFFFFFF  }
0xa6: {  	s26 =	simm.s32 $execute0_lowered;
	[smem:$0x3FD2] =	sst s25  }
0xa7: {  	s6 =	sshll.u32 s26, $0x1;
	_ =	strace $0x80000046;
	[dreg:$0x1] =	wrdreg $0xFFFFFFFF  }
0xa8: {  	s28 =	simm.s32 $_size_execute0_lowered;
	s4 =	sadd.s32 s4, s6;
	[dreg:$0x0] =	wrdreg $0x0  }
0xa9: {  	s6 =	sshll.u32 s28, $0x1;
	[dreg:$0x2] =	wrdreg s4  }
0xaa: {  	[dreg:$0x3] =	wrdreg s6  }
0xab: {  	[dreg:$0x4] =	wrdreg $0xC0  }
0xac: {  	_ =	task [dreg:s8], $0x5FFFF  }
0xad: {  	[dreg:$0x1] =	wrdreg $0xFFFFFFFF  }
0xae: {  	[dreg:$0x0] =	wrdreg $0x60  }
0xaf: {  	[dreg:$0x2] =	wrdreg s2  }
0xb0: {  	[dreg:$0x3] =	wrdreg s24  }
0xb1: {  	[dreg:$0x4] =	wrdreg s18  }
0xb2: {  	[dreg:$0x5] =	wrdreg $0x9  }
0xb3: {  	_ =	task.clear_ibuf [dreg:s8], $0x6FFFF;
	_ =	strace $0x90000046  }
0xb4: {  	s29 =	simm.s32 $0x9;
	_ =	strace $0x80000048  }
0xb5: {  	_ =	swait.ge [sflag:s29], $0x1  }
0xb6: {  	[sflag:s29] =	ssyncadd.s32 $0xFFFFFFFF  }
0xb7: {  	_ =	strace $0x90000048  }
0xb8: {  	_ =	sfence  }
0xb9: {  	s30 =	sld [smem:$0x0];
	_ =	sdelay $0x2  }
0xba: {  	s31 =	sshll.u32 s1, $0xD;
	s1 =	sshrl.u32 s1, $0x2  }
0xbb: {  	s3 =	sand.u32 $0x4000, s31;
	s1 =	sadd.s32 s1, s30  }
0xbc: {  	s0 =	sor.u32 s3, s0;
	s1 =	sshll.u32 s1, $0x11  }
0xbd: {  	s0 =	sor.u32 s1, s0  }
0xbe: {  	s0 =	sadd.s32 $0x8F2B, s0  }
0xbf: {  	[sflag:s0] =	ssyncadd.remote.s32 $0x1  }
0xc0: {  	_ =	sfence.sel $0xFFFF  }
0xc1: {  	[dreg:$0x0] =	wrdreg $0xFFFFFFFF;
	(pc) =	sbr.abs _section_cstart, $3  }
0xc2: {  	[dreg:$0x1] =	wrdreg $0xFFFFFFFF  }
0xc3: {  	_ =	task.clear_ibuf [dreg:s8], $0x2FFFF;
	_ =	strace $0x9FFFFFFF  }
0xc4: {  	(tm) =	ssettm $0x7FFFFFFF  }
0xc5: {  	_ =	shalt  }
tec
execute0_lowered:
.L_overlay_start_1:
0x0: {  	(tag) =	ssettag $0x1  }
0x1: {  	s11 =	rddreg [dreg:$0x0]  }
0x2: {  	s3 =	rddreg [dreg:$0x1]  }
0x3: {  	s12 =	rddreg [dreg:$0x2]  }
0x4: {  	s0 =	rddreg [dreg:$0x3]  }
0x5: {  	s4 =	srdreg.scid;
	s1 =	stileid.u32;
	s2 =	simm.s32 $0x0  }
0x6: {  	s18 =	simm.s32 $0x4000;
	s19 =	simm.s32 $0x1;
	s20 =	simm.s32 $0x2  }
0x7: {  	s4 =	sand.u32 $0x1, s4;
	s5 =	sshll.u32 s1, $0x1;
	[smem:$0x7FF] =	sst s2  }
0x8: {  	s3 =	sadd.s32 $0x2E00, s3;
	s10 =	sor.u32 s4, s5;
	_ =	strace $0x80000047  }
0x9: {  	s21 =	ssub.s32 $0x2, s4;
	s8 =	sshll.u32 s4, $0x9;
	s9 =	sshll.u32 s10, $0x11  }
0xa: {  	s22 =	sshrl.u32 s21, $0x1;
	s25 =	sor.u32 $0x80, s8;
	s28 =	sor.u32 $0x100, s8  }
0xb: {  	s17 =	sor.u32 $0x180, s8;
	s31 =	sshll.u32 s10, $0xD;
	s13 =	sand.u32 $0x3C0000, s9  }
0xc: {  	s14 =	ssub.s32 s21, s22;
	s24 =	sor.u32 s8, s9;
	s29 =	sor.u32 s17, s9  }
0xd: {  	s12 =	sadd.s32 s12, s31;
	s21 =	simm.s32 $0x0;
	s6 =	sor.u32 s8, s13  }
0xe: {  	s5 =	sshrl.u32 s24, $0x3;
	s7 =	sor.u32 s25, s13;
	s16 =	sor.u32 s28, s13  }
0xf: {  	s13 =	sor.u32 s17, s13;
	s30 =	sshrl.u32 s29, $0x3;
	s17 =	simm.s32 $0x400  }
0x10: {  	s23 =	sshrl.u32 s6, $0x3;
	s5 =	sor.u32 $0x4000, s5;
	s6 =	sor.u32 s25, s9  }
0x11: {  	s7 =	sshrl.u32 s7, $0x3;
	s16 =	sshrl.u32 s16, $0x3;
	s13 =	sshrl.u32 s13, $0x3  }
0x12: {  	s4 =	sadd.s32 s11, s23;
	s5 =	sadd.s32 s11, s5;
	s15 =	sshrl.u32 s6, $0x3  }
0x13: {  	s6 =	sadd.s32 s11, s7;
	s26 =	sor.u32 $0x4000, s15;
	s15 =	sor.u32 s28, s9  }
0x14: {  	s8 =	sadd.s32 s11, s16;
	s10 =	sadd.s32 s11, s13;
	s15 =	sshrl.u32 s15, $0x3  }
0x15: {  	s13 =	smax.u32 s14, $0x1;
	s14 =	simm.s32 $0x8000;
	s15 =	sor.u32 $0x4000, s15  }
0x16: {  	v0 =	vlaneseq.u32;
	s16 =	simm.s32 $0x80;
	s9 =	sadd.s32 s11, s15;
	s15 =	sor.u32 $0x4000, s30  }
0x17: {  	v1 =	vimm.s32 $0x1;
	v0 =	vmul.u32 $0x1000, v0;
	s7 =	sadd.s32 s11, s26;
	s11 =	sadd.s32 s11, s15;
	s15 =	simm.s32 $0x3  }
.LBB2_1:
0x18: {  	[tilespmem:s14], [sflag:$0x3] =	stream.linear.gather [hbm4b:s3+s2], $0x10000, $0x38;
	[tilespmem:$0x18000] =	vst v63  }
0x19: {  	_ =	swait.ge [sflag:s15], $0x10000  }
0x1a: {  	[sflag:s15] =	ssyncset.done $0x0  }
0x1b: {  	[sflag:s15] =	ssyncadd.s32 $0xFFFF0000  }
0x1c: {  	[tilespmem:s2], [sflag:$0x1] =	stream.strided.gather [hbm4b:s4+s16], $0x4000, s17, s16, $0x38;
	[tilespmem:$0x18000] =	vst v63  }
0x1d: {  	_ = 	snop  }
0x1e: {  	[tilespmem:s18], [sflag:$0x2] =	stream.strided.gather [hbm4b:s5+s16], $0x4000, s17, s16, $0x38;
	[tilespmem:$0x18000] =	vst v63  }
0x1f: {  	_ =	swait.ge [sflag:s19], $0x4000  }
0x20: {  	[sflag:s19] =	ssyncset.done $0x0  }
0x21: {  	s22 =	simm.s32 $0x40;
	[sflag:s19] =	ssyncadd.s32 $0xFFFFC000  }
0x22: {  	v2 =	vld [tilespmem:s22+$0x30]  }
0x23: {  	v3 =	vld [tilespmem:s22+$0xFFFFFFD0]  }
0x24: {  	v4 =	vld [tilespmem:s22+$0xFFFFFFE0]  }
0x25: {  	v5 =	vld [tilespmem:s22+$0xFFFFFFF0]  }
0x26: {  	v6 =	vld [tilespmem:s22+$0x0];
	_ =	sdelay $0x1  }
0x27: {  	v7 =	vld [tilespmem:s22+$0x10]  }
0x28: {  	v10 =	vld [tilespmem:s22+$0x20]  }
0x29: {  	v11 =	vld [tilespmem:s22+$0xFFFFFFC0];
	v8 =	vshra.s32 v2, $0x1F;
	v9 =	vshra.s32 v3, $0x1F;
	v12 =	vshra.s32 v4, $0x1F  }
0x2a: {  	v62 =	vshra.s32 v5, $0x1F;
	v13 =	vshra.s32 v6, $0x1F;
	v8 =	vor.u32 $0x80000000, v8  }
0x2b: {  	v9 =	vor.u32 $0x80000000, v9;
	v2 =	vxor.u32 v2, v8;
	v8 =	vor.u32 $0x80000000, v12  }
0x2c: {  	v12 =	vor.u32 $0x80000000, v62;
	v9 =	vxor.u32 v3, v9;
	v2 =	vshrl.u32 v2, $0x14  }
0x2d: {  	v3 =	vshra.s32 v7, $0x1F;
	v63 =	vxor.u32 v4, v8;
	v14 =	vor.u32 v0, v2  }
0x2e: {  	v4 =	vor.u32 $0x80000000, v3;
	v3 =	vshra.s32 v10, $0x1F;
	v8 =	vshra.s32 v11, $0x1F  }
0x2f: {  	v12 =	vxor.u32 v5, v12;
	v2 =	vor.u32 $0x80000000, v13;
	v5 =	vor.u32 $0x80000000, v3  }
0x30: {  	v8 =	vor.u32 $0x80000000, v8;
	v3 =	vxor.u32 v6, v2;
	v2 =	vxor.u32 v7, v4  }
0x31: {  	v6 =	vxor.u32 v11, v8;
	v4 =	vshrl.u32 v9, $0x14;
	v5 =	vxor.u32 v10, v5  }
0x32: {  	s23 =	simm.s32 $0xC0;
	s22 =	simm.s32 $0x0;
	v7 =	vshrl.u32 v63, $0x14;
	v8 =	vshrl.u32 v6, $0x14;
	v6 =	vshrl.u32 v12, $0x14;
	[tilespmem:v14+s14+$0x0] =	vst.idx.add.s32.msk $0xffff, v1  }
.LBB2_2:
0x33: {  	v9 =	vld [tilespmem:s23+$0x30];
	s22 =	sadd.s32 $0x8, s22;
	v3 =	vshrl.u32 v3, $0x14;
	v2 =	vshrl.u32 v2, $0x14;
	v5 =	vshrl.u32 v5, $0x14  }
0x34: {  	v8 =	vor.u32 v0, v8;
	v4 =	vor.u32 v0, v4;
	v7 =	vor.u32 v0, v7;
	v10 =	vld [tilespmem:s23+$0xFFFFFFD0];
	p0 =	slt.u32 s22, $0x3F8  }
0x35: {  	v6 =	vor.u32 v0, v6;
	v3 =	vor.u32 v0, v3;
	v12 =	vor.u32 v0, v2;
	v11 =	vld [tilespmem:s23+$0xFFFFFFE0]  }
0x36: {  	v13 =	vor.u32 v0, v5;
	v2 =	vld [tilespmem:s23+$0xFFFFFFF0]  }
0x37: {  	v5 =	vld [tilespmem:s23+$0x0]  }
0x38: {  	v14 =	vld [tilespmem:s23+$0x10];
	v15 =	vshra.s32 v9, $0x1F  }
0x39: {  	v16 =	vshra.s32 v10, $0x1F;
	v17 =	vld [tilespmem:s23+$0x20];
	v15 =	vor.u32 $0x80000000, v15  }
0x3a: {  	v18 =	vld [tilespmem:s23+$0xFFFFFFC0];
	v16 =	vor.u32 $0x80000000, v16;
	v19 =	vshra.s32 v11, $0x1F;
	v9 =	vxor.u32 v9, v15  }
0x3b: {  	v15 =	vor.u32 $0x80000000, v19;
	v19 =	vshra.s32 v2, $0x1F;
	v9 =	vshrl.u32 v9, $0x14;
	[tilespmem:v8+s14+$0x0] =	vst.idx.add.s32.msk $0xffff, v1  }
0x3c: {  	v8 =	vor.u32 $0x80000000, v19;
	v19 =	vshra.s32 v5, $0x1F;
	v9 =	vor.u32 v0, v9;
	[tilespmem:v4+s14+$0x0] =	vst.idx.add.s32.msk $0xffff, v1  }
0x3d: {  	v4 =	vxor.u32 v10, v16;
	v10 =	vor.u32 $0x80000000, v19;
	v16 =	vshra.s32 v14, $0x1F;
	[tilespmem:v7+s14+$0x0] =	vst.idx.add.s32.msk $0xffff, v1  }
.Ltmp0:
0x3e: {  	v7 =	vxor.u32 v11, v15;
	v11 =	vor.u32 $0x80000000, v16;
	v15 =	vshra.s32 v17, $0x1F;
	[tilespmem:v6+s14+$0x0] =	vst.idx.add.s32.msk $0xffff, v1;
	(pc) =	sbr.rel @p0 .LBB2_2-.Ltmp0, $4  }
0x3f: {  	v16 =	vxor.u32 v2, v8;
	v6 =	vshra.s32 v18, $0x1F;
	v8 =	vor.u32 $0x80000000, v15;
	[tilespmem:v3+s14+$0x0] =	vst.idx.add.s32.msk $0xffff, v1  }
0x40: {  	v3 =	vxor.u32 v5, v10;
	v2 =	vxor.u32 v14, v11;
	v6 =	vor.u32 $0x80000000, v6;
	[tilespmem:v12+s14+$0x0] =	vst.idx.add.s32.msk $0xffff, v1  }
0x41: {  	v4 =	vshrl.u32 v4, $0x14;
	v5 =	vxor.u32 v17, v8;
	v6 =	vxor.u32 v18, v6;
	[tilespmem:v9+s14+$0x0] =	vst.idx.add.s32.msk $0xffff, v1  }
0x42: {  	s23 =	sadd.s32 $0x80, s23;
	v7 =	vshrl.u32 v7, $0x14;
	v8 =	vshrl.u32 v6, $0x14;
	v6 =	vshrl.u32 v16, $0x14;
	[tilespmem:v13+s14+$0x0] =	vst.idx.add.s32.msk $0xffff, v1  }
0x43: {  	v8 =	vor.u32 v0, v8  }
0x44: {  	v4 =	vor.u32 v0, v4  }
0x45: {  	v7 =	vor.u32 v0, v7  }
0x46: {  	v3 =	vshrl.u32 v3, $0x14;
	v6 =	vor.u32 v0, v6  }
0x47: {  	v2 =	vshrl.u32 v2, $0x14;
	v3 =	vor.u32 v0, v3  }
0x48: {  	v5 =	vshrl.u32 v5, $0x14;
	v2 =	vor.u32 v0, v2;
	[tilespmem:v8+s14+$0x0] =	vst.idx.add.s32.msk $0xffff, v1  }
0x49: {  	v5 =	vor.u32 v0, v5;
	[tilespmem:v4+s14+$0x0] =	vst.idx.add.s32.msk $0xffff, v1  }
0x4a: {  	[tilespmem:v7+s14+$0x0] =	vst.idx.add.s32.msk $0xffff, v1  }
0x4b: {  	[tilespmem:v6+s14+$0x0] =	vst.idx.add.s32.msk $0xffff, v1  }
0x4c: {  	[tilespmem:v3+s14+$0x0] =	vst.idx.add.s32.msk $0xffff, v1  }
0x4d: {  	[tilespmem:v2+s14+$0x0] =	vst.idx.add.s32.msk $0xffff, v1  }
0x4e: {  	[tilespmem:v5+s14+$0x0] =	vst.idx.add.s32.msk $0xffff, v1  }
0x4f: {  	[tilespmem:s2], [sflag:$0x1] =	stream.strided.gather [hbm4b:s6+s16], $0x4000, s17, s16, $0x38;
	[tilespmem:$0x18000] =	vst v63  }
0x50: {  	_ =	swait.ge [sflag:s20], $0x4000  }
0x51: {  	[sflag:s20] =	ssyncset.done $0x0  }
0x52: {  	s22 =	simm.s32 $0x4040;
	[sflag:s20] =	ssyncadd.s32 $0xFFFFC000  }
0x53: {  	v2 =	vld [tilespmem:s22+$0x30]  }
0x54: {  	v3 =	vld [tilespmem:s22+$0xFFFFFFD0]  }
0x55: {  	v4 =	vld [tilespmem:s22+$0xFFFFFFE0]  }
0x56: {  	v5 =	vld [tilespmem:s22+$0xFFFFFFF0]  }
0x57: {  	v6 =	vld [tilespmem:s22+$0x0];
	_ =	sdelay $0x1  }
0x58: {  	v7 =	vld [tilespmem:s22+$0x10]  }
0x59: {  	v10 =	vld [tilespmem:s22+$0x20]  }
0x5a: {  	v11 =	vld [tilespmem:s22+$0xFFFFFFC0];
	v8 =	vshra.s32 v2, $0x1F;
	v9 =	vshra.s32 v3, $0x1F;
	v12 =	vshra.s32 v4, $0x1F  }
0x5b: {  	v62 =	vshra.s32 v5, $0x1F;
	v13 =	vshra.s32 v6, $0x1F;
	v8 =	vor.u32 $0x80000000, v8  }
0x5c: {  	v9 =	vor.u32 $0x80000000, v9;
	v2 =	vxor.u32 v2, v8;
	v8 =	vor.u32 $0x80000000, v12  }
0x5d: {  	v12 =	vor.u32 $0x80000000, v62;
	v9 =	vxor.u32 v3, v9;
	v2 =	vshrl.u32 v2, $0x14  }
0x5e: {  	v3 =	vshra.s32 v7, $0x1F;
	v63 =	vxor.u32 v4, v8;
	v14 =	vor.u32 v0, v2  }
0x5f: {  	v4 =	vor.u32 $0x80000000, v3;
	v3 =	vshra.s32 v10, $0x1F;
	v8 =	vshra.s32 v11, $0x1F  }
0x60: {  	v12 =	vxor.u32 v5, v12;
	v2 =	vor.u32 $0x80000000, v13;
	v5 =	vor.u32 $0x80000000, v3  }
0x61: {  	v8 =	vor.u32 $0x80000000, v8;
	v3 =	vxor.u32 v6, v2;
	v2 =	vxor.u32 v7, v4  }
0x62: {  	v6 =	vxor.u32 v11, v8;
	v4 =	vshrl.u32 v9, $0x14;
	v5 =	vxor.u32 v10, v5  }
0x63: {  	s23 =	simm.s32 $0x40C0;
	s22 =	simm.s32 $0x0;
	v7 =	vshrl.u32 v63, $0x14;
	v8 =	vshrl.u32 v6, $0x14;
	v6 =	vshrl.u32 v12, $0x14;
	[tilespmem:v14+s14+$0x0] =	vst.idx.add.s32.msk $0xffff, v1  }
.LBB2_4:
0x64: {  	v9 =	vld [tilespmem:s23+$0x30];
	s22 =	sadd.s32 $0x8, s22;
	v3 =	vshrl.u32 v3, $0x14;
	v2 =	vshrl.u32 v2, $0x14;
	v5 =	vshrl.u32 v5, $0x14  }
0x65: {  	v8 =	vor.u32 v0, v8;
	v4 =	vor.u32 v0, v4;
	v7 =	vor.u32 v0, v7;
	v10 =	vld [tilespmem:s23+$0xFFFFFFD0];
	p0 =	slt.u32 s22, $0x3F8  }
0x66: {  	v6 =	vor.u32 v0, v6;
	v3 =	vor.u32 v0, v3;
	v12 =	vor.u32 v0, v2;
	v11 =	vld [tilespmem:s23+$0xFFFFFFE0]  }
0x67: {  	v13 =	vor.u32 v0, v5;
	v2 =	vld [tilespmem:s23+$0xFFFFFFF0]  }
0x68: {  	v5 =	vld [tilespmem:s23+$0x0]  }
0x69: {  	v14 =	vld [tilespmem:s23+$0x10];
	v15 =	vshra.s32 v9, $0x1F  }
0x6a: {  	v16 =	vshra.s32 v10, $0x1F;
	v17 =	vld [tilespmem:s23+$0x20];
	v15 =	vor.u32 $0x80000000, v15  }
0x6b: {  	v18 =	vld [tilespmem:s23+$0xFFFFFFC0];
	v16 =	vor.u32 $0x80000000, v16;
	v19 =	vshra.s32 v11, $0x1F;
	v9 =	vxor.u32 v9, v15  }
0x6c: {  	v15 =	vor.u32 $0x80000000, v19;
	v19 =	vshra.s32 v2, $0x1F;
	v9 =	vshrl.u32 v9, $0x14;
	[tilespmem:v8+s14+$0x0] =	vst.idx.add.s32.msk $0xffff, v1  }
0x6d: {  	v8 =	vor.u32 $0x80000000, v19;
	v19 =	vshra.s32 v5, $0x1F;
	v9 =	vor.u32 v0, v9;
	[tilespmem:v4+s14+$0x0] =	vst.idx.add.s32.msk $0xffff, v1  }
0x6e: {  	v4 =	vxor.u32 v10, v16;
	v10 =	vor.u32 $0x80000000, v19;
	v16 =	vshra.s32 v14, $0x1F;
	[tilespmem:v7+s14+$0x0] =	vst.idx.add.s32.msk $0xffff, v1  }
.Ltmp1:
0x6f: {  	v7 =	vxor.u32 v11, v15;
	v11 =	vor.u32 $0x80000000, v16;
	v15 =	vshra.s32 v17, $0x1F;
	[tilespmem:v6+s14+$0x0] =	vst.idx.add.s32.msk $0xffff, v1;
	(pc) =	sbr.rel @p0 .LBB2_4-.Ltmp1, $4  }
0x70: {  	v16 =	vxor.u32 v2, v8;
	v6 =	vshra.s32 v18, $0x1F;
	v8 =	vor.u32 $0x80000000, v15;
	[tilespmem:v3+s14+$0x0] =	vst.idx.add.s32.msk $0xffff, v1  }
0x71: {  	v3 =	vxor.u32 v5, v10;
	v2 =	vxor.u32 v14, v11;
	v6 =	vor.u32 $0x80000000, v6;
	[tilespmem:v12+s14+$0x0] =	vst.idx.add.s32.msk $0xffff, v1  }
0x72: {  	v4 =	vshrl.u32 v4, $0x14;
	v5 =	vxor.u32 v17, v8;
	v6 =	vxor.u32 v18, v6;
	[tilespmem:v9+s14+$0x0] =	vst.idx.add.s32.msk $0xffff, v1  }
0x73: {  	s23 =	sadd.s32 $0x80, s23;
	v7 =	vshrl.u32 v7, $0x14;
	v8 =	vshrl.u32 v6, $0x14;
	v6 =	vshrl.u32 v16, $0x14;
	[tilespmem:v13+s14+$0x0] =	vst.idx.add.s32.msk $0xffff, v1  }
0x74: {  	v8 =	vor.u32 v0, v8  }
0x75: {  	v4 =	vor.u32 v0, v4  }
0x76: {  	v7 =	vor.u32 v0, v7  }
0x77: {  	v3 =	vshrl.u32 v3, $0x14;
	v6 =	vor.u32 v0, v6  }
0x78: {  	v2 =	vshrl.u32 v2, $0x14;
	v3 =	vor.u32 v0, v3  }
0x79: {  	v5 =	vshrl.u32 v5, $0x14;
	v2 =	vor.u32 v0, v2;
	[tilespmem:v8+s14+$0x0] =	vst.idx.add.s32.msk $0xffff, v1  }
0x7a: {  	v5 =	vor.u32 v0, v5;
	[tilespmem:v4+s14+$0x0] =	vst.idx.add.s32.msk $0xffff, v1  }
0x7b: {  	[tilespmem:v7+s14+$0x0] =	vst.idx.add.s32.msk $0xffff, v1  }
0x7c: {  	[tilespmem:v6+s14+$0x0] =	vst.idx.add.s32.msk $0xffff, v1  }
0x7d: {  	[tilespmem:v3+s14+$0x0] =	vst.idx.add.s32.msk $0xffff, v1  }
0x7e: {  	[tilespmem:v2+s14+$0x0] =	vst.idx.add.s32.msk $0xffff, v1  }
0x7f: {  	[tilespmem:v5+s14+$0x0] =	vst.idx.add.s32.msk $0xffff, v1  }
0x80: {  	[tilespmem:s18], [sflag:$0x2] =	stream.strided.gather [hbm4b:s7+s16], $0x4000, s17, s16, $0x38;
	[tilespmem:$0x18000] =	vst v63  }
0x81: {  	_ =	swait.ge [sflag:s19], $0x4000  }
0x82: {  	[sflag:s19] =	ssyncset.done $0x0  }
0x83: {  	s22 =	simm.s32 $0x40;
	[sflag:s19] =	ssyncadd.s32 $0xFFFFC000  }
0x84: {  	v2 =	vld [tilespmem:s22+$0x30]  }
0x85: {  	v3 =	vld [tilespmem:s22+$0xFFFFFFD0]  }
0x86: {  	v4 =	vld [tilespmem:s22+$0xFFFFFFE0]  }
0x87: {  	v5 =	vld [tilespmem:s22+$0xFFFFFFF0]  }
0x88: {  	v6 =	vld [tilespmem:s22+$0x0];
	_ =	sdelay $0x1  }
0x89: {  	v7 =	vld [tilespmem:s22+$0x10]  }
0x8a: {  	v10 =	vld [tilespmem:s22+$0x20]  }
0x8b: {  	v11 =	vld [tilespmem:s22+$0xFFFFFFC0];
	v8 =	vshra.s32 v2, $0x1F;
	v9 =	vshra.s32 v3, $0x1F;
	v12 =	vshra.s32 v4, $0x1F  }
0x8c: {  	v62 =	vshra.s32 v5, $0x1F;
	v13 =	vshra.s32 v6, $0x1F;
	v8 =	vor.u32 $0x80000000, v8  }
0x8d: {  	v9 =	vor.u32 $0x80000000, v9;
	v2 =	vxor.u32 v2, v8;
	v8 =	vor.u32 $0x80000000, v12  }
0x8e: {  	v12 =	vor.u32 $0x80000000, v62;
	v9 =	vxor.u32 v3, v9;
	v2 =	vshrl.u32 v2, $0x14  }
0x8f: {  	v3 =	vshra.s32 v7, $0x1F;
	v63 =	vxor.u32 v4, v8;
	v14 =	vor.u32 v0, v2  }
0x90: {  	v4 =	vor.u32 $0x80000000, v3;
	v3 =	vshra.s32 v10, $0x1F;
	v8 =	vshra.s32 v11, $0x1F  }
0x91: {  	v12 =	vxor.u32 v5, v12;
	v2 =	vor.u32 $0x80000000, v13;
	v5 =	vor.u32 $0x80000000, v3  }
0x92: {  	v8 =	vor.u32 $0x80000000, v8;
	v3 =	vxor.u32 v6, v2;
	v2 =	vxor.u32 v7, v4  }
0x93: {  	v6 =	vxor.u32 v11, v8;
	v4 =	vshrl.u32 v9, $0x14;
	v5 =	vxor.u32 v10, v5  }
0x94: {  	s23 =	simm.s32 $0xC0;
	s22 =	simm.s32 $0x0;
	v7 =	vshrl.u32 v63, $0x14;
	v8 =	vshrl.u32 v6, $0x14;
	v6 =	vshrl.u32 v12, $0x14;
	[tilespmem:v14+s14+$0x0] =	vst.idx.add.s32.msk $0xffff, v1  }
.LBB2_6:
0x95: {  	v9 =	vld [tilespmem:s23+$0x30];
	s22 =	sadd.s32 $0x8, s22;
	v3 =	vshrl.u32 v3, $0x14;
	v2 =	vshrl.u32 v2, $0x14;
	v5 =	vshrl.u32 v5, $0x14  }
0x96: {  	v8 =	vor.u32 v0, v8;
	v4 =	vor.u32 v0, v4;
	v7 =	vor.u32 v0, v7;
	v10 =	vld [tilespmem:s23+$0xFFFFFFD0];
	p0 =	slt.u32 s22, $0x3F8  }
0x97: {  	v6 =	vor.u32 v0, v6;
	v3 =	vor.u32 v0, v3;
	v12 =	vor.u32 v0, v2;
	v11 =	vld [tilespmem:s23+$0xFFFFFFE0]  }
0x98: {  	v13 =	vor.u32 v0, v5;
	v2 =	vld [tilespmem:s23+$0xFFFFFFF0]  }
0x99: {  	v5 =	vld [tilespmem:s23+$0x0]  }
0x9a: {  	v14 =	vld [tilespmem:s23+$0x10];
	v15 =	vshra.s32 v9, $0x1F  }
0x9b: {  	v16 =	vshra.s32 v10, $0x1F;
	v17 =	vld [tilespmem:s23+$0x20];
	v15 =	vor.u32 $0x80000000, v15  }
0x9c: {  	v18 =	vld [tilespmem:s23+$0xFFFFFFC0];
	v16 =	vor.u32 $0x80000000, v16;
	v19 =	vshra.s32 v11, $0x1F;
	v9 =	vxor.u32 v9, v15  }
0x9d: {  	v15 =	vor.u32 $0x80000000, v19;
	v19 =	vshra.s32 v2, $0x1F;
	v9 =	vshrl.u32 v9, $0x14;
	[tilespmem:v8+s14+$0x0] =	vst.idx.add.s32.msk $0xffff, v1  }
0x9e: {  	v8 =	vor.u32 $0x80000000, v19;
	v19 =	vshra.s32 v5, $0x1F;
	v9 =	vor.u32 v0, v9;
	[tilespmem:v4+s14+$0x0] =	vst.idx.add.s32.msk $0xffff, v1  }
0x9f: {  	v4 =	vxor.u32 v10, v16;
	v10 =	vor.u32 $0x80000000, v19;
	v16 =	vshra.s32 v14, $0x1F;
	[tilespmem:v7+s14+$0x0] =	vst.idx.add.s32.msk $0xffff, v1  }
.Ltmp2:
0xa0: {  	v7 =	vxor.u32 v11, v15;
	v11 =	vor.u32 $0x80000000, v16;
	v15 =	vshra.s32 v17, $0x1F;
	[tilespmem:v6+s14+$0x0] =	vst.idx.add.s32.msk $0xffff, v1;
	(pc) =	sbr.rel @p0 .LBB2_6-.Ltmp2, $4  }
0xa1: {  	v16 =	vxor.u32 v2, v8;
	v6 =	vshra.s32 v18, $0x1F;
	v8 =	vor.u32 $0x80000000, v15;
	[tilespmem:v3+s14+$0x0] =	vst.idx.add.s32.msk $0xffff, v1  }
0xa2: {  	v3 =	vxor.u32 v5, v10;
	v2 =	vxor.u32 v14, v11;
	v6 =	vor.u32 $0x80000000, v6;
	[tilespmem:v12+s14+$0x0] =	vst.idx.add.s32.msk $0xffff, v1  }
0xa3: {  	v4 =	vshrl.u32 v4, $0x14;
	v5 =	vxor.u32 v17, v8;
	v6 =	vxor.u32 v18, v6;
	[tilespmem:v9+s14+$0x0] =	vst.idx.add.s32.msk $0xffff, v1  }
0xa4: {  	s23 =	sadd.s32 $0x80, s23;
	v7 =	vshrl.u32 v7, $0x14;
	v8 =	vshrl.u32 v6, $0x14;
	v6 =	vshrl.u32 v16, $0x14;
	[tilespmem:v13+s14+$0x0] =	vst.idx.add.s32.msk $0xffff, v1  }
0xa5: {  	v8 =	vor.u32 v0, v8  }
0xa6: {  	v4 =	vor.u32 v0, v4  }
0xa7: {  	v7 =	vor.u32 v0, v7  }
0xa8: {  	v3 =	vshrl.u32 v3, $0x14;
	v6 =	vor.u32 v0, v6  }
0xa9: {  	v2 =	vshrl.u32 v2, $0x14;
	v3 =	vor.u32 v0, v3  }
0xaa: {  	v5 =	vshrl.u32 v5, $0x14;
	v2 =	vor.u32 v0, v2;
	[tilespmem:v8+s14+$0x0] =	vst.idx.add.s32.msk $0xffff, v1  }
0xab: {  	v5 =	vor.u32 v0, v5;
	[tilespmem:v4+s14+$0x0] =	vst.idx.add.s32.msk $0xffff, v1  }
0xac: {  	[tilespmem:v7+s14+$0x0] =	vst.idx.add.s32.msk $0xffff, v1  }
0xad: {  	[tilespmem:v6+s14+$0x0] =	vst.idx.add.s32.msk $0xffff, v1  }
0xae: {  	[tilespmem:v3+s14+$0x0] =	vst.idx.add.s32.msk $0xffff, v1  }
0xaf: {  	[tilespmem:v2+s14+$0x0] =	vst.idx.add.s32.msk $0xffff, v1  }
0xb0: {  	[tilespmem:v5+s14+$0x0] =	vst.idx.add.s32.msk $0xffff, v1  }
0xb1: {  	[tilespmem:s2], [sflag:$0x1] =	stream.strided.gather [hbm4b:s8+s16], $0x4000, s17, s16, $0x38;
	[tilespmem:$0x18000] =	vst v63  }
0xb2: {  	_ =	swait.ge [sflag:s20], $0x4000  }
0xb3: {  	[sflag:s20] =	ssyncset.done $0x0  }
0xb4: {  	s22 =	simm.s32 $0x4040;
	[sflag:s20] =	ssyncadd.s32 $0xFFFFC000  }
0xb5: {  	v2 =	vld [tilespmem:s22+$0x30]  }
0xb6: {  	v3 =	vld [tilespmem:s22+$0xFFFFFFD0]  }
0xb7: {  	v4 =	vld [tilespmem:s22+$0xFFFFFFE0]  }
0xb8: {  	v5 =	vld [tilespmem:s22+$0xFFFFFFF0]  }
0xb9: {  	v6 =	vld [tilespmem:s22+$0x0];
	_ =	sdelay $0x1  }
0xba: {  	v7 =	vld [tilespmem:s22+$0x10]  }
0xbb: {  	v10 =	vld [tilespmem:s22+$0x20]  }
0xbc: {  	v11 =	vld [tilespmem:s22+$0xFFFFFFC0];
	v8 =	vshra.s32 v2, $0x1F;
	v9 =	vshra.s32 v3, $0x1F;
	v12 =	vshra.s32 v4, $0x1F  }
0xbd: {  	v62 =	vshra.s32 v5, $0x1F;
	v13 =	vshra.s32 v6, $0x1F;
	v8 =	vor.u32 $0x80000000, v8  }
0xbe: {  	v9 =	vor.u32 $0x80000000, v9;
	v2 =	vxor.u32 v2, v8;
	v8 =	vor.u32 $0x80000000, v12  }
0xbf: {  	v12 =	vor.u32 $0x80000000, v62;
	v9 =	vxor.u32 v3, v9;
	v2 =	vshrl.u32 v2, $0x14  }
0xc0: {  	v3 =	vshra.s32 v7, $0x1F;
	v63 =	vxor.u32 v4, v8;
	v14 =	vor.u32 v0, v2  }
0xc1: {  	v4 =	vor.u32 $0x80000000, v3;
	v3 =	vshra.s32 v10, $0x1F;
	v8 =	vshra.s32 v11, $0x1F  }
0xc2: {  	v12 =	vxor.u32 v5, v12;
	v2 =	vor.u32 $0x80000000, v13;
	v5 =	vor.u32 $0x80000000, v3  }
0xc3: {  	v8 =	vor.u32 $0x80000000, v8;
	v3 =	vxor.u32 v6, v2;
	v2 =	vxor.u32 v7, v4  }
0xc4: {  	v6 =	vxor.u32 v11, v8;
	v4 =	vshrl.u32 v9, $0x14;
	v5 =	vxor.u32 v10, v5  }
0xc5: {  	s23 =	simm.s32 $0x40C0;
	s22 =	simm.s32 $0x0;
	v7 =	vshrl.u32 v63, $0x14;
	v8 =	vshrl.u32 v6, $0x14;
	v6 =	vshrl.u32 v12, $0x14;
	[tilespmem:v14+s14+$0x0] =	vst.idx.add.s32.msk $0xffff, v1  }
.LBB2_8:
0xc6: {  	v9 =	vld [tilespmem:s23+$0x30];
	s22 =	sadd.s32 $0x8, s22;
	v3 =	vshrl.u32 v3, $0x14;
	v2 =	vshrl.u32 v2, $0x14;
	v5 =	vshrl.u32 v5, $0x14  }
0xc7: {  	v8 =	vor.u32 v0, v8;
	v4 =	vor.u32 v0, v4;
	v7 =	vor.u32 v0, v7;
	v10 =	vld [tilespmem:s23+$0xFFFFFFD0];
	p0 =	slt.u32 s22, $0x3F8  }
0xc8: {  	v6 =	vor.u32 v0, v6;
	v3 =	vor.u32 v0, v3;
	v12 =	vor.u32 v0, v2;
	v11 =	vld [tilespmem:s23+$0xFFFFFFE0]  }
0xc9: {  	v13 =	vor.u32 v0, v5;
	v2 =	vld [tilespmem:s23+$0xFFFFFFF0]  }
0xca: {  	v5 =	vld [tilespmem:s23+$0x0]  }
0xcb: {  	v14 =	vld [tilespmem:s23+$0x10];
	v15 =	vshra.s32 v9, $0x1F  }
0xcc: {  	v16 =	vshra.s32 v10, $0x1F;
	v17 =	vld [tilespmem:s23+$0x20];
	v15 =	vor.u32 $0x80000000, v15  }
0xcd: {  	v18 =	vld [tilespmem:s23+$0xFFFFFFC0];
	v16 =	vor.u32 $0x80000000, v16;
	v19 =	vshra.s32 v11, $0x1F;
	v9 =	vxor.u32 v9, v15  }
0xce: {  	v15 =	vor.u32 $0x80000000, v19;
	v19 =	vshra.s32 v2, $0x1F;
	v9 =	vshrl.u32 v9, $0x14;
	[tilespmem:v8+s14+$0x0] =	vst.idx.add.s32.msk $0xffff, v1  }
0xcf: {  	v8 =	vor.u32 $0x80000000, v19;
	v19 =	vshra.s32 v5, $0x1F;
	v9 =	vor.u32 v0, v9;
	[tilespmem:v4+s14+$0x0] =	vst.idx.add.s32.msk $0xffff, v1  }
0xd0: {  	v4 =	vxor.u32 v10, v16;
	v10 =	vor.u32 $0x80000000, v19;
	v16 =	vshra.s32 v14, $0x1F;
	[tilespmem:v7+s14+$0x0] =	vst.idx.add.s32.msk $0xffff, v1  }
.Ltmp3:
0xd1: {  	v7 =	vxor.u32 v11, v15;
	v11 =	vor.u32 $0x80000000, v16;
	v15 =	vshra.s32 v17, $0x1F;
	[tilespmem:v6+s14+$0x0] =	vst.idx.add.s32.msk $0xffff, v1;
	(pc) =	sbr.rel @p0 .LBB2_8-.Ltmp3, $4  }
0xd2: {  	v16 =	vxor.u32 v2, v8;
	v6 =	vshra.s32 v18, $0x1F;
	v8 =	vor.u32 $0x80000000, v15;
	[tilespmem:v3+s14+$0x0] =	vst.idx.add.s32.msk $0xffff, v1  }
0xd3: {  	v3 =	vxor.u32 v5, v10;
	v2 =	vxor.u32 v14, v11;
	v6 =	vor.u32 $0x80000000, v6;
	[tilespmem:v12+s14+$0x0] =	vst.idx.add.s32.msk $0xffff, v1  }
0xd4: {  	v4 =	vshrl.u32 v4, $0x14;
	v5 =	vxor.u32 v17, v8;
	v6 =	vxor.u32 v18, v6;
	[tilespmem:v9+s14+$0x0] =	vst.idx.add.s32.msk $0xffff, v1  }
0xd5: {  	s23 =	sadd.s32 $0x80, s23;
	v7 =	vshrl.u32 v7, $0x14;
	v8 =	vshrl.u32 v6, $0x14;
	v6 =	vshrl.u32 v16, $0x14;
	[tilespmem:v13+s14+$0x0] =	vst.idx.add.s32.msk $0xffff, v1  }
0xd6: {  	v8 =	vor.u32 v0, v8  }
0xd7: {  	v4 =	vor.u32 v0, v4  }
0xd8: {  	v7 =	vor.u32 v0, v7  }
0xd9: {  	v3 =	vshrl.u32 v3, $0x14;
	v6 =	vor.u32 v0, v6  }
0xda: {  	v2 =	vshrl.u32 v2, $0x14;
	v3 =	vor.u32 v0, v3  }
0xdb: {  	v5 =	vshrl.u32 v5, $0x14;
	v2 =	vor.u32 v0, v2;
	[tilespmem:v8+s14+$0x0] =	vst.idx.add.s32.msk $0xffff, v1  }
0xdc: {  	v5 =	vor.u32 v0, v5;
	[tilespmem:v4+s14+$0x0] =	vst.idx.add.s32.msk $0xffff, v1  }
0xdd: {  	[tilespmem:v7+s14+$0x0] =	vst.idx.add.s32.msk $0xffff, v1  }
0xde: {  	[tilespmem:v6+s14+$0x0] =	vst.idx.add.s32.msk $0xffff, v1  }
0xdf: {  	[tilespmem:v3+s14+$0x0] =	vst.idx.add.s32.msk $0xffff, v1  }
0xe0: {  	[tilespmem:v2+s14+$0x0] =	vst.idx.add.s32.msk $0xffff, v1  }
0xe1: {  	[tilespmem:v5+s14+$0x0] =	vst.idx.add.s32.msk $0xffff, v1  }
0xe2: {  	[tilespmem:s18], [sflag:$0x2] =	stream.strided.gather [hbm4b:s9+s16], $0x4000, s17, s16, $0x38;
	[tilespmem:$0x18000] =	vst v63  }
0xe3: {  	_ =	swait.ge [sflag:s19], $0x4000  }
0xe4: {  	[sflag:s19] =	ssyncset.done $0x0  }
0xe5: {  	s22 =	simm.s32 $0x40;
	[sflag:s19] =	ssyncadd.s32 $0xFFFFC000  }
0xe6: {  	v2 =	vld [tilespmem:s22+$0x30]  }
0xe7: {  	v3 =	vld [tilespmem:s22+$0xFFFFFFD0]  }
0xe8: {  	v4 =	vld [tilespmem:s22+$0xFFFFFFE0]  }
0xe9: {  	v5 =	vld [tilespmem:s22+$0xFFFFFFF0]  }
0xea: {  	v6 =	vld [tilespmem:s22+$0x0];
	_ =	sdelay $0x1  }
0xeb: {  	v7 =	vld [tilespmem:s22+$0x10]  }
0xec: {  	v10 =	vld [tilespmem:s22+$0x20]  }
0xed: {  	v11 =	vld [tilespmem:s22+$0xFFFFFFC0];
	v8 =	vshra.s32 v2, $0x1F;
	v9 =	vshra.s32 v3, $0x1F;
	v12 =	vshra.s32 v4, $0x1F  }
0xee: {  	v62 =	vshra.s32 v5, $0x1F;
	v13 =	vshra.s32 v6, $0x1F;
	v8 =	vor.u32 $0x80000000, v8  }
0xef: {  	v9 =	vor.u32 $0x80000000, v9;
	v2 =	vxor.u32 v2, v8;
	v8 =	vor.u32 $0x80000000, v12  }
0xf0: {  	v12 =	vor.u32 $0x80000000, v62;
	v9 =	vxor.u32 v3, v9;
	v2 =	vshrl.u32 v2, $0x14  }
0xf1: {  	v3 =	vshra.s32 v7, $0x1F;
	v63 =	vxor.u32 v4, v8;
	v14 =	vor.u32 v0, v2  }
0xf2: {  	v4 =	vor.u32 $0x80000000, v3;
	v3 =	vshra.s32 v10, $0x1F;
	v8 =	vshra.s32 v11, $0x1F  }
0xf3: {  	v12 =	vxor.u32 v5, v12;
	v2 =	vor.u32 $0x80000000, v13;
	v5 =	vor.u32 $0x80000000, v3  }
0xf4: {  	v8 =	vor.u32 $0x80000000, v8;
	v3 =	vxor.u32 v6, v2;
	v2 =	vxor.u32 v7, v4  }
0xf5: {  	v6 =	vxor.u32 v11, v8;
	v4 =	vshrl.u32 v9, $0x14;
	v5 =	vxor.u32 v10, v5  }
0xf6: {  	s23 =	simm.s32 $0xC0;
	s22 =	simm.s32 $0x0;
	v7 =	vshrl.u32 v63, $0x14;
	v8 =	vshrl.u32 v6, $0x14;
	v6 =	vshrl.u32 v12, $0x14;
	[tilespmem:v14+s14+$0x0] =	vst.idx.add.s32.msk $0xffff, v1  }
.LBB2_10:
0xf7: {  	v9 =	vld [tilespmem:s23+$0x30];
	s22 =	sadd.s32 $0x8, s22;
	v3 =	vshrl.u32 v3, $0x14;
	v2 =	vshrl.u32 v2, $0x14;
	v5 =	vshrl.u32 v5, $0x14  }
0xf8: {  	v8 =	vor.u32 v0, v8;
	v4 =	vor.u32 v0, v4;
	v7 =	vor.u32 v0, v7;
	v10 =	vld [tilespmem:s23+$0xFFFFFFD0];
	p0 =	slt.u32 s22, $0x3F8  }
0xf9: {  	v6 =	vor.u32 v0, v6;
	v3 =	vor.u32 v0, v3;
	v12 =	vor.u32 v0, v2;
	v11 =	vld [tilespmem:s23+$0xFFFFFFE0]  }
0xfa: {  	v13 =	vor.u32 v0, v5;
	v2 =	vld [tilespmem:s23+$0xFFFFFFF0]  }
0xfb: {  	v5 =	vld [tilespmem:s23+$0x0]  }
0xfc: {  	v14 =	vld [tilespmem:s23+$0x10];
	v15 =	vshra.s32 v9, $0x1F  }
0xfd: {  	v16 =	vshra.s32 v10, $0x1F;
	v17 =	vld [tilespmem:s23+$0x20];
	v15 =	vor.u32 $0x80000000, v15  }
0xfe: {  	v18 =	vld [tilespmem:s23+$0xFFFFFFC0];
	v16 =	vor.u32 $0x80000000, v16;
	v19 =	vshra.s32 v11, $0x1F;
	v9 =	vxor.u32 v9, v15  }
0xff: {  	v15 =	vor.u32 $0x80000000, v19;
	v19 =	vshra.s32 v2, $0x1F;
	v9 =	vshrl.u32 v9, $0x14;
	[tilespmem:v8+s14+$0x0] =	vst.idx.add.s32.msk $0xffff, v1  }
0x100: {  	v8 =	vor.u32 $0x80000000, v19;
	v19 =	vshra.s32 v5, $0x1F;
	v9 =	vor.u32 v0, v9;
	[tilespmem:v4+s14+$0x0] =	vst.idx.add.s32.msk $0xffff, v1  }
0x101: {  	v4 =	vxor.u32 v10, v16;
	v10 =	vor.u32 $0x80000000, v19;
	v16 =	vshra.s32 v14, $0x1F;
	[tilespmem:v7+s14+$0x0] =	vst.idx.add.s32.msk $0xffff, v1  }
.Ltmp4:
0x102: {  	v7 =	vxor.u32 v11, v15;
	v11 =	vor.u32 $0x80000000, v16;
	v15 =	vshra.s32 v17, $0x1F;
	[tilespmem:v6+s14+$0x0] =	vst.idx.add.s32.msk $0xffff, v1;
	(pc) =	sbr.rel @p0 .LBB2_10-.Ltmp4, $4  }
0x103: {  	v16 =	vxor.u32 v2, v8;
	v6 =	vshra.s32 v18, $0x1F;
	v8 =	vor.u32 $0x80000000, v15;
	[tilespmem:v3+s14+$0x0] =	vst.idx.add.s32.msk $0xffff, v1  }
0x104: {  	v3 =	vxor.u32 v5, v10;
	v2 =	vxor.u32 v14, v11;
	v6 =	vor.u32 $0x80000000, v6;
	[tilespmem:v12+s14+$0x0] =	vst.idx.add.s32.msk $0xffff, v1  }
0x105: {  	v4 =	vshrl.u32 v4, $0x14;
	v5 =	vxor.u32 v17, v8;
	v6 =	vxor.u32 v18, v6;
	[tilespmem:v9+s14+$0x0] =	vst.idx.add.s32.msk $0xffff, v1  }
0x106: {  	s23 =	sadd.s32 $0x80, s23;
	v7 =	vshrl.u32 v7, $0x14;
	v8 =	vshrl.u32 v6, $0x14;
	v6 =	vshrl.u32 v16, $0x14;
	[tilespmem:v13+s14+$0x0] =	vst.idx.add.s32.msk $0xffff, v1  }
0x107: {  	v8 =	vor.u32 v0, v8  }
0x108: {  	v4 =	vor.u32 v0, v4  }
0x109: {  	v7 =	vor.u32 v0, v7  }
0x10a: {  	v3 =	vshrl.u32 v3, $0x14;
	v6 =	vor.u32 v0, v6  }
0x10b: {  	v2 =	vshrl.u32 v2, $0x14;
	v3 =	vor.u32 v0, v3  }
0x10c: {  	v5 =	vshrl.u32 v5, $0x14;
	v2 =	vor.u32 v0, v2;
	[tilespmem:v8+s14+$0x0] =	vst.idx.add.s32.msk $0xffff, v1  }
0x10d: {  	v5 =	vor.u32 v0, v5;
	[tilespmem:v4+s14+$0x0] =	vst.idx.add.s32.msk $0xffff, v1  }
0x10e: {  	[tilespmem:v7+s14+$0x0] =	vst.idx.add.s32.msk $0xffff, v1  }
0x10f: {  	[tilespmem:v6+s14+$0x0] =	vst.idx.add.s32.msk $0xffff, v1  }
0x110: {  	[tilespmem:v3+s14+$0x0] =	vst.idx.add.s32.msk $0xffff, v1  }
0x111: {  	[tilespmem:v2+s14+$0x0] =	vst.idx.add.s32.msk $0xffff, v1  }
0x112: {  	[tilespmem:v5+s14+$0x0] =	vst.idx.add.s32.msk $0xffff, v1  }
0x113: {  	[tilespmem:s2], [sflag:$0x1] =	stream.strided.gather [hbm4b:s10+s16], $0x4000, s17, s16, $0x38;
	[tilespmem:$0x18000] =	vst v63  }
0x114: {  	_ =	swait.ge [sflag:s20], $0x4000  }
0x115: {  	[sflag:s20] =	ssyncset.done $0x0  }
0x116: {  	s22 =	simm.s32 $0x4040;
	[sflag:s20] =	ssyncadd.s32 $0xFFFFC000  }
0x117: {  	v2 =	vld [tilespmem:s22+$0x30]  }
0x118: {  	v3 =	vld [tilespmem:s22+$0xFFFFFFD0]  }
0x119: {  	v4 =	vld [tilespmem:s22+$0xFFFFFFE0]  }
0x11a: {  	v5 =	vld [tilespmem:s22+$0xFFFFFFF0]  }
0x11b: {  	v6 =	vld [tilespmem:s22+$0x0];
	_ =	sdelay $0x1  }
0x11c: {  	v7 =	vld [tilespmem:s22+$0x10]  }
0x11d: {  	v10 =	vld [tilespmem:s22+$0x20]  }
0x11e: {  	v11 =	vld [tilespmem:s22+$0xFFFFFFC0];
	v8 =	vshra.s32 v2, $0x1F;
	v9 =	vshra.s32 v3, $0x1F;
	v12 =	vshra.s32 v4, $0x1F  }
0x11f: {  	v62 =	vshra.s32 v5, $0x1F;
	v13 =	vshra.s32 v6, $0x1F;
	v8 =	vor.u32 $0x80000000, v8  }
0x120: {  	v9 =	vor.u32 $0x80000000, v9;
	v2 =	vxor.u32 v2, v8;
	v8 =	vor.u32 $0x80000000, v12  }
0x121: {  	v12 =	vor.u32 $0x80000000, v62;
	v9 =	vxor.u32 v3, v9;
	v2 =	vshrl.u32 v2, $0x14  }
0x122: {  	v3 =	vshra.s32 v7, $0x1F;
	v63 =	vxor.u32 v4, v8;
	v14 =	vor.u32 v0, v2  }
0x123: {  	v4 =	vor.u32 $0x80000000, v3;
	v3 =	vshra.s32 v10, $0x1F;
	v8 =	vshra.s32 v11, $0x1F  }
0x124: {  	v12 =	vxor.u32 v5, v12;
	v2 =	vor.u32 $0x80000000, v13;
	v5 =	vor.u32 $0x80000000, v3  }
0x125: {  	v8 =	vor.u32 $0x80000000, v8;
	v3 =	vxor.u32 v6, v2;
	v2 =	vxor.u32 v7, v4  }
0x126: {  	v6 =	vxor.u32 v11, v8;
	v4 =	vshrl.u32 v9, $0x14;
	v5 =	vxor.u32 v10, v5  }
0x127: {  	s23 =	simm.s32 $0x40C0;
	s22 =	simm.s32 $0x0;
	v7 =	vshrl.u32 v63, $0x14;
	v8 =	vshrl.u32 v6, $0x14;
	v6 =	vshrl.u32 v12, $0x14;
	[tilespmem:v14+s14+$0x0] =	vst.idx.add.s32.msk $0xffff, v1  }
.LBB2_12:
0x128: {  	v9 =	vld [tilespmem:s23+$0x30];
	s22 =	sadd.s32 $0x8, s22;
	v3 =	vshrl.u32 v3, $0x14;
	v2 =	vshrl.u32 v2, $0x14;
	v5 =	vshrl.u32 v5, $0x14  }
0x129: {  	v8 =	vor.u32 v0, v8;
	v4 =	vor.u32 v0, v4;
	v7 =	vor.u32 v0, v7;
	v10 =	vld [tilespmem:s23+$0xFFFFFFD0];
	p0 =	slt.u32 s22, $0x3F8  }
0x12a: {  	v6 =	vor.u32 v0, v6;
	v3 =	vor.u32 v0, v3;
	v12 =	vor.u32 v0, v2;
	v11 =	vld [tilespmem:s23+$0xFFFFFFE0]  }
0x12b: {  	v13 =	vor.u32 v0, v5;
	v2 =	vld [tilespmem:s23+$0xFFFFFFF0]  }
0x12c: {  	v5 =	vld [tilespmem:s23+$0x0]  }
0x12d: {  	v14 =	vld [tilespmem:s23+$0x10];
	v15 =	vshra.s32 v9, $0x1F  }
0x12e: {  	v16 =	vshra.s32 v10, $0x1F;
	v17 =	vld [tilespmem:s23+$0x20];
	v15 =	vor.u32 $0x80000000, v15  }
0x12f: {  	v18 =	vld [tilespmem:s23+$0xFFFFFFC0];
	v16 =	vor.u32 $0x80000000, v16;
	v19 =	vshra.s32 v11, $0x1F;
	v9 =	vxor.u32 v9, v15  }
0x130: {  	v15 =	vor.u32 $0x80000000, v19;
	v19 =	vshra.s32 v2, $0x1F;
	v9 =	vshrl.u32 v9, $0x14;
	[tilespmem:v8+s14+$0x0] =	vst.idx.add.s32.msk $0xffff, v1  }
0x131: {  	v8 =	vor.u32 $0x80000000, v19;
	v19 =	vshra.s32 v5, $0x1F;
	v9 =	vor.u32 v0, v9;
	[tilespmem:v4+s14+$0x0] =	vst.idx.add.s32.msk $0xffff, v1  }
0x132: {  	v4 =	vxor.u32 v10, v16;
	v10 =	vor.u32 $0x80000000, v19;
	v16 =	vshra.s32 v14, $0x1F;
	[tilespmem:v7+s14+$0x0] =	vst.idx.add.s32.msk $0xffff, v1  }
.Ltmp5:
0x133: {  	v7 =	vxor.u32 v11, v15;
	v11 =	vor.u32 $0x80000000, v16;
	v15 =	vshra.s32 v17, $0x1F;
	[tilespmem:v6+s14+$0x0] =	vst.idx.add.s32.msk $0xffff, v1;
	(pc) =	sbr.rel @p0 .LBB2_12-.Ltmp5, $4  }
0x134: {  	v16 =	vxor.u32 v2, v8;
	v6 =	vshra.s32 v18, $0x1F;
	v8 =	vor.u32 $0x80000000, v15;
	[tilespmem:v3+s14+$0x0] =	vst.idx.add.s32.msk $0xffff, v1  }
0x135: {  	v3 =	vxor.u32 v5, v10;
	v2 =	vxor.u32 v14, v11;
	v6 =	vor.u32 $0x80000000, v6;
	[tilespmem:v12+s14+$0x0] =	vst.idx.add.s32.msk $0xffff, v1  }
0x136: {  	v4 =	vshrl.u32 v4, $0x14;
	v5 =	vxor.u32 v17, v8;
	v6 =	vxor.u32 v18, v6;
	[tilespmem:v9+s14+$0x0] =	vst.idx.add.s32.msk $0xffff, v1  }
0x137: {  	s23 =	sadd.s32 $0x80, s23;
	v7 =	vshrl.u32 v7, $0x14;
	v8 =	vshrl.u32 v6, $0x14;
	v6 =	vshrl.u32 v16, $0x14;
	[tilespmem:v13+s14+$0x0] =	vst.idx.add.s32.msk $0xffff, v1  }
0x138: {  	v8 =	vor.u32 v0, v8  }
0x139: {  	v4 =	vor.u32 v0, v4  }
0x13a: {  	v7 =	vor.u32 v0, v7  }
0x13b: {  	v3 =	vshrl.u32 v3, $0x14;
	v6 =	vor.u32 v0, v6  }
0x13c: {  	v2 =	vshrl.u32 v2, $0x14;
	v3 =	vor.u32 v0, v3  }
0x13d: {  	v5 =	vshrl.u32 v5, $0x14;
	v2 =	vor.u32 v0, v2;
	[tilespmem:v8+s14+$0x0] =	vst.idx.add.s32.msk $0xffff, v1  }
0x13e: {  	v5 =	vor.u32 v0, v5;
	[tilespmem:v4+s14+$0x0] =	vst.idx.add.s32.msk $0xffff, v1  }
0x13f: {  	[tilespmem:v7+s14+$0x0] =	vst.idx.add.s32.msk $0xffff, v1  }
0x140: {  	[tilespmem:v6+s14+$0x0] =	vst.idx.add.s32.msk $0xffff, v1  }
0x141: {  	[tilespmem:v3+s14+$0x0] =	vst.idx.add.s32.msk $0xffff, v1  }
0x142: {  	[tilespmem:v2+s14+$0x0] =	vst.idx.add.s32.msk $0xffff, v1  }
0x143: {  	[tilespmem:v5+s14+$0x0] =	vst.idx.add.s32.msk $0xffff, v1  }
0x144: {  	[tilespmem:s18], [sflag:$0x2] =	stream.strided.gather [hbm4b:s11+s16], $0x4000, s17, s16, $0x38;
	[tilespmem:$0x18000] =	vst v63  }
0x145: {  	_ =	swait.ge [sflag:s19], $0x4000  }
0x146: {  	[sflag:s19] =	ssyncset.done $0x0  }
0x147: {  	s22 =	simm.s32 $0x40;
	[sflag:s19] =	ssyncadd.s32 $0xFFFFC000  }
0x148: {  	v2 =	vld [tilespmem:s22+$0x30]  }
0x149: {  	v3 =	vld [tilespmem:s22+$0xFFFFFFD0]  }
0x14a: {  	v4 =	vld [tilespmem:s22+$0xFFFFFFE0]  }
0x14b: {  	v5 =	vld [tilespmem:s22+$0xFFFFFFF0]  }
0x14c: {  	v6 =	vld [tilespmem:s22+$0x0];
	_ =	sdelay $0x1  }
0x14d: {  	v7 =	vld [tilespmem:s22+$0x10]  }
0x14e: {  	v10 =	vld [tilespmem:s22+$0x20]  }
0x14f: {  	v11 =	vld [tilespmem:s22+$0xFFFFFFC0];
	v8 =	vshra.s32 v2, $0x1F;
	v9 =	vshra.s32 v3, $0x1F;
	v12 =	vshra.s32 v4, $0x1F  }
0x150: {  	v62 =	vshra.s32 v5, $0x1F;
	v13 =	vshra.s32 v6, $0x1F;
	v8 =	vor.u32 $0x80000000, v8  }
0x151: {  	v9 =	vor.u32 $0x80000000, v9;
	v2 =	vxor.u32 v2, v8;
	v8 =	vor.u32 $0x80000000, v12  }
0x152: {  	v12 =	vor.u32 $0x80000000, v62;
	v9 =	vxor.u32 v3, v9;
	v2 =	vshrl.u32 v2, $0x14  }
0x153: {  	v3 =	vshra.s32 v7, $0x1F;
	v63 =	vxor.u32 v4, v8;
	v14 =	vor.u32 v0, v2  }
0x154: {  	v4 =	vor.u32 $0x80000000, v3;
	v3 =	vshra.s32 v10, $0x1F;
	v8 =	vshra.s32 v11, $0x1F  }
0x155: {  	v12 =	vxor.u32 v5, v12;
	v2 =	vor.u32 $0x80000000, v13;
	v5 =	vor.u32 $0x80000000, v3  }
0x156: {  	v8 =	vor.u32 $0x80000000, v8;
	v3 =	vxor.u32 v6, v2;
	v2 =	vxor.u32 v7, v4  }
0x157: {  	v6 =	vxor.u32 v11, v8;
	v4 =	vshrl.u32 v9, $0x14;
	v5 =	vxor.u32 v10, v5  }
0x158: {  	s23 =	simm.s32 $0xC0;
	s22 =	simm.s32 $0x0;
	v7 =	vshrl.u32 v63, $0x14;
	v8 =	vshrl.u32 v6, $0x14;
	v6 =	vshrl.u32 v12, $0x14;
	[tilespmem:v14+s14+$0x0] =	vst.idx.add.s32.msk $0xffff, v1  }
.LBB2_14:
0x159: {  	v9 =	vld [tilespmem:s23+$0x30];
	s22 =	sadd.s32 $0x8, s22;
	v3 =	vshrl.u32 v3, $0x14;
	v2 =	vshrl.u32 v2, $0x14;
	v5 =	vshrl.u32 v5, $0x14  }
0x15a: {  	v8 =	vor.u32 v0, v8;
	v4 =	vor.u32 v0, v4;
	v7 =	vor.u32 v0, v7;
	v10 =	vld [tilespmem:s23+$0xFFFFFFD0];
	p0 =	slt.u32 s22, $0x3F8  }
0x15b: {  	v6 =	vor.u32 v0, v6;
	v3 =	vor.u32 v0, v3;
	v12 =	vor.u32 v0, v2;
	v11 =	vld [tilespmem:s23+$0xFFFFFFE0]  }
0x15c: {  	v13 =	vor.u32 v0, v5;
	v2 =	vld [tilespmem:s23+$0xFFFFFFF0]  }
0x15d: {  	v5 =	vld [tilespmem:s23+$0x0]  }
0x15e: {  	v14 =	vld [tilespmem:s23+$0x10];
	v15 =	vshra.s32 v9, $0x1F  }
0x15f: {  	v16 =	vshra.s32 v10, $0x1F;
	v17 =	vld [tilespmem:s23+$0x20];
	v15 =	vor.u32 $0x80000000, v15  }
0x160: {  	v18 =	vld [tilespmem:s23+$0xFFFFFFC0];
	v16 =	vor.u32 $0x80000000, v16;
	v19 =	vshra.s32 v11, $0x1F;
	v9 =	vxor.u32 v9, v15  }
0x161: {  	v15 =	vor.u32 $0x80000000, v19;
	v19 =	vshra.s32 v2, $0x1F;
	v9 =	vshrl.u32 v9, $0x14;
	[tilespmem:v8+s14+$0x0] =	vst.idx.add.s32.msk $0xffff, v1  }
0x162: {  	v8 =	vor.u32 $0x80000000, v19;
	v19 =	vshra.s32 v5, $0x1F;
	v9 =	vor.u32 v0, v9;
	[tilespmem:v4+s14+$0x0] =	vst.idx.add.s32.msk $0xffff, v1  }
0x163: {  	v4 =	vxor.u32 v10, v16;
	v10 =	vor.u32 $0x80000000, v19;
	v16 =	vshra.s32 v14, $0x1F;
	[tilespmem:v7+s14+$0x0] =	vst.idx.add.s32.msk $0xffff, v1  }
.Ltmp6:
0x164: {  	v7 =	vxor.u32 v11, v15;
	v11 =	vor.u32 $0x80000000, v16;
	v15 =	vshra.s32 v17, $0x1F;
	[tilespmem:v6+s14+$0x0] =	vst.idx.add.s32.msk $0xffff, v1;
	(pc) =	sbr.rel @p0 .LBB2_14-.Ltmp6, $4  }
0x165: {  	v16 =	vxor.u32 v2, v8;
	v6 =	vshra.s32 v18, $0x1F;
	v8 =	vor.u32 $0x80000000, v15;
	[tilespmem:v3+s14+$0x0] =	vst.idx.add.s32.msk $0xffff, v1  }
0x166: {  	v3 =	vxor.u32 v5, v10;
	v2 =	vxor.u32 v14, v11;
	v6 =	vor.u32 $0x80000000, v6;
	[tilespmem:v12+s14+$0x0] =	vst.idx.add.s32.msk $0xffff, v1  }
0x167: {  	v4 =	vshrl.u32 v4, $0x14;
	v5 =	vxor.u32 v17, v8;
	v6 =	vxor.u32 v18, v6;
	[tilespmem:v9+s14+$0x0] =	vst.idx.add.s32.msk $0xffff, v1  }
0x168: {  	s23 =	sadd.s32 $0x80, s23;
	v7 =	vshrl.u32 v7, $0x14;
	v8 =	vshrl.u32 v6, $0x14;
	v6 =	vshrl.u32 v16, $0x14;
	[tilespmem:v13+s14+$0x0] =	vst.idx.add.s32.msk $0xffff, v1  }
0x169: {  	v8 =	vor.u32 v0, v8  }
0x16a: {  	v4 =	vor.u32 v0, v4  }
0x16b: {  	v7 =	vor.u32 v0, v7  }
0x16c: {  	v3 =	vshrl.u32 v3, $0x14;
	v6 =	vor.u32 v0, v6  }
0x16d: {  	v2 =	vshrl.u32 v2, $0x14;
	v3 =	vor.u32 v0, v3  }
0x16e: {  	v5 =	vshrl.u32 v5, $0x14;
	v2 =	vor.u32 v0, v2;
	[tilespmem:v8+s14+$0x0] =	vst.idx.add.s32.msk $0xffff, v1  }
0x16f: {  	v5 =	vor.u32 v0, v5;
	[tilespmem:v4+s14+$0x0] =	vst.idx.add.s32.msk $0xffff, v1  }
0x170: {  	[tilespmem:v7+s14+$0x0] =	vst.idx.add.s32.msk $0xffff, v1  }
0x171: {  	[tilespmem:v6+s14+$0x0] =	vst.idx.add.s32.msk $0xffff, v1  }
0x172: {  	[tilespmem:v3+s14+$0x0] =	vst.idx.add.s32.msk $0xffff, v1  }
0x173: {  	[tilespmem:v2+s14+$0x0] =	vst.idx.add.s32.msk $0xffff, v1  }
0x174: {  	[tilespmem:v5+s14+$0x0] =	vst.idx.add.s32.msk $0xffff, v1  }
0x175: {  	_ =	swait.ge [sflag:s20], $0x4000  }
0x176: {  	[sflag:s20] =	ssyncset.done $0x0  }
0x177: {  	s22 =	simm.s32 $0x4040;
	[sflag:s20] =	ssyncadd.s32 $0xFFFFC000  }
0x178: {  	v2 =	vld [tilespmem:s22+$0x30]  }
0x179: {  	v3 =	vld [tilespmem:s22+$0xFFFFFFD0]  }
0x17a: {  	v4 =	vld [tilespmem:s22+$0xFFFFFFE0]  }
0x17b: {  	v5 =	vld [tilespmem:s22+$0xFFFFFFF0]  }
0x17c: {  	v6 =	vld [tilespmem:s22+$0x0];
	_ =	sdelay $0x1  }
0x17d: {  	v7 =	vld [tilespmem:s22+$0x10]  }
0x17e: {  	v10 =	vld [tilespmem:s22+$0x20]  }
0x17f: {  	v11 =	vld [tilespmem:s22+$0xFFFFFFC0];
	v8 =	vshra.s32 v2, $0x1F;
	v9 =	vshra.s32 v3, $0x1F;
	v12 =	vshra.s32 v4, $0x1F  }
0x180: {  	v62 =	vshra.s32 v5, $0x1F;
	v13 =	vshra.s32 v6, $0x1F;
	v8 =	vor.u32 $0x80000000, v8  }
0x181: {  	v9 =	vor.u32 $0x80000000, v9;
	v2 =	vxor.u32 v2, v8;
	v8 =	vor.u32 $0x80000000, v12  }
0x182: {  	v12 =	vor.u32 $0x80000000, v62;
	v9 =	vxor.u32 v3, v9;
	v2 =	vshrl.u32 v2, $0x14  }
0x183: {  	v3 =	vshra.s32 v7, $0x1F;
	v63 =	vxor.u32 v4, v8;
	v14 =	vor.u32 v0, v2  }
0x184: {  	v4 =	vor.u32 $0x80000000, v3;
	v3 =	vshra.s32 v10, $0x1F;
	v8 =	vshra.s32 v11, $0x1F  }
0x185: {  	v12 =	vxor.u32 v5, v12;
	v2 =	vor.u32 $0x80000000, v13;
	v5 =	vor.u32 $0x80000000, v3  }
0x186: {  	v8 =	vor.u32 $0x80000000, v8;
	v3 =	vxor.u32 v6, v2;
	v2 =	vxor.u32 v7, v4  }
0x187: {  	v6 =	vxor.u32 v11, v8;
	v4 =	vshrl.u32 v9, $0x14;
	v5 =	vxor.u32 v10, v5  }
0x188: {  	s23 =	simm.s32 $0x40C0;
	s22 =	simm.s32 $0x0;
	v7 =	vshrl.u32 v63, $0x14;
	v8 =	vshrl.u32 v6, $0x14;
	v6 =	vshrl.u32 v12, $0x14;
	[tilespmem:v14+s14+$0x0] =	vst.idx.add.s32.msk $0xffff, v1  }
.LBB2_16:
0x189: {  	v9 =	vld [tilespmem:s23+$0x30];
	s22 =	sadd.s32 $0x8, s22;
	v3 =	vshrl.u32 v3, $0x14;
	v2 =	vshrl.u32 v2, $0x14;
	v5 =	vshrl.u32 v5, $0x14  }
0x18a: {  	v8 =	vor.u32 v0, v8;
	v4 =	vor.u32 v0, v4;
	v7 =	vor.u32 v0, v7;
	v10 =	vld [tilespmem:s23+$0xFFFFFFD0];
	p0 =	slt.u32 s22, $0x3F8  }
0x18b: {  	v6 =	vor.u32 v0, v6;
	v3 =	vor.u32 v0, v3;
	v12 =	vor.u32 v0, v2;
	v11 =	vld [tilespmem:s23+$0xFFFFFFE0]  }
0x18c: {  	v13 =	vor.u32 v0, v5;
	v2 =	vld [tilespmem:s23+$0xFFFFFFF0]  }
0x18d: {  	v5 =	vld [tilespmem:s23+$0x0]  }
0x18e: {  	v14 =	vld [tilespmem:s23+$0x10];
	v15 =	vshra.s32 v9, $0x1F  }
0x18f: {  	v16 =	vshra.s32 v10, $0x1F;
	v17 =	vld [tilespmem:s23+$0x20];
	v15 =	vor.u32 $0x80000000, v15  }
0x190: {  	v18 =	vld [tilespmem:s23+$0xFFFFFFC0];
	v16 =	vor.u32 $0x80000000, v16;
	v19 =	vshra.s32 v11, $0x1F;
	v9 =	vxor.u32 v9, v15  }
0x191: {  	v15 =	vor.u32 $0x80000000, v19;
	v19 =	vshra.s32 v2, $0x1F;
	v9 =	vshrl.u32 v9, $0x14;
	[tilespmem:v8+s14+$0x0] =	vst.idx.add.s32.msk $0xffff, v1  }
0x192: {  	v8 =	vor.u32 $0x80000000, v19;
	v19 =	vshra.s32 v5, $0x1F;
	v9 =	vor.u32 v0, v9;
	[tilespmem:v4+s14+$0x0] =	vst.idx.add.s32.msk $0xffff, v1  }
0x193: {  	v4 =	vxor.u32 v10, v16;
	v10 =	vor.u32 $0x80000000, v19;
	v16 =	vshra.s32 v14, $0x1F;
	[tilespmem:v7+s14+$0x0] =	vst.idx.add.s32.msk $0xffff, v1  }
.Ltmp7:
0x194: {  	v7 =	vxor.u32 v11, v15;
	v11 =	vor.u32 $0x80000000, v16;
	v15 =	vshra.s32 v17, $0x1F;
	[tilespmem:v6+s14+$0x0] =	vst.idx.add.s32.msk $0xffff, v1;
	(pc) =	sbr.rel @p0 .LBB2_16-.Ltmp7, $4  }
0x195: {  	v16 =	vxor.u32 v2, v8;
	v6 =	vshra.s32 v18, $0x1F;
	v8 =	vor.u32 $0x80000000, v15;
	[tilespmem:v3+s14+$0x0] =	vst.idx.add.s32.msk $0xffff, v1  }
0x196: {  	v3 =	vxor.u32 v5, v10;
	v2 =	vxor.u32 v14, v11;
	v6 =	vor.u32 $0x80000000, v6;
	[tilespmem:v12+s14+$0x0] =	vst.idx.add.s32.msk $0xffff, v1  }
0x197: {  	v4 =	vshrl.u32 v4, $0x14;
	v5 =	vxor.u32 v17, v8;
	v6 =	vxor.u32 v18, v6;
	[tilespmem:v9+s14+$0x0] =	vst.idx.add.s32.msk $0xffff, v1  }
0x198: {  	s23 =	sadd.s32 $0x80, s23;
	v7 =	vshrl.u32 v7, $0x14;
	v8 =	vshrl.u32 v6, $0x14;
	v6 =	vshrl.u32 v16, $0x14;
	[tilespmem:v13+s14+$0x0] =	vst.idx.add.s32.msk $0xffff, v1  }
0x199: {  	v8 =	vor.u32 v0, v8  }
0x19a: {  	v4 =	vor.u32 v0, v4  }
0x19b: {  	v7 =	vor.u32 v0, v7  }
0x19c: {  	v3 =	vshrl.u32 v3, $0x14;
	v6 =	vor.u32 v0, v6  }
0x19d: {  	v2 =	vshrl.u32 v2, $0x14;
	v3 =	vor.u32 v0, v3  }
0x19e: {  	v5 =	vshrl.u32 v5, $0x14;
	v2 =	vor.u32 v0, v2;
	[tilespmem:v8+s14+$0x0] =	vst.idx.add.s32.msk $0xffff, v1  }
0x19f: {  	v5 =	vor.u32 v0, v5;
	[tilespmem:v4+s14+$0x0] =	vst.idx.add.s32.msk $0xffff, v1  }
0x1a0: {  	[tilespmem:v7+s14+$0x0] =	vst.idx.add.s32.msk $0xffff, v1  }
0x1a1: {  	[tilespmem:v6+s14+$0x0] =	vst.idx.add.s32.msk $0xffff, v1  }
0x1a2: {  	s21 =	sadd.s32 $0x1, s21;
	[tilespmem:v3+s14+$0x0] =	vst.idx.add.s32.msk $0xffff, v1  }
0x1a3: {  	p0 =	sne.s32 s21, s13;
	[tilespmem:v2+s14+$0x0] =	vst.idx.add.s32.msk $0xffff, v1  }
.Ltmp8:
0x1a4: {  	[tilespmem:v5+s14+$0x0] =	vst.idx.add.s32.msk $0xffff, v1;
	(pc) =	sbr.rel @p0 .LBB2_1-.Ltmp8, $4  }
0x1a5: {  	[hbm4b:s12+s2] =	stream.linear.scatter [tilespmem:s14], [sflag:$0x3], $0x10000, $0x38;
	[tilespmem:$0x18000] =	vst v63  }
0x1a6: {  	_ =	swait.ge [sflag:s15], $0x10000  }
0x1a7: {  	[sflag:s15] =	ssyncset.done $0x0  }
0x1a8: {  	[sflag:s15] =	ssyncadd.s32 $0xFFFF0000  }
0x1a9: {  	_ =	sfence.sel $0x180000  }
0x1aa: {  	[bflag:$0x0] =	sbarrier.arrive $0xFFFF  }
0x1ab: {  	p0 =	sne.s32 s1, $0x0;
	_ =	strace $0x90000047  }
0x1ac: {  	s0 =	sadd.s32 @!p0 $0x100000, s0;
	[bflag:$0x2] =	sbarrier.arrive $0xFFFF  }
0x1ad: {  	[sflag:s0] =	ssyncadd.tile.s32 @!p0 $0x1;
	_ =	shalt  }
.Lfunc_end2:
_tile_overlayer_lowered:
.L_overlay_start_2:
0x1ae: {  	(tag) =	ssettag $0x2  }
0x1af: {  	s0 =	rddreg [dreg:$0x0];
	s2 =	stileid.u32  }
0x1b0: {  	s1 =	rddreg [dreg:$0x1];
	p0 =	sne.s32 s2, $0x0  }
0x1b1: {  	s3 =	rddreg [dreg:$0x2];
	[bflag:$0x3] =	sbarrier.arrive $0xFFFF;
	s2 =	simm.s32 @!p0 $0x1C03  }
0x1b2: {  	[timem:s3], [sflag:s2] =	dma.local @!p0 [hbm:s0], s1  }
0x1b3: {  	s0 =	simm.s32 @!p0 $0x3  }
0x1b4: {  	_ =	swait.ge @!p0 [sflag:s0], s1  }
0x1b5: {  	s1 =	ssub.s32 @!p0 $0x0, s1;
	[sflag:s0] =	ssyncset.done @!p0 $0x0  }
0x1b6: {  	[sflag:s0] =	ssyncadd.s32 @!p0 s1  }
0x1b7: {  	[bflag:$0x3] =	sbarrier.arrive $0xFFFF  }
0x1b8: {  	_ =	shalt  }

</sc_bundles>
